<compile_context>
chip_gen: v7x
topology: tpu7x:2x2x1
jax: 0.10.2.dev20260603
libtpu: 0.0.44.dev20260713+nightly
codegen_flags: <defaults>
</compile_context>

<pallas_src>
import functools

import jax
import jax.numpy as jnp
from jax import lax
from jax.experimental import pallas as pl
from jax.experimental.pallas import tpu as pltpu
from jax.experimental.pallas import tpu_sc as plsc

N_NODES = 10000
IN_FEAT = 256
INTER = 512
OUT_FEAT = 256
NCHUNK = 4
CF = INTER // NCHUNK
NV = CF // 16
NTILES = 32
EB = 64
NBLK0 = 80
NBLK1 = 80
EPT0 = NBLK0 * EB
EPT1 = NBLK1 * EB
EPTMAX = max(EPT0, EPT1)
NBLOCKS = 16 * (NBLK0 + NBLK1)
EPAD = NBLOCKS * EB
IDXPAD = EPAD + EPTMAX
EWB = 256
FROWS = 632
NOUT = 16 * FROWS
FPIECES = (EB,) * 9 + (FROWS - 9 * EB,)
BN = 1000



def _stage0_body(h_ref, w_ref, b_ref, out_ref):
    a = jnp.dot(h_ref[...], w_ref[...], preferred_element_type=jnp.float32)
    a = a + b_ref[...]
    for c in range(NCHUNK):
        out_ref[c] = a[:, c * CF:(c + 1) * CF]


def _stage0(h, w1ht, b1row):
    return pl.pallas_call(
        _stage0_body,
        grid=(N_NODES // BN,),
        in_specs=[
            pl.BlockSpec((BN, IN_FEAT), lambda i: (i, 0)),
            pl.BlockSpec((IN_FEAT, INTER), lambda i: (0, 0)),
            pl.BlockSpec((1, INTER), lambda i: (0, 0)),
        ],
        out_specs=pl.BlockSpec((NCHUNK, BN, CF), lambda i: (0, i, 0)),
        out_shape=jax.ShapeDtypeStruct((NCHUNK, N_NODES, CF), jnp.float32),
    )(h, w1ht, b1row)



def _sc_edge_body(a_hbm, src_hbm, dst_hbm, ew_hbm, w1e_hbm, out_hbm,
                  src_a, dst_a, gat0, gat1, outb0, outb1, ewb0, ewb1,
                  w1e_v, gsem, ssem, esem, acc_sh):
    gat = (gat0, gat1)
    outb = (outb0, outb1)
    ewb = (ewb0, ewb1)
    cid = lax.axis_index("c")
    sid = lax.axis_index("s")
    zvec = jnp.zeros((16,), jnp.float32)
    nblk = jnp.where(cid == 0, NBLK0, NBLK1)
    blkbase = cid * (16 * NBLK0) + sid * nblk
    ebase = blkbase * EB

    pltpu.sync_copy(src_hbm.at[pl.ds(ebase, EPTMAX)], src_a)
    pltpu.sync_copy(dst_hbm.at[pl.ds(ebase, EPTMAX)], dst_a)

    def chunk(c, _):
        a_pl = a_hbm.at[c]
        pltpu.sync_copy(w1e_hbm.at[pl.ds(c * 512, 512)], w1e_v)
        cols = [[w1e_v[pl.ds(r * CF + v * 16, 16)] for v in range(NV)]
                for r in range(3)]

        def zrow(r, _):
            for v in range(NV):
                outb0[r, pl.ds(v * 16, 16)] = zvec
            return 0
        lax.fori_loop(0, EB, zrow, 0)
        done = 0
        for n in FPIECES:
            pltpu.sync_copy(outb0.at[pl.ds(0, n)],
                            acc_sh.at[pl.ds(sid * FROWS + done, n)])
            done += n
        plsc.subcore_barrier()

        pltpu.async_copy(a_pl.at[src_a.at[pl.ds(0, EB)]], gat0, gsem)
        pltpu.async_copy(ew_hbm.at[pl.ds(blkbase * EWB, EWB)], ewb0, esem)

        def pair(p, _):
            for ph in range(2):
                b = 2 * p + ph
                gat_ph = gat[ph]
                out_ph = outb[ph]
                ew_ph = ewb[ph]
                pltpu.make_async_copy(
                    a_pl.at[pl.ds(0, EB)], gat_ph, gsem).wait()
                pltpu.make_async_copy(
                    ew_hbm.at[pl.ds(0, EWB)], ew_ph, esem).wait()

                @pl.when(b + 1 < nblk)
                def _():
                    pltpu.async_copy(
                        a_pl.at[src_a.at[pl.ds((b + 1) * EB, EB)]],
                        gat[1 - ph], gsem)
                    pltpu.async_copy(
                        ew_hbm.at[pl.ds((blkbase + b + 1) * EWB, EWB)],
                        ewb[1 - ph], esem)

                @pl.when(b >= 2)
                def _():
                    pltpu.make_async_copy(
                        a_pl.at[pl.ds(0, EB)], out_ph, ssem).wait()

                zidx = jnp.zeros((16,), jnp.int32)
                dnums = lax.GatherDimensionNumbers(
                    offset_dims=(), collapsed_slice_dims=(0,),
                    start_index_map=(0,))

                @plsc.parallel_loop(0, EB, step=1, unroll=4)
                def _edge(e):
                    gbase = jnp.bitwise_and(e, -16)
                    lane = (zidx + jnp.bitwise_and(e, 15)).reshape(16, 1)
                    bw = [lax.gather(
                              ew_ph[pl.ds(k * EB + gbase, 16)], lane,
                              dnums, (1,),
                              mode=lax.GatherScatterMode.PROMISE_IN_BOUNDS)
                          for k in range(3)]
                    for v in range(NV):
                        sl = pl.ds(v * 16, 16)
                        r = (gat_ph[e, sl] + bw[0] * cols[0][v]
                             + bw[1] * cols[1][v] + bw[2] * cols[2][v])
                        out_ph[e, sl] = jnp.maximum(r, 0.0)

                pltpu.async_copy(out_ph,
                                 acc_sh.at[dst_a.at[pl.ds(b * EB, EB)]],
                                 ssem, add=True)
            return 0
        lax.fori_loop(0, nblk // 2, pair, 0)
        for ph in range(2):
            pltpu.make_async_copy(
                a_pl.at[pl.ds(0, EB)], outb[ph], ssem).wait()
        plsc.subcore_barrier()

        oj = c * 2 + cid
        rbase = sid * FROWS
        done = 0
        for n in FPIECES:
            pltpu.sync_copy(acc_sh.at[pl.ds(rbase + done, n)],
                            gat0.at[pl.ds(0, n)])
            pltpu.sync_copy(gat0.at[pl.ds(0, n)],
                            out_hbm.at[oj, pl.ds(rbase + done, n)])
            done += n
        plsc.subcore_barrier()
        return 0
    lax.fori_loop(0, NCHUNK, chunk, 0)


@functools.partial(
    pl.kernel,
    out_type=jax.ShapeDtypeStruct((2 * NCHUNK, NOUT, CF), jnp.float32),
    mesh=plsc.VectorSubcoreMesh(core_axis_name="c", subcore_axis_name="s"),
    scratch_types=[
        pltpu.VMEM((EPTMAX,), jnp.int32),
        pltpu.VMEM((EPTMAX,), jnp.int32),
        pltpu.VMEM((EB, CF), jnp.float32),
        pltpu.VMEM((EB, CF), jnp.float32),
        pltpu.VMEM((EB, CF), jnp.float32),
        pltpu.VMEM((EB, CF), jnp.float32),
        pltpu.VMEM((EWB,), jnp.float32),
        pltpu.VMEM((EWB,), jnp.float32),
        pltpu.VMEM((512,), jnp.float32),
        pltpu.SemaphoreType.DMA,
        pltpu.SemaphoreType.DMA,
        pltpu.SemaphoreType.DMA,
        pltpu.VMEM_SHARED((NOUT, CF), jnp.float32),
    ],
)
def _sc_edge(*refs):
    _sc_edge_body(*refs)



def _stage2_body(h_ref, p_ref, w2h_ref, w2s_ref, out_ref):
    x = jnp.dot(h_ref[...], w2h_ref[...], preferred_element_type=jnp.float32)
    for j in range(2 * NCHUNK):
        x = x + jnp.dot(p_ref[j], w2s_ref[j],
                        preferred_element_type=jnp.float32)
    x = jnp.maximum(x, 0.0)
    nrm = jnp.sqrt(jnp.sum(x * x, axis=1, keepdims=True))
    out_ref[...] = x / jnp.maximum(nrm, 1e-12)


def _stage2(h, partials, w2ht, w2stack):
    return pl.pallas_call(
        _stage2_body,
        grid=(N_NODES // BN,),
        in_specs=[
            pl.BlockSpec((BN, IN_FEAT), lambda i: (i, 0)),
            pl.BlockSpec((2 * NCHUNK, BN, CF), lambda i: (0, i, 0)),
            pl.BlockSpec((IN_FEAT, OUT_FEAT), lambda i: (0, 0)),
            pl.BlockSpec((2 * NCHUNK, CF, OUT_FEAT), lambda i: (0, 0, 0)),
        ],
        out_specs=pl.BlockSpec((BN, OUT_FEAT), lambda i: (i, 0)),
        out_shape=jax.ShapeDtypeStruct((N_NODES, OUT_FEAT), jnp.float32),
    )(h, partials, w2ht, w2stack)



@jax.jit
def kernel(h, edge_index, edge_w, W1, b1, W2):
    src = edge_index[0].astype(jnp.int32)
    dst = edge_index[1].astype(jnp.int32)
    e = src.shape[0]
    pad = EPAD - e
    src_p = jnp.concatenate([src, jnp.zeros((IDXPAD - e,), jnp.int32)])
    dst_p = jnp.concatenate([dst, jnp.full((IDXPAD - e,), N_NODES, jnp.int32)])
    ew_pad = jnp.concatenate(
        [edge_w, jnp.zeros((pad, 3), jnp.float32)]).astype(jnp.float32)
    ew_blk = ew_pad.reshape(NBLOCKS, EB, 3).transpose(0, 2, 1)
    ew_p = jnp.pad(ew_blk.reshape(NBLOCKS, 3 * EB),
                   ((0, 0), (0, EWB - 3 * EB))).reshape(NBLOCKS * EWB)

    w1ht = W1[:, :IN_FEAT].T
    w1e = W1[:, IN_FEAT:]
    w1e_blocks = jnp.stack([w1e[c * CF:(c + 1) * CF, :].T
                            for c in range(NCHUNK)])
    w1e_c = jnp.pad(w1e_blocks.reshape(NCHUNK, 3 * CF),
                    ((0, 0), (0, 512 - 3 * CF))).reshape(NCHUNK * 512)

    a = _stage0(h, w1ht, b1.reshape(1, INTER))

    partials = _sc_edge(a, src_p, dst_p, ew_p, w1e_c)

    w2t = W2.T
    w2ht = w2t[:IN_FEAT]
    w2stack = jnp.stack(
        [w2t[IN_FEAT + (j // 2) * CF: IN_FEAT + (j // 2 + 1) * CF]
         for j in range(2 * NCHUNK)])

    return _stage2(h, partials, w2ht, w2stack)

# --- scband reference (transcript-rebuilt; emitter-appended) ---
"""Pipeline reference for scband-qconv-87926570483845 (READ-ONLY COPY).

The authoritative reference and input builder live on the scoring server;
editing this copy changes nothing except your own understanding.
"""

import jax, jax.numpy as jnp
import numpy as np

N_NODES = 10000
N_EDGES = 160000
IN_FEAT = 256
INTER_DIM = 512
OUT_FEAT = 256

def setup_inputs(seed: int = 0) -> dict:
    key = jax.random.key(seed)
    k1, k2, k3, k4, k5, k6 = jax.random.split(key, 6)
    h = jax.random.normal(k1, (N_NODES, IN_FEAT), dtype=jnp.float32)
    edge_index = jax.random.randint(k2, (2, N_EDGES), 0, N_NODES, dtype=jnp.int64)
    edge_w = jax.random.normal(k3, (N_EDGES, 3), dtype=jnp.float32)
    # xavier_normal for linear weights, zero bias
    def xavier(k, fan_out, fan_in):
        std = jnp.sqrt(2.0 / (fan_in + fan_out))
        return jax.random.normal(k, (fan_out, fan_in), dtype=jnp.float32) * std
    W1 = xavier(k4, INTER_DIM, IN_FEAT + 3)
    b1 = jnp.zeros((INTER_DIM,), dtype=jnp.float32)
    W2 = xavier(k5, OUT_FEAT, IN_FEAT + INTER_DIM)
    return {"h": h, "edge_index": edge_index, "edge_w": edge_w, "W1": W1, "b1": b1, "W2": W2}

def reference(h, edge_index, edge_w, W1, b1, W2):
    src = edge_index[0]
    dst = edge_index[1]
    # message: concat src feature with edge feature
    m = jnp.concatenate([h[src], edge_w], axis=1)  # [E, in_feat+3]
    # reduce: linear1 + relu applied per message, summed over incoming edges
    tmp = jax.nn.relu(m @ W1.T + b1)  # [E, inter_dim]
    h_N = jax.ops.segment_sum(tmp, dst, num_segments=N_NODES)  # [N, inter_dim]
    h_total = jnp.concatenate([h, h_N], axis=1)  # [N, in_feat+inter_dim]
    h_linear = jax.nn.relu(h_total @ W2.T)  # [N, out_feat]
    # F.normalize(p=2, dim=-1)
    norm = jnp.linalg.norm(h_linear, ord=2, axis=-1, keepdims=True)
    out = h_linear / jnp.maximum(norm, 1e-12)
    return out

if __name__ == "__main__":
    import jax
    _d = setup_inputs()
    print(jax.jit(kernel)(*tuple(_d.values())))

</pallas_src>

<mosaic_0001>
#map = affine_map<(d0, d1) -> (0, 0, 0)>
#map1 = affine_map<(d0, d1) -> (0)>
module attributes {stable_mosaic.version = 14 : i64} {
  func.func @_sc_edge(%arg0: i32, %arg1: i32, %arg2: memref<4x10000x128xf32, #tpu.memory_space<hbm>>, %arg3: memref<168960xi32, #tpu.memory_space<hbm>>, %arg4: memref<168960xi32, #tpu.memory_space<hbm>>, %arg5: memref<655360xf32, #tpu.memory_space<hbm>>, %arg6: memref<2048xf32, #tpu.memory_space<hbm>>, %arg7: memref<8x10112x128xf32, #tpu.memory_space<hbm>>, %arg8: memref<5120xi32, #tpu.memory_space<vmem>>, %arg9: memref<5120xi32, #tpu.memory_space<vmem>>, %arg10: memref<64x128xf32, #tpu.memory_space<vmem>>, %arg11: memref<64x128xf32, #tpu.memory_space<vmem>>, %arg12: memref<64x128xf32, #tpu.memory_space<vmem>>, %arg13: memref<64x128xf32, #tpu.memory_space<vmem>>, %arg14: memref<256xf32, #tpu.memory_space<vmem>>, %arg15: memref<256xf32, #tpu.memory_space<vmem>>, %arg16: memref<512xf32, #tpu.memory_space<vmem>>, %arg17: memref<!tpu.dma_semaphore, #tpu.memory_space<semaphore_mem>>, %arg18: memref<!tpu.dma_semaphore, #tpu.memory_space<semaphore_mem>>, %arg19: memref<!tpu.dma_semaphore, #tpu.memory_space<semaphore_mem>>, %arg20: memref<10112x128xf32, #tpu.memory_space<vmem_shared>>) attributes {dimension_semantics = [#tpu.dimension_semantics<core_parallel>, #tpu.dimension_semantics<subcore_parallel>], iteration_bounds = array<i64: 2, 16>, scalar_prefetch = 0 : i64, scratch_operands = 13 : i64, tpu.core_type = #tpu.core_type<sc_vector_subcore>, window_params = [{transform_indices = #map}, {transform_indices = #map1}, {transform_indices = #map1}, {transform_indices = #map1}, {transform_indices = #map1}, {transform_indices = #map}]} {
    %broadcast_in_dim3A = arith.constant 0.000000e+00 : f32
    %broadcast_in_dim3A_0 = vector.broadcast %broadcast_in_dim3A : f32 to vector<16xf32>
    %eq3A = arith.constant 0 : i32
    %eq3A_1 = arith.cmpi eq, %arg0, %eq3A : i32
    %jit3A = arith.constant 80 : i32
    %jit3A_2 = arith.constant 80 : i32
    %select_n3A = arith.select %eq3A_1, %jit3A, %jit3A_2 : i32
    %mul3A = arith.constant 1280 : i32
    %mul3A_3 = arith.muli %arg0, %mul3A : i32
    %mul3A_4 = arith.muli %arg1, %select_n3A : i32
    %add3A = arith.addi %mul3A_3, %mul3A_4 : i32
    %mul3A_5 = arith.constant 64 : i32
    %mul3A_6 = arith.muli %add3A, %mul3A_5 : i32
    "tpu.region"() ({
      %run_scoped3A = tpu.sem_alloc : memref<!tpu.dma_semaphore, #tpu.memory_space<semaphore_mem>>
      %dma_start3A = tpu.memref_slice %arg3[%mul3A_6] : memref<168960xi32, #tpu.memory_space<hbm>> -> memref<5120xi32, #tpu.memory_space<hbm>>
      %dma_start3A_13 = tpu.memref_slice %arg3[%mul3A_6] : memref<168960xi32, #tpu.memory_space<hbm>> -> memref<5120xi32, #tpu.memory_space<hbm>>
      tpu.enqueue_dma source(%dma_start3A_13 : memref<5120xi32, #tpu.memory_space<hbm>>) target(%arg8 : memref<5120xi32, #tpu.memory_space<vmem>>) target_semaphore(%run_scoped3A : memref<!tpu.dma_semaphore, #tpu.memory_space<semaphore_mem>>)
      %dma_wait3A = tpu.memref_slice %arg3[%mul3A_6] : memref<168960xi32, #tpu.memory_space<hbm>> -> memref<5120xi32, #tpu.memory_space<hbm>>
      %dma_wait3A_14 = tpu.memref_slice %arg3[%mul3A_6] : memref<168960xi32, #tpu.memory_space<hbm>> -> memref<5120xi32, #tpu.memory_space<hbm>>
      tpu.wait_dma2 semaphore(%run_scoped3A : memref<!tpu.dma_semaphore, #tpu.memory_space<semaphore_mem>>) src(%dma_wait3A_14 : memref<5120xi32, #tpu.memory_space<hbm>>) dst(%arg8 : memref<5120xi32, #tpu.memory_space<vmem>>)
      tpu.yield
    }) : () -> ()
    "tpu.region"() ({
      %run_scoped3A = tpu.sem_alloc : memref<!tpu.dma_semaphore, #tpu.memory_space<semaphore_mem>>
      %dma_start3A = tpu.memref_slice %arg4[%mul3A_6] : memref<168960xi32, #tpu.memory_space<hbm>> -> memref<5120xi32, #tpu.memory_space<hbm>>
      %dma_start3A_13 = tpu.memref_slice %arg4[%mul3A_6] : memref<168960xi32, #tpu.memory_space<hbm>> -> memref<5120xi32, #tpu.memory_space<hbm>>
      tpu.enqueue_dma source(%dma_start3A_13 : memref<5120xi32, #tpu.memory_space<hbm>>) target(%arg9 : memref<5120xi32, #tpu.memory_space<vmem>>) target_semaphore(%run_scoped3A : memref<!tpu.dma_semaphore, #tpu.memory_space<semaphore_mem>>)
      %dma_wait3A = tpu.memref_slice %arg4[%mul3A_6] : memref<168960xi32, #tpu.memory_space<hbm>> -> memref<5120xi32, #tpu.memory_space<hbm>>
      %dma_wait3A_14 = tpu.memref_slice %arg4[%mul3A_6] : memref<168960xi32, #tpu.memory_space<hbm>> -> memref<5120xi32, #tpu.memory_space<hbm>>
      tpu.wait_dma2 semaphore(%run_scoped3A : memref<!tpu.dma_semaphore, #tpu.memory_space<semaphore_mem>>) src(%dma_wait3A_14 : memref<5120xi32, #tpu.memory_space<hbm>>) dst(%arg9 : memref<5120xi32, #tpu.memory_space<vmem>>)
      tpu.yield
    }) : () -> ()
    %scan3A = arith.constant 0 : i32
    %scan3A_7 = arith.constant 0 : i32
    %scan3A_8 = arith.constant 4 : i32
    %scan3A_9 = arith.addi %scan3A_7, %scan3A_8 : i32
    %scan3A_10 = arith.constant 1 : i32
    %scan3A_11 = scf.for %scan3A_13 = %scan3A_7 to %scan3A_9 step %scan3A_10 iter_args(%scan3A_14 = %scan3A) -> (i32)  : i32 {
      %mul3A_15 = arith.constant 512 : i32
      %mul3A_16 = arith.muli %scan3A_13, %mul3A_15 : i32
      "tpu.region"() ({
        %run_scoped3A = tpu.sem_alloc : memref<!tpu.dma_semaphore, #tpu.memory_space<semaphore_mem>>
        %dma_start3A_251 = tpu.memref_slice %arg6[%mul3A_16] : memref<2048xf32, #tpu.memory_space<hbm>> -> memref<512xf32, #tpu.memory_space<hbm>>
        %dma_start3A_252 = tpu.memref_slice %arg6[%mul3A_16] : memref<2048xf32, #tpu.memory_space<hbm>> -> memref<512xf32, #tpu.memory_space<hbm>>
        tpu.enqueue_dma source(%dma_start3A_252 : memref<512xf32, #tpu.memory_space<hbm>>) target(%arg16 : memref<512xf32, #tpu.memory_space<vmem>>) target_semaphore(%run_scoped3A : memref<!tpu.dma_semaphore, #tpu.memory_space<semaphore_mem>>)
        %dma_wait3A_253 = tpu.memref_slice %arg6[%mul3A_16] : memref<2048xf32, #tpu.memory_space<hbm>> -> memref<512xf32, #tpu.memory_space<hbm>>
        %dma_wait3A_254 = tpu.memref_slice %arg6[%mul3A_16] : memref<2048xf32, #tpu.memory_space<hbm>> -> memref<512xf32, #tpu.memory_space<hbm>>
        tpu.wait_dma2 semaphore(%run_scoped3A : memref<!tpu.dma_semaphore, #tpu.memory_space<semaphore_mem>>) src(%dma_wait3A_254 : memref<512xf32, #tpu.memory_space<hbm>>) dst(%arg16 : memref<512xf32, #tpu.memory_space<vmem>>)
        tpu.yield
      }) : () -> ()
      %get3A = arith.constant 0 : index
      %get3A_17 = tpu.vector_load %arg16[%get3A] {strides = array<i32>} : memref<512xf32, #tpu.memory_space<vmem>>, vector<16xf32>,
      %get3A_18 = vector.shape_cast %get3A_17 : vector<16xf32> to vector<16xf32>
      %get3A_19 = arith.constant 16 : index
      %get3A_20 = tpu.vector_load %arg16[%get3A_19] {strides = array<i32>} : memref<512xf32, #tpu.memory_space<vmem>>, vector<16xf32>,
      %get3A_21 = vector.shape_cast %get3A_20 : vector<16xf32> to vector<16xf32>
      %get3A_22 = arith.constant 32 : index
      %get3A_23 = tpu.vector_load %arg16[%get3A_22] {strides = array<i32>} : memref<512xf32, #tpu.memory_space<vmem>>, vector<16xf32>,
      %get3A_24 = vector.shape_cast %get3A_23 : vector<16xf32> to vector<16xf32>
      %get3A_25 = arith.constant 48 : index
      %get3A_26 = tpu.vector_load %arg16[%get3A_25] {strides = array<i32>} : memref<512xf32, #tpu.memory_space<vmem>>, vector<16xf32>,
      %get3A_27 = vector.shape_cast %get3A_26 : vector<16xf32> to vector<16xf32>
      %get3A_28 = arith.constant 64 : index
      %get3A_29 = tpu.vector_load %arg16[%get3A_28] {strides = array<i32>} : memref<512xf32, #tpu.memory_space<vmem>>, vector<16xf32>,
      %get3A_30 = vector.shape_cast %get3A_29 : vector<16xf32> to vector<16xf32>
      %get3A_31 = arith.constant 80 : index
      %get3A_32 = tpu.vector_load %arg16[%get3A_31] {strides = array<i32>} : memref<512xf32, #tpu.memory_space<vmem>>, vector<16xf32>,
      %get3A_33 = vector.shape_cast %get3A_32 : vector<16xf32> to vector<16xf32>
      %get3A_34 = arith.constant 96 : index
      %get3A_35 = tpu.vector_load %arg16[%get3A_34] {strides = array<i32>} : memref<512xf32, #tpu.memory_space<vmem>>, vector<16xf32>,
      %get3A_36 = vector.shape_cast %get3A_35 : vector<16xf32> to vector<16xf32>
      %get3A_37 = arith.constant 112 : index
      %get3A_38 = tpu.vector_load %arg16[%get3A_37] {strides = array<i32>} : memref<512xf32, #tpu.memory_space<vmem>>, vector<16xf32>,
      %get3A_39 = vector.shape_cast %get3A_38 : vector<16xf32> to vector<16xf32>
      %get3A_40 = arith.constant 128 : index
      %get3A_41 = tpu.vector_load %arg16[%get3A_40] {strides = array<i32>} : memref<512xf32, #tpu.memory_space<vmem>>, vector<16xf32>,
      %get3A_42 = vector.shape_cast %get3A_41 : vector<16xf32> to vector<16xf32>
      %get3A_43 = arith.constant 144 : index
      %get3A_44 = tpu.vector_load %arg16[%get3A_43] {strides = array<i32>} : memref<512xf32, #tpu.memory_space<vmem>>, vector<16xf32>,
      %get3A_45 = vector.shape_cast %get3A_44 : vector<16xf32> to vector<16xf32>
      %get3A_46 = arith.constant 160 : index
      %get3A_47 = tpu.vector_load %arg16[%get3A_46] {strides = array<i32>} : memref<512xf32, #tpu.memory_space<vmem>>, vector<16xf32>,
      %get3A_48 = vector.shape_cast %get3A_47 : vector<16xf32> to vector<16xf32>
      %get3A_49 = arith.constant 176 : index
      %get3A_50 = tpu.vector_load %arg16[%get3A_49] {strides = array<i32>} : memref<512xf32, #tpu.memory_space<vmem>>, vector<16xf32>,
      %get3A_51 = vector.shape_cast %get3A_50 : vector<16xf32> to vector<16xf32>
      %get3A_52 = arith.constant 192 : index
      %get3A_53 = tpu.vector_load %arg16[%get3A_52] {strides = array<i32>} : memref<512xf32, #tpu.memory_space<vmem>>, vector<16xf32>,
      %get3A_54 = vector.shape_cast %get3A_53 : vector<16xf32> to vector<16xf32>
      %get3A_55 = arith.constant 208 : index
      %get3A_56 = tpu.vector_load %arg16[%get3A_55] {strides = array<i32>} : memref<512xf32, #tpu.memory_space<vmem>>, vector<16xf32>,
      %get3A_57 = vector.shape_cast %get3A_56 : vector<16xf32> to vector<16xf32>
      %get3A_58 = arith.constant 224 : index
      %get3A_59 = tpu.vector_load %arg16[%get3A_58] {strides = array<i32>} : memref<512xf32, #tpu.memory_space<vmem>>, vector<16xf32>,
      %get3A_60 = vector.shape_cast %get3A_59 : vector<16xf32> to vector<16xf32>
      %get3A_61 = arith.constant 240 : index
      %get3A_62 = tpu.vector_load %arg16[%get3A_61] {strides = array<i32>} : memref<512xf32, #tpu.memory_space<vmem>>, vector<16xf32>,
      %get3A_63 = vector.shape_cast %get3A_62 : vector<16xf32> to vector<16xf32>
      %get3A_64 = arith.constant 256 : index
      %get3A_65 = tpu.vector_load %arg16[%get3A_64] {strides = array<i32>} : memref<512xf32, #tpu.memory_space<vmem>>, vector<16xf32>,
      %get3A_66 = vector.shape_cast %get3A_65 : vector<16xf32> to vector<16xf32>
      %get3A_67 = arith.constant 272 : index
      %get3A_68 = tpu.vector_load %arg16[%get3A_67] {strides = array<i32>} : memref<512xf32, #tpu.memory_space<vmem>>, vector<16xf32>,
      %get3A_69 = vector.shape_cast %get3A_68 : vector<16xf32> to vector<16xf32>
      %get3A_70 = arith.constant 288 : index
      %get3A_71 = tpu.vector_load %arg16[%get3A_70] {strides = array<i32>} : memref<512xf32, #tpu.memory_space<vmem>>, vector<16xf32>,
      %get3A_72 = vector.shape_cast %get3A_71 : vector<16xf32> to vector<16xf32>
      %get3A_73 = arith.constant 304 : index
      %get3A_74 = tpu.vector_load %arg16[%get3A_73] {strides = array<i32>} : memref<512xf32, #tpu.memory_space<vmem>>, vector<16xf32>,
      %get3A_75 = vector.shape_cast %get3A_74 : vector<16xf32> to vector<16xf32>
      %get3A_76 = arith.constant 320 : index
      %get3A_77 = tpu.vector_load %arg16[%get3A_76] {strides = array<i32>} : memref<512xf32, #tpu.memory_space<vmem>>, vector<16xf32>,
      %get3A_78 = vector.shape_cast %get3A_77 : vector<16xf32> to vector<16xf32>
      %get3A_79 = arith.constant 336 : index
      %get3A_80 = tpu.vector_load %arg16[%get3A_79] {strides = array<i32>} : memref<512xf32, #tpu.memory_space<vmem>>, vector<16xf32>,
      %get3A_81 = vector.shape_cast %get3A_80 : vector<16xf32> to vector<16xf32>
      %get3A_82 = arith.constant 352 : index
      %get3A_83 = tpu.vector_load %arg16[%get3A_82] {strides = array<i32>} : memref<512xf32, #tpu.memory_space<vmem>>, vector<16xf32>,
      %get3A_84 = vector.shape_cast %get3A_83 : vector<16xf32> to vector<16xf32>
      %get3A_85 = arith.constant 368 : index
      %get3A_86 = tpu.vector_load %arg16[%get3A_85] {strides = array<i32>} : memref<512xf32, #tpu.memory_space<vmem>>, vector<16xf32>,
      %get3A_87 = vector.shape_cast %get3A_86 : vector<16xf32> to vector<16xf32>
      %scan3A_88 = arith.constant 0 : i32
      %scan3A_89 = arith.constant 0 : i32
      %scan3A_90 = arith.constant 64 : i32
      %scan3A_91 = arith.addi %scan3A_89, %scan3A_90 : i32
      %scan3A_92 = arith.constant 1 : i32
      %scan3A_93 = scf.for %scan3A_251 = %scan3A_89 to %scan3A_91 step %scan3A_92 iter_args(%scan3A_252 = %scan3A_88) -> (i32)  : i32 {
        %swap3A = arith.index_cast %scan3A_251 : i32 to index
        %swap3A_253 = arith.constant 0 : index
        %swap3A_254 = tpu.vector_load %arg12[%swap3A, %swap3A_253] {strides = array<i32>} : memref<64x128xf32, #tpu.memory_space<vmem>>, vector<1x16xf32>,
        %swap3A_255 = vector.shape_cast %swap3A_254 : vector<1x16xf32> to vector<16xf32>
        %swap3A_256 = vector.shape_cast %broadcast_in_dim3A_0 : vector<16xf32> to vector<1x16xf32>
        tpu.vector_store %arg12[%swap3A, %swap3A_253], %swap3A_256 {strides = array<i32>} : memref<64x128xf32, #tpu.memory_space<vmem>>, vector<1x16xf32>,
        %swap3A_257 = arith.index_cast %scan3A_251 : i32 to index
        %swap3A_258 = arith.constant 16 : index
        %swap3A_259 = tpu.vector_load %arg12[%swap3A_257, %swap3A_258] {strides = array<i32>} : memref<64x128xf32, #tpu.memory_space<vmem>>, vector<1x16xf32>,
        %swap3A_260 = vector.shape_cast %swap3A_259 : vector<1x16xf32> to vector<16xf32>
        %swap3A_261 = vector.shape_cast %broadcast_in_dim3A_0 : vector<16xf32> to vector<1x16xf32>
        tpu.vector_store %arg12[%swap3A_257, %swap3A_258], %swap3A_261 {strides = array<i32>} : memref<64x128xf32, #tpu.memory_space<vmem>>, vector<1x16xf32>,
        %swap3A_262 = arith.index_cast %scan3A_251 : i32 to index
        %swap3A_263 = arith.constant 32 : index
        %swap3A_264 = tpu.vector_load %arg12[%swap3A_262, %swap3A_263] {strides = array<i32>} : memref<64x128xf32, #tpu.memory_space<vmem>>, vector<1x16xf32>,
        %swap3A_265 = vector.shape_cast %swap3A_264 : vector<1x16xf32> to vector<16xf32>
        %swap3A_266 = vector.shape_cast %broadcast_in_dim3A_0 : vector<16xf32> to vector<1x16xf32>
        tpu.vector_store %arg12[%swap3A_262, %swap3A_263], %swap3A_266 {strides = array<i32>} : memref<64x128xf32, #tpu.memory_space<vmem>>, vector<1x16xf32>,
        %swap3A_267 = arith.index_cast %scan3A_251 : i32 to index
        %swap3A_268 = arith.constant 48 : index
        %swap3A_269 = tpu.vector_load %arg12[%swap3A_267, %swap3A_268] {strides = array<i32>} : memref<64x128xf32, #tpu.memory_space<vmem>>, vector<1x16xf32>,
        %swap3A_270 = vector.shape_cast %swap3A_269 : vector<1x16xf32> to vector<16xf32>
        %swap3A_271 = vector.shape_cast %broadcast_in_dim3A_0 : vector<16xf32> to vector<1x16xf32>
        tpu.vector_store %arg12[%swap3A_267, %swap3A_268], %swap3A_271 {strides = array<i32>} : memref<64x128xf32, #tpu.memory_space<vmem>>, vector<1x16xf32>,
        %swap3A_272 = arith.index_cast %scan3A_251 : i32 to index
        %swap3A_273 = arith.constant 64 : index
        %swap3A_274 = tpu.vector_load %arg12[%swap3A_272, %swap3A_273] {strides = array<i32>} : memref<64x128xf32, #tpu.memory_space<vmem>>, vector<1x16xf32>,
        %swap3A_275 = vector.shape_cast %swap3A_274 : vector<1x16xf32> to vector<16xf32>
        %swap3A_276 = vector.shape_cast %broadcast_in_dim3A_0 : vector<16xf32> to vector<1x16xf32>
        tpu.vector_store %arg12[%swap3A_272, %swap3A_273], %swap3A_276 {strides = array<i32>} : memref<64x128xf32, #tpu.memory_space<vmem>>, vector<1x16xf32>,
        %swap3A_277 = arith.index_cast %scan3A_251 : i32 to index
        %swap3A_278 = arith.constant 80 : index
        %swap3A_279 = tpu.vector_load %arg12[%swap3A_277, %swap3A_278] {strides = array<i32>} : memref<64x128xf32, #tpu.memory_space<vmem>>, vector<1x16xf32>,
        %swap3A_280 = vector.shape_cast %swap3A_279 : vector<1x16xf32> to vector<16xf32>
        %swap3A_281 = vector.shape_cast %broadcast_in_dim3A_0 : vector<16xf32> to vector<1x16xf32>
        tpu.vector_store %arg12[%swap3A_277, %swap3A_278], %swap3A_281 {strides = array<i32>} : memref<64x128xf32, #tpu.memory_space<vmem>>, vector<1x16xf32>,
        %swap3A_282 = arith.index_cast %scan3A_251 : i32 to index
        %swap3A_283 = arith.constant 96 : index
        %swap3A_284 = tpu.vector_load %arg12[%swap3A_282, %swap3A_283] {strides = array<i32>} : memref<64x128xf32, #tpu.memory_space<vmem>>, vector<1x16xf32>,
        %swap3A_285 = vector.shape_cast %swap3A_284 : vector<1x16xf32> to vector<16xf32>
        %swap3A_286 = vector.shape_cast %broadcast_in_dim3A_0 : vector<16xf32> to vector<1x16xf32>
        tpu.vector_store %arg12[%swap3A_282, %swap3A_283], %swap3A_286 {strides = array<i32>} : memref<64x128xf32, #tpu.memory_space<vmem>>, vector<1x16xf32>,
        %swap3A_287 = arith.index_cast %scan3A_251 : i32 to index
        %swap3A_288 = arith.constant 112 : index
        %swap3A_289 = tpu.vector_load %arg12[%swap3A_287, %swap3A_288] {strides = array<i32>} : memref<64x128xf32, #tpu.memory_space<vmem>>, vector<1x16xf32>,
        %swap3A_290 = vector.shape_cast %swap3A_289 : vector<1x16xf32> to vector<16xf32>
        %swap3A_291 = vector.shape_cast %broadcast_in_dim3A_0 : vector<16xf32> to vector<1x16xf32>
        tpu.vector_store %arg12[%swap3A_287, %swap3A_288], %swap3A_291 {strides = array<i32>} : memref<64x128xf32, #tpu.memory_space<vmem>>, vector<1x16xf32>,
        %scan3A_292 = arith.constant 0 : i32
        scf.yield %scan3A_292 : i32
      }
      %scan3A_94 = arith.constant 64 : i32
      %mul3A_95 = arith.constant 632 : i32
      %mul3A_96 = arith.muli %arg1, %mul3A_95 : i32
      %add3A_97 = arith.constant 0 : i32
      %add3A_98 = arith.addi %mul3A_96, %add3A_97 : i32
      "tpu.region"() ({
        %run_scoped3A = tpu.sem_alloc : memref<!tpu.dma_semaphore, #tpu.memory_space<semaphore_mem>>
        %dma_start3A_251 = arith.constant 0 : i32
        %dma_start3A_252 = arith.constant 0 : i32
        %dma_start3A_253 = tpu.memref_slice %arg12[%dma_start3A_251, %dma_start3A_252] : memref<64x128xf32, #tpu.memory_space<vmem>> -> memref<64x128xf32, #tpu.memory_space<vmem>>
        %dma_start3A_254 = arith.constant 0 : i32
        %dma_start3A_255 = tpu.memref_slice %arg20[%add3A_98, %dma_start3A_254] : memref<10112x128xf32, #tpu.memory_space<vmem_shared>> -> memref<64x128xf32, #tpu.memory_space<vmem_shared>>
        %dma_start3A_256 = arith.constant 0 : i32
        %dma_start3A_257 = tpu.memref_slice %arg20[%add3A_98, %dma_start3A_256] : memref<10112x128xf32, #tpu.memory_space<vmem_shared>> -> memref<64x128xf32, #tpu.memory_space<vmem_shared>>
        %dma_start3A_258 = arith.constant 0 : i32
        %dma_start3A_259 = arith.constant 0 : i32
        %dma_start3A_260 = tpu.memref_slice %arg12[%dma_start3A_258, %dma_start3A_259] : memref<64x128xf32, #tpu.memory_space<vmem>> -> memref<64x128xf32, #tpu.memory_space<vmem>>
        tpu.enqueue_dma source(%dma_start3A_260 : memref<64x128xf32, #tpu.memory_space<vmem>>) target(%dma_start3A_257 : memref<64x128xf32, #tpu.memory_space<vmem_shared>>) target_semaphore(%run_scoped3A : memref<!tpu.dma_semaphore, #tpu.memory_space<semaphore_mem>>)
        %dma_wait3A_261 = arith.constant 0 : i32
        %dma_wait3A_262 = arith.constant 0 : i32
        %dma_wait3A_263 = tpu.memref_slice %arg12[%dma_wait3A_261, %dma_wait3A_262] : memref<64x128xf32, #tpu.memory_space<vmem>> -> memref<64x128xf32, #tpu.memory_space<vmem>>
        %dma_wait3A_264 = arith.constant 0 : i32
        %dma_wait3A_265 = tpu.memref_slice %arg20[%add3A_98, %dma_wait3A_264] : memref<10112x128xf32, #tpu.memory_space<vmem_shared>> -> memref<64x128xf32, #tpu.memory_space<vmem_shared>>
        %dma_wait3A_266 = arith.constant 0 : i32
        %dma_wait3A_267 = tpu.memref_slice %arg20[%add3A_98, %dma_wait3A_266] : memref<10112x128xf32, #tpu.memory_space<vmem_shared>> -> memref<64x128xf32, #tpu.memory_space<vmem_shared>>
        %dma_wait3A_268 = arith.constant 0 : i32
        %dma_wait3A_269 = arith.constant 0 : i32
        %dma_wait3A_270 = tpu.memref_slice %arg12[%dma_wait3A_268, %dma_wait3A_269] : memref<64x128xf32, #tpu.memory_space<vmem>> -> memref<64x128xf32, #tpu.memory_space<vmem>>
        tpu.wait_dma2 semaphore(%run_scoped3A : memref<!tpu.dma_semaphore, #tpu.memory_space<semaphore_mem>>) src(%dma_wait3A_270 : memref<64x128xf32, #tpu.memory_space<vmem>>) dst(%dma_wait3A_267 : memref<64x128xf32, #tpu.memory_space<vmem_shared>>)
        tpu.yield
      }) : () -> ()
      %mul3A_99 = arith.constant 632 : i32
      %mul3A_100 = arith.muli %arg1, %mul3A_99 : i32
      %add3A_101 = arith.constant 64 : i32
      %add3A_102 = arith.addi %mul3A_100, %add3A_101 : i32
      "tpu.region"() ({
        %run_scoped3A = tpu.sem_alloc : memref<!tpu.dma_semaphore, #tpu.memory_space<semaphore_mem>>
        %dma_start3A_251 = arith.constant 0 : i32
        %dma_start3A_252 = arith.constant 0 : i32
        %dma_start3A_253 = tpu.memref_slice %arg12[%dma_start3A_251, %dma_start3A_252] : memref<64x128xf32, #tpu.memory_space<vmem>> -> memref<64x128xf32, #tpu.memory_space<vmem>>
        %dma_start3A_254 = arith.constant 0 : i32
        %dma_start3A_255 = tpu.memref_slice %arg20[%add3A_102, %dma_start3A_254] : memref<10112x128xf32, #tpu.memory_space<vmem_shared>> -> memref<64x128xf32, #tpu.memory_space<vmem_shared>>
        %dma_start3A_256 = arith.constant 0 : i32
        %dma_start3A_257 = tpu.memref_slice %arg20[%add3A_102, %dma_start3A_256] : memref<10112x128xf32, #tpu.memory_space<vmem_shared>> -> memref<64x128xf32, #tpu.memory_space<vmem_shared>>
        %dma_start3A_258 = arith.constant 0 : i32
        %dma_start3A_259 = arith.constant 0 : i32
        %dma_start3A_260 = tpu.memref_slice %arg12[%dma_start3A_258, %dma_start3A_259] : memref<64x128xf32, #tpu.memory_space<vmem>> -> memref<64x128xf32, #tpu.memory_space<vmem>>
        tpu.enqueue_dma source(%dma_start3A_260 : memref<64x128xf32, #tpu.memory_space<vmem>>) target(%dma_start3A_257 : memref<64x128xf32, #tpu.memory_space<vmem_shared>>) target_semaphore(%run_scoped3A : memref<!tpu.dma_semaphore, #tpu.memory_space<semaphore_mem>>)
        %dma_wait3A_261 = arith.constant 0 : i32
        %dma_wait3A_262 = arith.constant 0 : i32
        %dma_wait3A_263 = tpu.memref_slice %arg12[%dma_wait3A_261, %dma_wait3A_262] : memref<64x128xf32, #tpu.memory_space<vmem>> -> memref<64x128xf32, #tpu.memory_space<vmem>>
        %dma_wait3A_264 = arith.constant 0 : i32
        %dma_wait3A_265 = tpu.memref_slice %arg20[%add3A_102, %dma_wait3A_264] : memref<10112x128xf32, #tpu.memory_space<vmem_shared>> -> memref<64x128xf32, #tpu.memory_space<vmem_shared>>
        %dma_wait3A_266 = arith.constant 0 : i32
        %dma_wait3A_267 = tpu.memref_slice %arg20[%add3A_102, %dma_wait3A_266] : memref<10112x128xf32, #tpu.memory_space<vmem_shared>> -> memref<64x128xf32, #tpu.memory_space<vmem_shared>>
        %dma_wait3A_268 = arith.constant 0 : i32
        %dma_wait3A_269 = arith.constant 0 : i32
        %dma_wait3A_270 = tpu.memref_slice %arg12[%dma_wait3A_268, %dma_wait3A_269] : memref<64x128xf32, #tpu.memory_space<vmem>> -> memref<64x128xf32, #tpu.memory_space<vmem>>
        tpu.wait_dma2 semaphore(%run_scoped3A : memref<!tpu.dma_semaphore, #tpu.memory_space<semaphore_mem>>) src(%dma_wait3A_270 : memref<64x128xf32, #tpu.memory_space<vmem>>) dst(%dma_wait3A_267 : memref<64x128xf32, #tpu.memory_space<vmem_shared>>)
        tpu.yield
      }) : () -> ()
      %mul3A_103 = arith.constant 632 : i32
      %mul3A_104 = arith.muli %arg1, %mul3A_103 : i32
      %add3A_105 = arith.constant 128 : i32
      %add3A_106 = arith.addi %mul3A_104, %add3A_105 : i32
      "tpu.region"() ({
        %run_scoped3A = tpu.sem_alloc : memref<!tpu.dma_semaphore, #tpu.memory_space<semaphore_mem>>
        %dma_start3A_251 = arith.constant 0 : i32
        %dma_start3A_252 = arith.constant 0 : i32
        %dma_start3A_253 = tpu.memref_slice %arg12[%dma_start3A_251, %dma_start3A_252] : memref<64x128xf32, #tpu.memory_space<vmem>> -> memref<64x128xf32, #tpu.memory_space<vmem>>
        %dma_start3A_254 = arith.constant 0 : i32
        %dma_start3A_255 = tpu.memref_slice %arg20[%add3A_106, %dma_start3A_254] : memref<10112x128xf32, #tpu.memory_space<vmem_shared>> -> memref<64x128xf32, #tpu.memory_space<vmem_shared>>
        %dma_start3A_256 = arith.constant 0 : i32
        %dma_start3A_257 = tpu.memref_slice %arg20[%add3A_106, %dma_start3A_256] : memref<10112x128xf32, #tpu.memory_space<vmem_shared>> -> memref<64x128xf32, #tpu.memory_space<vmem_shared>>
        %dma_start3A_258 = arith.constant 0 : i32
        %dma_start3A_259 = arith.constant 0 : i32
        %dma_start3A_260 = tpu.memref_slice %arg12[%dma_start3A_258, %dma_start3A_259] : memref<64x128xf32, #tpu.memory_space<vmem>> -> memref<64x128xf32, #tpu.memory_space<vmem>>
        tpu.enqueue_dma source(%dma_start3A_260 : memref<64x128xf32, #tpu.memory_space<vmem>>) target(%dma_start3A_257 : memref<64x128xf32, #tpu.memory_space<vmem_shared>>) target_semaphore(%run_scoped3A : memref<!tpu.dma_semaphore, #tpu.memory_space<semaphore_mem>>)
        %dma_wait3A_261 = arith.constant 0 : i32
        %dma_wait3A_262 = arith.constant 0 : i32
        %dma_wait3A_263 = tpu.memref_slice %arg12[%dma_wait3A_261, %dma_wait3A_262] : memref<64x128xf32, #tpu.memory_space<vmem>> -> memref<64x128xf32, #tpu.memory_space<vmem>>
        %dma_wait3A_264 = arith.constant 0 : i32
        %dma_wait3A_265 = tpu.memref_slice %arg20[%add3A_106, %dma_wait3A_264] : memref<10112x128xf32, #tpu.memory_space<vmem_shared>> -> memref<64x128xf32, #tpu.memory_space<vmem_shared>>
        %dma_wait3A_266 = arith.constant 0 : i32
        %dma_wait3A_267 = tpu.memref_slice %arg20[%add3A_106, %dma_wait3A_266] : memref<10112x128xf32, #tpu.memory_space<vmem_shared>> -> memref<64x128xf32, #tpu.memory_space<vmem_shared>>
        %dma_wait3A_268 = arith.constant 0 : i32
        %dma_wait3A_269 = arith.constant 0 : i32
        %dma_wait3A_270 = tpu.memref_slice %arg12[%dma_wait3A_268, %dma_wait3A_269] : memref<64x128xf32, #tpu.memory_space<vmem>> -> memref<64x128xf32, #tpu.memory_space<vmem>>
        tpu.wait_dma2 semaphore(%run_scoped3A : memref<!tpu.dma_semaphore, #tpu.memory_space<semaphore_mem>>) src(%dma_wait3A_270 : memref<64x128xf32, #tpu.memory_space<vmem>>) dst(%dma_wait3A_267 : memref<64x128xf32, #tpu.memory_space<vmem_shared>>)
        tpu.yield
      }) : () -> ()
      %mul3A_107 = arith.constant 632 : i32
      %mul3A_108 = arith.muli %arg1, %mul3A_107 : i32
      %add3A_109 = arith.constant 192 : i32
      %add3A_110 = arith.addi %mul3A_108, %add3A_109 : i32
      "tpu.region"() ({
        %run_scoped3A = tpu.sem_alloc : memref<!tpu.dma_semaphore, #tpu.memory_space<semaphore_mem>>
        %dma_start3A_251 = arith.constant 0 : i32
        %dma_start3A_252 = arith.constant 0 : i32
        %dma_start3A_253 = tpu.memref_slice %arg12[%dma_start3A_251, %dma_start3A_252] : memref<64x128xf32, #tpu.memory_space<vmem>> -> memref<64x128xf32, #tpu.memory_space<vmem>>
        %dma_start3A_254 = arith.constant 0 : i32
        %dma_start3A_255 = tpu.memref_slice %arg20[%add3A_110, %dma_start3A_254] : memref<10112x128xf32, #tpu.memory_space<vmem_shared>> -> memref<64x128xf32, #tpu.memory_space<vmem_shared>>
        %dma_start3A_256 = arith.constant 0 : i32
        %dma_start3A_257 = tpu.memref_slice %arg20[%add3A_110, %dma_start3A_256] : memref<10112x128xf32, #tpu.memory_space<vmem_shared>> -> memref<64x128xf32, #tpu.memory_space<vmem_shared>>
        %dma_start3A_258 = arith.constant 0 : i32
        %dma_start3A_259 = arith.constant 0 : i32
        %dma_start3A_260 = tpu.memref_slice %arg12[%dma_start3A_258, %dma_start3A_259] : memref<64x128xf32, #tpu.memory_space<vmem>> -> memref<64x128xf32, #tpu.memory_space<vmem>>
        tpu.enqueue_dma source(%dma_start3A_260 : memref<64x128xf32, #tpu.memory_space<vmem>>) target(%dma_start3A_257 : memref<64x128xf32, #tpu.memory_space<vmem_shared>>) target_semaphore(%run_scoped3A : memref<!tpu.dma_semaphore, #tpu.memory_space<semaphore_mem>>)
        %dma_wait3A_261 = arith.constant 0 : i32
        %dma_wait3A_262 = arith.constant 0 : i32
        %dma_wait3A_263 = tpu.memref_slice %arg12[%dma_wait3A_261, %dma_wait3A_262] : memref<64x128xf32, #tpu.memory_space<vmem>> -> memref<64x128xf32, #tpu.memory_space<vmem>>
        %dma_wait3A_264 = arith.constant 0 : i32
        %dma_wait3A_265 = tpu.memref_slice %arg20[%add3A_110, %dma_wait3A_264] : memref<10112x128xf32, #tpu.memory_space<vmem_shared>> -> memref<64x128xf32, #tpu.memory_space<vmem_shared>>
        %dma_wait3A_266 = arith.constant 0 : i32
        %dma_wait3A_267 = tpu.memref_slice %arg20[%add3A_110, %dma_wait3A_266] : memref<10112x128xf32, #tpu.memory_space<vmem_shared>> -> memref<64x128xf32, #tpu.memory_space<vmem_shared>>
        %dma_wait3A_268 = arith.constant 0 : i32
        %dma_wait3A_269 = arith.constant 0 : i32
        %dma_wait3A_270 = tpu.memref_slice %arg12[%dma_wait3A_268, %dma_wait3A_269] : memref<64x128xf32, #tpu.memory_space<vmem>> -> memref<64x128xf32, #tpu.memory_space<vmem>>
        tpu.wait_dma2 semaphore(%run_scoped3A : memref<!tpu.dma_semaphore, #tpu.memory_space<semaphore_mem>>) src(%dma_wait3A_270 : memref<64x128xf32, #tpu.memory_space<vmem>>) dst(%dma_wait3A_267 : memref<64x128xf32, #tpu.memory_space<vmem_shared>>)
        tpu.yield
      }) : () -> ()
      %mul3A_111 = arith.constant 632 : i32
      %mul3A_112 = arith.muli %arg1, %mul3A_111 : i32
      %add3A_113 = arith.constant 256 : i32
      %add3A_114 = arith.addi %mul3A_112, %add3A_113 : i32
      "tpu.region"() ({
        %run_scoped3A = tpu.sem_alloc : memref<!tpu.dma_semaphore, #tpu.memory_space<semaphore_mem>>
        %dma_start3A_251 = arith.constant 0 : i32
        %dma_start3A_252 = arith.constant 0 : i32
        %dma_start3A_253 = tpu.memref_slice %arg12[%dma_start3A_251, %dma_start3A_252] : memref<64x128xf32, #tpu.memory_space<vmem>> -> memref<64x128xf32, #tpu.memory_space<vmem>>
        %dma_start3A_254 = arith.constant 0 : i32
        %dma_start3A_255 = tpu.memref_slice %arg20[%add3A_114, %dma_start3A_254] : memref<10112x128xf32, #tpu.memory_space<vmem_shared>> -> memref<64x128xf32, #tpu.memory_space<vmem_shared>>
        %dma_start3A_256 = arith.constant 0 : i32
        %dma_start3A_257 = tpu.memref_slice %arg20[%add3A_114, %dma_start3A_256] : memref<10112x128xf32, #tpu.memory_space<vmem_shared>> -> memref<64x128xf32, #tpu.memory_space<vmem_shared>>
        %dma_start3A_258 = arith.constant 0 : i32
        %dma_start3A_259 = arith.constant 0 : i32
        %dma_start3A_260 = tpu.memref_slice %arg12[%dma_start3A_258, %dma_start3A_259] : memref<64x128xf32, #tpu.memory_space<vmem>> -> memref<64x128xf32, #tpu.memory_space<vmem>>
        tpu.enqueue_dma source(%dma_start3A_260 : memref<64x128xf32, #tpu.memory_space<vmem>>) target(%dma_start3A_257 : memref<64x128xf32, #tpu.memory_space<vmem_shared>>) target_semaphore(%run_scoped3A : memref<!tpu.dma_semaphore, #tpu.memory_space<semaphore_mem>>)
        %dma_wait3A_261 = arith.constant 0 : i32
        %dma_wait3A_262 = arith.constant 0 : i32
        %dma_wait3A_263 = tpu.memref_slice %arg12[%dma_wait3A_261, %dma_wait3A_262] : memref<64x128xf32, #tpu.memory_space<vmem>> -> memref<64x128xf32, #tpu.memory_space<vmem>>
        %dma_wait3A_264 = arith.constant 0 : i32
        %dma_wait3A_265 = tpu.memref_slice %arg20[%add3A_114, %dma_wait3A_264] : memref<10112x128xf32, #tpu.memory_space<vmem_shared>> -> memref<64x128xf32, #tpu.memory_space<vmem_shared>>
        %dma_wait3A_266 = arith.constant 0 : i32
        %dma_wait3A_267 = tpu.memref_slice %arg20[%add3A_114, %dma_wait3A_266] : memref<10112x128xf32, #tpu.memory_space<vmem_shared>> -> memref<64x128xf32, #tpu.memory_space<vmem_shared>>
        %dma_wait3A_268 = arith.constant 0 : i32
        %dma_wait3A_269 = arith.constant 0 : i32
        %dma_wait3A_270 = tpu.memref_slice %arg12[%dma_wait3A_268, %dma_wait3A_269] : memref<64x128xf32, #tpu.memory_space<vmem>> -> memref<64x128xf32, #tpu.memory_space<vmem>>
        tpu.wait_dma2 semaphore(%run_scoped3A : memref<!tpu.dma_semaphore, #tpu.memory_space<semaphore_mem>>) src(%dma_wait3A_270 : memref<64x128xf32, #tpu.memory_space<vmem>>) dst(%dma_wait3A_267 : memref<64x128xf32, #tpu.memory_space<vmem_shared>>)
        tpu.yield
      }) : () -> ()
      %mul3A_115 = arith.constant 632 : i32
      %mul3A_116 = arith.muli %arg1, %mul3A_115 : i32
      %add3A_117 = arith.constant 320 : i32
      %add3A_118 = arith.addi %mul3A_116, %add3A_117 : i32
      "tpu.region"() ({
        %run_scoped3A = tpu.sem_alloc : memref<!tpu.dma_semaphore, #tpu.memory_space<semaphore_mem>>
        %dma_start3A_251 = arith.constant 0 : i32
        %dma_start3A_252 = arith.constant 0 : i32
        %dma_start3A_253 = tpu.memref_slice %arg12[%dma_start3A_251, %dma_start3A_252] : memref<64x128xf32, #tpu.memory_space<vmem>> -> memref<64x128xf32, #tpu.memory_space<vmem>>
        %dma_start3A_254 = arith.constant 0 : i32
        %dma_start3A_255 = tpu.memref_slice %arg20[%add3A_118, %dma_start3A_254] : memref<10112x128xf32, #tpu.memory_space<vmem_shared>> -> memref<64x128xf32, #tpu.memory_space<vmem_shared>>
        %dma_start3A_256 = arith.constant 0 : i32
        %dma_start3A_257 = tpu.memref_slice %arg20[%add3A_118, %dma_start3A_256] : memref<10112x128xf32, #tpu.memory_space<vmem_shared>> -> memref<64x128xf32, #tpu.memory_space<vmem_shared>>
        %dma_start3A_258 = arith.constant 0 : i32
        %dma_start3A_259 = arith.constant 0 : i32
        %dma_start3A_260 = tpu.memref_slice %arg12[%dma_start3A_258, %dma_start3A_259] : memref<64x128xf32, #tpu.memory_space<vmem>> -> memref<64x128xf32, #tpu.memory_space<vmem>>
        tpu.enqueue_dma source(%dma_start3A_260 : memref<64x128xf32, #tpu.memory_space<vmem>>) target(%dma_start3A_257 : memref<64x128xf32, #tpu.memory_space<vmem_shared>>) target_semaphore(%run_scoped3A : memref<!tpu.dma_semaphore, #tpu.memory_space<semaphore_mem>>)
        %dma_wait3A_261 = arith.constant 0 : i32
        %dma_wait3A_262 = arith.constant 0 : i32
        %dma_wait3A_263 = tpu.memref_slice %arg12[%dma_wait3A_261, %dma_wait3A_262] : memref<64x128xf32, #tpu.memory_space<vmem>> -> memref<64x128xf32, #tpu.memory_space<vmem>>
        %dma_wait3A_264 = arith.constant 0 : i32
        %dma_wait3A_265 = tpu.memref_slice %arg20[%add3A_118, %dma_wait3A_264] : memref<10112x128xf32, #tpu.memory_space<vmem_shared>> -> memref<64x128xf32, #tpu.memory_space<vmem_shared>>
        %dma_wait3A_266 = arith.constant 0 : i32
        %dma_wait3A_267 = tpu.memref_slice %arg20[%add3A_118, %dma_wait3A_266] : memref<10112x128xf32, #tpu.memory_space<vmem_shared>> -> memref<64x128xf32, #tpu.memory_space<vmem_shared>>
        %dma_wait3A_268 = arith.constant 0 : i32
        %dma_wait3A_269 = arith.constant 0 : i32
        %dma_wait3A_270 = tpu.memref_slice %arg12[%dma_wait3A_268, %dma_wait3A_269] : memref<64x128xf32, #tpu.memory_space<vmem>> -> memref<64x128xf32, #tpu.memory_space<vmem>>
        tpu.wait_dma2 semaphore(%run_scoped3A : memref<!tpu.dma_semaphore, #tpu.memory_space<semaphore_mem>>) src(%dma_wait3A_270 : memref<64x128xf32, #tpu.memory_space<vmem>>) dst(%dma_wait3A_267 : memref<64x128xf32, #tpu.memory_space<vmem_shared>>)
        tpu.yield
      }) : () -> ()
      %mul3A_119 = arith.constant 632 : i32
      %mul3A_120 = arith.muli %arg1, %mul3A_119 : i32
      %add3A_121 = arith.constant 384 : i32
      %add3A_122 = arith.addi %mul3A_120, %add3A_121 : i32
      "tpu.region"() ({
        %run_scoped3A = tpu.sem_alloc : memref<!tpu.dma_semaphore, #tpu.memory_space<semaphore_mem>>
        %dma_start3A_251 = arith.constant 0 : i32
        %dma_start3A_252 = arith.constant 0 : i32
        %dma_start3A_253 = tpu.memref_slice %arg12[%dma_start3A_251, %dma_start3A_252] : memref<64x128xf32, #tpu.memory_space<vmem>> -> memref<64x128xf32, #tpu.memory_space<vmem>>
        %dma_start3A_254 = arith.constant 0 : i32
        %dma_start3A_255 = tpu.memref_slice %arg20[%add3A_122, %dma_start3A_254] : memref<10112x128xf32, #tpu.memory_space<vmem_shared>> -> memref<64x128xf32, #tpu.memory_space<vmem_shared>>
        %dma_start3A_256 = arith.constant 0 : i32
        %dma_start3A_257 = tpu.memref_slice %arg20[%add3A_122, %dma_start3A_256] : memref<10112x128xf32, #tpu.memory_space<vmem_shared>> -> memref<64x128xf32, #tpu.memory_space<vmem_shared>>
        %dma_start3A_258 = arith.constant 0 : i32
        %dma_start3A_259 = arith.constant 0 : i32
        %dma_start3A_260 = tpu.memref_slice %arg12[%dma_start3A_258, %dma_start3A_259] : memref<64x128xf32, #tpu.memory_space<vmem>> -> memref<64x128xf32, #tpu.memory_space<vmem>>
        tpu.enqueue_dma source(%dma_start3A_260 : memref<64x128xf32, #tpu.memory_space<vmem>>) target(%dma_start3A_257 : memref<64x128xf32, #tpu.memory_space<vmem_shared>>) target_semaphore(%run_scoped3A : memref<!tpu.dma_semaphore, #tpu.memory_space<semaphore_mem>>)
        %dma_wait3A_261 = arith.constant 0 : i32
        %dma_wait3A_262 = arith.constant 0 : i32
        %dma_wait3A_263 = tpu.memref_slice %arg12[%dma_wait3A_261, %dma_wait3A_262] : memref<64x128xf32, #tpu.memory_space<vmem>> -> memref<64x128xf32, #tpu.memory_space<vmem>>
        %dma_wait3A_264 = arith.constant 0 : i32
        %dma_wait3A_265 = tpu.memref_slice %arg20[%add3A_122, %dma_wait3A_264] : memref<10112x128xf32, #tpu.memory_space<vmem_shared>> -> memref<64x128xf32, #tpu.memory_space<vmem_shared>>
        %dma_wait3A_266 = arith.constant 0 : i32
        %dma_wait3A_267 = tpu.memref_slice %arg20[%add3A_122, %dma_wait3A_266] : memref<10112x128xf32, #tpu.memory_space<vmem_shared>> -> memref<64x128xf32, #tpu.memory_space<vmem_shared>>
        %dma_wait3A_268 = arith.constant 0 : i32
        %dma_wait3A_269 = arith.constant 0 : i32
        %dma_wait3A_270 = tpu.memref_slice %arg12[%dma_wait3A_268, %dma_wait3A_269] : memref<64x128xf32, #tpu.memory_space<vmem>> -> memref<64x128xf32, #tpu.memory_space<vmem>>
        tpu.wait_dma2 semaphore(%run_scoped3A : memref<!tpu.dma_semaphore, #tpu.memory_space<semaphore_mem>>) src(%dma_wait3A_270 : memref<64x128xf32, #tpu.memory_space<vmem>>) dst(%dma_wait3A_267 : memref<64x128xf32, #tpu.memory_space<vmem_shared>>)
        tpu.yield
      }) : () -> ()
      %mul3A_123 = arith.constant 632 : i32
      %mul3A_124 = arith.muli %arg1, %mul3A_123 : i32
      %add3A_125 = arith.constant 448 : i32
      %add3A_126 = arith.addi %mul3A_124, %add3A_125 : i32
      "tpu.region"() ({
        %run_scoped3A = tpu.sem_alloc : memref<!tpu.dma_semaphore, #tpu.memory_space<semaphore_mem>>
        %dma_start3A_251 = arith.constant 0 : i32
        %dma_start3A_252 = arith.constant 0 : i32
        %dma_start3A_253 = tpu.memref_slice %arg12[%dma_start3A_251, %dma_start3A_252] : memref<64x128xf32, #tpu.memory_space<vmem>> -> memref<64x128xf32, #tpu.memory_space<vmem>>
        %dma_start3A_254 = arith.constant 0 : i32
        %dma_start3A_255 = tpu.memref_slice %arg20[%add3A_126, %dma_start3A_254] : memref<10112x128xf32, #tpu.memory_space<vmem_shared>> -> memref<64x128xf32, #tpu.memory_space<vmem_shared>>
        %dma_start3A_256 = arith.constant 0 : i32
        %dma_start3A_257 = tpu.memref_slice %arg20[%add3A_126, %dma_start3A_256] : memref<10112x128xf32, #tpu.memory_space<vmem_shared>> -> memref<64x128xf32, #tpu.memory_space<vmem_shared>>
        %dma_start3A_258 = arith.constant 0 : i32
        %dma_start3A_259 = arith.constant 0 : i32
        %dma_start3A_260 = tpu.memref_slice %arg12[%dma_start3A_258, %dma_start3A_259] : memref<64x128xf32, #tpu.memory_space<vmem>> -> memref<64x128xf32, #tpu.memory_space<vmem>>
        tpu.enqueue_dma source(%dma_start3A_260 : memref<64x128xf32, #tpu.memory_space<vmem>>) target(%dma_start3A_257 : memref<64x128xf32, #tpu.memory_space<vmem_shared>>) target_semaphore(%run_scoped3A : memref<!tpu.dma_semaphore, #tpu.memory_space<semaphore_mem>>)
        %dma_wait3A_261 = arith.constant 0 : i32
        %dma_wait3A_262 = arith.constant 0 : i32
        %dma_wait3A_263 = tpu.memref_slice %arg12[%dma_wait3A_261, %dma_wait3A_262] : memref<64x128xf32, #tpu.memory_space<vmem>> -> memref<64x128xf32, #tpu.memory_space<vmem>>
        %dma_wait3A_264 = arith.constant 0 : i32
        %dma_wait3A_265 = tpu.memref_slice %arg20[%add3A_126, %dma_wait3A_264] : memref<10112x128xf32, #tpu.memory_space<vmem_shared>> -> memref<64x128xf32, #tpu.memory_space<vmem_shared>>
        %dma_wait3A_266 = arith.constant 0 : i32
        %dma_wait3A_267 = tpu.memref_slice %arg20[%add3A_126, %dma_wait3A_266] : memref<10112x128xf32, #tpu.memory_space<vmem_shared>> -> memref<64x128xf32, #tpu.memory_space<vmem_shared>>
        %dma_wait3A_268 = arith.constant 0 : i32
        %dma_wait3A_269 = arith.constant 0 : i32
        %dma_wait3A_270 = tpu.memref_slice %arg12[%dma_wait3A_268, %dma_wait3A_269] : memref<64x128xf32, #tpu.memory_space<vmem>> -> memref<64x128xf32, #tpu.memory_space<vmem>>
        tpu.wait_dma2 semaphore(%run_scoped3A : memref<!tpu.dma_semaphore, #tpu.memory_space<semaphore_mem>>) src(%dma_wait3A_270 : memref<64x128xf32, #tpu.memory_space<vmem>>) dst(%dma_wait3A_267 : memref<64x128xf32, #tpu.memory_space<vmem_shared>>)
        tpu.yield
      }) : () -> ()
      %mul3A_127 = arith.constant 632 : i32
      %mul3A_128 = arith.muli %arg1, %mul3A_127 : i32
      %add3A_129 = arith.constant 512 : i32
      %add3A_130 = arith.addi %mul3A_128, %add3A_129 : i32
      "tpu.region"() ({
        %run_scoped3A = tpu.sem_alloc : memref<!tpu.dma_semaphore, #tpu.memory_space<semaphore_mem>>
        %dma_start3A_251 = arith.constant 0 : i32
        %dma_start3A_252 = arith.constant 0 : i32
        %dma_start3A_253 = tpu.memref_slice %arg12[%dma_start3A_251, %dma_start3A_252] : memref<64x128xf32, #tpu.memory_space<vmem>> -> memref<64x128xf32, #tpu.memory_space<vmem>>
        %dma_start3A_254 = arith.constant 0 : i32
        %dma_start3A_255 = tpu.memref_slice %arg20[%add3A_130, %dma_start3A_254] : memref<10112x128xf32, #tpu.memory_space<vmem_shared>> -> memref<64x128xf32, #tpu.memory_space<vmem_shared>>
        %dma_start3A_256 = arith.constant 0 : i32
        %dma_start3A_257 = tpu.memref_slice %arg20[%add3A_130, %dma_start3A_256] : memref<10112x128xf32, #tpu.memory_space<vmem_shared>> -> memref<64x128xf32, #tpu.memory_space<vmem_shared>>
        %dma_start3A_258 = arith.constant 0 : i32
        %dma_start3A_259 = arith.constant 0 : i32
        %dma_start3A_260 = tpu.memref_slice %arg12[%dma_start3A_258, %dma_start3A_259] : memref<64x128xf32, #tpu.memory_space<vmem>> -> memref<64x128xf32, #tpu.memory_space<vmem>>
        tpu.enqueue_dma source(%dma_start3A_260 : memref<64x128xf32, #tpu.memory_space<vmem>>) target(%dma_start3A_257 : memref<64x128xf32, #tpu.memory_space<vmem_shared>>) target_semaphore(%run_scoped3A : memref<!tpu.dma_semaphore, #tpu.memory_space<semaphore_mem>>)
        %dma_wait3A_261 = arith.constant 0 : i32
        %dma_wait3A_262 = arith.constant 0 : i32
        %dma_wait3A_263 = tpu.memref_slice %arg12[%dma_wait3A_261, %dma_wait3A_262] : memref<64x128xf32, #tpu.memory_space<vmem>> -> memref<64x128xf32, #tpu.memory_space<vmem>>
        %dma_wait3A_264 = arith.constant 0 : i32
        %dma_wait3A_265 = tpu.memref_slice %arg20[%add3A_130, %dma_wait3A_264] : memref<10112x128xf32, #tpu.memory_space<vmem_shared>> -> memref<64x128xf32, #tpu.memory_space<vmem_shared>>
        %dma_wait3A_266 = arith.constant 0 : i32
        %dma_wait3A_267 = tpu.memref_slice %arg20[%add3A_130, %dma_wait3A_266] : memref<10112x128xf32, #tpu.memory_space<vmem_shared>> -> memref<64x128xf32, #tpu.memory_space<vmem_shared>>
        %dma_wait3A_268 = arith.constant 0 : i32
        %dma_wait3A_269 = arith.constant 0 : i32
        %dma_wait3A_270 = tpu.memref_slice %arg12[%dma_wait3A_268, %dma_wait3A_269] : memref<64x128xf32, #tpu.memory_space<vmem>> -> memref<64x128xf32, #tpu.memory_space<vmem>>
        tpu.wait_dma2 semaphore(%run_scoped3A : memref<!tpu.dma_semaphore, #tpu.memory_space<semaphore_mem>>) src(%dma_wait3A_270 : memref<64x128xf32, #tpu.memory_space<vmem>>) dst(%dma_wait3A_267 : memref<64x128xf32, #tpu.memory_space<vmem_shared>>)
        tpu.yield
      }) : () -> ()
      %mul3A_131 = arith.constant 632 : i32
      %mul3A_132 = arith.muli %arg1, %mul3A_131 : i32
      %add3A_133 = arith.constant 576 : i32
      %add3A_134 = arith.addi %mul3A_132, %add3A_133 : i32
      "tpu.region"() ({
        %run_scoped3A = tpu.sem_alloc : memref<!tpu.dma_semaphore, #tpu.memory_space<semaphore_mem>>
        %dma_start3A_251 = arith.constant 0 : i32
        %dma_start3A_252 = arith.constant 0 : i32
        %dma_start3A_253 = tpu.memref_slice %arg12[%dma_start3A_251, %dma_start3A_252] : memref<64x128xf32, #tpu.memory_space<vmem>> -> memref<56x128xf32, #tpu.memory_space<vmem>>
        %dma_start3A_254 = arith.constant 0 : i32
        %dma_start3A_255 = tpu.memref_slice %arg20[%add3A_134, %dma_start3A_254] : memref<10112x128xf32, #tpu.memory_space<vmem_shared>> -> memref<56x128xf32, #tpu.memory_space<vmem_shared>>
        %dma_start3A_256 = arith.constant 0 : i32
        %dma_start3A_257 = tpu.memref_slice %arg20[%add3A_134, %dma_start3A_256] : memref<10112x128xf32, #tpu.memory_space<vmem_shared>> -> memref<56x128xf32, #tpu.memory_space<vmem_shared>>
        %dma_start3A_258 = arith.constant 0 : i32
        %dma_start3A_259 = arith.constant 0 : i32
        %dma_start3A_260 = tpu.memref_slice %arg12[%dma_start3A_258, %dma_start3A_259] : memref<64x128xf32, #tpu.memory_space<vmem>> -> memref<56x128xf32, #tpu.memory_space<vmem>>
        tpu.enqueue_dma source(%dma_start3A_260 : memref<56x128xf32, #tpu.memory_space<vmem>>) target(%dma_start3A_257 : memref<56x128xf32, #tpu.memory_space<vmem_shared>>) target_semaphore(%run_scoped3A : memref<!tpu.dma_semaphore, #tpu.memory_space<semaphore_mem>>)
        %dma_wait3A_261 = arith.constant 0 : i32
        %dma_wait3A_262 = arith.constant 0 : i32
        %dma_wait3A_263 = tpu.memref_slice %arg12[%dma_wait3A_261, %dma_wait3A_262] : memref<64x128xf32, #tpu.memory_space<vmem>> -> memref<56x128xf32, #tpu.memory_space<vmem>>
        %dma_wait3A_264 = arith.constant 0 : i32
        %dma_wait3A_265 = tpu.memref_slice %arg20[%add3A_134, %dma_wait3A_264] : memref<10112x128xf32, #tpu.memory_space<vmem_shared>> -> memref<56x128xf32, #tpu.memory_space<vmem_shared>>
        %dma_wait3A_266 = arith.constant 0 : i32
        %dma_wait3A_267 = tpu.memref_slice %arg20[%add3A_134, %dma_wait3A_266] : memref<10112x128xf32, #tpu.memory_space<vmem_shared>> -> memref<56x128xf32, #tpu.memory_space<vmem_shared>>
        %dma_wait3A_268 = arith.constant 0 : i32
        %dma_wait3A_269 = arith.constant 0 : i32
        %dma_wait3A_270 = tpu.memref_slice %arg12[%dma_wait3A_268, %dma_wait3A_269] : memref<64x128xf32, #tpu.memory_space<vmem>> -> memref<56x128xf32, #tpu.memory_space<vmem>>
        tpu.wait_dma2 semaphore(%run_scoped3A : memref<!tpu.dma_semaphore, #tpu.memory_space<semaphore_mem>>) src(%dma_wait3A_270 : memref<56x128xf32, #tpu.memory_space<vmem>>) dst(%dma_wait3A_267 : memref<56x128xf32, #tpu.memory_space<vmem_shared>>)
        tpu.yield
      }) : () -> ()
      %barrier3A = arith.constant 0 : index
      tpu.barrier barrier_id(%barrier3A)
      %dma_start3A = arith.constant 0 : i32
      %dma_start3A_135 = tpu.memref_slice %arg8[%dma_start3A] : memref<5120xi32, #tpu.memory_space<vmem>> -> memref<64xi32, #tpu.memory_space<vmem>>
      %dma_start3A_136 = arith.constant 0 : i32
      %dma_start3A_137 = arith.constant 0 : i32
      %dma_start3A_138 = tpu.memref_slice %arg2[%scan3A_13, %dma_start3A_136, %dma_start3A_137] : memref<4x10000x128xf32, #tpu.memory_space<hbm>> -> memref<1x10000x128xf32, #tpu.memory_space<hbm>>
      %dma_start3A_139 = tpu.memref_squeeze %dma_start3A_138 : memref<1x10000x128xf32, #tpu.memory_space<hbm>> -> memref<10000x128xf32, #tpu.memory_space<hbm>>
      %dma_start3A_140 = arith.constant 0 : i32
      %dma_start3A_141 = arith.constant 0 : i32
      %dma_start3A_142 = tpu.memref_slice %dma_start3A_139[%dma_start3A_140, %dma_start3A_141] : memref<10000x128xf32, #tpu.memory_space<hbm>> -> memref<10000x128xf32, #tpu.memory_space<hbm>>
      tpu.enqueue_indirect_dma source(%dma_start3A_142 : memref<10000x128xf32, #tpu.memory_space<hbm>>) target(%arg10 : memref<64x128xf32, #tpu.memory_space<vmem>>) offsets(%dma_start3A_135 : memref<64xi32, #tpu.memory_space<vmem>>) semaphore(%arg17 : memref<!tpu.dma_semaphore, #tpu.memory_space<semaphore_mem>>)
      %mul3A_143 = arith.constant 256 : i32
      %mul3A_144 = arith.muli %add3A, %mul3A_143 : i32
      %dma_start3A_145 = tpu.memref_slice %arg5[%mul3A_144] : memref<655360xf32, #tpu.memory_space<hbm>> -> memref<256xf32, #tpu.memory_space<hbm>>
      %dma_start3A_146 = tpu.memref_slice %arg5[%mul3A_144] : memref<655360xf32, #tpu.memory_space<hbm>> -> memref<256xf32, #tpu.memory_space<hbm>>
      tpu.enqueue_dma source(%dma_start3A_146 : memref<256xf32, #tpu.memory_space<hbm>>) target(%arg14 : memref<256xf32, #tpu.memory_space<vmem>>) target_semaphore(%arg19 : memref<!tpu.dma_semaphore, #tpu.memory_space<semaphore_mem>>)
      %jit3A_147 = arith.constant 2 : i32
      %div3A = arith.divsi %select_n3A, %jit3A_147 : i32
      %sign3A = arith.constant 0 : i32
      %sign3A_148 = arith.cmpi sgt, %select_n3A, %sign3A : i32
      %sign3A_149 = arith.extui %sign3A_148 : i1 to i32
      %sign3A_150 = arith.constant 0 : i32
      %sign3A_151 = arith.cmpi slt, %select_n3A, %sign3A_150 : i32
      %sign3A_152 = arith.extui %sign3A_151 : i1 to i32
      %sign3A_153 = arith.subi %sign3A_149, %sign3A_152 : i32
      %sign3A_154 = arith.constant 0 : i32
      %sign3A_155 = arith.cmpi sgt, %jit3A_147, %sign3A_154 : i32
      %sign3A_156 = arith.extui %sign3A_155 : i1 to i32
      %sign3A_157 = arith.constant 0 : i32
      %sign3A_158 = arith.cmpi slt, %jit3A_147, %sign3A_157 : i32
      %sign3A_159 = arith.extui %sign3A_158 : i1 to i32
      %sign3A_160 = arith.subi %sign3A_156, %sign3A_159 : i32
      %ne3A = arith.cmpi ne, %sign3A_153, %sign3A_160 : i32
      %rem3A = arith.remsi %select_n3A, %jit3A_147 : i32
      %ne3A_161 = arith.constant 0 : i32
      %ne3A_162 = arith.cmpi ne, %rem3A, %ne3A_161 : i32
      %and3A = arith.andi %ne3A, %ne3A_162 : i1
      %sub3A = arith.constant 1 : i32
      %sub3A_163 = arith.subi %div3A, %sub3A : i32
      %select_n3A_164 = arith.select %and3A, %sub3A_163, %div3A : i32
      %while3A = arith.constant 0 : i32
      %while3A_165 = arith.constant 0 : i32
      %while3A_166 = arith.subi %select_n3A_164, %while3A : i32
      %while3A_167 = arith.addi %while3A, %while3A_166 : i32
      %while3A_168 = arith.constant 1 : i32
      %while3A_169 = arith.divsi %while3A_166, %while3A_168 : i32
      %while3A_170 = arith.muli %while3A_169, %while3A_168 : i32
      %while3A_171 = arith.addi %while3A, %while3A_170 : i32
      %while3A_172 = arith.constant 1 : i32
      %while3A_173 = scf.for %while3A_251 = %while3A to %while3A_171 step %while3A_172 iter_args(%while3A_252 = %while3A_165) -> (i32)  : i32 {
        %mul3A_253 = arith.constant 2 : i32
        %mul3A_254 = arith.muli %mul3A_253, %while3A_251 : i32
        %add3A_255 = arith.constant 0 : i32
        %add3A_256 = arith.addi %mul3A_254, %add3A_255 : i32
        %dma_wait3A_257 = arith.constant 0 : i32
        %dma_wait3A_258 = arith.constant 0 : i32
        %dma_wait3A_259 = tpu.memref_slice %arg2[%scan3A_13, %dma_wait3A_257, %dma_wait3A_258] : memref<4x10000x128xf32, #tpu.memory_space<hbm>> -> memref<1x10000x128xf32, #tpu.memory_space<hbm>>
        %dma_wait3A_260 = tpu.memref_squeeze %dma_wait3A_259 : memref<1x10000x128xf32, #tpu.memory_space<hbm>> -> memref<10000x128xf32, #tpu.memory_space<hbm>>
        %dma_wait3A_261 = arith.constant 0 : i32
        %dma_wait3A_262 = arith.constant 0 : i32
        %dma_wait3A_263 = tpu.memref_slice %dma_wait3A_260[%dma_wait3A_261, %dma_wait3A_262] : memref<10000x128xf32, #tpu.memory_space<hbm>> -> memref<64x128xf32, #tpu.memory_space<hbm>>
        %dma_wait3A_264 = arith.constant 0 : i32
        %dma_wait3A_265 = arith.constant 0 : i32
        %dma_wait3A_266 = tpu.memref_slice %arg2[%scan3A_13, %dma_wait3A_264, %dma_wait3A_265] : memref<4x10000x128xf32, #tpu.memory_space<hbm>> -> memref<1x10000x128xf32, #tpu.memory_space<hbm>>
        %dma_wait3A_267 = tpu.memref_squeeze %dma_wait3A_266 : memref<1x10000x128xf32, #tpu.memory_space<hbm>> -> memref<10000x128xf32, #tpu.memory_space<hbm>>
        %dma_wait3A_268 = arith.constant 0 : i32
        %dma_wait3A_269 = arith.constant 0 : i32
        %dma_wait3A_270 = tpu.memref_slice %dma_wait3A_267[%dma_wait3A_268, %dma_wait3A_269] : memref<10000x128xf32, #tpu.memory_space<hbm>> -> memref<64x128xf32, #tpu.memory_space<hbm>>
        tpu.wait_dma2 semaphore(%arg17 : memref<!tpu.dma_semaphore, #tpu.memory_space<semaphore_mem>>) src(%dma_wait3A_270 : memref<64x128xf32, #tpu.memory_space<hbm>>) dst(%arg10 : memref<64x128xf32, #tpu.memory_space<vmem>>)
        %dma_wait3A_271 = arith.constant 0 : i32
        %dma_wait3A_272 = tpu.memref_slice %arg5[%dma_wait3A_271] : memref<655360xf32, #tpu.memory_space<hbm>> -> memref<256xf32, #tpu.memory_space<hbm>>
        %dma_wait3A_273 = arith.constant 0 : i32
        %dma_wait3A_274 = tpu.memref_slice %arg5[%dma_wait3A_273] : memref<655360xf32, #tpu.memory_space<hbm>> -> memref<256xf32, #tpu.memory_space<hbm>>
        tpu.wait_dma2 semaphore(%arg19 : memref<!tpu.dma_semaphore, #tpu.memory_space<semaphore_mem>>) src(%dma_wait3A_274 : memref<256xf32, #tpu.memory_space<hbm>>) dst(%arg14 : memref<256xf32, #tpu.memory_space<vmem>>)
        %add3A_275 = arith.constant 1 : i32
        %add3A_276 = arith.addi %add3A_256, %add3A_275 : i32
        %lt3A = arith.cmpi slt, %add3A_276, %select_n3A : i32
        %convert_element_type3A = arith.extui %lt3A : i1 to i32
        %cond3A = arith.constant 0 : i32
        %cond3A_277 = arith.cmpi ne, %convert_element_type3A, %cond3A : i32
        scf.if %cond3A_277 {
          %add3A_337 = arith.constant 1 : i32
          %add3A_338 = arith.addi %add3A_256, %add3A_337 : i32
          %mul3A_339 = arith.constant 64 : i32
          %mul3A_340 = arith.muli %add3A_338, %mul3A_339 : i32
          %dma_start3A_341 = tpu.memref_slice %arg8[%mul3A_340] : memref<5120xi32, #tpu.memory_space<vmem>> -> memref<64xi32, #tpu.memory_space<vmem>>
          %dma_start3A_342 = arith.constant 0 : i32
          %dma_start3A_343 = arith.constant 0 : i32
          %dma_start3A_344 = tpu.memref_slice %arg2[%scan3A_13, %dma_start3A_342, %dma_start3A_343] : memref<4x10000x128xf32, #tpu.memory_space<hbm>> -> memref<1x10000x128xf32, #tpu.memory_space<hbm>>
          %dma_start3A_345 = tpu.memref_squeeze %dma_start3A_344 : memref<1x10000x128xf32, #tpu.memory_space<hbm>> -> memref<10000x128xf32, #tpu.memory_space<hbm>>
          %dma_start3A_346 = arith.constant 0 : i32
          %dma_start3A_347 = arith.constant 0 : i32
          %dma_start3A_348 = tpu.memref_slice %dma_start3A_345[%dma_start3A_346, %dma_start3A_347] : memref<10000x128xf32, #tpu.memory_space<hbm>> -> memref<10000x128xf32, #tpu.memory_space<hbm>>
          tpu.enqueue_indirect_dma source(%dma_start3A_348 : memref<10000x128xf32, #tpu.memory_space<hbm>>) target(%arg11 : memref<64x128xf32, #tpu.memory_space<vmem>>) offsets(%dma_start3A_341 : memref<64xi32, #tpu.memory_space<vmem>>) semaphore(%arg17 : memref<!tpu.dma_semaphore, #tpu.memory_space<semaphore_mem>>)
          %add3A_349 = arith.addi %add3A, %add3A_256 : i32
          %add3A_350 = arith.constant 1 : i32
          %add3A_351 = arith.addi %add3A_349, %add3A_350 : i32
          %mul3A_352 = arith.constant 256 : i32
          %mul3A_353 = arith.muli %add3A_351, %mul3A_352 : i32
          %dma_start3A_354 = tpu.memref_slice %arg5[%mul3A_353] : memref<655360xf32, #tpu.memory_space<hbm>> -> memref<256xf32, #tpu.memory_space<hbm>>
          %dma_start3A_355 = tpu.memref_slice %arg5[%mul3A_353] : memref<655360xf32, #tpu.memory_space<hbm>> -> memref<256xf32, #tpu.memory_space<hbm>>
          tpu.enqueue_dma source(%dma_start3A_355 : memref<256xf32, #tpu.memory_space<hbm>>) target(%arg15 : memref<256xf32, #tpu.memory_space<vmem>>) target_semaphore(%arg19 : memref<!tpu.dma_semaphore, #tpu.memory_space<semaphore_mem>>)
        } else {
        }
        %ge3A = arith.constant 2 : i32
        %ge3A_278 = arith.cmpi sge, %add3A_256, %ge3A : i32
        %convert_element_type3A_279 = arith.extui %ge3A_278 : i1 to i32
        %cond3A_280 = arith.constant 0 : i32
        %cond3A_281 = arith.cmpi ne, %convert_element_type3A_279, %cond3A_280 : i32
        scf.if %cond3A_281 {
          %dma_wait3A_337 = arith.constant 0 : i32
          %dma_wait3A_338 = arith.constant 0 : i32
          %dma_wait3A_339 = tpu.memref_slice %arg2[%scan3A_13, %dma_wait3A_337, %dma_wait3A_338] : memref<4x10000x128xf32, #tpu.memory_space<hbm>> -> memref<1x10000x128xf32, #tpu.memory_space<hbm>>
          %dma_wait3A_340 = tpu.memref_squeeze %dma_wait3A_339 : memref<1x10000x128xf32, #tpu.memory_space<hbm>> -> memref<10000x128xf32, #tpu.memory_space<hbm>>
          %dma_wait3A_341 = arith.constant 0 : i32
          %dma_wait3A_342 = arith.constant 0 : i32
          %dma_wait3A_343 = tpu.memref_slice %dma_wait3A_340[%dma_wait3A_341, %dma_wait3A_342] : memref<10000x128xf32, #tpu.memory_space<hbm>> -> memref<64x128xf32, #tpu.memory_space<hbm>>
          %dma_wait3A_344 = arith.constant 0 : i32
          %dma_wait3A_345 = arith.constant 0 : i32
          %dma_wait3A_346 = tpu.memref_slice %arg2[%scan3A_13, %dma_wait3A_344, %dma_wait3A_345] : memref<4x10000x128xf32, #tpu.memory_space<hbm>> -> memref<1x10000x128xf32, #tpu.memory_space<hbm>>
          %dma_wait3A_347 = tpu.memref_squeeze %dma_wait3A_346 : memref<1x10000x128xf32, #tpu.memory_space<hbm>> -> memref<10000x128xf32, #tpu.memory_space<hbm>>
          %dma_wait3A_348 = arith.constant 0 : i32
          %dma_wait3A_349 = arith.constant 0 : i32
          %dma_wait3A_350 = tpu.memref_slice %dma_wait3A_347[%dma_wait3A_348, %dma_wait3A_349] : memref<10000x128xf32, #tpu.memory_space<hbm>> -> memref<64x128xf32, #tpu.memory_space<hbm>>
          tpu.wait_dma2 semaphore(%arg18 : memref<!tpu.dma_semaphore, #tpu.memory_space<semaphore_mem>>) src(%dma_wait3A_350 : memref<64x128xf32, #tpu.memory_space<hbm>>) dst(%arg12 : memref<64x128xf32, #tpu.memory_space<vmem>>)
        } else {
        }
        %broadcast_in_dim3A_282 = arith.constant 0 : i32
        %broadcast_in_dim3A_283 = vector.broadcast %broadcast_in_dim3A_282 : i32 to vector<16xi32>
        %parallel_loop3A = arith.constant 0 : i32
        %parallel_loop3A_284 = arith.constant 64 : i32
        %parallel_loop3A_285 = arith.constant 1 : i32
        scf.for %parallel_loop3A_337 = %parallel_loop3A to %parallel_loop3A_284 step %parallel_loop3A_285  : i32 {
          %parallel_loop3A_338 = arith.constant -16 : i32
          %parallel_loop3A_339 = arith.andi %parallel_loop3A_337, %parallel_loop3A_338 : i32
          %parallel_loop3A_340 = arith.constant 15 : i32
          %parallel_loop3A_341 = arith.andi %parallel_loop3A_337, %parallel_loop3A_340 : i32
          %parallel_loop3A_342 = vector.broadcast %parallel_loop3A_341 : i32 to vector<16xi32>
          %parallel_loop3A_343 = arith.addi %broadcast_in_dim3A_283, %parallel_loop3A_342 : vector<16xi32>
          %parallel_loop3A_344 = vector.shape_cast %parallel_loop3A_343 : vector<16xi32> to vector<16x1xi32>
          %parallel_loop3A_345 = arith.constant 0 : i32
          %parallel_loop3A_346 = arith.addi %parallel_loop3A_345, %parallel_loop3A_339 : i32
          %parallel_loop3A_347 = arith.index_cast %parallel_loop3A_346 : i32 to index
          %parallel_loop3A_348 = tpu.vector_load %arg14[%parallel_loop3A_347] {strides = array<i32>} : memref<256xf32, #tpu.memory_space<vmem>>, vector<16xf32>,
          %parallel_loop3A_349 = vector.shape_cast %parallel_loop3A_348 : vector<16xf32> to vector<16xf32>
          %parallel_loop3A_350 = vector.shape_cast %parallel_loop3A_344 : vector<16x1xi32> to vector<16xi32>
          %parallel_loop3A_351 = tpu.dynamic_gather %parallel_loop3A_349[%parallel_loop3A_350] in [0] : vector<16xf32>, vector<16xi32> -> vector<16xf32>
          %parallel_loop3A_352 = arith.constant 64 : i32
          %parallel_loop3A_353 = arith.addi %parallel_loop3A_352, %parallel_loop3A_339 : i32
          %parallel_loop3A_354 = arith.index_cast %parallel_loop3A_353 : i32 to index
          %parallel_loop3A_355 = tpu.vector_load %arg14[%parallel_loop3A_354] {strides = array<i32>} : memref<256xf32, #tpu.memory_space<vmem>>, vector<16xf32>,
          %parallel_loop3A_356 = vector.shape_cast %parallel_loop3A_355 : vector<16xf32> to vector<16xf32>
          %parallel_loop3A_357 = vector.shape_cast %parallel_loop3A_344 : vector<16x1xi32> to vector<16xi32>
          %parallel_loop3A_358 = tpu.dynamic_gather %parallel_loop3A_356[%parallel_loop3A_357] in [0] : vector<16xf32>, vector<16xi32> -> vector<16xf32>
          %parallel_loop3A_359 = arith.constant 128 : i32
          %parallel_loop3A_360 = arith.addi %parallel_loop3A_359, %parallel_loop3A_339 : i32
          %parallel_loop3A_361 = arith.index_cast %parallel_loop3A_360 : i32 to index
          %parallel_loop3A_362 = tpu.vector_load %arg14[%parallel_loop3A_361] {strides = array<i32>} : memref<256xf32, #tpu.memory_space<vmem>>, vector<16xf32>,
          %parallel_loop3A_363 = vector.shape_cast %parallel_loop3A_362 : vector<16xf32> to vector<16xf32>
          %parallel_loop3A_364 = vector.shape_cast %parallel_loop3A_344 : vector<16x1xi32> to vector<16xi32>
          %parallel_loop3A_365 = tpu.dynamic_gather %parallel_loop3A_363[%parallel_loop3A_364] in [0] : vector<16xf32>, vector<16xi32> -> vector<16xf32>
          %parallel_loop3A_366 = arith.index_cast %parallel_loop3A_337 : i32 to index
          %parallel_loop3A_367 = arith.constant 0 : index
          %parallel_loop3A_368 = tpu.vector_load %arg10[%parallel_loop3A_366, %parallel_loop3A_367] {strides = array<i32>} : memref<64x128xf32, #tpu.memory_space<vmem>>, vector<1x16xf32>,
          %parallel_loop3A_369 = vector.shape_cast %parallel_loop3A_368 : vector<1x16xf32> to vector<16xf32>
          %parallel_loop3A_370 = arith.mulf %parallel_loop3A_351, %get3A_18 : vector<16xf32>
          %parallel_loop3A_371 = arith.addf %parallel_loop3A_369, %parallel_loop3A_370 : vector<16xf32>
          %parallel_loop3A_372 = arith.mulf %parallel_loop3A_358, %get3A_42 : vector<16xf32>
          %parallel_loop3A_373 = arith.addf %parallel_loop3A_371, %parallel_loop3A_372 : vector<16xf32>
          %parallel_loop3A_374 = arith.mulf %parallel_loop3A_365, %get3A_66 : vector<16xf32>
          %parallel_loop3A_375 = arith.addf %parallel_loop3A_373, %parallel_loop3A_374 : vector<16xf32>
          %parallel_loop3A_376 = arith.constant 0.000000e+00 : f32
          %parallel_loop3A_377 = vector.broadcast %parallel_loop3A_376 : f32 to vector<16xf32>
          %parallel_loop3A_378 = arith.maximumf %parallel_loop3A_375, %parallel_loop3A_377 : vector<16xf32>
          %parallel_loop3A_379 = arith.index_cast %parallel_loop3A_337 : i32 to index
          %parallel_loop3A_380 = arith.constant 0 : index
          %parallel_loop3A_381 = tpu.vector_load %arg12[%parallel_loop3A_379, %parallel_loop3A_380] {strides = array<i32>} : memref<64x128xf32, #tpu.memory_space<vmem>>, vector<1x16xf32>,
          %parallel_loop3A_382 = vector.shape_cast %parallel_loop3A_381 : vector<1x16xf32> to vector<16xf32>
          %parallel_loop3A_383 = vector.shape_cast %parallel_loop3A_378 : vector<16xf32> to vector<1x16xf32>
          tpu.vector_store %arg12[%parallel_loop3A_379, %parallel_loop3A_380], %parallel_loop3A_383 {strides = array<i32>} : memref<64x128xf32, #tpu.memory_space<vmem>>, vector<1x16xf32>,
          %parallel_loop3A_384 = arith.index_cast %parallel_loop3A_337 : i32 to index
          %parallel_loop3A_385 = arith.constant 16 : index
          %parallel_loop3A_386 = tpu.vector_load %arg10[%parallel_loop3A_384, %parallel_loop3A_385] {strides = array<i32>} : memref<64x128xf32, #tpu.memory_space<vmem>>, vector<1x16xf32>,
          %parallel_loop3A_387 = vector.shape_cast %parallel_loop3A_386 : vector<1x16xf32> to vector<16xf32>
          %parallel_loop3A_388 = arith.mulf %parallel_loop3A_351, %get3A_21 : vector<16xf32>
          %parallel_loop3A_389 = arith.addf %parallel_loop3A_387, %parallel_loop3A_388 : vector<16xf32>
          %parallel_loop3A_390 = arith.mulf %parallel_loop3A_358, %get3A_45 : vector<16xf32>
          %parallel_loop3A_391 = arith.addf %parallel_loop3A_389, %parallel_loop3A_390 : vector<16xf32>
          %parallel_loop3A_392 = arith.mulf %parallel_loop3A_365, %get3A_69 : vector<16xf32>
          %parallel_loop3A_393 = arith.addf %parallel_loop3A_391, %parallel_loop3A_392 : vector<16xf32>
          %parallel_loop3A_394 = arith.constant 0.000000e+00 : f32
          %parallel_loop3A_395 = vector.broadcast %parallel_loop3A_394 : f32 to vector<16xf32>
          %parallel_loop3A_396 = arith.maximumf %parallel_loop3A_393, %parallel_loop3A_395 : vector<16xf32>
          %parallel_loop3A_397 = arith.index_cast %parallel_loop3A_337 : i32 to index
          %parallel_loop3A_398 = arith.constant 16 : index
          %parallel_loop3A_399 = tpu.vector_load %arg12[%parallel_loop3A_397, %parallel_loop3A_398] {strides = array<i32>} : memref<64x128xf32, #tpu.memory_space<vmem>>, vector<1x16xf32>,
          %parallel_loop3A_400 = vector.shape_cast %parallel_loop3A_399 : vector<1x16xf32> to vector<16xf32>
          %parallel_loop3A_401 = vector.shape_cast %parallel_loop3A_396 : vector<16xf32> to vector<1x16xf32>
          tpu.vector_store %arg12[%parallel_loop3A_397, %parallel_loop3A_398], %parallel_loop3A_401 {strides = array<i32>} : memref<64x128xf32, #tpu.memory_space<vmem>>, vector<1x16xf32>,
          %parallel_loop3A_402 = arith.index_cast %parallel_loop3A_337 : i32 to index
          %parallel_loop3A_403 = arith.constant 32 : index
          %parallel_loop3A_404 = tpu.vector_load %arg10[%parallel_loop3A_402, %parallel_loop3A_403] {strides = array<i32>} : memref<64x128xf32, #tpu.memory_space<vmem>>, vector<1x16xf32>,
          %parallel_loop3A_405 = vector.shape_cast %parallel_loop3A_404 : vector<1x16xf32> to vector<16xf32>
          %parallel_loop3A_406 = arith.mulf %parallel_loop3A_351, %get3A_24 : vector<16xf32>
          %parallel_loop3A_407 = arith.addf %parallel_loop3A_405, %parallel_loop3A_406 : vector<16xf32>
          %parallel_loop3A_408 = arith.mulf %parallel_loop3A_358, %get3A_48 : vector<16xf32>
          %parallel_loop3A_409 = arith.addf %parallel_loop3A_407, %parallel_loop3A_408 : vector<16xf32>
          %parallel_loop3A_410 = arith.mulf %parallel_loop3A_365, %get3A_72 : vector<16xf32>
          %parallel_loop3A_411 = arith.addf %parallel_loop3A_409, %parallel_loop3A_410 : vector<16xf32>
          %parallel_loop3A_412 = arith.constant 0.000000e+00 : f32
          %parallel_loop3A_413 = vector.broadcast %parallel_loop3A_412 : f32 to vector<16xf32>
          %parallel_loop3A_414 = arith.maximumf %parallel_loop3A_411, %parallel_loop3A_413 : vector<16xf32>
          %parallel_loop3A_415 = arith.index_cast %parallel_loop3A_337 : i32 to index
          %parallel_loop3A_416 = arith.constant 32 : index
          %parallel_loop3A_417 = tpu.vector_load %arg12[%parallel_loop3A_415, %parallel_loop3A_416] {strides = array<i32>} : memref<64x128xf32, #tpu.memory_space<vmem>>, vector<1x16xf32>,
          %parallel_loop3A_418 = vector.shape_cast %parallel_loop3A_417 : vector<1x16xf32> to vector<16xf32>
          %parallel_loop3A_419 = vector.shape_cast %parallel_loop3A_414 : vector<16xf32> to vector<1x16xf32>
          tpu.vector_store %arg12[%parallel_loop3A_415, %parallel_loop3A_416], %parallel_loop3A_419 {strides = array<i32>} : memref<64x128xf32, #tpu.memory_space<vmem>>, vector<1x16xf32>,
          %parallel_loop3A_420 = arith.index_cast %parallel_loop3A_337 : i32 to index
          %parallel_loop3A_421 = arith.constant 48 : index
          %parallel_loop3A_422 = tpu.vector_load %arg10[%parallel_loop3A_420, %parallel_loop3A_421] {strides = array<i32>} : memref<64x128xf32, #tpu.memory_space<vmem>>, vector<1x16xf32>,
          %parallel_loop3A_423 = vector.shape_cast %parallel_loop3A_422 : vector<1x16xf32> to vector<16xf32>
          %parallel_loop3A_424 = arith.mulf %parallel_loop3A_351, %get3A_27 : vector<16xf32>
          %parallel_loop3A_425 = arith.addf %parallel_loop3A_423, %parallel_loop3A_424 : vector<16xf32>
          %parallel_loop3A_426 = arith.mulf %parallel_loop3A_358, %get3A_51 : vector<16xf32>
          %parallel_loop3A_427 = arith.addf %parallel_loop3A_425, %parallel_loop3A_426 : vector<16xf32>
          %parallel_loop3A_428 = arith.mulf %parallel_loop3A_365, %get3A_75 : vector<16xf32>
          %parallel_loop3A_429 = arith.addf %parallel_loop3A_427, %parallel_loop3A_428 : vector<16xf32>
          %parallel_loop3A_430 = arith.constant 0.000000e+00 : f32
          %parallel_loop3A_431 = vector.broadcast %parallel_loop3A_430 : f32 to vector<16xf32>
          %parallel_loop3A_432 = arith.maximumf %parallel_loop3A_429, %parallel_loop3A_431 : vector<16xf32>
          %parallel_loop3A_433 = arith.index_cast %parallel_loop3A_337 : i32 to index
          %parallel_loop3A_434 = arith.constant 48 : index
          %parallel_loop3A_435 = tpu.vector_load %arg12[%parallel_loop3A_433, %parallel_loop3A_434] {strides = array<i32>} : memref<64x128xf32, #tpu.memory_space<vmem>>, vector<1x16xf32>,
          %parallel_loop3A_436 = vector.shape_cast %parallel_loop3A_435 : vector<1x16xf32> to vector<16xf32>
          %parallel_loop3A_437 = vector.shape_cast %parallel_loop3A_432 : vector<16xf32> to vector<1x16xf32>
          tpu.vector_store %arg12[%parallel_loop3A_433, %parallel_loop3A_434], %parallel_loop3A_437 {strides = array<i32>} : memref<64x128xf32, #tpu.memory_space<vmem>>, vector<1x16xf32>,
          %parallel_loop3A_438 = arith.index_cast %parallel_loop3A_337 : i32 to index
          %parallel_loop3A_439 = arith.constant 64 : index
          %parallel_loop3A_440 = tpu.vector_load %arg10[%parallel_loop3A_438, %parallel_loop3A_439] {strides = array<i32>} : memref<64x128xf32, #tpu.memory_space<vmem>>, vector<1x16xf32>,
          %parallel_loop3A_441 = vector.shape_cast %parallel_loop3A_440 : vector<1x16xf32> to vector<16xf32>
          %parallel_loop3A_442 = arith.mulf %parallel_loop3A_351, %get3A_30 : vector<16xf32>
          %parallel_loop3A_443 = arith.addf %parallel_loop3A_441, %parallel_loop3A_442 : vector<16xf32>
          %parallel_loop3A_444 = arith.mulf %parallel_loop3A_358, %get3A_54 : vector<16xf32>
          %parallel_loop3A_445 = arith.addf %parallel_loop3A_443, %parallel_loop3A_444 : vector<16xf32>
          %parallel_loop3A_446 = arith.mulf %parallel_loop3A_365, %get3A_78 : vector<16xf32>
          %parallel_loop3A_447 = arith.addf %parallel_loop3A_445, %parallel_loop3A_446 : vector<16xf32>
          %parallel_loop3A_448 = arith.constant 0.000000e+00 : f32
          %parallel_loop3A_449 = vector.broadcast %parallel_loop3A_448 : f32 to vector<16xf32>
          %parallel_loop3A_450 = arith.maximumf %parallel_loop3A_447, %parallel_loop3A_449 : vector<16xf32>
          %parallel_loop3A_451 = arith.index_cast %parallel_loop3A_337 : i32 to index
          %parallel_loop3A_452 = arith.constant 64 : index
          %parallel_loop3A_453 = tpu.vector_load %arg12[%parallel_loop3A_451, %parallel_loop3A_452] {strides = array<i32>} : memref<64x128xf32, #tpu.memory_space<vmem>>, vector<1x16xf32>,
          %parallel_loop3A_454 = vector.shape_cast %parallel_loop3A_453 : vector<1x16xf32> to vector<16xf32>
          %parallel_loop3A_455 = vector.shape_cast %parallel_loop3A_450 : vector<16xf32> to vector<1x16xf32>
          tpu.vector_store %arg12[%parallel_loop3A_451, %parallel_loop3A_452], %parallel_loop3A_455 {strides = array<i32>} : memref<64x128xf32, #tpu.memory_space<vmem>>, vector<1x16xf32>,
          %parallel_loop3A_456 = arith.index_cast %parallel_loop3A_337 : i32 to index
          %parallel_loop3A_457 = arith.constant 80 : index
          %parallel_loop3A_458 = tpu.vector_load %arg10[%parallel_loop3A_456, %parallel_loop3A_457] {strides = array<i32>} : memref<64x128xf32, #tpu.memory_space<vmem>>, vector<1x16xf32>,
          %parallel_loop3A_459 = vector.shape_cast %parallel_loop3A_458 : vector<1x16xf32> to vector<16xf32>
          %parallel_loop3A_460 = arith.mulf %parallel_loop3A_351, %get3A_33 : vector<16xf32>
          %parallel_loop3A_461 = arith.addf %parallel_loop3A_459, %parallel_loop3A_460 : vector<16xf32>
          %parallel_loop3A_462 = arith.mulf %parallel_loop3A_358, %get3A_57 : vector<16xf32>
          %parallel_loop3A_463 = arith.addf %parallel_loop3A_461, %parallel_loop3A_462 : vector<16xf32>
          %parallel_loop3A_464 = arith.mulf %parallel_loop3A_365, %get3A_81 : vector<16xf32>
          %parallel_loop3A_465 = arith.addf %parallel_loop3A_463, %parallel_loop3A_464 : vector<16xf32>
          %parallel_loop3A_466 = arith.constant 0.000000e+00 : f32
          %parallel_loop3A_467 = vector.broadcast %parallel_loop3A_466 : f32 to vector<16xf32>
          %parallel_loop3A_468 = arith.maximumf %parallel_loop3A_465, %parallel_loop3A_467 : vector<16xf32>
          %parallel_loop3A_469 = arith.index_cast %parallel_loop3A_337 : i32 to index
          %parallel_loop3A_470 = arith.constant 80 : index
          %parallel_loop3A_471 = tpu.vector_load %arg12[%parallel_loop3A_469, %parallel_loop3A_470] {strides = array<i32>} : memref<64x128xf32, #tpu.memory_space<vmem>>, vector<1x16xf32>,
          %parallel_loop3A_472 = vector.shape_cast %parallel_loop3A_471 : vector<1x16xf32> to vector<16xf32>
          %parallel_loop3A_473 = vector.shape_cast %parallel_loop3A_468 : vector<16xf32> to vector<1x16xf32>
          tpu.vector_store %arg12[%parallel_loop3A_469, %parallel_loop3A_470], %parallel_loop3A_473 {strides = array<i32>} : memref<64x128xf32, #tpu.memory_space<vmem>>, vector<1x16xf32>,
          %parallel_loop3A_474 = arith.index_cast %parallel_loop3A_337 : i32 to index
          %parallel_loop3A_475 = arith.constant 96 : index
          %parallel_loop3A_476 = tpu.vector_load %arg10[%parallel_loop3A_474, %parallel_loop3A_475] {strides = array<i32>} : memref<64x128xf32, #tpu.memory_space<vmem>>, vector<1x16xf32>,
          %parallel_loop3A_477 = vector.shape_cast %parallel_loop3A_476 : vector<1x16xf32> to vector<16xf32>
          %parallel_loop3A_478 = arith.mulf %parallel_loop3A_351, %get3A_36 : vector<16xf32>
          %parallel_loop3A_479 = arith.addf %parallel_loop3A_477, %parallel_loop3A_478 : vector<16xf32>
          %parallel_loop3A_480 = arith.mulf %parallel_loop3A_358, %get3A_60 : vector<16xf32>
          %parallel_loop3A_481 = arith.addf %parallel_loop3A_479, %parallel_loop3A_480 : vector<16xf32>
          %parallel_loop3A_482 = arith.mulf %parallel_loop3A_365, %get3A_84 : vector<16xf32>
          %parallel_loop3A_483 = arith.addf %parallel_loop3A_481, %parallel_loop3A_482 : vector<16xf32>
          %parallel_loop3A_484 = arith.constant 0.000000e+00 : f32
          %parallel_loop3A_485 = vector.broadcast %parallel_loop3A_484 : f32 to vector<16xf32>
          %parallel_loop3A_486 = arith.maximumf %parallel_loop3A_483, %parallel_loop3A_485 : vector<16xf32>
          %parallel_loop3A_487 = arith.index_cast %parallel_loop3A_337 : i32 to index
          %parallel_loop3A_488 = arith.constant 96 : index
          %parallel_loop3A_489 = tpu.vector_load %arg12[%parallel_loop3A_487, %parallel_loop3A_488] {strides = array<i32>} : memref<64x128xf32, #tpu.memory_space<vmem>>, vector<1x16xf32>,
          %parallel_loop3A_490 = vector.shape_cast %parallel_loop3A_489 : vector<1x16xf32> to vector<16xf32>
          %parallel_loop3A_491 = vector.shape_cast %parallel_loop3A_486 : vector<16xf32> to vector<1x16xf32>
          tpu.vector_store %arg12[%parallel_loop3A_487, %parallel_loop3A_488], %parallel_loop3A_491 {strides = array<i32>} : memref<64x128xf32, #tpu.memory_space<vmem>>, vector<1x16xf32>,
          %parallel_loop3A_492 = arith.index_cast %parallel_loop3A_337 : i32 to index
          %parallel_loop3A_493 = arith.constant 112 : index
          %parallel_loop3A_494 = tpu.vector_load %arg10[%parallel_loop3A_492, %parallel_loop3A_493] {strides = array<i32>} : memref<64x128xf32, #tpu.memory_space<vmem>>, vector<1x16xf32>,
          %parallel_loop3A_495 = vector.shape_cast %parallel_loop3A_494 : vector<1x16xf32> to vector<16xf32>
          %parallel_loop3A_496 = arith.mulf %parallel_loop3A_351, %get3A_39 : vector<16xf32>
          %parallel_loop3A_497 = arith.addf %parallel_loop3A_495, %parallel_loop3A_496 : vector<16xf32>
          %parallel_loop3A_498 = arith.mulf %parallel_loop3A_358, %get3A_63 : vector<16xf32>
          %parallel_loop3A_499 = arith.addf %parallel_loop3A_497, %parallel_loop3A_498 : vector<16xf32>
          %parallel_loop3A_500 = arith.mulf %parallel_loop3A_365, %get3A_87 : vector<16xf32>
          %parallel_loop3A_501 = arith.addf %parallel_loop3A_499, %parallel_loop3A_500 : vector<16xf32>
          %parallel_loop3A_502 = arith.constant 0.000000e+00 : f32
          %parallel_loop3A_503 = vector.broadcast %parallel_loop3A_502 : f32 to vector<16xf32>
          %parallel_loop3A_504 = arith.maximumf %parallel_loop3A_501, %parallel_loop3A_503 : vector<16xf32>
          %parallel_loop3A_505 = arith.index_cast %parallel_loop3A_337 : i32 to index
          %parallel_loop3A_506 = arith.constant 112 : index
          %parallel_loop3A_507 = tpu.vector_load %arg12[%parallel_loop3A_505, %parallel_loop3A_506] {strides = array<i32>} : memref<64x128xf32, #tpu.memory_space<vmem>>, vector<1x16xf32>,
          %parallel_loop3A_508 = vector.shape_cast %parallel_loop3A_507 : vector<1x16xf32> to vector<16xf32>
          %parallel_loop3A_509 = vector.shape_cast %parallel_loop3A_504 : vector<16xf32> to vector<1x16xf32>
          tpu.vector_store %arg12[%parallel_loop3A_505, %parallel_loop3A_506], %parallel_loop3A_509 {strides = array<i32>} : memref<64x128xf32, #tpu.memory_space<vmem>>, vector<1x16xf32>,
        } {sc.loop_unroll_factor = 4 : i64, sc.parallel_access}
        %mul3A_286 = arith.constant 64 : i32
        %mul3A_287 = arith.muli %add3A_256, %mul3A_286 : i32
        %dma_start3A_288 = tpu.memref_slice %arg9[%mul3A_287] : memref<5120xi32, #tpu.memory_space<vmem>> -> memref<64xi32, #tpu.memory_space<vmem>>
        %dma_start3A_289 = arith.constant 0 : i32
        %dma_start3A_290 = arith.constant 0 : i32
        %dma_start3A_291 = tpu.memref_slice %arg20[%dma_start3A_289, %dma_start3A_290] : memref<10112x128xf32, #tpu.memory_space<vmem_shared>> -> memref<10112x128xf32, #tpu.memory_space<vmem_shared>>
        tpu.enqueue_indirect_dma source(%arg12 : memref<64x128xf32, #tpu.memory_space<vmem>>) target(%dma_start3A_291 : memref<10112x128xf32, #tpu.memory_space<vmem_shared>>) offsets(%dma_start3A_288 : memref<64xi32, #tpu.memory_space<vmem>>) semaphore(%arg18 : memref<!tpu.dma_semaphore, #tpu.memory_space<semaphore_mem>>) {add = true}
        %mul3A_292 = arith.constant 2 : i32
        %mul3A_293 = arith.muli %mul3A_292, %while3A_251 : i32
        %add3A_294 = arith.constant 1 : i32
        %add3A_295 = arith.addi %mul3A_293, %add3A_294 : i32
        %dma_wait3A_296 = arith.constant 0 : i32
        %dma_wait3A_297 = arith.constant 0 : i32
        %dma_wait3A_298 = tpu.memref_slice %arg2[%scan3A_13, %dma_wait3A_296, %dma_wait3A_297] : memref<4x10000x128xf32, #tpu.memory_space<hbm>> -> memref<1x10000x128xf32, #tpu.memory_space<hbm>>
        %dma_wait3A_299 = tpu.memref_squeeze %dma_wait3A_298 : memref<1x10000x128xf32, #tpu.memory_space<hbm>> -> memref<10000x128xf32, #tpu.memory_space<hbm>>
        %dma_wait3A_300 = arith.constant 0 : i32
        %dma_wait3A_301 = arith.constant 0 : i32
        %dma_wait3A_302 = tpu.memref_slice %dma_wait3A_299[%dma_wait3A_300, %dma_wait3A_301] : memref<10000x128xf32, #tpu.memory_space<hbm>> -> memref<64x128xf32, #tpu.memory_space<hbm>>
        %dma_wait3A_303 = arith.constant 0 : i32
        %dma_wait3A_304 = arith.constant 0 : i32
        %dma_wait3A_305 = tpu.memref_slice %arg2[%scan3A_13, %dma_wait3A_303, %dma_wait3A_304] : memref<4x10000x128xf32, #tpu.memory_space<hbm>> -> memref<1x10000x128xf32, #tpu.memory_space<hbm>>
        %dma_wait3A_306 = tpu.memref_squeeze %dma_wait3A_305 : memref<1x10000x128xf32, #tpu.memory_space<hbm>> -> memref<10000x128xf32, #tpu.memory_space<hbm>>
        %dma_wait3A_307 = arith.constant 0 : i32
        %dma_wait3A_308 = arith.constant 0 : i32
        %dma_wait3A_309 = tpu.memref_slice %dma_wait3A_306[%dma_wait3A_307, %dma_wait3A_308] : memref<10000x128xf32, #tpu.memory_space<hbm>> -> memref<64x128xf32, #tpu.memory_space<hbm>>
        tpu.wait_dma2 semaphore(%arg17 : memref<!tpu.dma_semaphore, #tpu.memory_space<semaphore_mem>>) src(%dma_wait3A_309 : memref<64x128xf32, #tpu.memory_space<hbm>>) dst(%arg11 : memref<64x128xf32, #tpu.memory_space<vmem>>)
        %dma_wait3A_310 = arith.constant 0 : i32
        %dma_wait3A_311 = tpu.memref_slice %arg5[%dma_wait3A_310] : memref<655360xf32, #tpu.memory_space<hbm>> -> memref<256xf32, #tpu.memory_space<hbm>>
        %dma_wait3A_312 = arith.constant 0 : i32
        %dma_wait3A_313 = tpu.memref_slice %arg5[%dma_wait3A_312] : memref<655360xf32, #tpu.memory_space<hbm>> -> memref<256xf32, #tpu.memory_space<hbm>>
        tpu.wait_dma2 semaphore(%arg19 : memref<!tpu.dma_semaphore, #tpu.memory_space<semaphore_mem>>) src(%dma_wait3A_313 : memref<256xf32, #tpu.memory_space<hbm>>) dst(%arg15 : memref<256xf32, #tpu.memory_space<vmem>>)
        %add3A_314 = arith.constant 1 : i32
        %add3A_315 = arith.addi %add3A_295, %add3A_314 : i32
        %lt3A_316 = arith.cmpi slt, %add3A_315, %select_n3A : i32
        %convert_element_type3A_317 = arith.extui %lt3A_316 : i1 to i32
        %cond3A_318 = arith.constant 0 : i32
        %cond3A_319 = arith.cmpi ne, %convert_element_type3A_317, %cond3A_318 : i32
        scf.if %cond3A_319 {
          %add3A_337 = arith.constant 1 : i32
          %add3A_338 = arith.addi %add3A_295, %add3A_337 : i32
          %mul3A_339 = arith.constant 64 : i32
          %mul3A_340 = arith.muli %add3A_338, %mul3A_339 : i32
          %dma_start3A_341 = tpu.memref_slice %arg8[%mul3A_340] : memref<5120xi32, #tpu.memory_space<vmem>> -> memref<64xi32, #tpu.memory_space<vmem>>
          %dma_start3A_342 = arith.constant 0 : i32
          %dma_start3A_343 = arith.constant 0 : i32
          %dma_start3A_344 = tpu.memref_slice %arg2[%scan3A_13, %dma_start3A_342, %dma_start3A_343] : memref<4x10000x128xf32, #tpu.memory_space<hbm>> -> memref<1x10000x128xf32, #tpu.memory_space<hbm>>
          %dma_start3A_345 = tpu.memref_squeeze %dma_start3A_344 : memref<1x10000x128xf32, #tpu.memory_space<hbm>> -> memref<10000x128xf32, #tpu.memory_space<hbm>>
          %dma_start3A_346 = arith.constant 0 : i32
          %dma_start3A_347 = arith.constant 0 : i32
          %dma_start3A_348 = tpu.memref_slice %dma_start3A_345[%dma_start3A_346, %dma_start3A_347] : memref<10000x128xf32, #tpu.memory_space<hbm>> -> memref<10000x128xf32, #tpu.memory_space<hbm>>
          tpu.enqueue_indirect_dma source(%dma_start3A_348 : memref<10000x128xf32, #tpu.memory_space<hbm>>) target(%arg10 : memref<64x128xf32, #tpu.memory_space<vmem>>) offsets(%dma_start3A_341 : memref<64xi32, #tpu.memory_space<vmem>>) semaphore(%arg17 : memref<!tpu.dma_semaphore, #tpu.memory_space<semaphore_mem>>)
          %add3A_349 = arith.addi %add3A, %add3A_295 : i32
          %add3A_350 = arith.constant 1 : i32
          %add3A_351 = arith.addi %add3A_349, %add3A_350 : i32
          %mul3A_352 = arith.constant 256 : i32
          %mul3A_353 = arith.muli %add3A_351, %mul3A_352 : i32
          %dma_start3A_354 = tpu.memref_slice %arg5[%mul3A_353] : memref<655360xf32, #tpu.memory_space<hbm>> -> memref<256xf32, #tpu.memory_space<hbm>>
          %dma_start3A_355 = tpu.memref_slice %arg5[%mul3A_353] : memref<655360xf32, #tpu.memory_space<hbm>> -> memref<256xf32, #tpu.memory_space<hbm>>
          tpu.enqueue_dma source(%dma_start3A_355 : memref<256xf32, #tpu.memory_space<hbm>>) target(%arg14 : memref<256xf32, #tpu.memory_space<vmem>>) target_semaphore(%arg19 : memref<!tpu.dma_semaphore, #tpu.memory_space<semaphore_mem>>)
        } else {
        }
        %ge3A_320 = arith.constant 2 : i32
        %ge3A_321 = arith.cmpi sge, %add3A_295, %ge3A_320 : i32
        %convert_element_type3A_322 = arith.extui %ge3A_321 : i1 to i32
        %cond3A_323 = arith.constant 0 : i32
        %cond3A_324 = arith.cmpi ne, %convert_element_type3A_322, %cond3A_323 : i32
        scf.if %cond3A_324 {
          %dma_wait3A_337 = arith.constant 0 : i32
          %dma_wait3A_338 = arith.constant 0 : i32
          %dma_wait3A_339 = tpu.memref_slice %arg2[%scan3A_13, %dma_wait3A_337, %dma_wait3A_338] : memref<4x10000x128xf32, #tpu.memory_space<hbm>> -> memref<1x10000x128xf32, #tpu.memory_space<hbm>>
          %dma_wait3A_340 = tpu.memref_squeeze %dma_wait3A_339 : memref<1x10000x128xf32, #tpu.memory_space<hbm>> -> memref<10000x128xf32, #tpu.memory_space<hbm>>
          %dma_wait3A_341 = arith.constant 0 : i32
          %dma_wait3A_342 = arith.constant 0 : i32
          %dma_wait3A_343 = tpu.memref_slice %dma_wait3A_340[%dma_wait3A_341, %dma_wait3A_342] : memref<10000x128xf32, #tpu.memory_space<hbm>> -> memref<64x128xf32, #tpu.memory_space<hbm>>
          %dma_wait3A_344 = arith.constant 0 : i32
          %dma_wait3A_345 = arith.constant 0 : i32
          %dma_wait3A_346 = tpu.memref_slice %arg2[%scan3A_13, %dma_wait3A_344, %dma_wait3A_345] : memref<4x10000x128xf32, #tpu.memory_space<hbm>> -> memref<1x10000x128xf32, #tpu.memory_space<hbm>>
          %dma_wait3A_347 = tpu.memref_squeeze %dma_wait3A_346 : memref<1x10000x128xf32, #tpu.memory_space<hbm>> -> memref<10000x128xf32, #tpu.memory_space<hbm>>
          %dma_wait3A_348 = arith.constant 0 : i32
          %dma_wait3A_349 = arith.constant 0 : i32
          %dma_wait3A_350 = tpu.memref_slice %dma_wait3A_347[%dma_wait3A_348, %dma_wait3A_349] : memref<10000x128xf32, #tpu.memory_space<hbm>> -> memref<64x128xf32, #tpu.memory_space<hbm>>
          tpu.wait_dma2 semaphore(%arg18 : memref<!tpu.dma_semaphore, #tpu.memory_space<semaphore_mem>>) src(%dma_wait3A_350 : memref<64x128xf32, #tpu.memory_space<hbm>>) dst(%arg13 : memref<64x128xf32, #tpu.memory_space<vmem>>)
        } else {
        }
        %broadcast_in_dim3A_325 = arith.constant 0 : i32
        %broadcast_in_dim3A_326 = vector.broadcast %broadcast_in_dim3A_325 : i32 to vector<16xi32>
        %parallel_loop3A_327 = arith.constant 0 : i32
        %parallel_loop3A_328 = arith.constant 64 : i32
        %parallel_loop3A_329 = arith.constant 1 : i32
        scf.for %parallel_loop3A_337 = %parallel_loop3A_327 to %parallel_loop3A_328 step %parallel_loop3A_329  : i32 {
          %parallel_loop3A_338 = arith.constant -16 : i32
          %parallel_loop3A_339 = arith.andi %parallel_loop3A_337, %parallel_loop3A_338 : i32
          %parallel_loop3A_340 = arith.constant 15 : i32
          %parallel_loop3A_341 = arith.andi %parallel_loop3A_337, %parallel_loop3A_340 : i32
          %parallel_loop3A_342 = vector.broadcast %parallel_loop3A_341 : i32 to vector<16xi32>
          %parallel_loop3A_343 = arith.addi %broadcast_in_dim3A_326, %parallel_loop3A_342 : vector<16xi32>
          %parallel_loop3A_344 = vector.shape_cast %parallel_loop3A_343 : vector<16xi32> to vector<16x1xi32>
          %parallel_loop3A_345 = arith.constant 0 : i32
          %parallel_loop3A_346 = arith.addi %parallel_loop3A_345, %parallel_loop3A_339 : i32
          %parallel_loop3A_347 = arith.index_cast %parallel_loop3A_346 : i32 to index
          %parallel_loop3A_348 = tpu.vector_load %arg15[%parallel_loop3A_347] {strides = array<i32>} : memref<256xf32, #tpu.memory_space<vmem>>, vector<16xf32>,
          %parallel_loop3A_349 = vector.shape_cast %parallel_loop3A_348 : vector<16xf32> to vector<16xf32>
          %parallel_loop3A_350 = vector.shape_cast %parallel_loop3A_344 : vector<16x1xi32> to vector<16xi32>
          %parallel_loop3A_351 = tpu.dynamic_gather %parallel_loop3A_349[%parallel_loop3A_350] in [0] : vector<16xf32>, vector<16xi32> -> vector<16xf32>
          %parallel_loop3A_352 = arith.constant 64 : i32
          %parallel_loop3A_353 = arith.addi %parallel_loop3A_352, %parallel_loop3A_339 : i32
          %parallel_loop3A_354 = arith.index_cast %parallel_loop3A_353 : i32 to index
          %parallel_loop3A_355 = tpu.vector_load %arg15[%parallel_loop3A_354] {strides = array<i32>} : memref<256xf32, #tpu.memory_space<vmem>>, vector<16xf32>,
          %parallel_loop3A_356 = vector.shape_cast %parallel_loop3A_355 : vector<16xf32> to vector<16xf32>
          %parallel_loop3A_357 = vector.shape_cast %parallel_loop3A_344 : vector<16x1xi32> to vector<16xi32>
          %parallel_loop3A_358 = tpu.dynamic_gather %parallel_loop3A_356[%parallel_loop3A_357] in [0] : vector<16xf32>, vector<16xi32> -> vector<16xf32>
          %parallel_loop3A_359 = arith.constant 128 : i32
          %parallel_loop3A_360 = arith.addi %parallel_loop3A_359, %parallel_loop3A_339 : i32
          %parallel_loop3A_361 = arith.index_cast %parallel_loop3A_360 : i32 to index
          %parallel_loop3A_362 = tpu.vector_load %arg15[%parallel_loop3A_361] {strides = array<i32>} : memref<256xf32, #tpu.memory_space<vmem>>, vector<16xf32>,
          %parallel_loop3A_363 = vector.shape_cast %parallel_loop3A_362 : vector<16xf32> to vector<16xf32>
          %parallel_loop3A_364 = vector.shape_cast %parallel_loop3A_344 : vector<16x1xi32> to vector<16xi32>
          %parallel_loop3A_365 = tpu.dynamic_gather %parallel_loop3A_363[%parallel_loop3A_364] in [0] : vector<16xf32>, vector<16xi32> -> vector<16xf32>
          %parallel_loop3A_366 = arith.index_cast %parallel_loop3A_337 : i32 to index
          %parallel_loop3A_367 = arith.constant 0 : index
          %parallel_loop3A_368 = tpu.vector_load %arg11[%parallel_loop3A_366, %parallel_loop3A_367] {strides = array<i32>} : memref<64x128xf32, #tpu.memory_space<vmem>>, vector<1x16xf32>,
          %parallel_loop3A_369 = vector.shape_cast %parallel_loop3A_368 : vector<1x16xf32> to vector<16xf32>
          %parallel_loop3A_370 = arith.mulf %parallel_loop3A_351, %get3A_18 : vector<16xf32>
          %parallel_loop3A_371 = arith.addf %parallel_loop3A_369, %parallel_loop3A_370 : vector<16xf32>
          %parallel_loop3A_372 = arith.mulf %parallel_loop3A_358, %get3A_42 : vector<16xf32>
          %parallel_loop3A_373 = arith.addf %parallel_loop3A_371, %parallel_loop3A_372 : vector<16xf32>
          %parallel_loop3A_374 = arith.mulf %parallel_loop3A_365, %get3A_66 : vector<16xf32>
          %parallel_loop3A_375 = arith.addf %parallel_loop3A_373, %parallel_loop3A_374 : vector<16xf32>
          %parallel_loop3A_376 = arith.constant 0.000000e+00 : f32
          %parallel_loop3A_377 = vector.broadcast %parallel_loop3A_376 : f32 to vector<16xf32>
          %parallel_loop3A_378 = arith.maximumf %parallel_loop3A_375, %parallel_loop3A_377 : vector<16xf32>
          %parallel_loop3A_379 = arith.index_cast %parallel_loop3A_337 : i32 to index
          %parallel_loop3A_380 = arith.constant 0 : index
          %parallel_loop3A_381 = tpu.vector_load %arg13[%parallel_loop3A_379, %parallel_loop3A_380] {strides = array<i32>} : memref<64x128xf32, #tpu.memory_space<vmem>>, vector<1x16xf32>,
          %parallel_loop3A_382 = vector.shape_cast %parallel_loop3A_381 : vector<1x16xf32> to vector<16xf32>
          %parallel_loop3A_383 = vector.shape_cast %parallel_loop3A_378 : vector<16xf32> to vector<1x16xf32>
          tpu.vector_store %arg13[%parallel_loop3A_379, %parallel_loop3A_380], %parallel_loop3A_383 {strides = array<i32>} : memref<64x128xf32, #tpu.memory_space<vmem>>, vector<1x16xf32>,
          %parallel_loop3A_384 = arith.index_cast %parallel_loop3A_337 : i32 to index
          %parallel_loop3A_385 = arith.constant 16 : index
          %parallel_loop3A_386 = tpu.vector_load %arg11[%parallel_loop3A_384, %parallel_loop3A_385] {strides = array<i32>} : memref<64x128xf32, #tpu.memory_space<vmem>>, vector<1x16xf32>,
          %parallel_loop3A_387 = vector.shape_cast %parallel_loop3A_386 : vector<1x16xf32> to vector<16xf32>
          %parallel_loop3A_388 = arith.mulf %parallel_loop3A_351, %get3A_21 : vector<16xf32>
          %parallel_loop3A_389 = arith.addf %parallel_loop3A_387, %parallel_loop3A_388 : vector<16xf32>
          %parallel_loop3A_390 = arith.mulf %parallel_loop3A_358, %get3A_45 : vector<16xf32>
          %parallel_loop3A_391 = arith.addf %parallel_loop3A_389, %parallel_loop3A_390 : vector<16xf32>
          %parallel_loop3A_392 = arith.mulf %parallel_loop3A_365, %get3A_69 : vector<16xf32>
          %parallel_loop3A_393 = arith.addf %parallel_loop3A_391, %parallel_loop3A_392 : vector<16xf32>
          %parallel_loop3A_394 = arith.constant 0.000000e+00 : f32
          %parallel_loop3A_395 = vector.broadcast %parallel_loop3A_394 : f32 to vector<16xf32>
          %parallel_loop3A_396 = arith.maximumf %parallel_loop3A_393, %parallel_loop3A_395 : vector<16xf32>
          %parallel_loop3A_397 = arith.index_cast %parallel_loop3A_337 : i32 to index
          %parallel_loop3A_398 = arith.constant 16 : index
          %parallel_loop3A_399 = tpu.vector_load %arg13[%parallel_loop3A_397, %parallel_loop3A_398] {strides = array<i32>} : memref<64x128xf32, #tpu.memory_space<vmem>>, vector<1x16xf32>,
          %parallel_loop3A_400 = vector.shape_cast %parallel_loop3A_399 : vector<1x16xf32> to vector<16xf32>
          %parallel_loop3A_401 = vector.shape_cast %parallel_loop3A_396 : vector<16xf32> to vector<1x16xf32>
          tpu.vector_store %arg13[%parallel_loop3A_397, %parallel_loop3A_398], %parallel_loop3A_401 {strides = array<i32>} : memref<64x128xf32, #tpu.memory_space<vmem>>, vector<1x16xf32>,
          %parallel_loop3A_402 = arith.index_cast %parallel_loop3A_337 : i32 to index
          %parallel_loop3A_403 = arith.constant 32 : index
          %parallel_loop3A_404 = tpu.vector_load %arg11[%parallel_loop3A_402, %parallel_loop3A_403] {strides = array<i32>} : memref<64x128xf32, #tpu.memory_space<vmem>>, vector<1x16xf32>,
          %parallel_loop3A_405 = vector.shape_cast %parallel_loop3A_404 : vector<1x16xf32> to vector<16xf32>
          %parallel_loop3A_406 = arith.mulf %parallel_loop3A_351, %get3A_24 : vector<16xf32>
          %parallel_loop3A_407 = arith.addf %parallel_loop3A_405, %parallel_loop3A_406 : vector<16xf32>
          %parallel_loop3A_408 = arith.mulf %parallel_loop3A_358, %get3A_48 : vector<16xf32>
          %parallel_loop3A_409 = arith.addf %parallel_loop3A_407, %parallel_loop3A_408 : vector<16xf32>
          %parallel_loop3A_410 = arith.mulf %parallel_loop3A_365, %get3A_72 : vector<16xf32>
          %parallel_loop3A_411 = arith.addf %parallel_loop3A_409, %parallel_loop3A_410 : vector<16xf32>
          %parallel_loop3A_412 = arith.constant 0.000000e+00 : f32
          %parallel_loop3A_413 = vector.broadcast %parallel_loop3A_412 : f32 to vector<16xf32>
          %parallel_loop3A_414 = arith.maximumf %parallel_loop3A_411, %parallel_loop3A_413 : vector<16xf32>
          %parallel_loop3A_415 = arith.index_cast %parallel_loop3A_337 : i32 to index
          %parallel_loop3A_416 = arith.constant 32 : index
          %parallel_loop3A_417 = tpu.vector_load %arg13[%parallel_loop3A_415, %parallel_loop3A_416] {strides = array<i32>} : memref<64x128xf32, #tpu.memory_space<vmem>>, vector<1x16xf32>,
          %parallel_loop3A_418 = vector.shape_cast %parallel_loop3A_417 : vector<1x16xf32> to vector<16xf32>
          %parallel_loop3A_419 = vector.shape_cast %parallel_loop3A_414 : vector<16xf32> to vector<1x16xf32>
          tpu.vector_store %arg13[%parallel_loop3A_415, %parallel_loop3A_416], %parallel_loop3A_419 {strides = array<i32>} : memref<64x128xf32, #tpu.memory_space<vmem>>, vector<1x16xf32>,
          %parallel_loop3A_420 = arith.index_cast %parallel_loop3A_337 : i32 to index
          %parallel_loop3A_421 = arith.constant 48 : index
          %parallel_loop3A_422 = tpu.vector_load %arg11[%parallel_loop3A_420, %parallel_loop3A_421] {strides = array<i32>} : memref<64x128xf32, #tpu.memory_space<vmem>>, vector<1x16xf32>,
          %parallel_loop3A_423 = vector.shape_cast %parallel_loop3A_422 : vector<1x16xf32> to vector<16xf32>
          %parallel_loop3A_424 = arith.mulf %parallel_loop3A_351, %get3A_27 : vector<16xf32>
          %parallel_loop3A_425 = arith.addf %parallel_loop3A_423, %parallel_loop3A_424 : vector<16xf32>
          %parallel_loop3A_426 = arith.mulf %parallel_loop3A_358, %get3A_51 : vector<16xf32>
          %parallel_loop3A_427 = arith.addf %parallel_loop3A_425, %parallel_loop3A_426 : vector<16xf32>
          %parallel_loop3A_428 = arith.mulf %parallel_loop3A_365, %get3A_75 : vector<16xf32>
          %parallel_loop3A_429 = arith.addf %parallel_loop3A_427, %parallel_loop3A_428 : vector<16xf32>
          %parallel_loop3A_430 = arith.constant 0.000000e+00 : f32
          %parallel_loop3A_431 = vector.broadcast %parallel_loop3A_430 : f32 to vector<16xf32>
          %parallel_loop3A_432 = arith.maximumf %parallel_loop3A_429, %parallel_loop3A_431 : vector<16xf32>
          %parallel_loop3A_433 = arith.index_cast %parallel_loop3A_337 : i32 to index
          %parallel_loop3A_434 = arith.constant 48 : index
          %parallel_loop3A_435 = tpu.vector_load %arg13[%parallel_loop3A_433, %parallel_loop3A_434] {strides = array<i32>} : memref<64x128xf32, #tpu.memory_space<vmem>>, vector<1x16xf32>,
          %parallel_loop3A_436 = vector.shape_cast %parallel_loop3A_435 : vector<1x16xf32> to vector<16xf32>
          %parallel_loop3A_437 = vector.shape_cast %parallel_loop3A_432 : vector<16xf32> to vector<1x16xf32>
          tpu.vector_store %arg13[%parallel_loop3A_433, %parallel_loop3A_434], %parallel_loop3A_437 {strides = array<i32>} : memref<64x128xf32, #tpu.memory_space<vmem>>, vector<1x16xf32>,
          %parallel_loop3A_438 = arith.index_cast %parallel_loop3A_337 : i32 to index
          %parallel_loop3A_439 = arith.constant 64 : index
          %parallel_loop3A_440 = tpu.vector_load %arg11[%parallel_loop3A_438, %parallel_loop3A_439] {strides = array<i32>} : memref<64x128xf32, #tpu.memory_space<vmem>>, vector<1x16xf32>,
          %parallel_loop3A_441 = vector.shape_cast %parallel_loop3A_440 : vector<1x16xf32> to vector<16xf32>
          %parallel_loop3A_442 = arith.mulf %parallel_loop3A_351, %get3A_30 : vector<16xf32>
          %parallel_loop3A_443 = arith.addf %parallel_loop3A_441, %parallel_loop3A_442 : vector<16xf32>
          %parallel_loop3A_444 = arith.mulf %parallel_loop3A_358, %get3A_54 : vector<16xf32>
          %parallel_loop3A_445 = arith.addf %parallel_loop3A_443, %parallel_loop3A_444 : vector<16xf32>
          %parallel_loop3A_446 = arith.mulf %parallel_loop3A_365, %get3A_78 : vector<16xf32>
          %parallel_loop3A_447 = arith.addf %parallel_loop3A_445, %parallel_loop3A_446 : vector<16xf32>
          %parallel_loop3A_448 = arith.constant 0.000000e+00 : f32
          %parallel_loop3A_449 = vector.broadcast %parallel_loop3A_448 : f32 to vector<16xf32>
          %parallel_loop3A_450 = arith.maximumf %parallel_loop3A_447, %parallel_loop3A_449 : vector<16xf32>
          %parallel_loop3A_451 = arith.index_cast %parallel_loop3A_337 : i32 to index
          %parallel_loop3A_452 = arith.constant 64 : index
          %parallel_loop3A_453 = tpu.vector_load %arg13[%parallel_loop3A_451, %parallel_loop3A_452] {strides = array<i32>} : memref<64x128xf32, #tpu.memory_space<vmem>>, vector<1x16xf32>,
          %parallel_loop3A_454 = vector.shape_cast %parallel_loop3A_453 : vector<1x16xf32> to vector<16xf32>
          %parallel_loop3A_455 = vector.shape_cast %parallel_loop3A_450 : vector<16xf32> to vector<1x16xf32>
          tpu.vector_store %arg13[%parallel_loop3A_451, %parallel_loop3A_452], %parallel_loop3A_455 {strides = array<i32>} : memref<64x128xf32, #tpu.memory_space<vmem>>, vector<1x16xf32>,
          %parallel_loop3A_456 = arith.index_cast %parallel_loop3A_337 : i32 to index
          %parallel_loop3A_457 = arith.constant 80 : index
          %parallel_loop3A_458 = tpu.vector_load %arg11[%parallel_loop3A_456, %parallel_loop3A_457] {strides = array<i32>} : memref<64x128xf32, #tpu.memory_space<vmem>>, vector<1x16xf32>,
          %parallel_loop3A_459 = vector.shape_cast %parallel_loop3A_458 : vector<1x16xf32> to vector<16xf32>
          %parallel_loop3A_460 = arith.mulf %parallel_loop3A_351, %get3A_33 : vector<16xf32>
          %parallel_loop3A_461 = arith.addf %parallel_loop3A_459, %parallel_loop3A_460 : vector<16xf32>
          %parallel_loop3A_462 = arith.mulf %parallel_loop3A_358, %get3A_57 : vector<16xf32>
          %parallel_loop3A_463 = arith.addf %parallel_loop3A_461, %parallel_loop3A_462 : vector<16xf32>
          %parallel_loop3A_464 = arith.mulf %parallel_loop3A_365, %get3A_81 : vector<16xf32>
          %parallel_loop3A_465 = arith.addf %parallel_loop3A_463, %parallel_loop3A_464 : vector<16xf32>
          %parallel_loop3A_466 = arith.constant 0.000000e+00 : f32
          %parallel_loop3A_467 = vector.broadcast %parallel_loop3A_466 : f32 to vector<16xf32>
          %parallel_loop3A_468 = arith.maximumf %parallel_loop3A_465, %parallel_loop3A_467 : vector<16xf32>
          %parallel_loop3A_469 = arith.index_cast %parallel_loop3A_337 : i32 to index
          %parallel_loop3A_470 = arith.constant 80 : index
          %parallel_loop3A_471 = tpu.vector_load %arg13[%parallel_loop3A_469, %parallel_loop3A_470] {strides = array<i32>} : memref<64x128xf32, #tpu.memory_space<vmem>>, vector<1x16xf32>,
          %parallel_loop3A_472 = vector.shape_cast %parallel_loop3A_471 : vector<1x16xf32> to vector<16xf32>
          %parallel_loop3A_473 = vector.shape_cast %parallel_loop3A_468 : vector<16xf32> to vector<1x16xf32>
          tpu.vector_store %arg13[%parallel_loop3A_469, %parallel_loop3A_470], %parallel_loop3A_473 {strides = array<i32>} : memref<64x128xf32, #tpu.memory_space<vmem>>, vector<1x16xf32>,
          %parallel_loop3A_474 = arith.index_cast %parallel_loop3A_337 : i32 to index
          %parallel_loop3A_475 = arith.constant 96 : index
          %parallel_loop3A_476 = tpu.vector_load %arg11[%parallel_loop3A_474, %parallel_loop3A_475] {strides = array<i32>} : memref<64x128xf32, #tpu.memory_space<vmem>>, vector<1x16xf32>,
          %parallel_loop3A_477 = vector.shape_cast %parallel_loop3A_476 : vector<1x16xf32> to vector<16xf32>
          %parallel_loop3A_478 = arith.mulf %parallel_loop3A_351, %get3A_36 : vector<16xf32>
          %parallel_loop3A_479 = arith.addf %parallel_loop3A_477, %parallel_loop3A_478 : vector<16xf32>
          %parallel_loop3A_480 = arith.mulf %parallel_loop3A_358, %get3A_60 : vector<16xf32>
          %parallel_loop3A_481 = arith.addf %parallel_loop3A_479, %parallel_loop3A_480 : vector<16xf32>
          %parallel_loop3A_482 = arith.mulf %parallel_loop3A_365, %get3A_84 : vector<16xf32>
          %parallel_loop3A_483 = arith.addf %parallel_loop3A_481, %parallel_loop3A_482 : vector<16xf32>
          %parallel_loop3A_484 = arith.constant 0.000000e+00 : f32
          %parallel_loop3A_485 = vector.broadcast %parallel_loop3A_484 : f32 to vector<16xf32>
          %parallel_loop3A_486 = arith.maximumf %parallel_loop3A_483, %parallel_loop3A_485 : vector<16xf32>
          %parallel_loop3A_487 = arith.index_cast %parallel_loop3A_337 : i32 to index
          %parallel_loop3A_488 = arith.constant 96 : index
          %parallel_loop3A_489 = tpu.vector_load %arg13[%parallel_loop3A_487, %parallel_loop3A_488] {strides = array<i32>} : memref<64x128xf32, #tpu.memory_space<vmem>>, vector<1x16xf32>,
          %parallel_loop3A_490 = vector.shape_cast %parallel_loop3A_489 : vector<1x16xf32> to vector<16xf32>
          %parallel_loop3A_491 = vector.shape_cast %parallel_loop3A_486 : vector<16xf32> to vector<1x16xf32>
          tpu.vector_store %arg13[%parallel_loop3A_487, %parallel_loop3A_488], %parallel_loop3A_491 {strides = array<i32>} : memref<64x128xf32, #tpu.memory_space<vmem>>, vector<1x16xf32>,
          %parallel_loop3A_492 = arith.index_cast %parallel_loop3A_337 : i32 to index
          %parallel_loop3A_493 = arith.constant 112 : index
          %parallel_loop3A_494 = tpu.vector_load %arg11[%parallel_loop3A_492, %parallel_loop3A_493] {strides = array<i32>} : memref<64x128xf32, #tpu.memory_space<vmem>>, vector<1x16xf32>,
          %parallel_loop3A_495 = vector.shape_cast %parallel_loop3A_494 : vector<1x16xf32> to vector<16xf32>
          %parallel_loop3A_496 = arith.mulf %parallel_loop3A_351, %get3A_39 : vector<16xf32>
          %parallel_loop3A_497 = arith.addf %parallel_loop3A_495, %parallel_loop3A_496 : vector<16xf32>
          %parallel_loop3A_498 = arith.mulf %parallel_loop3A_358, %get3A_63 : vector<16xf32>
          %parallel_loop3A_499 = arith.addf %parallel_loop3A_497, %parallel_loop3A_498 : vector<16xf32>
          %parallel_loop3A_500 = arith.mulf %parallel_loop3A_365, %get3A_87 : vector<16xf32>
          %parallel_loop3A_501 = arith.addf %parallel_loop3A_499, %parallel_loop3A_500 : vector<16xf32>
          %parallel_loop3A_502 = arith.constant 0.000000e+00 : f32
          %parallel_loop3A_503 = vector.broadcast %parallel_loop3A_502 : f32 to vector<16xf32>
          %parallel_loop3A_504 = arith.maximumf %parallel_loop3A_501, %parallel_loop3A_503 : vector<16xf32>
          %parallel_loop3A_505 = arith.index_cast %parallel_loop3A_337 : i32 to index
          %parallel_loop3A_506 = arith.constant 112 : index
          %parallel_loop3A_507 = tpu.vector_load %arg13[%parallel_loop3A_505, %parallel_loop3A_506] {strides = array<i32>} : memref<64x128xf32, #tpu.memory_space<vmem>>, vector<1x16xf32>,
          %parallel_loop3A_508 = vector.shape_cast %parallel_loop3A_507 : vector<1x16xf32> to vector<16xf32>
          %parallel_loop3A_509 = vector.shape_cast %parallel_loop3A_504 : vector<16xf32> to vector<1x16xf32>
          tpu.vector_store %arg13[%parallel_loop3A_505, %parallel_loop3A_506], %parallel_loop3A_509 {strides = array<i32>} : memref<64x128xf32, #tpu.memory_space<vmem>>, vector<1x16xf32>,
        } {sc.loop_unroll_factor = 4 : i64, sc.parallel_access}
        %mul3A_330 = arith.constant 64 : i32
        %mul3A_331 = arith.muli %add3A_295, %mul3A_330 : i32
        %dma_start3A_332 = tpu.memref_slice %arg9[%mul3A_331] : memref<5120xi32, #tpu.memory_space<vmem>> -> memref<64xi32, #tpu.memory_space<vmem>>
        %dma_start3A_333 = arith.constant 0 : i32
        %dma_start3A_334 = arith.constant 0 : i32
        %dma_start3A_335 = tpu.memref_slice %arg20[%dma_start3A_333, %dma_start3A_334] : memref<10112x128xf32, #tpu.memory_space<vmem_shared>> -> memref<10112x128xf32, #tpu.memory_space<vmem_shared>>
        tpu.enqueue_indirect_dma source(%arg13 : memref<64x128xf32, #tpu.memory_space<vmem>>) target(%dma_start3A_335 : memref<10112x128xf32, #tpu.memory_space<vmem_shared>>) offsets(%dma_start3A_332 : memref<64xi32, #tpu.memory_space<vmem>>) semaphore(%arg18 : memref<!tpu.dma_semaphore, #tpu.memory_space<semaphore_mem>>) {add = true}
        %while3A_336 = arith.constant 0 : i32
        scf.yield %while3A_336 : i32
      }
      %while3A_174 = arith.constant 1 : i32
      %while3A_175 = scf.for %while3A_251 = %while3A_171 to %while3A_167 step %while3A_174 iter_args(%while3A_252 = %while3A_173) -> (i32)  : i32 {
        %mul3A_253 = arith.constant 2 : i32
        %mul3A_254 = arith.muli %mul3A_253, %while3A_251 : i32
        %add3A_255 = arith.constant 0 : i32
        %add3A_256 = arith.addi %mul3A_254, %add3A_255 : i32
        %dma_wait3A_257 = arith.constant 0 : i32
        %dma_wait3A_258 = arith.constant 0 : i32
        %dma_wait3A_259 = tpu.memref_slice %arg2[%scan3A_13, %dma_wait3A_257, %dma_wait3A_258] : memref<4x10000x128xf32, #tpu.memory_space<hbm>> -> memref<1x10000x128xf32, #tpu.memory_space<hbm>>
        %dma_wait3A_260 = tpu.memref_squeeze %dma_wait3A_259 : memref<1x10000x128xf32, #tpu.memory_space<hbm>> -> memref<10000x128xf32, #tpu.memory_space<hbm>>
        %dma_wait3A_261 = arith.constant 0 : i32
        %dma_wait3A_262 = arith.constant 0 : i32
        %dma_wait3A_263 = tpu.memref_slice %dma_wait3A_260[%dma_wait3A_261, %dma_wait3A_262] : memref<10000x128xf32, #tpu.memory_space<hbm>> -> memref<64x128xf32, #tpu.memory_space<hbm>>
        %dma_wait3A_264 = arith.constant 0 : i32
        %dma_wait3A_265 = arith.constant 0 : i32
        %dma_wait3A_266 = tpu.memref_slice %arg2[%scan3A_13, %dma_wait3A_264, %dma_wait3A_265] : memref<4x10000x128xf32, #tpu.memory_space<hbm>> -> memref<1x10000x128xf32, #tpu.memory_space<hbm>>
        %dma_wait3A_267 = tpu.memref_squeeze %dma_wait3A_266 : memref<1x10000x128xf32, #tpu.memory_space<hbm>> -> memref<10000x128xf32, #tpu.memory_space<hbm>>
        %dma_wait3A_268 = arith.constant 0 : i32
        %dma_wait3A_269 = arith.constant 0 : i32
        %dma_wait3A_270 = tpu.memref_slice %dma_wait3A_267[%dma_wait3A_268, %dma_wait3A_269] : memref<10000x128xf32, #tpu.memory_space<hbm>> -> memref<64x128xf32, #tpu.memory_space<hbm>>
        tpu.wait_dma2 semaphore(%arg17 : memref<!tpu.dma_semaphore, #tpu.memory_space<semaphore_mem>>) src(%dma_wait3A_270 : memref<64x128xf32, #tpu.memory_space<hbm>>) dst(%arg10 : memref<64x128xf32, #tpu.memory_space<vmem>>)
        %dma_wait3A_271 = arith.constant 0 : i32
        %dma_wait3A_272 = tpu.memref_slice %arg5[%dma_wait3A_271] : memref<655360xf32, #tpu.memory_space<hbm>> -> memref<256xf32, #tpu.memory_space<hbm>>
        %dma_wait3A_273 = arith.constant 0 : i32
        %dma_wait3A_274 = tpu.memref_slice %arg5[%dma_wait3A_273] : memref<655360xf32, #tpu.memory_space<hbm>> -> memref<256xf32, #tpu.memory_space<hbm>>
        tpu.wait_dma2 semaphore(%arg19 : memref<!tpu.dma_semaphore, #tpu.memory_space<semaphore_mem>>) src(%dma_wait3A_274 : memref<256xf32, #tpu.memory_space<hbm>>) dst(%arg14 : memref<256xf32, #tpu.memory_space<vmem>>)
        %add3A_275 = arith.constant 1 : i32
        %add3A_276 = arith.addi %add3A_256, %add3A_275 : i32
        %lt3A = arith.cmpi slt, %add3A_276, %select_n3A : i32
        %convert_element_type3A = arith.extui %lt3A : i1 to i32
        %cond3A = arith.constant 0 : i32
        %cond3A_277 = arith.cmpi ne, %convert_element_type3A, %cond3A : i32
        scf.if %cond3A_277 {
          %add3A_337 = arith.constant 1 : i32
          %add3A_338 = arith.addi %add3A_256, %add3A_337 : i32
          %mul3A_339 = arith.constant 64 : i32
          %mul3A_340 = arith.muli %add3A_338, %mul3A_339 : i32
          %dma_start3A_341 = tpu.memref_slice %arg8[%mul3A_340] : memref<5120xi32, #tpu.memory_space<vmem>> -> memref<64xi32, #tpu.memory_space<vmem>>
          %dma_start3A_342 = arith.constant 0 : i32
          %dma_start3A_343 = arith.constant 0 : i32
          %dma_start3A_344 = tpu.memref_slice %arg2[%scan3A_13, %dma_start3A_342, %dma_start3A_343] : memref<4x10000x128xf32, #tpu.memory_space<hbm>> -> memref<1x10000x128xf32, #tpu.memory_space<hbm>>
          %dma_start3A_345 = tpu.memref_squeeze %dma_start3A_344 : memref<1x10000x128xf32, #tpu.memory_space<hbm>> -> memref<10000x128xf32, #tpu.memory_space<hbm>>
          %dma_start3A_346 = arith.constant 0 : i32
          %dma_start3A_347 = arith.constant 0 : i32
          %dma_start3A_348 = tpu.memref_slice %dma_start3A_345[%dma_start3A_346, %dma_start3A_347] : memref<10000x128xf32, #tpu.memory_space<hbm>> -> memref<10000x128xf32, #tpu.memory_space<hbm>>
          tpu.enqueue_indirect_dma source(%dma_start3A_348 : memref<10000x128xf32, #tpu.memory_space<hbm>>) target(%arg11 : memref<64x128xf32, #tpu.memory_space<vmem>>) offsets(%dma_start3A_341 : memref<64xi32, #tpu.memory_space<vmem>>) semaphore(%arg17 : memref<!tpu.dma_semaphore, #tpu.memory_space<semaphore_mem>>)
          %add3A_349 = arith.addi %add3A, %add3A_256 : i32
          %add3A_350 = arith.constant 1 : i32
          %add3A_351 = arith.addi %add3A_349, %add3A_350 : i32
          %mul3A_352 = arith.constant 256 : i32
          %mul3A_353 = arith.muli %add3A_351, %mul3A_352 : i32
          %dma_start3A_354 = tpu.memref_slice %arg5[%mul3A_353] : memref<655360xf32, #tpu.memory_space<hbm>> -> memref<256xf32, #tpu.memory_space<hbm>>
          %dma_start3A_355 = tpu.memref_slice %arg5[%mul3A_353] : memref<655360xf32, #tpu.memory_space<hbm>> -> memref<256xf32, #tpu.memory_space<hbm>>
          tpu.enqueue_dma source(%dma_start3A_355 : memref<256xf32, #tpu.memory_space<hbm>>) target(%arg15 : memref<256xf32, #tpu.memory_space<vmem>>) target_semaphore(%arg19 : memref<!tpu.dma_semaphore, #tpu.memory_space<semaphore_mem>>)
        } else {
        }
        %ge3A = arith.constant 2 : i32
        %ge3A_278 = arith.cmpi sge, %add3A_256, %ge3A : i32
        %convert_element_type3A_279 = arith.extui %ge3A_278 : i1 to i32
        %cond3A_280 = arith.constant 0 : i32
        %cond3A_281 = arith.cmpi ne, %convert_element_type3A_279, %cond3A_280 : i32
        scf.if %cond3A_281 {
          %dma_wait3A_337 = arith.constant 0 : i32
          %dma_wait3A_338 = arith.constant 0 : i32
          %dma_wait3A_339 = tpu.memref_slice %arg2[%scan3A_13, %dma_wait3A_337, %dma_wait3A_338] : memref<4x10000x128xf32, #tpu.memory_space<hbm>> -> memref<1x10000x128xf32, #tpu.memory_space<hbm>>
          %dma_wait3A_340 = tpu.memref_squeeze %dma_wait3A_339 : memref<1x10000x128xf32, #tpu.memory_space<hbm>> -> memref<10000x128xf32, #tpu.memory_space<hbm>>
          %dma_wait3A_341 = arith.constant 0 : i32
          %dma_wait3A_342 = arith.constant 0 : i32
          %dma_wait3A_343 = tpu.memref_slice %dma_wait3A_340[%dma_wait3A_341, %dma_wait3A_342] : memref<10000x128xf32, #tpu.memory_space<hbm>> -> memref<64x128xf32, #tpu.memory_space<hbm>>
          %dma_wait3A_344 = arith.constant 0 : i32
          %dma_wait3A_345 = arith.constant 0 : i32
          %dma_wait3A_346 = tpu.memref_slice %arg2[%scan3A_13, %dma_wait3A_344, %dma_wait3A_345] : memref<4x10000x128xf32, #tpu.memory_space<hbm>> -> memref<1x10000x128xf32, #tpu.memory_space<hbm>>
          %dma_wait3A_347 = tpu.memref_squeeze %dma_wait3A_346 : memref<1x10000x128xf32, #tpu.memory_space<hbm>> -> memref<10000x128xf32, #tpu.memory_space<hbm>>
          %dma_wait3A_348 = arith.constant 0 : i32
          %dma_wait3A_349 = arith.constant 0 : i32
          %dma_wait3A_350 = tpu.memref_slice %dma_wait3A_347[%dma_wait3A_348, %dma_wait3A_349] : memref<10000x128xf32, #tpu.memory_space<hbm>> -> memref<64x128xf32, #tpu.memory_space<hbm>>
          tpu.wait_dma2 semaphore(%arg18 : memref<!tpu.dma_semaphore, #tpu.memory_space<semaphore_mem>>) src(%dma_wait3A_350 : memref<64x128xf32, #tpu.memory_space<hbm>>) dst(%arg12 : memref<64x128xf32, #tpu.memory_space<vmem>>)
        } else {
        }
        %broadcast_in_dim3A_282 = arith.constant 0 : i32
        %broadcast_in_dim3A_283 = vector.broadcast %broadcast_in_dim3A_282 : i32 to vector<16xi32>
        %parallel_loop3A = arith.constant 0 : i32
        %parallel_loop3A_284 = arith.constant 64 : i32
        %parallel_loop3A_285 = arith.constant 1 : i32
        scf.for %parallel_loop3A_337 = %parallel_loop3A to %parallel_loop3A_284 step %parallel_loop3A_285  : i32 {
          %parallel_loop3A_338 = arith.constant -16 : i32
          %parallel_loop3A_339 = arith.andi %parallel_loop3A_337, %parallel_loop3A_338 : i32
          %parallel_loop3A_340 = arith.constant 15 : i32
          %parallel_loop3A_341 = arith.andi %parallel_loop3A_337, %parallel_loop3A_340 : i32
          %parallel_loop3A_342 = vector.broadcast %parallel_loop3A_341 : i32 to vector<16xi32>
          %parallel_loop3A_343 = arith.addi %broadcast_in_dim3A_283, %parallel_loop3A_342 : vector<16xi32>
          %parallel_loop3A_344 = vector.shape_cast %parallel_loop3A_343 : vector<16xi32> to vector<16x1xi32>
          %parallel_loop3A_345 = arith.constant 0 : i32
          %parallel_loop3A_346 = arith.addi %parallel_loop3A_345, %parallel_loop3A_339 : i32
          %parallel_loop3A_347 = arith.index_cast %parallel_loop3A_346 : i32 to index
          %parallel_loop3A_348 = tpu.vector_load %arg14[%parallel_loop3A_347] {strides = array<i32>} : memref<256xf32, #tpu.memory_space<vmem>>, vector<16xf32>,
          %parallel_loop3A_349 = vector.shape_cast %parallel_loop3A_348 : vector<16xf32> to vector<16xf32>
          %parallel_loop3A_350 = vector.shape_cast %parallel_loop3A_344 : vector<16x1xi32> to vector<16xi32>
          %parallel_loop3A_351 = tpu.dynamic_gather %parallel_loop3A_349[%parallel_loop3A_350] in [0] : vector<16xf32>, vector<16xi32> -> vector<16xf32>
          %parallel_loop3A_352 = arith.constant 64 : i32
          %parallel_loop3A_353 = arith.addi %parallel_loop3A_352, %parallel_loop3A_339 : i32
          %parallel_loop3A_354 = arith.index_cast %parallel_loop3A_353 : i32 to index
          %parallel_loop3A_355 = tpu.vector_load %arg14[%parallel_loop3A_354] {strides = array<i32>} : memref<256xf32, #tpu.memory_space<vmem>>, vector<16xf32>,
          %parallel_loop3A_356 = vector.shape_cast %parallel_loop3A_355 : vector<16xf32> to vector<16xf32>
          %parallel_loop3A_357 = vector.shape_cast %parallel_loop3A_344 : vector<16x1xi32> to vector<16xi32>
          %parallel_loop3A_358 = tpu.dynamic_gather %parallel_loop3A_356[%parallel_loop3A_357] in [0] : vector<16xf32>, vector<16xi32> -> vector<16xf32>
          %parallel_loop3A_359 = arith.constant 128 : i32
          %parallel_loop3A_360 = arith.addi %parallel_loop3A_359, %parallel_loop3A_339 : i32
          %parallel_loop3A_361 = arith.index_cast %parallel_loop3A_360 : i32 to index
          %parallel_loop3A_362 = tpu.vector_load %arg14[%parallel_loop3A_361] {strides = array<i32>} : memref<256xf32, #tpu.memory_space<vmem>>, vector<16xf32>,
          %parallel_loop3A_363 = vector.shape_cast %parallel_loop3A_362 : vector<16xf32> to vector<16xf32>
          %parallel_loop3A_364 = vector.shape_cast %parallel_loop3A_344 : vector<16x1xi32> to vector<16xi32>
          %parallel_loop3A_365 = tpu.dynamic_gather %parallel_loop3A_363[%parallel_loop3A_364] in [0] : vector<16xf32>, vector<16xi32> -> vector<16xf32>
          %parallel_loop3A_366 = arith.index_cast %parallel_loop3A_337 : i32 to index
          %parallel_loop3A_367 = arith.constant 0 : index
          %parallel_loop3A_368 = tpu.vector_load %arg10[%parallel_loop3A_366, %parallel_loop3A_367] {strides = array<i32>} : memref<64x128xf32, #tpu.memory_space<vmem>>, vector<1x16xf32>,
          %parallel_loop3A_369 = vector.shape_cast %parallel_loop3A_368 : vector<1x16xf32> to vector<16xf32>
          %parallel_loop3A_370 = arith.mulf %parallel_loop3A_351, %get3A_18 : vector<16xf32>
          %parallel_loop3A_371 = arith.addf %parallel_loop3A_369, %parallel_loop3A_370 : vector<16xf32>
          %parallel_loop3A_372 = arith.mulf %parallel_loop3A_358, %get3A_42 : vector<16xf32>
          %parallel_loop3A_373 = arith.addf %parallel_loop3A_371, %parallel_loop3A_372 : vector<16xf32>
          %parallel_loop3A_374 = arith.mulf %parallel_loop3A_365, %get3A_66 : vector<16xf32>
          %parallel_loop3A_375 = arith.addf %parallel_loop3A_373, %parallel_loop3A_374 : vector<16xf32>
          %parallel_loop3A_376 = arith.constant 0.000000e+00 : f32
          %parallel_loop3A_377 = vector.broadcast %parallel_loop3A_376 : f32 to vector<16xf32>
          %parallel_loop3A_378 = arith.maximumf %parallel_loop3A_375, %parallel_loop3A_377 : vector<16xf32>
          %parallel_loop3A_379 = arith.index_cast %parallel_loop3A_337 : i32 to index
          %parallel_loop3A_380 = arith.constant 0 : index
          %parallel_loop3A_381 = tpu.vector_load %arg12[%parallel_loop3A_379, %parallel_loop3A_380] {strides = array<i32>} : memref<64x128xf32, #tpu.memory_space<vmem>>, vector<1x16xf32>,
          %parallel_loop3A_382 = vector.shape_cast %parallel_loop3A_381 : vector<1x16xf32> to vector<16xf32>
          %parallel_loop3A_383 = vector.shape_cast %parallel_loop3A_378 : vector<16xf32> to vector<1x16xf32>
          tpu.vector_store %arg12[%parallel_loop3A_379, %parallel_loop3A_380], %parallel_loop3A_383 {strides = array<i32>} : memref<64x128xf32, #tpu.memory_space<vmem>>, vector<1x16xf32>,
          %parallel_loop3A_384 = arith.index_cast %parallel_loop3A_337 : i32 to index
          %parallel_loop3A_385 = arith.constant 16 : index
          %parallel_loop3A_386 = tpu.vector_load %arg10[%parallel_loop3A_384, %parallel_loop3A_385] {strides = array<i32>} : memref<64x128xf32, #tpu.memory_space<vmem>>, vector<1x16xf32>,
          %parallel_loop3A_387 = vector.shape_cast %parallel_loop3A_386 : vector<1x16xf32> to vector<16xf32>
          %parallel_loop3A_388 = arith.mulf %parallel_loop3A_351, %get3A_21 : vector<16xf32>
          %parallel_loop3A_389 = arith.addf %parallel_loop3A_387, %parallel_loop3A_388 : vector<16xf32>
          %parallel_loop3A_390 = arith.mulf %parallel_loop3A_358, %get3A_45 : vector<16xf32>
          %parallel_loop3A_391 = arith.addf %parallel_loop3A_389, %parallel_loop3A_390 : vector<16xf32>
          %parallel_loop3A_392 = arith.mulf %parallel_loop3A_365, %get3A_69 : vector<16xf32>
          %parallel_loop3A_393 = arith.addf %parallel_loop3A_391, %parallel_loop3A_392 : vector<16xf32>
          %parallel_loop3A_394 = arith.constant 0.000000e+00 : f32
          %parallel_loop3A_395 = vector.broadcast %parallel_loop3A_394 : f32 to vector<16xf32>
          %parallel_loop3A_396 = arith.maximumf %parallel_loop3A_393, %parallel_loop3A_395 : vector<16xf32>
          %parallel_loop3A_397 = arith.index_cast %parallel_loop3A_337 : i32 to index
          %parallel_loop3A_398 = arith.constant 16 : index
          %parallel_loop3A_399 = tpu.vector_load %arg12[%parallel_loop3A_397, %parallel_loop3A_398] {strides = array<i32>} : memref<64x128xf32, #tpu.memory_space<vmem>>, vector<1x16xf32>,
          %parallel_loop3A_400 = vector.shape_cast %parallel_loop3A_399 : vector<1x16xf32> to vector<16xf32>
          %parallel_loop3A_401 = vector.shape_cast %parallel_loop3A_396 : vector<16xf32> to vector<1x16xf32>
          tpu.vector_store %arg12[%parallel_loop3A_397, %parallel_loop3A_398], %parallel_loop3A_401 {strides = array<i32>} : memref<64x128xf32, #tpu.memory_space<vmem>>, vector<1x16xf32>,
          %parallel_loop3A_402 = arith.index_cast %parallel_loop3A_337 : i32 to index
          %parallel_loop3A_403 = arith.constant 32 : index
          %parallel_loop3A_404 = tpu.vector_load %arg10[%parallel_loop3A_402, %parallel_loop3A_403] {strides = array<i32>} : memref<64x128xf32, #tpu.memory_space<vmem>>, vector<1x16xf32>,
          %parallel_loop3A_405 = vector.shape_cast %parallel_loop3A_404 : vector<1x16xf32> to vector<16xf32>
          %parallel_loop3A_406 = arith.mulf %parallel_loop3A_351, %get3A_24 : vector<16xf32>
          %parallel_loop3A_407 = arith.addf %parallel_loop3A_405, %parallel_loop3A_406 : vector<16xf32>
          %parallel_loop3A_408 = arith.mulf %parallel_loop3A_358, %get3A_48 : vector<16xf32>
          %parallel_loop3A_409 = arith.addf %parallel_loop3A_407, %parallel_loop3A_408 : vector<16xf32>
          %parallel_loop3A_410 = arith.mulf %parallel_loop3A_365, %get3A_72 : vector<16xf32>
          %parallel_loop3A_411 = arith.addf %parallel_loop3A_409, %parallel_loop3A_410 : vector<16xf32>
          %parallel_loop3A_412 = arith.constant 0.000000e+00 : f32
          %parallel_loop3A_413 = vector.broadcast %parallel_loop3A_412 : f32 to vector<16xf32>
          %parallel_loop3A_414 = arith.maximumf %parallel_loop3A_411, %parallel_loop3A_413 : vector<16xf32>
          %parallel_loop3A_415 = arith.index_cast %parallel_loop3A_337 : i32 to index
          %parallel_loop3A_416 = arith.constant 32 : index
          %parallel_loop3A_417 = tpu.vector_load %arg12[%parallel_loop3A_415, %parallel_loop3A_416] {strides = array<i32>} : memref<64x128xf32, #tpu.memory_space<vmem>>, vector<1x16xf32>,
          %parallel_loop3A_418 = vector.shape_cast %parallel_loop3A_417 : vector<1x16xf32> to vector<16xf32>
          %parallel_loop3A_419 = vector.shape_cast %parallel_loop3A_414 : vector<16xf32> to vector<1x16xf32>
          tpu.vector_store %arg12[%parallel_loop3A_415, %parallel_loop3A_416], %parallel_loop3A_419 {strides = array<i32>} : memref<64x128xf32, #tpu.memory_space<vmem>>, vector<1x16xf32>,
          %parallel_loop3A_420 = arith.index_cast %parallel_loop3A_337 : i32 to index
          %parallel_loop3A_421 = arith.constant 48 : index
          %parallel_loop3A_422 = tpu.vector_load %arg10[%parallel_loop3A_420, %parallel_loop3A_421] {strides = array<i32>} : memref<64x128xf32, #tpu.memory_space<vmem>>, vector<1x16xf32>,
          %parallel_loop3A_423 = vector.shape_cast %parallel_loop3A_422 : vector<1x16xf32> to vector<16xf32>
          %parallel_loop3A_424 = arith.mulf %parallel_loop3A_351, %get3A_27 : vector<16xf32>
          %parallel_loop3A_425 = arith.addf %parallel_loop3A_423, %parallel_loop3A_424 : vector<16xf32>
          %parallel_loop3A_426 = arith.mulf %parallel_loop3A_358, %get3A_51 : vector<16xf32>
          %parallel_loop3A_427 = arith.addf %parallel_loop3A_425, %parallel_loop3A_426 : vector<16xf32>
          %parallel_loop3A_428 = arith.mulf %parallel_loop3A_365, %get3A_75 : vector<16xf32>
          %parallel_loop3A_429 = arith.addf %parallel_loop3A_427, %parallel_loop3A_428 : vector<16xf32>
          %parallel_loop3A_430 = arith.constant 0.000000e+00 : f32
          %parallel_loop3A_431 = vector.broadcast %parallel_loop3A_430 : f32 to vector<16xf32>
          %parallel_loop3A_432 = arith.maximumf %parallel_loop3A_429, %parallel_loop3A_431 : vector<16xf32>
          %parallel_loop3A_433 = arith.index_cast %parallel_loop3A_337 : i32 to index
          %parallel_loop3A_434 = arith.constant 48 : index
          %parallel_loop3A_435 = tpu.vector_load %arg12[%parallel_loop3A_433, %parallel_loop3A_434] {strides = array<i32>} : memref<64x128xf32, #tpu.memory_space<vmem>>, vector<1x16xf32>,
          %parallel_loop3A_436 = vector.shape_cast %parallel_loop3A_435 : vector<1x16xf32> to vector<16xf32>
          %parallel_loop3A_437 = vector.shape_cast %parallel_loop3A_432 : vector<16xf32> to vector<1x16xf32>
          tpu.vector_store %arg12[%parallel_loop3A_433, %parallel_loop3A_434], %parallel_loop3A_437 {strides = array<i32>} : memref<64x128xf32, #tpu.memory_space<vmem>>, vector<1x16xf32>,
          %parallel_loop3A_438 = arith.index_cast %parallel_loop3A_337 : i32 to index
          %parallel_loop3A_439 = arith.constant 64 : index
          %parallel_loop3A_440 = tpu.vector_load %arg10[%parallel_loop3A_438, %parallel_loop3A_439] {strides = array<i32>} : memref<64x128xf32, #tpu.memory_space<vmem>>, vector<1x16xf32>,
          %parallel_loop3A_441 = vector.shape_cast %parallel_loop3A_440 : vector<1x16xf32> to vector<16xf32>
          %parallel_loop3A_442 = arith.mulf %parallel_loop3A_351, %get3A_30 : vector<16xf32>
          %parallel_loop3A_443 = arith.addf %parallel_loop3A_441, %parallel_loop3A_442 : vector<16xf32>
          %parallel_loop3A_444 = arith.mulf %parallel_loop3A_358, %get3A_54 : vector<16xf32>
          %parallel_loop3A_445 = arith.addf %parallel_loop3A_443, %parallel_loop3A_444 : vector<16xf32>
          %parallel_loop3A_446 = arith.mulf %parallel_loop3A_365, %get3A_78 : vector<16xf32>
          %parallel_loop3A_447 = arith.addf %parallel_loop3A_445, %parallel_loop3A_446 : vector<16xf32>
          %parallel_loop3A_448 = arith.constant 0.000000e+00 : f32
          %parallel_loop3A_449 = vector.broadcast %parallel_loop3A_448 : f32 to vector<16xf32>
          %parallel_loop3A_450 = arith.maximumf %parallel_loop3A_447, %parallel_loop3A_449 : vector<16xf32>
          %parallel_loop3A_451 = arith.index_cast %parallel_loop3A_337 : i32 to index
          %parallel_loop3A_452 = arith.constant 64 : index
          %parallel_loop3A_453 = tpu.vector_load %arg12[%parallel_loop3A_451, %parallel_loop3A_452] {strides = array<i32>} : memref<64x128xf32, #tpu.memory_space<vmem>>, vector<1x16xf32>,
          %parallel_loop3A_454 = vector.shape_cast %parallel_loop3A_453 : vector<1x16xf32> to vector<16xf32>
          %parallel_loop3A_455 = vector.shape_cast %parallel_loop3A_450 : vector<16xf32> to vector<1x16xf32>
          tpu.vector_store %arg12[%parallel_loop3A_451, %parallel_loop3A_452], %parallel_loop3A_455 {strides = array<i32>} : memref<64x128xf32, #tpu.memory_space<vmem>>, vector<1x16xf32>,
          %parallel_loop3A_456 = arith.index_cast %parallel_loop3A_337 : i32 to index
          %parallel_loop3A_457 = arith.constant 80 : index
          %parallel_loop3A_458 = tpu.vector_load %arg10[%parallel_loop3A_456, %parallel_loop3A_457] {strides = array<i32>} : memref<64x128xf32, #tpu.memory_space<vmem>>, vector<1x16xf32>,
          %parallel_loop3A_459 = vector.shape_cast %parallel_loop3A_458 : vector<1x16xf32> to vector<16xf32>
          %parallel_loop3A_460 = arith.mulf %parallel_loop3A_351, %get3A_33 : vector<16xf32>
          %parallel_loop3A_461 = arith.addf %parallel_loop3A_459, %parallel_loop3A_460 : vector<16xf32>
          %parallel_loop3A_462 = arith.mulf %parallel_loop3A_358, %get3A_57 : vector<16xf32>
          %parallel_loop3A_463 = arith.addf %parallel_loop3A_461, %parallel_loop3A_462 : vector<16xf32>
          %parallel_loop3A_464 = arith.mulf %parallel_loop3A_365, %get3A_81 : vector<16xf32>
          %parallel_loop3A_465 = arith.addf %parallel_loop3A_463, %parallel_loop3A_464 : vector<16xf32>
          %parallel_loop3A_466 = arith.constant 0.000000e+00 : f32
          %parallel_loop3A_467 = vector.broadcast %parallel_loop3A_466 : f32 to vector<16xf32>
          %parallel_loop3A_468 = arith.maximumf %parallel_loop3A_465, %parallel_loop3A_467 : vector<16xf32>
          %parallel_loop3A_469 = arith.index_cast %parallel_loop3A_337 : i32 to index
          %parallel_loop3A_470 = arith.constant 80 : index
          %parallel_loop3A_471 = tpu.vector_load %arg12[%parallel_loop3A_469, %parallel_loop3A_470] {strides = array<i32>} : memref<64x128xf32, #tpu.memory_space<vmem>>, vector<1x16xf32>,
          %parallel_loop3A_472 = vector.shape_cast %parallel_loop3A_471 : vector<1x16xf32> to vector<16xf32>
          %parallel_loop3A_473 = vector.shape_cast %parallel_loop3A_468 : vector<16xf32> to vector<1x16xf32>
          tpu.vector_store %arg12[%parallel_loop3A_469, %parallel_loop3A_470], %parallel_loop3A_473 {strides = array<i32>} : memref<64x128xf32, #tpu.memory_space<vmem>>, vector<1x16xf32>,
          %parallel_loop3A_474 = arith.index_cast %parallel_loop3A_337 : i32 to index
          %parallel_loop3A_475 = arith.constant 96 : index
          %parallel_loop3A_476 = tpu.vector_load %arg10[%parallel_loop3A_474, %parallel_loop3A_475] {strides = array<i32>} : memref<64x128xf32, #tpu.memory_space<vmem>>, vector<1x16xf32>,
          %parallel_loop3A_477 = vector.shape_cast %parallel_loop3A_476 : vector<1x16xf32> to vector<16xf32>
          %parallel_loop3A_478 = arith.mulf %parallel_loop3A_351, %get3A_36 : vector<16xf32>
          %parallel_loop3A_479 = arith.addf %parallel_loop3A_477, %parallel_loop3A_478 : vector<16xf32>
          %parallel_loop3A_480 = arith.mulf %parallel_loop3A_358, %get3A_60 : vector<16xf32>
          %parallel_loop3A_481 = arith.addf %parallel_loop3A_479, %parallel_loop3A_480 : vector<16xf32>
          %parallel_loop3A_482 = arith.mulf %parallel_loop3A_365, %get3A_84 : vector<16xf32>
          %parallel_loop3A_483 = arith.addf %parallel_loop3A_481, %parallel_loop3A_482 : vector<16xf32>
          %parallel_loop3A_484 = arith.constant 0.000000e+00 : f32
          %parallel_loop3A_485 = vector.broadcast %parallel_loop3A_484 : f32 to vector<16xf32>
          %parallel_loop3A_486 = arith.maximumf %parallel_loop3A_483, %parallel_loop3A_485 : vector<16xf32>
          %parallel_loop3A_487 = arith.index_cast %parallel_loop3A_337 : i32 to index
          %parallel_loop3A_488 = arith.constant 96 : index
          %parallel_loop3A_489 = tpu.vector_load %arg12[%parallel_loop3A_487, %parallel_loop3A_488] {strides = array<i32>} : memref<64x128xf32, #tpu.memory_space<vmem>>, vector<1x16xf32>,
          %parallel_loop3A_490 = vector.shape_cast %parallel_loop3A_489 : vector<1x16xf32> to vector<16xf32>
          %parallel_loop3A_491 = vector.shape_cast %parallel_loop3A_486 : vector<16xf32> to vector<1x16xf32>
          tpu.vector_store %arg12[%parallel_loop3A_487, %parallel_loop3A_488], %parallel_loop3A_491 {strides = array<i32>} : memref<64x128xf32, #tpu.memory_space<vmem>>, vector<1x16xf32>,
          %parallel_loop3A_492 = arith.index_cast %parallel_loop3A_337 : i32 to index
          %parallel_loop3A_493 = arith.constant 112 : index
          %parallel_loop3A_494 = tpu.vector_load %arg10[%parallel_loop3A_492, %parallel_loop3A_493] {strides = array<i32>} : memref<64x128xf32, #tpu.memory_space<vmem>>, vector<1x16xf32>,
          %parallel_loop3A_495 = vector.shape_cast %parallel_loop3A_494 : vector<1x16xf32> to vector<16xf32>
          %parallel_loop3A_496 = arith.mulf %parallel_loop3A_351, %get3A_39 : vector<16xf32>
          %parallel_loop3A_497 = arith.addf %parallel_loop3A_495, %parallel_loop3A_496 : vector<16xf32>
          %parallel_loop3A_498 = arith.mulf %parallel_loop3A_358, %get3A_63 : vector<16xf32>
          %parallel_loop3A_499 = arith.addf %parallel_loop3A_497, %parallel_loop3A_498 : vector<16xf32>
          %parallel_loop3A_500 = arith.mulf %parallel_loop3A_365, %get3A_87 : vector<16xf32>
          %parallel_loop3A_501 = arith.addf %parallel_loop3A_499, %parallel_loop3A_500 : vector<16xf32>
          %parallel_loop3A_502 = arith.constant 0.000000e+00 : f32
          %parallel_loop3A_503 = vector.broadcast %parallel_loop3A_502 : f32 to vector<16xf32>
          %parallel_loop3A_504 = arith.maximumf %parallel_loop3A_501, %parallel_loop3A_503 : vector<16xf32>
          %parallel_loop3A_505 = arith.index_cast %parallel_loop3A_337 : i32 to index
          %parallel_loop3A_506 = arith.constant 112 : index
          %parallel_loop3A_507 = tpu.vector_load %arg12[%parallel_loop3A_505, %parallel_loop3A_506] {strides = array<i32>} : memref<64x128xf32, #tpu.memory_space<vmem>>, vector<1x16xf32>,
          %parallel_loop3A_508 = vector.shape_cast %parallel_loop3A_507 : vector<1x16xf32> to vector<16xf32>
          %parallel_loop3A_509 = vector.shape_cast %parallel_loop3A_504 : vector<16xf32> to vector<1x16xf32>
          tpu.vector_store %arg12[%parallel_loop3A_505, %parallel_loop3A_506], %parallel_loop3A_509 {strides = array<i32>} : memref<64x128xf32, #tpu.memory_space<vmem>>, vector<1x16xf32>,
        } {sc.loop_unroll_factor = 4 : i64, sc.parallel_access}
        %mul3A_286 = arith.constant 64 : i32
        %mul3A_287 = arith.muli %add3A_256, %mul3A_286 : i32
        %dma_start3A_288 = tpu.memref_slice %arg9[%mul3A_287] : memref<5120xi32, #tpu.memory_space<vmem>> -> memref<64xi32, #tpu.memory_space<vmem>>
        %dma_start3A_289 = arith.constant 0 : i32
        %dma_start3A_290 = arith.constant 0 : i32
        %dma_start3A_291 = tpu.memref_slice %arg20[%dma_start3A_289, %dma_start3A_290] : memref<10112x128xf32, #tpu.memory_space<vmem_shared>> -> memref<10112x128xf32, #tpu.memory_space<vmem_shared>>
        tpu.enqueue_indirect_dma source(%arg12 : memref<64x128xf32, #tpu.memory_space<vmem>>) target(%dma_start3A_291 : memref<10112x128xf32, #tpu.memory_space<vmem_shared>>) offsets(%dma_start3A_288 : memref<64xi32, #tpu.memory_space<vmem>>) semaphore(%arg18 : memref<!tpu.dma_semaphore, #tpu.memory_space<semaphore_mem>>) {add = true}
        %mul3A_292 = arith.constant 2 : i32
        %mul3A_293 = arith.muli %mul3A_292, %while3A_251 : i32
        %add3A_294 = arith.constant 1 : i32
        %add3A_295 = arith.addi %mul3A_293, %add3A_294 : i32
        %dma_wait3A_296 = arith.constant 0 : i32
        %dma_wait3A_297 = arith.constant 0 : i32
        %dma_wait3A_298 = tpu.memref_slice %arg2[%scan3A_13, %dma_wait3A_296, %dma_wait3A_297] : memref<4x10000x128xf32, #tpu.memory_space<hbm>> -> memref<1x10000x128xf32, #tpu.memory_space<hbm>>
        %dma_wait3A_299 = tpu.memref_squeeze %dma_wait3A_298 : memref<1x10000x128xf32, #tpu.memory_space<hbm>> -> memref<10000x128xf32, #tpu.memory_space<hbm>>
        %dma_wait3A_300 = arith.constant 0 : i32
        %dma_wait3A_301 = arith.constant 0 : i32
        %dma_wait3A_302 = tpu.memref_slice %dma_wait3A_299[%dma_wait3A_300, %dma_wait3A_301] : memref<10000x128xf32, #tpu.memory_space<hbm>> -> memref<64x128xf32, #tpu.memory_space<hbm>>
        %dma_wait3A_303 = arith.constant 0 : i32
        %dma_wait3A_304 = arith.constant 0 : i32
        %dma_wait3A_305 = tpu.memref_slice %arg2[%scan3A_13, %dma_wait3A_303, %dma_wait3A_304] : memref<4x10000x128xf32, #tpu.memory_space<hbm>> -> memref<1x10000x128xf32, #tpu.memory_space<hbm>>
        %dma_wait3A_306 = tpu.memref_squeeze %dma_wait3A_305 : memref<1x10000x128xf32, #tpu.memory_space<hbm>> -> memref<10000x128xf32, #tpu.memory_space<hbm>>
        %dma_wait3A_307 = arith.constant 0 : i32
        %dma_wait3A_308 = arith.constant 0 : i32
        %dma_wait3A_309 = tpu.memref_slice %dma_wait3A_306[%dma_wait3A_307, %dma_wait3A_308] : memref<10000x128xf32, #tpu.memory_space<hbm>> -> memref<64x128xf32, #tpu.memory_space<hbm>>
        tpu.wait_dma2 semaphore(%arg17 : memref<!tpu.dma_semaphore, #tpu.memory_space<semaphore_mem>>) src(%dma_wait3A_309 : memref<64x128xf32, #tpu.memory_space<hbm>>) dst(%arg11 : memref<64x128xf32, #tpu.memory_space<vmem>>)
        %dma_wait3A_310 = arith.constant 0 : i32
        %dma_wait3A_311 = tpu.memref_slice %arg5[%dma_wait3A_310] : memref<655360xf32, #tpu.memory_space<hbm>> -> memref<256xf32, #tpu.memory_space<hbm>>
        %dma_wait3A_312 = arith.constant 0 : i32
        %dma_wait3A_313 = tpu.memref_slice %arg5[%dma_wait3A_312] : memref<655360xf32, #tpu.memory_space<hbm>> -> memref<256xf32, #tpu.memory_space<hbm>>
        tpu.wait_dma2 semaphore(%arg19 : memref<!tpu.dma_semaphore, #tpu.memory_space<semaphore_mem>>) src(%dma_wait3A_313 : memref<256xf32, #tpu.memory_space<hbm>>) dst(%arg15 : memref<256xf32, #tpu.memory_space<vmem>>)
        %add3A_314 = arith.constant 1 : i32
        %add3A_315 = arith.addi %add3A_295, %add3A_314 : i32
        %lt3A_316 = arith.cmpi slt, %add3A_315, %select_n3A : i32
        %convert_element_type3A_317 = arith.extui %lt3A_316 : i1 to i32
        %cond3A_318 = arith.constant 0 : i32
        %cond3A_319 = arith.cmpi ne, %convert_element_type3A_317, %cond3A_318 : i32
        scf.if %cond3A_319 {
          %add3A_337 = arith.constant 1 : i32
          %add3A_338 = arith.addi %add3A_295, %add3A_337 : i32
          %mul3A_339 = arith.constant 64 : i32
          %mul3A_340 = arith.muli %add3A_338, %mul3A_339 : i32
          %dma_start3A_341 = tpu.memref_slice %arg8[%mul3A_340] : memref<5120xi32, #tpu.memory_space<vmem>> -> memref<64xi32, #tpu.memory_space<vmem>>
          %dma_start3A_342 = arith.constant 0 : i32
          %dma_start3A_343 = arith.constant 0 : i32
          %dma_start3A_344 = tpu.memref_slice %arg2[%scan3A_13, %dma_start3A_342, %dma_start3A_343] : memref<4x10000x128xf32, #tpu.memory_space<hbm>> -> memref<1x10000x128xf32, #tpu.memory_space<hbm>>
          %dma_start3A_345 = tpu.memref_squeeze %dma_start3A_344 : memref<1x10000x128xf32, #tpu.memory_space<hbm>> -> memref<10000x128xf32, #tpu.memory_space<hbm>>
          %dma_start3A_346 = arith.constant 0 : i32
          %dma_start3A_347 = arith.constant 0 : i32
          %dma_start3A_348 = tpu.memref_slice %dma_start3A_345[%dma_start3A_346, %dma_start3A_347] : memref<10000x128xf32, #tpu.memory_space<hbm>> -> memref<10000x128xf32, #tpu.memory_space<hbm>>
          tpu.enqueue_indirect_dma source(%dma_start3A_348 : memref<10000x128xf32, #tpu.memory_space<hbm>>) target(%arg10 : memref<64x128xf32, #tpu.memory_space<vmem>>) offsets(%dma_start3A_341 : memref<64xi32, #tpu.memory_space<vmem>>) semaphore(%arg17 : memref<!tpu.dma_semaphore, #tpu.memory_space<semaphore_mem>>)
          %add3A_349 = arith.addi %add3A, %add3A_295 : i32
          %add3A_350 = arith.constant 1 : i32
          %add3A_351 = arith.addi %add3A_349, %add3A_350 : i32
          %mul3A_352 = arith.constant 256 : i32
          %mul3A_353 = arith.muli %add3A_351, %mul3A_352 : i32
          %dma_start3A_354 = tpu.memref_slice %arg5[%mul3A_353] : memref<655360xf32, #tpu.memory_space<hbm>> -> memref<256xf32, #tpu.memory_space<hbm>>
          %dma_start3A_355 = tpu.memref_slice %arg5[%mul3A_353] : memref<655360xf32, #tpu.memory_space<hbm>> -> memref<256xf32, #tpu.memory_space<hbm>>
          tpu.enqueue_dma source(%dma_start3A_355 : memref<256xf32, #tpu.memory_space<hbm>>) target(%arg14 : memref<256xf32, #tpu.memory_space<vmem>>) target_semaphore(%arg19 : memref<!tpu.dma_semaphore, #tpu.memory_space<semaphore_mem>>)
        } else {
        }
        %ge3A_320 = arith.constant 2 : i32
        %ge3A_321 = arith.cmpi sge, %add3A_295, %ge3A_320 : i32
        %convert_element_type3A_322 = arith.extui %ge3A_321 : i1 to i32
        %cond3A_323 = arith.constant 0 : i32
        %cond3A_324 = arith.cmpi ne, %convert_element_type3A_322, %cond3A_323 : i32
        scf.if %cond3A_324 {
          %dma_wait3A_337 = arith.constant 0 : i32
          %dma_wait3A_338 = arith.constant 0 : i32
          %dma_wait3A_339 = tpu.memref_slice %arg2[%scan3A_13, %dma_wait3A_337, %dma_wait3A_338] : memref<4x10000x128xf32, #tpu.memory_space<hbm>> -> memref<1x10000x128xf32, #tpu.memory_space<hbm>>
          %dma_wait3A_340 = tpu.memref_squeeze %dma_wait3A_339 : memref<1x10000x128xf32, #tpu.memory_space<hbm>> -> memref<10000x128xf32, #tpu.memory_space<hbm>>
          %dma_wait3A_341 = arith.constant 0 : i32
          %dma_wait3A_342 = arith.constant 0 : i32
          %dma_wait3A_343 = tpu.memref_slice %dma_wait3A_340[%dma_wait3A_341, %dma_wait3A_342] : memref<10000x128xf32, #tpu.memory_space<hbm>> -> memref<64x128xf32, #tpu.memory_space<hbm>>
          %dma_wait3A_344 = arith.constant 0 : i32
          %dma_wait3A_345 = arith.constant 0 : i32
          %dma_wait3A_346 = tpu.memref_slice %arg2[%scan3A_13, %dma_wait3A_344, %dma_wait3A_345] : memref<4x10000x128xf32, #tpu.memory_space<hbm>> -> memref<1x10000x128xf32, #tpu.memory_space<hbm>>
          %dma_wait3A_347 = tpu.memref_squeeze %dma_wait3A_346 : memref<1x10000x128xf32, #tpu.memory_space<hbm>> -> memref<10000x128xf32, #tpu.memory_space<hbm>>
          %dma_wait3A_348 = arith.constant 0 : i32
          %dma_wait3A_349 = arith.constant 0 : i32
          %dma_wait3A_350 = tpu.memref_slice %dma_wait3A_347[%dma_wait3A_348, %dma_wait3A_349] : memref<10000x128xf32, #tpu.memory_space<hbm>> -> memref<64x128xf32, #tpu.memory_space<hbm>>
          tpu.wait_dma2 semaphore(%arg18 : memref<!tpu.dma_semaphore, #tpu.memory_space<semaphore_mem>>) src(%dma_wait3A_350 : memref<64x128xf32, #tpu.memory_space<hbm>>) dst(%arg13 : memref<64x128xf32, #tpu.memory_space<vmem>>)
        } else {
        }
        %broadcast_in_dim3A_325 = arith.constant 0 : i32
        %broadcast_in_dim3A_326 = vector.broadcast %broadcast_in_dim3A_325 : i32 to vector<16xi32>
        %parallel_loop3A_327 = arith.constant 0 : i32
        %parallel_loop3A_328 = arith.constant 64 : i32
        %parallel_loop3A_329 = arith.constant 1 : i32
        scf.for %parallel_loop3A_337 = %parallel_loop3A_327 to %parallel_loop3A_328 step %parallel_loop3A_329  : i32 {
          %parallel_loop3A_338 = arith.constant -16 : i32
          %parallel_loop3A_339 = arith.andi %parallel_loop3A_337, %parallel_loop3A_338 : i32
          %parallel_loop3A_340 = arith.constant 15 : i32
          %parallel_loop3A_341 = arith.andi %parallel_loop3A_337, %parallel_loop3A_340 : i32
          %parallel_loop3A_342 = vector.broadcast %parallel_loop3A_341 : i32 to vector<16xi32>
          %parallel_loop3A_343 = arith.addi %broadcast_in_dim3A_326, %parallel_loop3A_342 : vector<16xi32>
          %parallel_loop3A_344 = vector.shape_cast %parallel_loop3A_343 : vector<16xi32> to vector<16x1xi32>
          %parallel_loop3A_345 = arith.constant 0 : i32
          %parallel_loop3A_346 = arith.addi %parallel_loop3A_345, %parallel_loop3A_339 : i32
          %parallel_loop3A_347 = arith.index_cast %parallel_loop3A_346 : i32 to index
          %parallel_loop3A_348 = tpu.vector_load %arg15[%parallel_loop3A_347] {strides = array<i32>} : memref<256xf32, #tpu.memory_space<vmem>>, vector<16xf32>,
          %parallel_loop3A_349 = vector.shape_cast %parallel_loop3A_348 : vector<16xf32> to vector<16xf32>
          %parallel_loop3A_350 = vector.shape_cast %parallel_loop3A_344 : vector<16x1xi32> to vector<16xi32>
          %parallel_loop3A_351 = tpu.dynamic_gather %parallel_loop3A_349[%parallel_loop3A_350] in [0] : vector<16xf32>, vector<16xi32> -> vector<16xf32>
          %parallel_loop3A_352 = arith.constant 64 : i32
          %parallel_loop3A_353 = arith.addi %parallel_loop3A_352, %parallel_loop3A_339 : i32
          %parallel_loop3A_354 = arith.index_cast %parallel_loop3A_353 : i32 to index
          %parallel_loop3A_355 = tpu.vector_load %arg15[%parallel_loop3A_354] {strides = array<i32>} : memref<256xf32, #tpu.memory_space<vmem>>, vector<16xf32>,
          %parallel_loop3A_356 = vector.shape_cast %parallel_loop3A_355 : vector<16xf32> to vector<16xf32>
          %parallel_loop3A_357 = vector.shape_cast %parallel_loop3A_344 : vector<16x1xi32> to vector<16xi32>
          %parallel_loop3A_358 = tpu.dynamic_gather %parallel_loop3A_356[%parallel_loop3A_357] in [0] : vector<16xf32>, vector<16xi32> -> vector<16xf32>
          %parallel_loop3A_359 = arith.constant 128 : i32
          %parallel_loop3A_360 = arith.addi %parallel_loop3A_359, %parallel_loop3A_339 : i32
          %parallel_loop3A_361 = arith.index_cast %parallel_loop3A_360 : i32 to index
          %parallel_loop3A_362 = tpu.vector_load %arg15[%parallel_loop3A_361] {strides = array<i32>} : memref<256xf32, #tpu.memory_space<vmem>>, vector<16xf32>,
          %parallel_loop3A_363 = vector.shape_cast %parallel_loop3A_362 : vector<16xf32> to vector<16xf32>
          %parallel_loop3A_364 = vector.shape_cast %parallel_loop3A_344 : vector<16x1xi32> to vector<16xi32>
          %parallel_loop3A_365 = tpu.dynamic_gather %parallel_loop3A_363[%parallel_loop3A_364] in [0] : vector<16xf32>, vector<16xi32> -> vector<16xf32>
          %parallel_loop3A_366 = arith.index_cast %parallel_loop3A_337 : i32 to index
          %parallel_loop3A_367 = arith.constant 0 : index
          %parallel_loop3A_368 = tpu.vector_load %arg11[%parallel_loop3A_366, %parallel_loop3A_367] {strides = array<i32>} : memref<64x128xf32, #tpu.memory_space<vmem>>, vector<1x16xf32>,
          %parallel_loop3A_369 = vector.shape_cast %parallel_loop3A_368 : vector<1x16xf32> to vector<16xf32>
          %parallel_loop3A_370 = arith.mulf %parallel_loop3A_351, %get3A_18 : vector<16xf32>
          %parallel_loop3A_371 = arith.addf %parallel_loop3A_369, %parallel_loop3A_370 : vector<16xf32>
          %parallel_loop3A_372 = arith.mulf %parallel_loop3A_358, %get3A_42 : vector<16xf32>
          %parallel_loop3A_373 = arith.addf %parallel_loop3A_371, %parallel_loop3A_372 : vector<16xf32>
          %parallel_loop3A_374 = arith.mulf %parallel_loop3A_365, %get3A_66 : vector<16xf32>
          %parallel_loop3A_375 = arith.addf %parallel_loop3A_373, %parallel_loop3A_374 : vector<16xf32>
          %parallel_loop3A_376 = arith.constant 0.000000e+00 : f32
          %parallel_loop3A_377 = vector.broadcast %parallel_loop3A_376 : f32 to vector<16xf32>
          %parallel_loop3A_378 = arith.maximumf %parallel_loop3A_375, %parallel_loop3A_377 : vector<16xf32>
          %parallel_loop3A_379 = arith.index_cast %parallel_loop3A_337 : i32 to index
          %parallel_loop3A_380 = arith.constant 0 : index
          %parallel_loop3A_381 = tpu.vector_load %arg13[%parallel_loop3A_379, %parallel_loop3A_380] {strides = array<i32>} : memref<64x128xf32, #tpu.memory_space<vmem>>, vector<1x16xf32>,
          %parallel_loop3A_382 = vector.shape_cast %parallel_loop3A_381 : vector<1x16xf32> to vector<16xf32>
          %parallel_loop3A_383 = vector.shape_cast %parallel_loop3A_378 : vector<16xf32> to vector<1x16xf32>
          tpu.vector_store %arg13[%parallel_loop3A_379, %parallel_loop3A_380], %parallel_loop3A_383 {strides = array<i32>} : memref<64x128xf32, #tpu.memory_space<vmem>>, vector<1x16xf32>,
          %parallel_loop3A_384 = arith.index_cast %parallel_loop3A_337 : i32 to index
          %parallel_loop3A_385 = arith.constant 16 : index
          %parallel_loop3A_386 = tpu.vector_load %arg11[%parallel_loop3A_384, %parallel_loop3A_385] {strides = array<i32>} : memref<64x128xf32, #tpu.memory_space<vmem>>, vector<1x16xf32>,
          %parallel_loop3A_387 = vector.shape_cast %parallel_loop3A_386 : vector<1x16xf32> to vector<16xf32>
          %parallel_loop3A_388 = arith.mulf %parallel_loop3A_351, %get3A_21 : vector<16xf32>
          %parallel_loop3A_389 = arith.addf %parallel_loop3A_387, %parallel_loop3A_388 : vector<16xf32>
          %parallel_loop3A_390 = arith.mulf %parallel_loop3A_358, %get3A_45 : vector<16xf32>
          %parallel_loop3A_391 = arith.addf %parallel_loop3A_389, %parallel_loop3A_390 : vector<16xf32>
          %parallel_loop3A_392 = arith.mulf %parallel_loop3A_365, %get3A_69 : vector<16xf32>
          %parallel_loop3A_393 = arith.addf %parallel_loop3A_391, %parallel_loop3A_392 : vector<16xf32>
          %parallel_loop3A_394 = arith.constant 0.000000e+00 : f32
          %parallel_loop3A_395 = vector.broadcast %parallel_loop3A_394 : f32 to vector<16xf32>
          %parallel_loop3A_396 = arith.maximumf %parallel_loop3A_393, %parallel_loop3A_395 : vector<16xf32>
          %parallel_loop3A_397 = arith.index_cast %parallel_loop3A_337 : i32 to index
          %parallel_loop3A_398 = arith.constant 16 : index
          %parallel_loop3A_399 = tpu.vector_load %arg13[%parallel_loop3A_397, %parallel_loop3A_398] {strides = array<i32>} : memref<64x128xf32, #tpu.memory_space<vmem>>, vector<1x16xf32>,
          %parallel_loop3A_400 = vector.shape_cast %parallel_loop3A_399 : vector<1x16xf32> to vector<16xf32>
          %parallel_loop3A_401 = vector.shape_cast %parallel_loop3A_396 : vector<16xf32> to vector<1x16xf32>
          tpu.vector_store %arg13[%parallel_loop3A_397, %parallel_loop3A_398], %parallel_loop3A_401 {strides = array<i32>} : memref<64x128xf32, #tpu.memory_space<vmem>>, vector<1x16xf32>,
          %parallel_loop3A_402 = arith.index_cast %parallel_loop3A_337 : i32 to index
          %parallel_loop3A_403 = arith.constant 32 : index
          %parallel_loop3A_404 = tpu.vector_load %arg11[%parallel_loop3A_402, %parallel_loop3A_403] {strides = array<i32>} : memref<64x128xf32, #tpu.memory_space<vmem>>, vector<1x16xf32>,
          %parallel_loop3A_405 = vector.shape_cast %parallel_loop3A_404 : vector<1x16xf32> to vector<16xf32>
          %parallel_loop3A_406 = arith.mulf %parallel_loop3A_351, %get3A_24 : vector<16xf32>
          %parallel_loop3A_407 = arith.addf %parallel_loop3A_405, %parallel_loop3A_406 : vector<16xf32>
          %parallel_loop3A_408 = arith.mulf %parallel_loop3A_358, %get3A_48 : vector<16xf32>
          %parallel_loop3A_409 = arith.addf %parallel_loop3A_407, %parallel_loop3A_408 : vector<16xf32>
          %parallel_loop3A_410 = arith.mulf %parallel_loop3A_365, %get3A_72 : vector<16xf32>
          %parallel_loop3A_411 = arith.addf %parallel_loop3A_409, %parallel_loop3A_410 : vector<16xf32>
          %parallel_loop3A_412 = arith.constant 0.000000e+00 : f32
          %parallel_loop3A_413 = vector.broadcast %parallel_loop3A_412 : f32 to vector<16xf32>
          %parallel_loop3A_414 = arith.maximumf %parallel_loop3A_411, %parallel_loop3A_413 : vector<16xf32>
          %parallel_loop3A_415 = arith.index_cast %parallel_loop3A_337 : i32 to index
          %parallel_loop3A_416 = arith.constant 32 : index
          %parallel_loop3A_417 = tpu.vector_load %arg13[%parallel_loop3A_415, %parallel_loop3A_416] {strides = array<i32>} : memref<64x128xf32, #tpu.memory_space<vmem>>, vector<1x16xf32>,
          %parallel_loop3A_418 = vector.shape_cast %parallel_loop3A_417 : vector<1x16xf32> to vector<16xf32>
          %parallel_loop3A_419 = vector.shape_cast %parallel_loop3A_414 : vector<16xf32> to vector<1x16xf32>
          tpu.vector_store %arg13[%parallel_loop3A_415, %parallel_loop3A_416], %parallel_loop3A_419 {strides = array<i32>} : memref<64x128xf32, #tpu.memory_space<vmem>>, vector<1x16xf32>,
          %parallel_loop3A_420 = arith.index_cast %parallel_loop3A_337 : i32 to index
          %parallel_loop3A_421 = arith.constant 48 : index
          %parallel_loop3A_422 = tpu.vector_load %arg11[%parallel_loop3A_420, %parallel_loop3A_421] {strides = array<i32>} : memref<64x128xf32, #tpu.memory_space<vmem>>, vector<1x16xf32>,
          %parallel_loop3A_423 = vector.shape_cast %parallel_loop3A_422 : vector<1x16xf32> to vector<16xf32>
          %parallel_loop3A_424 = arith.mulf %parallel_loop3A_351, %get3A_27 : vector<16xf32>
          %parallel_loop3A_425 = arith.addf %parallel_loop3A_423, %parallel_loop3A_424 : vector<16xf32>
          %parallel_loop3A_426 = arith.mulf %parallel_loop3A_358, %get3A_51 : vector<16xf32>
          %parallel_loop3A_427 = arith.addf %parallel_loop3A_425, %parallel_loop3A_426 : vector<16xf32>
          %parallel_loop3A_428 = arith.mulf %parallel_loop3A_365, %get3A_75 : vector<16xf32>
          %parallel_loop3A_429 = arith.addf %parallel_loop3A_427, %parallel_loop3A_428 : vector<16xf32>
          %parallel_loop3A_430 = arith.constant 0.000000e+00 : f32
          %parallel_loop3A_431 = vector.broadcast %parallel_loop3A_430 : f32 to vector<16xf32>
          %parallel_loop3A_432 = arith.maximumf %parallel_loop3A_429, %parallel_loop3A_431 : vector<16xf32>
          %parallel_loop3A_433 = arith.index_cast %parallel_loop3A_337 : i32 to index
          %parallel_loop3A_434 = arith.constant 48 : index
          %parallel_loop3A_435 = tpu.vector_load %arg13[%parallel_loop3A_433, %parallel_loop3A_434] {strides = array<i32>} : memref<64x128xf32, #tpu.memory_space<vmem>>, vector<1x16xf32>,
          %parallel_loop3A_436 = vector.shape_cast %parallel_loop3A_435 : vector<1x16xf32> to vector<16xf32>
          %parallel_loop3A_437 = vector.shape_cast %parallel_loop3A_432 : vector<16xf32> to vector<1x16xf32>
          tpu.vector_store %arg13[%parallel_loop3A_433, %parallel_loop3A_434], %parallel_loop3A_437 {strides = array<i32>} : memref<64x128xf32, #tpu.memory_space<vmem>>, vector<1x16xf32>,
          %parallel_loop3A_438 = arith.index_cast %parallel_loop3A_337 : i32 to index
          %parallel_loop3A_439 = arith.constant 64 : index
          %parallel_loop3A_440 = tpu.vector_load %arg11[%parallel_loop3A_438, %parallel_loop3A_439] {strides = array<i32>} : memref<64x128xf32, #tpu.memory_space<vmem>>, vector<1x16xf32>,
          %parallel_loop3A_441 = vector.shape_cast %parallel_loop3A_440 : vector<1x16xf32> to vector<16xf32>
          %parallel_loop3A_442 = arith.mulf %parallel_loop3A_351, %get3A_30 : vector<16xf32>
          %parallel_loop3A_443 = arith.addf %parallel_loop3A_441, %parallel_loop3A_442 : vector<16xf32>
          %parallel_loop3A_444 = arith.mulf %parallel_loop3A_358, %get3A_54 : vector<16xf32>
          %parallel_loop3A_445 = arith.addf %parallel_loop3A_443, %parallel_loop3A_444 : vector<16xf32>
          %parallel_loop3A_446 = arith.mulf %parallel_loop3A_365, %get3A_78 : vector<16xf32>
          %parallel_loop3A_447 = arith.addf %parallel_loop3A_445, %parallel_loop3A_446 : vector<16xf32>
          %parallel_loop3A_448 = arith.constant 0.000000e+00 : f32
          %parallel_loop3A_449 = vector.broadcast %parallel_loop3A_448 : f32 to vector<16xf32>
          %parallel_loop3A_450 = arith.maximumf %parallel_loop3A_447, %parallel_loop3A_449 : vector<16xf32>
          %parallel_loop3A_451 = arith.index_cast %parallel_loop3A_337 : i32 to index
          %parallel_loop3A_452 = arith.constant 64 : index
          %parallel_loop3A_453 = tpu.vector_load %arg13[%parallel_loop3A_451, %parallel_loop3A_452] {strides = array<i32>} : memref<64x128xf32, #tpu.memory_space<vmem>>, vector<1x16xf32>,
          %parallel_loop3A_454 = vector.shape_cast %parallel_loop3A_453 : vector<1x16xf32> to vector<16xf32>
          %parallel_loop3A_455 = vector.shape_cast %parallel_loop3A_450 : vector<16xf32> to vector<1x16xf32>
          tpu.vector_store %arg13[%parallel_loop3A_451, %parallel_loop3A_452], %parallel_loop3A_455 {strides = array<i32>} : memref<64x128xf32, #tpu.memory_space<vmem>>, vector<1x16xf32>,
          %parallel_loop3A_456 = arith.index_cast %parallel_loop3A_337 : i32 to index
          %parallel_loop3A_457 = arith.constant 80 : index
          %parallel_loop3A_458 = tpu.vector_load %arg11[%parallel_loop3A_456, %parallel_loop3A_457] {strides = array<i32>} : memref<64x128xf32, #tpu.memory_space<vmem>>, vector<1x16xf32>,
          %parallel_loop3A_459 = vector.shape_cast %parallel_loop3A_458 : vector<1x16xf32> to vector<16xf32>
          %parallel_loop3A_460 = arith.mulf %parallel_loop3A_351, %get3A_33 : vector<16xf32>
          %parallel_loop3A_461 = arith.addf %parallel_loop3A_459, %parallel_loop3A_460 : vector<16xf32>
          %parallel_loop3A_462 = arith.mulf %parallel_loop3A_358, %get3A_57 : vector<16xf32>
          %parallel_loop3A_463 = arith.addf %parallel_loop3A_461, %parallel_loop3A_462 : vector<16xf32>
          %parallel_loop3A_464 = arith.mulf %parallel_loop3A_365, %get3A_81 : vector<16xf32>
          %parallel_loop3A_465 = arith.addf %parallel_loop3A_463, %parallel_loop3A_464 : vector<16xf32>
          %parallel_loop3A_466 = arith.constant 0.000000e+00 : f32
          %parallel_loop3A_467 = vector.broadcast %parallel_loop3A_466 : f32 to vector<16xf32>
          %parallel_loop3A_468 = arith.maximumf %parallel_loop3A_465, %parallel_loop3A_467 : vector<16xf32>
          %parallel_loop3A_469 = arith.index_cast %parallel_loop3A_337 : i32 to index
          %parallel_loop3A_470 = arith.constant 80 : index
          %parallel_loop3A_471 = tpu.vector_load %arg13[%parallel_loop3A_469, %parallel_loop3A_470] {strides = array<i32>} : memref<64x128xf32, #tpu.memory_space<vmem>>, vector<1x16xf32>,
          %parallel_loop3A_472 = vector.shape_cast %parallel_loop3A_471 : vector<1x16xf32> to vector<16xf32>
          %parallel_loop3A_473 = vector.shape_cast %parallel_loop3A_468 : vector<16xf32> to vector<1x16xf32>
          tpu.vector_store %arg13[%parallel_loop3A_469, %parallel_loop3A_470], %parallel_loop3A_473 {strides = array<i32>} : memref<64x128xf32, #tpu.memory_space<vmem>>, vector<1x16xf32>,
          %parallel_loop3A_474 = arith.index_cast %parallel_loop3A_337 : i32 to index
          %parallel_loop3A_475 = arith.constant 96 : index
          %parallel_loop3A_476 = tpu.vector_load %arg11[%parallel_loop3A_474, %parallel_loop3A_475] {strides = array<i32>} : memref<64x128xf32, #tpu.memory_space<vmem>>, vector<1x16xf32>,
          %parallel_loop3A_477 = vector.shape_cast %parallel_loop3A_476 : vector<1x16xf32> to vector<16xf32>
          %parallel_loop3A_478 = arith.mulf %parallel_loop3A_351, %get3A_36 : vector<16xf32>
          %parallel_loop3A_479 = arith.addf %parallel_loop3A_477, %parallel_loop3A_478 : vector<16xf32>
          %parallel_loop3A_480 = arith.mulf %parallel_loop3A_358, %get3A_60 : vector<16xf32>
          %parallel_loop3A_481 = arith.addf %parallel_loop3A_479, %parallel_loop3A_480 : vector<16xf32>
          %parallel_loop3A_482 = arith.mulf %parallel_loop3A_365, %get3A_84 : vector<16xf32>
          %parallel_loop3A_483 = arith.addf %parallel_loop3A_481, %parallel_loop3A_482 : vector<16xf32>
          %parallel_loop3A_484 = arith.constant 0.000000e+00 : f32
          %parallel_loop3A_485 = vector.broadcast %parallel_loop3A_484 : f32 to vector<16xf32>
          %parallel_loop3A_486 = arith.maximumf %parallel_loop3A_483, %parallel_loop3A_485 : vector<16xf32>
          %parallel_loop3A_487 = arith.index_cast %parallel_loop3A_337 : i32 to index
          %parallel_loop3A_488 = arith.constant 96 : index
          %parallel_loop3A_489 = tpu.vector_load %arg13[%parallel_loop3A_487, %parallel_loop3A_488] {strides = array<i32>} : memref<64x128xf32, #tpu.memory_space<vmem>>, vector<1x16xf32>,
          %parallel_loop3A_490 = vector.shape_cast %parallel_loop3A_489 : vector<1x16xf32> to vector<16xf32>
          %parallel_loop3A_491 = vector.shape_cast %parallel_loop3A_486 : vector<16xf32> to vector<1x16xf32>
          tpu.vector_store %arg13[%parallel_loop3A_487, %parallel_loop3A_488], %parallel_loop3A_491 {strides = array<i32>} : memref<64x128xf32, #tpu.memory_space<vmem>>, vector<1x16xf32>,
          %parallel_loop3A_492 = arith.index_cast %parallel_loop3A_337 : i32 to index
          %parallel_loop3A_493 = arith.constant 112 : index
          %parallel_loop3A_494 = tpu.vector_load %arg11[%parallel_loop3A_492, %parallel_loop3A_493] {strides = array<i32>} : memref<64x128xf32, #tpu.memory_space<vmem>>, vector<1x16xf32>,
          %parallel_loop3A_495 = vector.shape_cast %parallel_loop3A_494 : vector<1x16xf32> to vector<16xf32>
          %parallel_loop3A_496 = arith.mulf %parallel_loop3A_351, %get3A_39 : vector<16xf32>
          %parallel_loop3A_497 = arith.addf %parallel_loop3A_495, %parallel_loop3A_496 : vector<16xf32>
          %parallel_loop3A_498 = arith.mulf %parallel_loop3A_358, %get3A_63 : vector<16xf32>
          %parallel_loop3A_499 = arith.addf %parallel_loop3A_497, %parallel_loop3A_498 : vector<16xf32>
          %parallel_loop3A_500 = arith.mulf %parallel_loop3A_365, %get3A_87 : vector<16xf32>
          %parallel_loop3A_501 = arith.addf %parallel_loop3A_499, %parallel_loop3A_500 : vector<16xf32>
          %parallel_loop3A_502 = arith.constant 0.000000e+00 : f32
          %parallel_loop3A_503 = vector.broadcast %parallel_loop3A_502 : f32 to vector<16xf32>
          %parallel_loop3A_504 = arith.maximumf %parallel_loop3A_501, %parallel_loop3A_503 : vector<16xf32>
          %parallel_loop3A_505 = arith.index_cast %parallel_loop3A_337 : i32 to index
          %parallel_loop3A_506 = arith.constant 112 : index
          %parallel_loop3A_507 = tpu.vector_load %arg13[%parallel_loop3A_505, %parallel_loop3A_506] {strides = array<i32>} : memref<64x128xf32, #tpu.memory_space<vmem>>, vector<1x16xf32>,
          %parallel_loop3A_508 = vector.shape_cast %parallel_loop3A_507 : vector<1x16xf32> to vector<16xf32>
          %parallel_loop3A_509 = vector.shape_cast %parallel_loop3A_504 : vector<16xf32> to vector<1x16xf32>
          tpu.vector_store %arg13[%parallel_loop3A_505, %parallel_loop3A_506], %parallel_loop3A_509 {strides = array<i32>} : memref<64x128xf32, #tpu.memory_space<vmem>>, vector<1x16xf32>,
        } {sc.loop_unroll_factor = 4 : i64, sc.parallel_access}
        %mul3A_330 = arith.constant 64 : i32
        %mul3A_331 = arith.muli %add3A_295, %mul3A_330 : i32
        %dma_start3A_332 = tpu.memref_slice %arg9[%mul3A_331] : memref<5120xi32, #tpu.memory_space<vmem>> -> memref<64xi32, #tpu.memory_space<vmem>>
        %dma_start3A_333 = arith.constant 0 : i32
        %dma_start3A_334 = arith.constant 0 : i32
        %dma_start3A_335 = tpu.memref_slice %arg20[%dma_start3A_333, %dma_start3A_334] : memref<10112x128xf32, #tpu.memory_space<vmem_shared>> -> memref<10112x128xf32, #tpu.memory_space<vmem_shared>>
        tpu.enqueue_indirect_dma source(%arg13 : memref<64x128xf32, #tpu.memory_space<vmem>>) target(%dma_start3A_335 : memref<10112x128xf32, #tpu.memory_space<vmem_shared>>) offsets(%dma_start3A_332 : memref<64xi32, #tpu.memory_space<vmem>>) semaphore(%arg18 : memref<!tpu.dma_semaphore, #tpu.memory_space<semaphore_mem>>) {add = true}
        %while3A_336 = arith.constant 0 : i32
        scf.yield %while3A_336 : i32
      }
      %dma_wait3A = arith.constant 0 : i32
      %dma_wait3A_176 = arith.constant 0 : i32
      %dma_wait3A_177 = tpu.memref_slice %arg2[%scan3A_13, %dma_wait3A, %dma_wait3A_176] : memref<4x10000x128xf32, #tpu.memory_space<hbm>> -> memref<1x10000x128xf32, #tpu.memory_space<hbm>>
      %dma_wait3A_178 = tpu.memref_squeeze %dma_wait3A_177 : memref<1x10000x128xf32, #tpu.memory_space<hbm>> -> memref<10000x128xf32, #tpu.memory_space<hbm>>
      %dma_wait3A_179 = arith.constant 0 : i32
      %dma_wait3A_180 = arith.constant 0 : i32
      %dma_wait3A_181 = tpu.memref_slice %dma_wait3A_178[%dma_wait3A_179, %dma_wait3A_180] : memref<10000x128xf32, #tpu.memory_space<hbm>> -> memref<64x128xf32, #tpu.memory_space<hbm>>
      %dma_wait3A_182 = arith.constant 0 : i32
      %dma_wait3A_183 = arith.constant 0 : i32
      %dma_wait3A_184 = tpu.memref_slice %arg2[%scan3A_13, %dma_wait3A_182, %dma_wait3A_183] : memref<4x10000x128xf32, #tpu.memory_space<hbm>> -> memref<1x10000x128xf32, #tpu.memory_space<hbm>>
      %dma_wait3A_185 = tpu.memref_squeeze %dma_wait3A_184 : memref<1x10000x128xf32, #tpu.memory_space<hbm>> -> memref<10000x128xf32, #tpu.memory_space<hbm>>
      %dma_wait3A_186 = arith.constant 0 : i32
      %dma_wait3A_187 = arith.constant 0 : i32
      %dma_wait3A_188 = tpu.memref_slice %dma_wait3A_185[%dma_wait3A_186, %dma_wait3A_187] : memref<10000x128xf32, #tpu.memory_space<hbm>> -> memref<64x128xf32, #tpu.memory_space<hbm>>
      tpu.wait_dma2 semaphore(%arg18 : memref<!tpu.dma_semaphore, #tpu.memory_space<semaphore_mem>>) src(%dma_wait3A_188 : memref<64x128xf32, #tpu.memory_space<hbm>>) dst(%arg12 : memref<64x128xf32, #tpu.memory_space<vmem>>)
      %dma_wait3A_189 = arith.constant 0 : i32
      %dma_wait3A_190 = arith.constant 0 : i32
      %dma_wait3A_191 = tpu.memref_slice %arg2[%scan3A_13, %dma_wait3A_189, %dma_wait3A_190] : memref<4x10000x128xf32, #tpu.memory_space<hbm>> -> memref<1x10000x128xf32, #tpu.memory_space<hbm>>
      %dma_wait3A_192 = tpu.memref_squeeze %dma_wait3A_191 : memref<1x10000x128xf32, #tpu.memory_space<hbm>> -> memref<10000x128xf32, #tpu.memory_space<hbm>>
      %dma_wait3A_193 = arith.constant 0 : i32
      %dma_wait3A_194 = arith.constant 0 : i32
      %dma_wait3A_195 = tpu.memref_slice %dma_wait3A_192[%dma_wait3A_193, %dma_wait3A_194] : memref<10000x128xf32, #tpu.memory_space<hbm>> -> memref<64x128xf32, #tpu.memory_space<hbm>>
      %dma_wait3A_196 = arith.constant 0 : i32
      %dma_wait3A_197 = arith.constant 0 : i32
      %dma_wait3A_198 = tpu.memref_slice %arg2[%scan3A_13, %dma_wait3A_196, %dma_wait3A_197] : memref<4x10000x128xf32, #tpu.memory_space<hbm>> -> memref<1x10000x128xf32, #tpu.memory_space<hbm>>
      %dma_wait3A_199 = tpu.memref_squeeze %dma_wait3A_198 : memref<1x10000x128xf32, #tpu.memory_space<hbm>> -> memref<10000x128xf32, #tpu.memory_space<hbm>>
      %dma_wait3A_200 = arith.constant 0 : i32
      %dma_wait3A_201 = arith.constant 0 : i32
      %dma_wait3A_202 = tpu.memref_slice %dma_wait3A_199[%dma_wait3A_200, %dma_wait3A_201] : memref<10000x128xf32, #tpu.memory_space<hbm>> -> memref<64x128xf32, #tpu.memory_space<hbm>>
      tpu.wait_dma2 semaphore(%arg18 : memref<!tpu.dma_semaphore, #tpu.memory_space<semaphore_mem>>) src(%dma_wait3A_202 : memref<64x128xf32, #tpu.memory_space<hbm>>) dst(%arg13 : memref<64x128xf32, #tpu.memory_space<vmem>>)
      %barrier3A_203 = arith.constant 0 : index
      tpu.barrier barrier_id(%barrier3A_203)
      %mul3A_204 = arith.constant 2 : i32
      %mul3A_205 = arith.muli %scan3A_13, %mul3A_204 : i32
      %add3A_206 = arith.addi %mul3A_205, %arg0 : i32
      %mul3A_207 = arith.constant 632 : i32
      %mul3A_208 = arith.muli %arg1, %mul3A_207 : i32
      %add3A_209 = arith.constant 0 : i32
      %add3A_210 = arith.addi %mul3A_208, %add3A_209 : i32
      "tpu.region"() ({
        %run_scoped3A = tpu.sem_alloc : memref<!tpu.dma_semaphore, #tpu.memory_space<semaphore_mem>>
        %dma_start3A_251 = arith.constant 0 : i32
        %dma_start3A_252 = arith.constant 0 : i32
        %dma_start3A_253 = tpu.memref_slice %arg10[%dma_start3A_251, %dma_start3A_252] : memref<64x128xf32, #tpu.memory_space<vmem>> -> memref<64x128xf32, #tpu.memory_space<vmem>>
        %dma_start3A_254 = arith.constant 0 : i32
        %dma_start3A_255 = tpu.memref_slice %arg20[%add3A_210, %dma_start3A_254] : memref<10112x128xf32, #tpu.memory_space<vmem_shared>> -> memref<64x128xf32, #tpu.memory_space<vmem_shared>>
        %dma_start3A_256 = arith.constant 0 : i32
        %dma_start3A_257 = arith.constant 0 : i32
        %dma_start3A_258 = tpu.memref_slice %arg10[%dma_start3A_256, %dma_start3A_257] : memref<64x128xf32, #tpu.memory_space<vmem>> -> memref<64x128xf32, #tpu.memory_space<vmem>>
        %dma_start3A_259 = arith.constant 0 : i32
        %dma_start3A_260 = tpu.memref_slice %arg20[%add3A_210, %dma_start3A_259] : memref<10112x128xf32, #tpu.memory_space<vmem_shared>> -> memref<64x128xf32, #tpu.memory_space<vmem_shared>>
        tpu.enqueue_dma source(%dma_start3A_260 : memref<64x128xf32, #tpu.memory_space<vmem_shared>>) target(%dma_start3A_258 : memref<64x128xf32, #tpu.memory_space<vmem>>) target_semaphore(%run_scoped3A : memref<!tpu.dma_semaphore, #tpu.memory_space<semaphore_mem>>)
        %dma_wait3A_261 = arith.constant 0 : i32
        %dma_wait3A_262 = arith.constant 0 : i32
        %dma_wait3A_263 = tpu.memref_slice %arg10[%dma_wait3A_261, %dma_wait3A_262] : memref<64x128xf32, #tpu.memory_space<vmem>> -> memref<64x128xf32, #tpu.memory_space<vmem>>
        %dma_wait3A_264 = arith.constant 0 : i32
        %dma_wait3A_265 = tpu.memref_slice %arg20[%add3A_210, %dma_wait3A_264] : memref<10112x128xf32, #tpu.memory_space<vmem_shared>> -> memref<64x128xf32, #tpu.memory_space<vmem_shared>>
        %dma_wait3A_266 = arith.constant 0 : i32
        %dma_wait3A_267 = arith.constant 0 : i32
        %dma_wait3A_268 = tpu.memref_slice %arg10[%dma_wait3A_266, %dma_wait3A_267] : memref<64x128xf32, #tpu.memory_space<vmem>> -> memref<64x128xf32, #tpu.memory_space<vmem>>
        %dma_wait3A_269 = arith.constant 0 : i32
        %dma_wait3A_270 = tpu.memref_slice %arg20[%add3A_210, %dma_wait3A_269] : memref<10112x128xf32, #tpu.memory_space<vmem_shared>> -> memref<64x128xf32, #tpu.memory_space<vmem_shared>>
        tpu.wait_dma2 semaphore(%run_scoped3A : memref<!tpu.dma_semaphore, #tpu.memory_space<semaphore_mem>>) src(%dma_wait3A_270 : memref<64x128xf32, #tpu.memory_space<vmem_shared>>) dst(%dma_wait3A_268 : memref<64x128xf32, #tpu.memory_space<vmem>>)
        tpu.yield
      }) : () -> ()
      %add3A_211 = arith.constant 0 : i32
      %add3A_212 = arith.addi %mul3A_208, %add3A_211 : i32
      "tpu.region"() ({
        %run_scoped3A = tpu.sem_alloc : memref<!tpu.dma_semaphore, #tpu.memory_space<semaphore_mem>>
        %dma_start3A_251 = arith.constant 0 : i32
        %dma_start3A_252 = arith.constant 0 : i32
        %dma_start3A_253 = tpu.memref_slice %arg10[%dma_start3A_251, %dma_start3A_252] : memref<64x128xf32, #tpu.memory_space<vmem>> -> memref<64x128xf32, #tpu.memory_space<vmem>>
        %dma_start3A_254 = arith.constant 0 : i32
        %dma_start3A_255 = tpu.memref_slice %arg7[%add3A_206, %add3A_212, %dma_start3A_254] : memref<8x10112x128xf32, #tpu.memory_space<hbm>> -> memref<1x64x128xf32, #tpu.memory_space<hbm>>
        %dma_start3A_256 = tpu.memref_squeeze %dma_start3A_255 : memref<1x64x128xf32, #tpu.memory_space<hbm>> -> memref<64x128xf32, #tpu.memory_space<hbm>>
        %dma_start3A_257 = arith.constant 0 : i32
        %dma_start3A_258 = tpu.memref_slice %arg7[%add3A_206, %add3A_212, %dma_start3A_257] : memref<8x10112x128xf32, #tpu.memory_space<hbm>> -> memref<1x64x128xf32, #tpu.memory_space<hbm>>
        %dma_start3A_259 = tpu.memref_squeeze %dma_start3A_258 : memref<1x64x128xf32, #tpu.memory_space<hbm>> -> memref<64x128xf32, #tpu.memory_space<hbm>>
        %dma_start3A_260 = arith.constant 0 : i32
        %dma_start3A_261 = arith.constant 0 : i32
        %dma_start3A_262 = tpu.memref_slice %arg10[%dma_start3A_260, %dma_start3A_261] : memref<64x128xf32, #tpu.memory_space<vmem>> -> memref<64x128xf32, #tpu.memory_space<vmem>>
        tpu.enqueue_dma source(%dma_start3A_262 : memref<64x128xf32, #tpu.memory_space<vmem>>) target(%dma_start3A_259 : memref<64x128xf32, #tpu.memory_space<hbm>>) target_semaphore(%run_scoped3A : memref<!tpu.dma_semaphore, #tpu.memory_space<semaphore_mem>>)
        %dma_wait3A_263 = arith.constant 0 : i32
        %dma_wait3A_264 = arith.constant 0 : i32
        %dma_wait3A_265 = tpu.memref_slice %arg10[%dma_wait3A_263, %dma_wait3A_264] : memref<64x128xf32, #tpu.memory_space<vmem>> -> memref<64x128xf32, #tpu.memory_space<vmem>>
        %dma_wait3A_266 = arith.constant 0 : i32
        %dma_wait3A_267 = tpu.memref_slice %arg7[%add3A_206, %add3A_212, %dma_wait3A_266] : memref<8x10112x128xf32, #tpu.memory_space<hbm>> -> memref<1x64x128xf32, #tpu.memory_space<hbm>>
        %dma_wait3A_268 = tpu.memref_squeeze %dma_wait3A_267 : memref<1x64x128xf32, #tpu.memory_space<hbm>> -> memref<64x128xf32, #tpu.memory_space<hbm>>
        %dma_wait3A_269 = arith.constant 0 : i32
        %dma_wait3A_270 = tpu.memref_slice %arg7[%add3A_206, %add3A_212, %dma_wait3A_269] : memref<8x10112x128xf32, #tpu.memory_space<hbm>> -> memref<1x64x128xf32, #tpu.memory_space<hbm>>
        %dma_wait3A_271 = tpu.memref_squeeze %dma_wait3A_270 : memref<1x64x128xf32, #tpu.memory_space<hbm>> -> memref<64x128xf32, #tpu.memory_space<hbm>>
        %dma_wait3A_272 = arith.constant 0 : i32
        %dma_wait3A_273 = arith.constant 0 : i32
        %dma_wait3A_274 = tpu.memref_slice %arg10[%dma_wait3A_272, %dma_wait3A_273] : memref<64x128xf32, #tpu.memory_space<vmem>> -> memref<64x128xf32, #tpu.memory_space<vmem>>
        tpu.wait_dma2 semaphore(%run_scoped3A : memref<!tpu.dma_semaphore, #tpu.memory_space<semaphore_mem>>) src(%dma_wait3A_274 : memref<64x128xf32, #tpu.memory_space<vmem>>) dst(%dma_wait3A_271 : memref<64x128xf32, #tpu.memory_space<hbm>>)
        tpu.yield
      }) : () -> ()
      %add3A_213 = arith.constant 64 : i32
      %add3A_214 = arith.addi %mul3A_208, %add3A_213 : i32
      "tpu.region"() ({
        %run_scoped3A = tpu.sem_alloc : memref<!tpu.dma_semaphore, #tpu.memory_space<semaphore_mem>>
        %dma_start3A_251 = arith.constant 0 : i32
        %dma_start3A_252 = arith.constant 0 : i32
        %dma_start3A_253 = tpu.memref_slice %arg10[%dma_start3A_251, %dma_start3A_252] : memref<64x128xf32, #tpu.memory_space<vmem>> -> memref<64x128xf32, #tpu.memory_space<vmem>>
        %dma_start3A_254 = arith.constant 0 : i32
        %dma_start3A_255 = tpu.memref_slice %arg20[%add3A_214, %dma_start3A_254] : memref<10112x128xf32, #tpu.memory_space<vmem_shared>> -> memref<64x128xf32, #tpu.memory_space<vmem_shared>>
        %dma_start3A_256 = arith.constant 0 : i32
        %dma_start3A_257 = arith.constant 0 : i32
        %dma_start3A_258 = tpu.memref_slice %arg10[%dma_start3A_256, %dma_start3A_257] : memref<64x128xf32, #tpu.memory_space<vmem>> -> memref<64x128xf32, #tpu.memory_space<vmem>>
        %dma_start3A_259 = arith.constant 0 : i32
        %dma_start3A_260 = tpu.memref_slice %arg20[%add3A_214, %dma_start3A_259] : memref<10112x128xf32, #tpu.memory_space<vmem_shared>> -> memref<64x128xf32, #tpu.memory_space<vmem_shared>>
        tpu.enqueue_dma source(%dma_start3A_260 : memref<64x128xf32, #tpu.memory_space<vmem_shared>>) target(%dma_start3A_258 : memref<64x128xf32, #tpu.memory_space<vmem>>) target_semaphore(%run_scoped3A : memref<!tpu.dma_semaphore, #tpu.memory_space<semaphore_mem>>)
        %dma_wait3A_261 = arith.constant 0 : i32
        %dma_wait3A_262 = arith.constant 0 : i32
        %dma_wait3A_263 = tpu.memref_slice %arg10[%dma_wait3A_261, %dma_wait3A_262] : memref<64x128xf32, #tpu.memory_space<vmem>> -> memref<64x128xf32, #tpu.memory_space<vmem>>
        %dma_wait3A_264 = arith.constant 0 : i32
        %dma_wait3A_265 = tpu.memref_slice %arg20[%add3A_214, %dma_wait3A_264] : memref<10112x128xf32, #tpu.memory_space<vmem_shared>> -> memref<64x128xf32, #tpu.memory_space<vmem_shared>>
        %dma_wait3A_266 = arith.constant 0 : i32
        %dma_wait3A_267 = arith.constant 0 : i32
        %dma_wait3A_268 = tpu.memref_slice %arg10[%dma_wait3A_266, %dma_wait3A_267] : memref<64x128xf32, #tpu.memory_space<vmem>> -> memref<64x128xf32, #tpu.memory_space<vmem>>
        %dma_wait3A_269 = arith.constant 0 : i32
        %dma_wait3A_270 = tpu.memref_slice %arg20[%add3A_214, %dma_wait3A_269] : memref<10112x128xf32, #tpu.memory_space<vmem_shared>> -> memref<64x128xf32, #tpu.memory_space<vmem_shared>>
        tpu.wait_dma2 semaphore(%run_scoped3A : memref<!tpu.dma_semaphore, #tpu.memory_space<semaphore_mem>>) src(%dma_wait3A_270 : memref<64x128xf32, #tpu.memory_space<vmem_shared>>) dst(%dma_wait3A_268 : memref<64x128xf32, #tpu.memory_space<vmem>>)
        tpu.yield
      }) : () -> ()
      %add3A_215 = arith.constant 64 : i32
      %add3A_216 = arith.addi %mul3A_208, %add3A_215 : i32
      "tpu.region"() ({
        %run_scoped3A = tpu.sem_alloc : memref<!tpu.dma_semaphore, #tpu.memory_space<semaphore_mem>>
        %dma_start3A_251 = arith.constant 0 : i32
        %dma_start3A_252 = arith.constant 0 : i32
        %dma_start3A_253 = tpu.memref_slice %arg10[%dma_start3A_251, %dma_start3A_252] : memref<64x128xf32, #tpu.memory_space<vmem>> -> memref<64x128xf32, #tpu.memory_space<vmem>>
        %dma_start3A_254 = arith.constant 0 : i32
        %dma_start3A_255 = tpu.memref_slice %arg7[%add3A_206, %add3A_216, %dma_start3A_254] : memref<8x10112x128xf32, #tpu.memory_space<hbm>> -> memref<1x64x128xf32, #tpu.memory_space<hbm>>
        %dma_start3A_256 = tpu.memref_squeeze %dma_start3A_255 : memref<1x64x128xf32, #tpu.memory_space<hbm>> -> memref<64x128xf32, #tpu.memory_space<hbm>>
        %dma_start3A_257 = arith.constant 0 : i32
        %dma_start3A_258 = tpu.memref_slice %arg7[%add3A_206, %add3A_216, %dma_start3A_257] : memref<8x10112x128xf32, #tpu.memory_space<hbm>> -> memref<1x64x128xf32, #tpu.memory_space<hbm>>
        %dma_start3A_259 = tpu.memref_squeeze %dma_start3A_258 : memref<1x64x128xf32, #tpu.memory_space<hbm>> -> memref<64x128xf32, #tpu.memory_space<hbm>>
        %dma_start3A_260 = arith.constant 0 : i32
        %dma_start3A_261 = arith.constant 0 : i32
        %dma_start3A_262 = tpu.memref_slice %arg10[%dma_start3A_260, %dma_start3A_261] : memref<64x128xf32, #tpu.memory_space<vmem>> -> memref<64x128xf32, #tpu.memory_space<vmem>>
        tpu.enqueue_dma source(%dma_start3A_262 : memref<64x128xf32, #tpu.memory_space<vmem>>) target(%dma_start3A_259 : memref<64x128xf32, #tpu.memory_space<hbm>>) target_semaphore(%run_scoped3A : memref<!tpu.dma_semaphore, #tpu.memory_space<semaphore_mem>>)
        %dma_wait3A_263 = arith.constant 0 : i32
        %dma_wait3A_264 = arith.constant 0 : i32
        %dma_wait3A_265 = tpu.memref_slice %arg10[%dma_wait3A_263, %dma_wait3A_264] : memref<64x128xf32, #tpu.memory_space<vmem>> -> memref<64x128xf32, #tpu.memory_space<vmem>>
        %dma_wait3A_266 = arith.constant 0 : i32
        %dma_wait3A_267 = tpu.memref_slice %arg7[%add3A_206, %add3A_216, %dma_wait3A_266] : memref<8x10112x128xf32, #tpu.memory_space<hbm>> -> memref<1x64x128xf32, #tpu.memory_space<hbm>>
        %dma_wait3A_268 = tpu.memref_squeeze %dma_wait3A_267 : memref<1x64x128xf32, #tpu.memory_space<hbm>> -> memref<64x128xf32, #tpu.memory_space<hbm>>
        %dma_wait3A_269 = arith.constant 0 : i32
        %dma_wait3A_270 = tpu.memref_slice %arg7[%add3A_206, %add3A_216, %dma_wait3A_269] : memref<8x10112x128xf32, #tpu.memory_space<hbm>> -> memref<1x64x128xf32, #tpu.memory_space<hbm>>
        %dma_wait3A_271 = tpu.memref_squeeze %dma_wait3A_270 : memref<1x64x128xf32, #tpu.memory_space<hbm>> -> memref<64x128xf32, #tpu.memory_space<hbm>>
        %dma_wait3A_272 = arith.constant 0 : i32
        %dma_wait3A_273 = arith.constant 0 : i32
        %dma_wait3A_274 = tpu.memref_slice %arg10[%dma_wait3A_272, %dma_wait3A_273] : memref<64x128xf32, #tpu.memory_space<vmem>> -> memref<64x128xf32, #tpu.memory_space<vmem>>
        tpu.wait_dma2 semaphore(%run_scoped3A : memref<!tpu.dma_semaphore, #tpu.memory_space<semaphore_mem>>) src(%dma_wait3A_274 : memref<64x128xf32, #tpu.memory_space<vmem>>) dst(%dma_wait3A_271 : memref<64x128xf32, #tpu.memory_space<hbm>>)
        tpu.yield
      }) : () -> ()
      %add3A_217 = arith.constant 128 : i32
      %add3A_218 = arith.addi %mul3A_208, %add3A_217 : i32
      "tpu.region"() ({
        %run_scoped3A = tpu.sem_alloc : memref<!tpu.dma_semaphore, #tpu.memory_space<semaphore_mem>>
        %dma_start3A_251 = arith.constant 0 : i32
        %dma_start3A_252 = arith.constant 0 : i32
        %dma_start3A_253 = tpu.memref_slice %arg10[%dma_start3A_251, %dma_start3A_252] : memref<64x128xf32, #tpu.memory_space<vmem>> -> memref<64x128xf32, #tpu.memory_space<vmem>>
        %dma_start3A_254 = arith.constant 0 : i32
        %dma_start3A_255 = tpu.memref_slice %arg20[%add3A_218, %dma_start3A_254] : memref<10112x128xf32, #tpu.memory_space<vmem_shared>> -> memref<64x128xf32, #tpu.memory_space<vmem_shared>>
        %dma_start3A_256 = arith.constant 0 : i32
        %dma_start3A_257 = arith.constant 0 : i32
        %dma_start3A_258 = tpu.memref_slice %arg10[%dma_start3A_256, %dma_start3A_257] : memref<64x128xf32, #tpu.memory_space<vmem>> -> memref<64x128xf32, #tpu.memory_space<vmem>>
        %dma_start3A_259 = arith.constant 0 : i32
        %dma_start3A_260 = tpu.memref_slice %arg20[%add3A_218, %dma_start3A_259] : memref<10112x128xf32, #tpu.memory_space<vmem_shared>> -> memref<64x128xf32, #tpu.memory_space<vmem_shared>>
        tpu.enqueue_dma source(%dma_start3A_260 : memref<64x128xf32, #tpu.memory_space<vmem_shared>>) target(%dma_start3A_258 : memref<64x128xf32, #tpu.memory_space<vmem>>) target_semaphore(%run_scoped3A : memref<!tpu.dma_semaphore, #tpu.memory_space<semaphore_mem>>)
        %dma_wait3A_261 = arith.constant 0 : i32
        %dma_wait3A_262 = arith.constant 0 : i32
        %dma_wait3A_263 = tpu.memref_slice %arg10[%dma_wait3A_261, %dma_wait3A_262] : memref<64x128xf32, #tpu.memory_space<vmem>> -> memref<64x128xf32, #tpu.memory_space<vmem>>
        %dma_wait3A_264 = arith.constant 0 : i32
        %dma_wait3A_265 = tpu.memref_slice %arg20[%add3A_218, %dma_wait3A_264] : memref<10112x128xf32, #tpu.memory_space<vmem_shared>> -> memref<64x128xf32, #tpu.memory_space<vmem_shared>>
        %dma_wait3A_266 = arith.constant 0 : i32
        %dma_wait3A_267 = arith.constant 0 : i32
        %dma_wait3A_268 = tpu.memref_slice %arg10[%dma_wait3A_266, %dma_wait3A_267] : memref<64x128xf32, #tpu.memory_space<vmem>> -> memref<64x128xf32, #tpu.memory_space<vmem>>
        %dma_wait3A_269 = arith.constant 0 : i32
        %dma_wait3A_270 = tpu.memref_slice %arg20[%add3A_218, %dma_wait3A_269] : memref<10112x128xf32, #tpu.memory_space<vmem_shared>> -> memref<64x128xf32, #tpu.memory_space<vmem_shared>>
        tpu.wait_dma2 semaphore(%run_scoped3A : memref<!tpu.dma_semaphore, #tpu.memory_space<semaphore_mem>>) src(%dma_wait3A_270 : memref<64x128xf32, #tpu.memory_space<vmem_shared>>) dst(%dma_wait3A_268 : memref<64x128xf32, #tpu.memory_space<vmem>>)
        tpu.yield
      }) : () -> ()
      %add3A_219 = arith.constant 128 : i32
      %add3A_220 = arith.addi %mul3A_208, %add3A_219 : i32
      "tpu.region"() ({
        %run_scoped3A = tpu.sem_alloc : memref<!tpu.dma_semaphore, #tpu.memory_space<semaphore_mem>>
        %dma_start3A_251 = arith.constant 0 : i32
        %dma_start3A_252 = arith.constant 0 : i32
        %dma_start3A_253 = tpu.memref_slice %arg10[%dma_start3A_251, %dma_start3A_252] : memref<64x128xf32, #tpu.memory_space<vmem>> -> memref<64x128xf32, #tpu.memory_space<vmem>>
        %dma_start3A_254 = arith.constant 0 : i32
        %dma_start3A_255 = tpu.memref_slice %arg7[%add3A_206, %add3A_220, %dma_start3A_254] : memref<8x10112x128xf32, #tpu.memory_space<hbm>> -> memref<1x64x128xf32, #tpu.memory_space<hbm>>
        %dma_start3A_256 = tpu.memref_squeeze %dma_start3A_255 : memref<1x64x128xf32, #tpu.memory_space<hbm>> -> memref<64x128xf32, #tpu.memory_space<hbm>>
        %dma_start3A_257 = arith.constant 0 : i32
        %dma_start3A_258 = tpu.memref_slice %arg7[%add3A_206, %add3A_220, %dma_start3A_257] : memref<8x10112x128xf32, #tpu.memory_space<hbm>> -> memref<1x64x128xf32, #tpu.memory_space<hbm>>
        %dma_start3A_259 = tpu.memref_squeeze %dma_start3A_258 : memref<1x64x128xf32, #tpu.memory_space<hbm>> -> memref<64x128xf32, #tpu.memory_space<hbm>>
        %dma_start3A_260 = arith.constant 0 : i32
        %dma_start3A_261 = arith.constant 0 : i32
        %dma_start3A_262 = tpu.memref_slice %arg10[%dma_start3A_260, %dma_start3A_261] : memref<64x128xf32, #tpu.memory_space<vmem>> -> memref<64x128xf32, #tpu.memory_space<vmem>>
        tpu.enqueue_dma source(%dma_start3A_262 : memref<64x128xf32, #tpu.memory_space<vmem>>) target(%dma_start3A_259 : memref<64x128xf32, #tpu.memory_space<hbm>>) target_semaphore(%run_scoped3A : memref<!tpu.dma_semaphore, #tpu.memory_space<semaphore_mem>>)
        %dma_wait3A_263 = arith.constant 0 : i32
        %dma_wait3A_264 = arith.constant 0 : i32
        %dma_wait3A_265 = tpu.memref_slice %arg10[%dma_wait3A_263, %dma_wait3A_264] : memref<64x128xf32, #tpu.memory_space<vmem>> -> memref<64x128xf32, #tpu.memory_space<vmem>>
        %dma_wait3A_266 = arith.constant 0 : i32
        %dma_wait3A_267 = tpu.memref_slice %arg7[%add3A_206, %add3A_220, %dma_wait3A_266] : memref<8x10112x128xf32, #tpu.memory_space<hbm>> -> memref<1x64x128xf32, #tpu.memory_space<hbm>>
        %dma_wait3A_268 = tpu.memref_squeeze %dma_wait3A_267 : memref<1x64x128xf32, #tpu.memory_space<hbm>> -> memref<64x128xf32, #tpu.memory_space<hbm>>
        %dma_wait3A_269 = arith.constant 0 : i32
        %dma_wait3A_270 = tpu.memref_slice %arg7[%add3A_206, %add3A_220, %dma_wait3A_269] : memref<8x10112x128xf32, #tpu.memory_space<hbm>> -> memref<1x64x128xf32, #tpu.memory_space<hbm>>
        %dma_wait3A_271 = tpu.memref_squeeze %dma_wait3A_270 : memref<1x64x128xf32, #tpu.memory_space<hbm>> -> memref<64x128xf32, #tpu.memory_space<hbm>>
        %dma_wait3A_272 = arith.constant 0 : i32
        %dma_wait3A_273 = arith.constant 0 : i32
        %dma_wait3A_274 = tpu.memref_slice %arg10[%dma_wait3A_272, %dma_wait3A_273] : memref<64x128xf32, #tpu.memory_space<vmem>> -> memref<64x128xf32, #tpu.memory_space<vmem>>
        tpu.wait_dma2 semaphore(%run_scoped3A : memref<!tpu.dma_semaphore, #tpu.memory_space<semaphore_mem>>) src(%dma_wait3A_274 : memref<64x128xf32, #tpu.memory_space<vmem>>) dst(%dma_wait3A_271 : memref<64x128xf32, #tpu.memory_space<hbm>>)
        tpu.yield
      }) : () -> ()
      %add3A_221 = arith.constant 192 : i32
      %add3A_222 = arith.addi %mul3A_208, %add3A_221 : i32
      "tpu.region"() ({
        %run_scoped3A = tpu.sem_alloc : memref<!tpu.dma_semaphore, #tpu.memory_space<semaphore_mem>>
        %dma_start3A_251 = arith.constant 0 : i32
        %dma_start3A_252 = arith.constant 0 : i32
        %dma_start3A_253 = tpu.memref_slice %arg10[%dma_start3A_251, %dma_start3A_252] : memref<64x128xf32, #tpu.memory_space<vmem>> -> memref<64x128xf32, #tpu.memory_space<vmem>>
        %dma_start3A_254 = arith.constant 0 : i32
        %dma_start3A_255 = tpu.memref_slice %arg20[%add3A_222, %dma_start3A_254] : memref<10112x128xf32, #tpu.memory_space<vmem_shared>> -> memref<64x128xf32, #tpu.memory_space<vmem_shared>>
        %dma_start3A_256 = arith.constant 0 : i32
        %dma_start3A_257 = arith.constant 0 : i32
        %dma_start3A_258 = tpu.memref_slice %arg10[%dma_start3A_256, %dma_start3A_257] : memref<64x128xf32, #tpu.memory_space<vmem>> -> memref<64x128xf32, #tpu.memory_space<vmem>>
        %dma_start3A_259 = arith.constant 0 : i32
        %dma_start3A_260 = tpu.memref_slice %arg20[%add3A_222, %dma_start3A_259] : memref<10112x128xf32, #tpu.memory_space<vmem_shared>> -> memref<64x128xf32, #tpu.memory_space<vmem_shared>>
        tpu.enqueue_dma source(%dma_start3A_260 : memref<64x128xf32, #tpu.memory_space<vmem_shared>>) target(%dma_start3A_258 : memref<64x128xf32, #tpu.memory_space<vmem>>) target_semaphore(%run_scoped3A : memref<!tpu.dma_semaphore, #tpu.memory_space<semaphore_mem>>)
        %dma_wait3A_261 = arith.constant 0 : i32
        %dma_wait3A_262 = arith.constant 0 : i32
        %dma_wait3A_263 = tpu.memref_slice %arg10[%dma_wait3A_261, %dma_wait3A_262] : memref<64x128xf32, #tpu.memory_space<vmem>> -> memref<64x128xf32, #tpu.memory_space<vmem>>
        %dma_wait3A_264 = arith.constant 0 : i32
        %dma_wait3A_265 = tpu.memref_slice %arg20[%add3A_222, %dma_wait3A_264] : memref<10112x128xf32, #tpu.memory_space<vmem_shared>> -> memref<64x128xf32, #tpu.memory_space<vmem_shared>>
        %dma_wait3A_266 = arith.constant 0 : i32
        %dma_wait3A_267 = arith.constant 0 : i32
        %dma_wait3A_268 = tpu.memref_slice %arg10[%dma_wait3A_266, %dma_wait3A_267] : memref<64x128xf32, #tpu.memory_space<vmem>> -> memref<64x128xf32, #tpu.memory_space<vmem>>
        %dma_wait3A_269 = arith.constant 0 : i32
        %dma_wait3A_270 = tpu.memref_slice %arg20[%add3A_222, %dma_wait3A_269] : memref<10112x128xf32, #tpu.memory_space<vmem_shared>> -> memref<64x128xf32, #tpu.memory_space<vmem_shared>>
        tpu.wait_dma2 semaphore(%run_scoped3A : memref<!tpu.dma_semaphore, #tpu.memory_space<semaphore_mem>>) src(%dma_wait3A_270 : memref<64x128xf32, #tpu.memory_space<vmem_shared>>) dst(%dma_wait3A_268 : memref<64x128xf32, #tpu.memory_space<vmem>>)
        tpu.yield
      }) : () -> ()
      %add3A_223 = arith.constant 192 : i32
      %add3A_224 = arith.addi %mul3A_208, %add3A_223 : i32
      "tpu.region"() ({
        %run_scoped3A = tpu.sem_alloc : memref<!tpu.dma_semaphore, #tpu.memory_space<semaphore_mem>>
        %dma_start3A_251 = arith.constant 0 : i32
        %dma_start3A_252 = arith.constant 0 : i32
        %dma_start3A_253 = tpu.memref_slice %arg10[%dma_start3A_251, %dma_start3A_252] : memref<64x128xf32, #tpu.memory_space<vmem>> -> memref<64x128xf32, #tpu.memory_space<vmem>>
        %dma_start3A_254 = arith.constant 0 : i32
        %dma_start3A_255 = tpu.memref_slice %arg7[%add3A_206, %add3A_224, %dma_start3A_254] : memref<8x10112x128xf32, #tpu.memory_space<hbm>> -> memref<1x64x128xf32, #tpu.memory_space<hbm>>
        %dma_start3A_256 = tpu.memref_squeeze %dma_start3A_255 : memref<1x64x128xf32, #tpu.memory_space<hbm>> -> memref<64x128xf32, #tpu.memory_space<hbm>>
        %dma_start3A_257 = arith.constant 0 : i32
        %dma_start3A_258 = tpu.memref_slice %arg7[%add3A_206, %add3A_224, %dma_start3A_257] : memref<8x10112x128xf32, #tpu.memory_space<hbm>> -> memref<1x64x128xf32, #tpu.memory_space<hbm>>
        %dma_start3A_259 = tpu.memref_squeeze %dma_start3A_258 : memref<1x64x128xf32, #tpu.memory_space<hbm>> -> memref<64x128xf32, #tpu.memory_space<hbm>>
        %dma_start3A_260 = arith.constant 0 : i32
        %dma_start3A_261 = arith.constant 0 : i32
        %dma_start3A_262 = tpu.memref_slice %arg10[%dma_start3A_260, %dma_start3A_261] : memref<64x128xf32, #tpu.memory_space<vmem>> -> memref<64x128xf32, #tpu.memory_space<vmem>>
        tpu.enqueue_dma source(%dma_start3A_262 : memref<64x128xf32, #tpu.memory_space<vmem>>) target(%dma_start3A_259 : memref<64x128xf32, #tpu.memory_space<hbm>>) target_semaphore(%run_scoped3A : memref<!tpu.dma_semaphore, #tpu.memory_space<semaphore_mem>>)
        %dma_wait3A_263 = arith.constant 0 : i32
        %dma_wait3A_264 = arith.constant 0 : i32
        %dma_wait3A_265 = tpu.memref_slice %arg10[%dma_wait3A_263, %dma_wait3A_264] : memref<64x128xf32, #tpu.memory_space<vmem>> -> memref<64x128xf32, #tpu.memory_space<vmem>>
        %dma_wait3A_266 = arith.constant 0 : i32
        %dma_wait3A_267 = tpu.memref_slice %arg7[%add3A_206, %add3A_224, %dma_wait3A_266] : memref<8x10112x128xf32, #tpu.memory_space<hbm>> -> memref<1x64x128xf32, #tpu.memory_space<hbm>>
        %dma_wait3A_268 = tpu.memref_squeeze %dma_wait3A_267 : memref<1x64x128xf32, #tpu.memory_space<hbm>> -> memref<64x128xf32, #tpu.memory_space<hbm>>
        %dma_wait3A_269 = arith.constant 0 : i32
        %dma_wait3A_270 = tpu.memref_slice %arg7[%add3A_206, %add3A_224, %dma_wait3A_269] : memref<8x10112x128xf32, #tpu.memory_space<hbm>> -> memref<1x64x128xf32, #tpu.memory_space<hbm>>
        %dma_wait3A_271 = tpu.memref_squeeze %dma_wait3A_270 : memref<1x64x128xf32, #tpu.memory_space<hbm>> -> memref<64x128xf32, #tpu.memory_space<hbm>>
        %dma_wait3A_272 = arith.constant 0 : i32
        %dma_wait3A_273 = arith.constant 0 : i32
        %dma_wait3A_274 = tpu.memref_slice %arg10[%dma_wait3A_272, %dma_wait3A_273] : memref<64x128xf32, #tpu.memory_space<vmem>> -> memref<64x128xf32, #tpu.memory_space<vmem>>
        tpu.wait_dma2 semaphore(%run_scoped3A : memref<!tpu.dma_semaphore, #tpu.memory_space<semaphore_mem>>) src(%dma_wait3A_274 : memref<64x128xf32, #tpu.memory_space<vmem>>) dst(%dma_wait3A_271 : memref<64x128xf32, #tpu.memory_space<hbm>>)
        tpu.yield
      }) : () -> ()
      %add3A_225 = arith.constant 256 : i32
      %add3A_226 = arith.addi %mul3A_208, %add3A_225 : i32
      "tpu.region"() ({
        %run_scoped3A = tpu.sem_alloc : memref<!tpu.dma_semaphore, #tpu.memory_space<semaphore_mem>>
        %dma_start3A_251 = arith.constant 0 : i32
        %dma_start3A_252 = arith.constant 0 : i32
        %dma_start3A_253 = tpu.memref_slice %arg10[%dma_start3A_251, %dma_start3A_252] : memref<64x128xf32, #tpu.memory_space<vmem>> -> memref<64x128xf32, #tpu.memory_space<vmem>>
        %dma_start3A_254 = arith.constant 0 : i32
        %dma_start3A_255 = tpu.memref_slice %arg20[%add3A_226, %dma_start3A_254] : memref<10112x128xf32, #tpu.memory_space<vmem_shared>> -> memref<64x128xf32, #tpu.memory_space<vmem_shared>>
        %dma_start3A_256 = arith.constant 0 : i32
        %dma_start3A_257 = arith.constant 0 : i32
        %dma_start3A_258 = tpu.memref_slice %arg10[%dma_start3A_256, %dma_start3A_257] : memref<64x128xf32, #tpu.memory_space<vmem>> -> memref<64x128xf32, #tpu.memory_space<vmem>>
        %dma_start3A_259 = arith.constant 0 : i32
        %dma_start3A_260 = tpu.memref_slice %arg20[%add3A_226, %dma_start3A_259] : memref<10112x128xf32, #tpu.memory_space<vmem_shared>> -> memref<64x128xf32, #tpu.memory_space<vmem_shared>>
        tpu.enqueue_dma source(%dma_start3A_260 : memref<64x128xf32, #tpu.memory_space<vmem_shared>>) target(%dma_start3A_258 : memref<64x128xf32, #tpu.memory_space<vmem>>) target_semaphore(%run_scoped3A : memref<!tpu.dma_semaphore, #tpu.memory_space<semaphore_mem>>)
        %dma_wait3A_261 = arith.constant 0 : i32
        %dma_wait3A_262 = arith.constant 0 : i32
        %dma_wait3A_263 = tpu.memref_slice %arg10[%dma_wait3A_261, %dma_wait3A_262] : memref<64x128xf32, #tpu.memory_space<vmem>> -> memref<64x128xf32, #tpu.memory_space<vmem>>
        %dma_wait3A_264 = arith.constant 0 : i32
        %dma_wait3A_265 = tpu.memref_slice %arg20[%add3A_226, %dma_wait3A_264] : memref<10112x128xf32, #tpu.memory_space<vmem_shared>> -> memref<64x128xf32, #tpu.memory_space<vmem_shared>>
        %dma_wait3A_266 = arith.constant 0 : i32
        %dma_wait3A_267 = arith.constant 0 : i32
        %dma_wait3A_268 = tpu.memref_slice %arg10[%dma_wait3A_266, %dma_wait3A_267] : memref<64x128xf32, #tpu.memory_space<vmem>> -> memref<64x128xf32, #tpu.memory_space<vmem>>
        %dma_wait3A_269 = arith.constant 0 : i32
        %dma_wait3A_270 = tpu.memref_slice %arg20[%add3A_226, %dma_wait3A_269] : memref<10112x128xf32, #tpu.memory_space<vmem_shared>> -> memref<64x128xf32, #tpu.memory_space<vmem_shared>>
        tpu.wait_dma2 semaphore(%run_scoped3A : memref<!tpu.dma_semaphore, #tpu.memory_space<semaphore_mem>>) src(%dma_wait3A_270 : memref<64x128xf32, #tpu.memory_space<vmem_shared>>) dst(%dma_wait3A_268 : memref<64x128xf32, #tpu.memory_space<vmem>>)
        tpu.yield
      }) : () -> ()
      %add3A_227 = arith.constant 256 : i32
      %add3A_228 = arith.addi %mul3A_208, %add3A_227 : i32
      "tpu.region"() ({
        %run_scoped3A = tpu.sem_alloc : memref<!tpu.dma_semaphore, #tpu.memory_space<semaphore_mem>>
        %dma_start3A_251 = arith.constant 0 : i32
        %dma_start3A_252 = arith.constant 0 : i32
        %dma_start3A_253 = tpu.memref_slice %arg10[%dma_start3A_251, %dma_start3A_252] : memref<64x128xf32, #tpu.memory_space<vmem>> -> memref<64x128xf32, #tpu.memory_space<vmem>>
        %dma_start3A_254 = arith.constant 0 : i32
        %dma_start3A_255 = tpu.memref_slice %arg7[%add3A_206, %add3A_228, %dma_start3A_254] : memref<8x10112x128xf32, #tpu.memory_space<hbm>> -> memref<1x64x128xf32, #tpu.memory_space<hbm>>
        %dma_start3A_256 = tpu.memref_squeeze %dma_start3A_255 : memref<1x64x128xf32, #tpu.memory_space<hbm>> -> memref<64x128xf32, #tpu.memory_space<hbm>>
        %dma_start3A_257 = arith.constant 0 : i32
        %dma_start3A_258 = tpu.memref_slice %arg7[%add3A_206, %add3A_228, %dma_start3A_257] : memref<8x10112x128xf32, #tpu.memory_space<hbm>> -> memref<1x64x128xf32, #tpu.memory_space<hbm>>
        %dma_start3A_259 = tpu.memref_squeeze %dma_start3A_258 : memref<1x64x128xf32, #tpu.memory_space<hbm>> -> memref<64x128xf32, #tpu.memory_space<hbm>>
        %dma_start3A_260 = arith.constant 0 : i32
        %dma_start3A_261 = arith.constant 0 : i32
        %dma_start3A_262 = tpu.memref_slice %arg10[%dma_start3A_260, %dma_start3A_261] : memref<64x128xf32, #tpu.memory_space<vmem>> -> memref<64x128xf32, #tpu.memory_space<vmem>>
        tpu.enqueue_dma source(%dma_start3A_262 : memref<64x128xf32, #tpu.memory_space<vmem>>) target(%dma_start3A_259 : memref<64x128xf32, #tpu.memory_space<hbm>>) target_semaphore(%run_scoped3A : memref<!tpu.dma_semaphore, #tpu.memory_space<semaphore_mem>>)
        %dma_wait3A_263 = arith.constant 0 : i32
        %dma_wait3A_264 = arith.constant 0 : i32
        %dma_wait3A_265 = tpu.memref_slice %arg10[%dma_wait3A_263, %dma_wait3A_264] : memref<64x128xf32, #tpu.memory_space<vmem>> -> memref<64x128xf32, #tpu.memory_space<vmem>>
        %dma_wait3A_266 = arith.constant 0 : i32
        %dma_wait3A_267 = tpu.memref_slice %arg7[%add3A_206, %add3A_228, %dma_wait3A_266] : memref<8x10112x128xf32, #tpu.memory_space<hbm>> -> memref<1x64x128xf32, #tpu.memory_space<hbm>>
        %dma_wait3A_268 = tpu.memref_squeeze %dma_wait3A_267 : memref<1x64x128xf32, #tpu.memory_space<hbm>> -> memref<64x128xf32, #tpu.memory_space<hbm>>
        %dma_wait3A_269 = arith.constant 0 : i32
        %dma_wait3A_270 = tpu.memref_slice %arg7[%add3A_206, %add3A_228, %dma_wait3A_269] : memref<8x10112x128xf32, #tpu.memory_space<hbm>> -> memref<1x64x128xf32, #tpu.memory_space<hbm>>
        %dma_wait3A_271 = tpu.memref_squeeze %dma_wait3A_270 : memref<1x64x128xf32, #tpu.memory_space<hbm>> -> memref<64x128xf32, #tpu.memory_space<hbm>>
        %dma_wait3A_272 = arith.constant 0 : i32
        %dma_wait3A_273 = arith.constant 0 : i32
        %dma_wait3A_274 = tpu.memref_slice %arg10[%dma_wait3A_272, %dma_wait3A_273] : memref<64x128xf32, #tpu.memory_space<vmem>> -> memref<64x128xf32, #tpu.memory_space<vmem>>
        tpu.wait_dma2 semaphore(%run_scoped3A : memref<!tpu.dma_semaphore, #tpu.memory_space<semaphore_mem>>) src(%dma_wait3A_274 : memref<64x128xf32, #tpu.memory_space<vmem>>) dst(%dma_wait3A_271 : memref<64x128xf32, #tpu.memory_space<hbm>>)
        tpu.yield
      }) : () -> ()
      %add3A_229 = arith.constant 320 : i32
      %add3A_230 = arith.addi %mul3A_208, %add3A_229 : i32
      "tpu.region"() ({
        %run_scoped3A = tpu.sem_alloc : memref<!tpu.dma_semaphore, #tpu.memory_space<semaphore_mem>>
        %dma_start3A_251 = arith.constant 0 : i32
        %dma_start3A_252 = arith.constant 0 : i32
        %dma_start3A_253 = tpu.memref_slice %arg10[%dma_start3A_251, %dma_start3A_252] : memref<64x128xf32, #tpu.memory_space<vmem>> -> memref<64x128xf32, #tpu.memory_space<vmem>>
        %dma_start3A_254 = arith.constant 0 : i32
        %dma_start3A_255 = tpu.memref_slice %arg20[%add3A_230, %dma_start3A_254] : memref<10112x128xf32, #tpu.memory_space<vmem_shared>> -> memref<64x128xf32, #tpu.memory_space<vmem_shared>>
        %dma_start3A_256 = arith.constant 0 : i32
        %dma_start3A_257 = arith.constant 0 : i32
        %dma_start3A_258 = tpu.memref_slice %arg10[%dma_start3A_256, %dma_start3A_257] : memref<64x128xf32, #tpu.memory_space<vmem>> -> memref<64x128xf32, #tpu.memory_space<vmem>>
        %dma_start3A_259 = arith.constant 0 : i32
        %dma_start3A_260 = tpu.memref_slice %arg20[%add3A_230, %dma_start3A_259] : memref<10112x128xf32, #tpu.memory_space<vmem_shared>> -> memref<64x128xf32, #tpu.memory_space<vmem_shared>>
        tpu.enqueue_dma source(%dma_start3A_260 : memref<64x128xf32, #tpu.memory_space<vmem_shared>>) target(%dma_start3A_258 : memref<64x128xf32, #tpu.memory_space<vmem>>) target_semaphore(%run_scoped3A : memref<!tpu.dma_semaphore, #tpu.memory_space<semaphore_mem>>)
        %dma_wait3A_261 = arith.constant 0 : i32
        %dma_wait3A_262 = arith.constant 0 : i32
        %dma_wait3A_263 = tpu.memref_slice %arg10[%dma_wait3A_261, %dma_wait3A_262] : memref<64x128xf32, #tpu.memory_space<vmem>> -> memref<64x128xf32, #tpu.memory_space<vmem>>
        %dma_wait3A_264 = arith.constant 0 : i32
        %dma_wait3A_265 = tpu.memref_slice %arg20[%add3A_230, %dma_wait3A_264] : memref<10112x128xf32, #tpu.memory_space<vmem_shared>> -> memref<64x128xf32, #tpu.memory_space<vmem_shared>>
        %dma_wait3A_266 = arith.constant 0 : i32
        %dma_wait3A_267 = arith.constant 0 : i32
        %dma_wait3A_268 = tpu.memref_slice %arg10[%dma_wait3A_266, %dma_wait3A_267] : memref<64x128xf32, #tpu.memory_space<vmem>> -> memref<64x128xf32, #tpu.memory_space<vmem>>
        %dma_wait3A_269 = arith.constant 0 : i32
        %dma_wait3A_270 = tpu.memref_slice %arg20[%add3A_230, %dma_wait3A_269] : memref<10112x128xf32, #tpu.memory_space<vmem_shared>> -> memref<64x128xf32, #tpu.memory_space<vmem_shared>>
        tpu.wait_dma2 semaphore(%run_scoped3A : memref<!tpu.dma_semaphore, #tpu.memory_space<semaphore_mem>>) src(%dma_wait3A_270 : memref<64x128xf32, #tpu.memory_space<vmem_shared>>) dst(%dma_wait3A_268 : memref<64x128xf32, #tpu.memory_space<vmem>>)
        tpu.yield
      }) : () -> ()
      %add3A_231 = arith.constant 320 : i32
      %add3A_232 = arith.addi %mul3A_208, %add3A_231 : i32
      "tpu.region"() ({
        %run_scoped3A = tpu.sem_alloc : memref<!tpu.dma_semaphore, #tpu.memory_space<semaphore_mem>>
        %dma_start3A_251 = arith.constant 0 : i32
        %dma_start3A_252 = arith.constant 0 : i32
        %dma_start3A_253 = tpu.memref_slice %arg10[%dma_start3A_251, %dma_start3A_252] : memref<64x128xf32, #tpu.memory_space<vmem>> -> memref<64x128xf32, #tpu.memory_space<vmem>>
        %dma_start3A_254 = arith.constant 0 : i32
        %dma_start3A_255 = tpu.memref_slice %arg7[%add3A_206, %add3A_232, %dma_start3A_254] : memref<8x10112x128xf32, #tpu.memory_space<hbm>> -> memref<1x64x128xf32, #tpu.memory_space<hbm>>
        %dma_start3A_256 = tpu.memref_squeeze %dma_start3A_255 : memref<1x64x128xf32, #tpu.memory_space<hbm>> -> memref<64x128xf32, #tpu.memory_space<hbm>>
        %dma_start3A_257 = arith.constant 0 : i32
        %dma_start3A_258 = tpu.memref_slice %arg7[%add3A_206, %add3A_232, %dma_start3A_257] : memref<8x10112x128xf32, #tpu.memory_space<hbm>> -> memref<1x64x128xf32, #tpu.memory_space<hbm>>
        %dma_start3A_259 = tpu.memref_squeeze %dma_start3A_258 : memref<1x64x128xf32, #tpu.memory_space<hbm>> -> memref<64x128xf32, #tpu.memory_space<hbm>>
        %dma_start3A_260 = arith.constant 0 : i32
        %dma_start3A_261 = arith.constant 0 : i32
        %dma_start3A_262 = tpu.memref_slice %arg10[%dma_start3A_260, %dma_start3A_261] : memref<64x128xf32, #tpu.memory_space<vmem>> -> memref<64x128xf32, #tpu.memory_space<vmem>>
        tpu.enqueue_dma source(%dma_start3A_262 : memref<64x128xf32, #tpu.memory_space<vmem>>) target(%dma_start3A_259 : memref<64x128xf32, #tpu.memory_space<hbm>>) target_semaphore(%run_scoped3A : memref<!tpu.dma_semaphore, #tpu.memory_space<semaphore_mem>>)
        %dma_wait3A_263 = arith.constant 0 : i32
        %dma_wait3A_264 = arith.constant 0 : i32
        %dma_wait3A_265 = tpu.memref_slice %arg10[%dma_wait3A_263, %dma_wait3A_264] : memref<64x128xf32, #tpu.memory_space<vmem>> -> memref<64x128xf32, #tpu.memory_space<vmem>>
        %dma_wait3A_266 = arith.constant 0 : i32
        %dma_wait3A_267 = tpu.memref_slice %arg7[%add3A_206, %add3A_232, %dma_wait3A_266] : memref<8x10112x128xf32, #tpu.memory_space<hbm>> -> memref<1x64x128xf32, #tpu.memory_space<hbm>>
        %dma_wait3A_268 = tpu.memref_squeeze %dma_wait3A_267 : memref<1x64x128xf32, #tpu.memory_space<hbm>> -> memref<64x128xf32, #tpu.memory_space<hbm>>
        %dma_wait3A_269 = arith.constant 0 : i32
        %dma_wait3A_270 = tpu.memref_slice %arg7[%add3A_206, %add3A_232, %dma_wait3A_269] : memref<8x10112x128xf32, #tpu.memory_space<hbm>> -> memref<1x64x128xf32, #tpu.memory_space<hbm>>
        %dma_wait3A_271 = tpu.memref_squeeze %dma_wait3A_270 : memref<1x64x128xf32, #tpu.memory_space<hbm>> -> memref<64x128xf32, #tpu.memory_space<hbm>>
        %dma_wait3A_272 = arith.constant 0 : i32
        %dma_wait3A_273 = arith.constant 0 : i32
        %dma_wait3A_274 = tpu.memref_slice %arg10[%dma_wait3A_272, %dma_wait3A_273] : memref<64x128xf32, #tpu.memory_space<vmem>> -> memref<64x128xf32, #tpu.memory_space<vmem>>
        tpu.wait_dma2 semaphore(%run_scoped3A : memref<!tpu.dma_semaphore, #tpu.memory_space<semaphore_mem>>) src(%dma_wait3A_274 : memref<64x128xf32, #tpu.memory_space<vmem>>) dst(%dma_wait3A_271 : memref<64x128xf32, #tpu.memory_space<hbm>>)
        tpu.yield
      }) : () -> ()
      %add3A_233 = arith.constant 384 : i32
      %add3A_234 = arith.addi %mul3A_208, %add3A_233 : i32
      "tpu.region"() ({
        %run_scoped3A = tpu.sem_alloc : memref<!tpu.dma_semaphore, #tpu.memory_space<semaphore_mem>>
        %dma_start3A_251 = arith.constant 0 : i32
        %dma_start3A_252 = arith.constant 0 : i32
        %dma_start3A_253 = tpu.memref_slice %arg10[%dma_start3A_251, %dma_start3A_252] : memref<64x128xf32, #tpu.memory_space<vmem>> -> memref<64x128xf32, #tpu.memory_space<vmem>>
        %dma_start3A_254 = arith.constant 0 : i32
        %dma_start3A_255 = tpu.memref_slice %arg20[%add3A_234, %dma_start3A_254] : memref<10112x128xf32, #tpu.memory_space<vmem_shared>> -> memref<64x128xf32, #tpu.memory_space<vmem_shared>>
        %dma_start3A_256 = arith.constant 0 : i32
        %dma_start3A_257 = arith.constant 0 : i32
        %dma_start3A_258 = tpu.memref_slice %arg10[%dma_start3A_256, %dma_start3A_257] : memref<64x128xf32, #tpu.memory_space<vmem>> -> memref<64x128xf32, #tpu.memory_space<vmem>>
        %dma_start3A_259 = arith.constant 0 : i32
        %dma_start3A_260 = tpu.memref_slice %arg20[%add3A_234, %dma_start3A_259] : memref<10112x128xf32, #tpu.memory_space<vmem_shared>> -> memref<64x128xf32, #tpu.memory_space<vmem_shared>>
        tpu.enqueue_dma source(%dma_start3A_260 : memref<64x128xf32, #tpu.memory_space<vmem_shared>>) target(%dma_start3A_258 : memref<64x128xf32, #tpu.memory_space<vmem>>) target_semaphore(%run_scoped3A : memref<!tpu.dma_semaphore, #tpu.memory_space<semaphore_mem>>)
        %dma_wait3A_261 = arith.constant 0 : i32
        %dma_wait3A_262 = arith.constant 0 : i32
        %dma_wait3A_263 = tpu.memref_slice %arg10[%dma_wait3A_261, %dma_wait3A_262] : memref<64x128xf32, #tpu.memory_space<vmem>> -> memref<64x128xf32, #tpu.memory_space<vmem>>
        %dma_wait3A_264 = arith.constant 0 : i32
        %dma_wait3A_265 = tpu.memref_slice %arg20[%add3A_234, %dma_wait3A_264] : memref<10112x128xf32, #tpu.memory_space<vmem_shared>> -> memref<64x128xf32, #tpu.memory_space<vmem_shared>>
        %dma_wait3A_266 = arith.constant 0 : i32
        %dma_wait3A_267 = arith.constant 0 : i32
        %dma_wait3A_268 = tpu.memref_slice %arg10[%dma_wait3A_266, %dma_wait3A_267] : memref<64x128xf32, #tpu.memory_space<vmem>> -> memref<64x128xf32, #tpu.memory_space<vmem>>
        %dma_wait3A_269 = arith.constant 0 : i32
        %dma_wait3A_270 = tpu.memref_slice %arg20[%add3A_234, %dma_wait3A_269] : memref<10112x128xf32, #tpu.memory_space<vmem_shared>> -> memref<64x128xf32, #tpu.memory_space<vmem_shared>>
        tpu.wait_dma2 semaphore(%run_scoped3A : memref<!tpu.dma_semaphore, #tpu.memory_space<semaphore_mem>>) src(%dma_wait3A_270 : memref<64x128xf32, #tpu.memory_space<vmem_shared>>) dst(%dma_wait3A_268 : memref<64x128xf32, #tpu.memory_space<vmem>>)
        tpu.yield
      }) : () -> ()
      %add3A_235 = arith.constant 384 : i32
      %add3A_236 = arith.addi %mul3A_208, %add3A_235 : i32
      "tpu.region"() ({
        %run_scoped3A = tpu.sem_alloc : memref<!tpu.dma_semaphore, #tpu.memory_space<semaphore_mem>>
        %dma_start3A_251 = arith.constant 0 : i32
        %dma_start3A_252 = arith.constant 0 : i32
        %dma_start3A_253 = tpu.memref_slice %arg10[%dma_start3A_251, %dma_start3A_252] : memref<64x128xf32, #tpu.memory_space<vmem>> -> memref<64x128xf32, #tpu.memory_space<vmem>>
        %dma_start3A_254 = arith.constant 0 : i32
        %dma_start3A_255 = tpu.memref_slice %arg7[%add3A_206, %add3A_236, %dma_start3A_254] : memref<8x10112x128xf32, #tpu.memory_space<hbm>> -> memref<1x64x128xf32, #tpu.memory_space<hbm>>
        %dma_start3A_256 = tpu.memref_squeeze %dma_start3A_255 : memref<1x64x128xf32, #tpu.memory_space<hbm>> -> memref<64x128xf32, #tpu.memory_space<hbm>>
        %dma_start3A_257 = arith.constant 0 : i32
        %dma_start3A_258 = tpu.memref_slice %arg7[%add3A_206, %add3A_236, %dma_start3A_257] : memref<8x10112x128xf32, #tpu.memory_space<hbm>> -> memref<1x64x128xf32, #tpu.memory_space<hbm>>
        %dma_start3A_259 = tpu.memref_squeeze %dma_start3A_258 : memref<1x64x128xf32, #tpu.memory_space<hbm>> -> memref<64x128xf32, #tpu.memory_space<hbm>>
        %dma_start3A_260 = arith.constant 0 : i32
        %dma_start3A_261 = arith.constant 0 : i32
        %dma_start3A_262 = tpu.memref_slice %arg10[%dma_start3A_260, %dma_start3A_261] : memref<64x128xf32, #tpu.memory_space<vmem>> -> memref<64x128xf32, #tpu.memory_space<vmem>>
        tpu.enqueue_dma source(%dma_start3A_262 : memref<64x128xf32, #tpu.memory_space<vmem>>) target(%dma_start3A_259 : memref<64x128xf32, #tpu.memory_space<hbm>>) target_semaphore(%run_scoped3A : memref<!tpu.dma_semaphore, #tpu.memory_space<semaphore_mem>>)
        %dma_wait3A_263 = arith.constant 0 : i32
        %dma_wait3A_264 = arith.constant 0 : i32
        %dma_wait3A_265 = tpu.memref_slice %arg10[%dma_wait3A_263, %dma_wait3A_264] : memref<64x128xf32, #tpu.memory_space<vmem>> -> memref<64x128xf32, #tpu.memory_space<vmem>>
        %dma_wait3A_266 = arith.constant 0 : i32
        %dma_wait3A_267 = tpu.memref_slice %arg7[%add3A_206, %add3A_236, %dma_wait3A_266] : memref<8x10112x128xf32, #tpu.memory_space<hbm>> -> memref<1x64x128xf32, #tpu.memory_space<hbm>>
        %dma_wait3A_268 = tpu.memref_squeeze %dma_wait3A_267 : memref<1x64x128xf32, #tpu.memory_space<hbm>> -> memref<64x128xf32, #tpu.memory_space<hbm>>
        %dma_wait3A_269 = arith.constant 0 : i32
        %dma_wait3A_270 = tpu.memref_slice %arg7[%add3A_206, %add3A_236, %dma_wait3A_269] : memref<8x10112x128xf32, #tpu.memory_space<hbm>> -> memref<1x64x128xf32, #tpu.memory_space<hbm>>
        %dma_wait3A_271 = tpu.memref_squeeze %dma_wait3A_270 : memref<1x64x128xf32, #tpu.memory_space<hbm>> -> memref<64x128xf32, #tpu.memory_space<hbm>>
        %dma_wait3A_272 = arith.constant 0 : i32
        %dma_wait3A_273 = arith.constant 0 : i32
        %dma_wait3A_274 = tpu.memref_slice %arg10[%dma_wait3A_272, %dma_wait3A_273] : memref<64x128xf32, #tpu.memory_space<vmem>> -> memref<64x128xf32, #tpu.memory_space<vmem>>
        tpu.wait_dma2 semaphore(%run_scoped3A : memref<!tpu.dma_semaphore, #tpu.memory_space<semaphore_mem>>) src(%dma_wait3A_274 : memref<64x128xf32, #tpu.memory_space<vmem>>) dst(%dma_wait3A_271 : memref<64x128xf32, #tpu.memory_space<hbm>>)
        tpu.yield
      }) : () -> ()
      %add3A_237 = arith.constant 448 : i32
      %add3A_238 = arith.addi %mul3A_208, %add3A_237 : i32
      "tpu.region"() ({
        %run_scoped3A = tpu.sem_alloc : memref<!tpu.dma_semaphore, #tpu.memory_space<semaphore_mem>>
        %dma_start3A_251 = arith.constant 0 : i32
        %dma_start3A_252 = arith.constant 0 : i32
        %dma_start3A_253 = tpu.memref_slice %arg10[%dma_start3A_251, %dma_start3A_252] : memref<64x128xf32, #tpu.memory_space<vmem>> -> memref<64x128xf32, #tpu.memory_space<vmem>>
        %dma_start3A_254 = arith.constant 0 : i32
        %dma_start3A_255 = tpu.memref_slice %arg20[%add3A_238, %dma_start3A_254] : memref<10112x128xf32, #tpu.memory_space<vmem_shared>> -> memref<64x128xf32, #tpu.memory_space<vmem_shared>>
        %dma_start3A_256 = arith.constant 0 : i32
        %dma_start3A_257 = arith.constant 0 : i32
        %dma_start3A_258 = tpu.memref_slice %arg10[%dma_start3A_256, %dma_start3A_257] : memref<64x128xf32, #tpu.memory_space<vmem>> -> memref<64x128xf32, #tpu.memory_space<vmem>>
        %dma_start3A_259 = arith.constant 0 : i32
        %dma_start3A_260 = tpu.memref_slice %arg20[%add3A_238, %dma_start3A_259] : memref<10112x128xf32, #tpu.memory_space<vmem_shared>> -> memref<64x128xf32, #tpu.memory_space<vmem_shared>>
        tpu.enqueue_dma source(%dma_start3A_260 : memref<64x128xf32, #tpu.memory_space<vmem_shared>>) target(%dma_start3A_258 : memref<64x128xf32, #tpu.memory_space<vmem>>) target_semaphore(%run_scoped3A : memref<!tpu.dma_semaphore, #tpu.memory_space<semaphore_mem>>)
        %dma_wait3A_261 = arith.constant 0 : i32
        %dma_wait3A_262 = arith.constant 0 : i32
        %dma_wait3A_263 = tpu.memref_slice %arg10[%dma_wait3A_261, %dma_wait3A_262] : memref<64x128xf32, #tpu.memory_space<vmem>> -> memref<64x128xf32, #tpu.memory_space<vmem>>
        %dma_wait3A_264 = arith.constant 0 : i32
        %dma_wait3A_265 = tpu.memref_slice %arg20[%add3A_238, %dma_wait3A_264] : memref<10112x128xf32, #tpu.memory_space<vmem_shared>> -> memref<64x128xf32, #tpu.memory_space<vmem_shared>>
        %dma_wait3A_266 = arith.constant 0 : i32
        %dma_wait3A_267 = arith.constant 0 : i32
        %dma_wait3A_268 = tpu.memref_slice %arg10[%dma_wait3A_266, %dma_wait3A_267] : memref<64x128xf32, #tpu.memory_space<vmem>> -> memref<64x128xf32, #tpu.memory_space<vmem>>
        %dma_wait3A_269 = arith.constant 0 : i32
        %dma_wait3A_270 = tpu.memref_slice %arg20[%add3A_238, %dma_wait3A_269] : memref<10112x128xf32, #tpu.memory_space<vmem_shared>> -> memref<64x128xf32, #tpu.memory_space<vmem_shared>>
        tpu.wait_dma2 semaphore(%run_scoped3A : memref<!tpu.dma_semaphore, #tpu.memory_space<semaphore_mem>>) src(%dma_wait3A_270 : memref<64x128xf32, #tpu.memory_space<vmem_shared>>) dst(%dma_wait3A_268 : memref<64x128xf32, #tpu.memory_space<vmem>>)
        tpu.yield
      }) : () -> ()
      %add3A_239 = arith.constant 448 : i32
      %add3A_240 = arith.addi %mul3A_208, %add3A_239 : i32
      "tpu.region"() ({
        %run_scoped3A = tpu.sem_alloc : memref<!tpu.dma_semaphore, #tpu.memory_space<semaphore_mem>>
        %dma_start3A_251 = arith.constant 0 : i32
        %dma_start3A_252 = arith.constant 0 : i32
        %dma_start3A_253 = tpu.memref_slice %arg10[%dma_start3A_251, %dma_start3A_252] : memref<64x128xf32, #tpu.memory_space<vmem>> -> memref<64x128xf32, #tpu.memory_space<vmem>>
        %dma_start3A_254 = arith.constant 0 : i32
        %dma_start3A_255 = tpu.memref_slice %arg7[%add3A_206, %add3A_240, %dma_start3A_254] : memref<8x10112x128xf32, #tpu.memory_space<hbm>> -> memref<1x64x128xf32, #tpu.memory_space<hbm>>
        %dma_start3A_256 = tpu.memref_squeeze %dma_start3A_255 : memref<1x64x128xf32, #tpu.memory_space<hbm>> -> memref<64x128xf32, #tpu.memory_space<hbm>>
        %dma_start3A_257 = arith.constant 0 : i32
        %dma_start3A_258 = tpu.memref_slice %arg7[%add3A_206, %add3A_240, %dma_start3A_257] : memref<8x10112x128xf32, #tpu.memory_space<hbm>> -> memref<1x64x128xf32, #tpu.memory_space<hbm>>
        %dma_start3A_259 = tpu.memref_squeeze %dma_start3A_258 : memref<1x64x128xf32, #tpu.memory_space<hbm>> -> memref<64x128xf32, #tpu.memory_space<hbm>>
        %dma_start3A_260 = arith.constant 0 : i32
        %dma_start3A_261 = arith.constant 0 : i32
        %dma_start3A_262 = tpu.memref_slice %arg10[%dma_start3A_260, %dma_start3A_261] : memref<64x128xf32, #tpu.memory_space<vmem>> -> memref<64x128xf32, #tpu.memory_space<vmem>>
        tpu.enqueue_dma source(%dma_start3A_262 : memref<64x128xf32, #tpu.memory_space<vmem>>) target(%dma_start3A_259 : memref<64x128xf32, #tpu.memory_space<hbm>>) target_semaphore(%run_scoped3A : memref<!tpu.dma_semaphore, #tpu.memory_space<semaphore_mem>>)
        %dma_wait3A_263 = arith.constant 0 : i32
        %dma_wait3A_264 = arith.constant 0 : i32
        %dma_wait3A_265 = tpu.memref_slice %arg10[%dma_wait3A_263, %dma_wait3A_264] : memref<64x128xf32, #tpu.memory_space<vmem>> -> memref<64x128xf32, #tpu.memory_space<vmem>>
        %dma_wait3A_266 = arith.constant 0 : i32
        %dma_wait3A_267 = tpu.memref_slice %arg7[%add3A_206, %add3A_240, %dma_wait3A_266] : memref<8x10112x128xf32, #tpu.memory_space<hbm>> -> memref<1x64x128xf32, #tpu.memory_space<hbm>>
        %dma_wait3A_268 = tpu.memref_squeeze %dma_wait3A_267 : memref<1x64x128xf32, #tpu.memory_space<hbm>> -> memref<64x128xf32, #tpu.memory_space<hbm>>
        %dma_wait3A_269 = arith.constant 0 : i32
        %dma_wait3A_270 = tpu.memref_slice %arg7[%add3A_206, %add3A_240, %dma_wait3A_269] : memref<8x10112x128xf32, #tpu.memory_space<hbm>> -> memref<1x64x128xf32, #tpu.memory_space<hbm>>
        %dma_wait3A_271 = tpu.memref_squeeze %dma_wait3A_270 : memref<1x64x128xf32, #tpu.memory_space<hbm>> -> memref<64x128xf32, #tpu.memory_space<hbm>>
        %dma_wait3A_272 = arith.constant 0 : i32
        %dma_wait3A_273 = arith.constant 0 : i32
        %dma_wait3A_274 = tpu.memref_slice %arg10[%dma_wait3A_272, %dma_wait3A_273] : memref<64x128xf32, #tpu.memory_space<vmem>> -> memref<64x128xf32, #tpu.memory_space<vmem>>
        tpu.wait_dma2 semaphore(%run_scoped3A : memref<!tpu.dma_semaphore, #tpu.memory_space<semaphore_mem>>) src(%dma_wait3A_274 : memref<64x128xf32, #tpu.memory_space<vmem>>) dst(%dma_wait3A_271 : memref<64x128xf32, #tpu.memory_space<hbm>>)
        tpu.yield
      }) : () -> ()
      %add3A_241 = arith.constant 512 : i32
      %add3A_242 = arith.addi %mul3A_208, %add3A_241 : i32
      "tpu.region"() ({
        %run_scoped3A = tpu.sem_alloc : memref<!tpu.dma_semaphore, #tpu.memory_space<semaphore_mem>>
        %dma_start3A_251 = arith.constant 0 : i32
        %dma_start3A_252 = arith.constant 0 : i32
        %dma_start3A_253 = tpu.memref_slice %arg10[%dma_start3A_251, %dma_start3A_252] : memref<64x128xf32, #tpu.memory_space<vmem>> -> memref<64x128xf32, #tpu.memory_space<vmem>>
        %dma_start3A_254 = arith.constant 0 : i32
        %dma_start3A_255 = tpu.memref_slice %arg20[%add3A_242, %dma_start3A_254] : memref<10112x128xf32, #tpu.memory_space<vmem_shared>> -> memref<64x128xf32, #tpu.memory_space<vmem_shared>>
        %dma_start3A_256 = arith.constant 0 : i32
        %dma_start3A_257 = arith.constant 0 : i32
        %dma_start3A_258 = tpu.memref_slice %arg10[%dma_start3A_256, %dma_start3A_257] : memref<64x128xf32, #tpu.memory_space<vmem>> -> memref<64x128xf32, #tpu.memory_space<vmem>>
        %dma_start3A_259 = arith.constant 0 : i32
        %dma_start3A_260 = tpu.memref_slice %arg20[%add3A_242, %dma_start3A_259] : memref<10112x128xf32, #tpu.memory_space<vmem_shared>> -> memref<64x128xf32, #tpu.memory_space<vmem_shared>>
        tpu.enqueue_dma source(%dma_start3A_260 : memref<64x128xf32, #tpu.memory_space<vmem_shared>>) target(%dma_start3A_258 : memref<64x128xf32, #tpu.memory_space<vmem>>) target_semaphore(%run_scoped3A : memref<!tpu.dma_semaphore, #tpu.memory_space<semaphore_mem>>)
        %dma_wait3A_261 = arith.constant 0 : i32
        %dma_wait3A_262 = arith.constant 0 : i32
        %dma_wait3A_263 = tpu.memref_slice %arg10[%dma_wait3A_261, %dma_wait3A_262] : memref<64x128xf32, #tpu.memory_space<vmem>> -> memref<64x128xf32, #tpu.memory_space<vmem>>
        %dma_wait3A_264 = arith.constant 0 : i32
        %dma_wait3A_265 = tpu.memref_slice %arg20[%add3A_242, %dma_wait3A_264] : memref<10112x128xf32, #tpu.memory_space<vmem_shared>> -> memref<64x128xf32, #tpu.memory_space<vmem_shared>>
        %dma_wait3A_266 = arith.constant 0 : i32
        %dma_wait3A_267 = arith.constant 0 : i32
        %dma_wait3A_268 = tpu.memref_slice %arg10[%dma_wait3A_266, %dma_wait3A_267] : memref<64x128xf32, #tpu.memory_space<vmem>> -> memref<64x128xf32, #tpu.memory_space<vmem>>
        %dma_wait3A_269 = arith.constant 0 : i32
        %dma_wait3A_270 = tpu.memref_slice %arg20[%add3A_242, %dma_wait3A_269] : memref<10112x128xf32, #tpu.memory_space<vmem_shared>> -> memref<64x128xf32, #tpu.memory_space<vmem_shared>>
        tpu.wait_dma2 semaphore(%run_scoped3A : memref<!tpu.dma_semaphore, #tpu.memory_space<semaphore_mem>>) src(%dma_wait3A_270 : memref<64x128xf32, #tpu.memory_space<vmem_shared>>) dst(%dma_wait3A_268 : memref<64x128xf32, #tpu.memory_space<vmem>>)
        tpu.yield
      }) : () -> ()
      %add3A_243 = arith.constant 512 : i32
      %add3A_244 = arith.addi %mul3A_208, %add3A_243 : i32
      "tpu.region"() ({
        %run_scoped3A = tpu.sem_alloc : memref<!tpu.dma_semaphore, #tpu.memory_space<semaphore_mem>>
        %dma_start3A_251 = arith.constant 0 : i32
        %dma_start3A_252 = arith.constant 0 : i32
        %dma_start3A_253 = tpu.memref_slice %arg10[%dma_start3A_251, %dma_start3A_252] : memref<64x128xf32, #tpu.memory_space<vmem>> -> memref<64x128xf32, #tpu.memory_space<vmem>>
        %dma_start3A_254 = arith.constant 0 : i32
        %dma_start3A_255 = tpu.memref_slice %arg7[%add3A_206, %add3A_244, %dma_start3A_254] : memref<8x10112x128xf32, #tpu.memory_space<hbm>> -> memref<1x64x128xf32, #tpu.memory_space<hbm>>
        %dma_start3A_256 = tpu.memref_squeeze %dma_start3A_255 : memref<1x64x128xf32, #tpu.memory_space<hbm>> -> memref<64x128xf32, #tpu.memory_space<hbm>>
        %dma_start3A_257 = arith.constant 0 : i32
        %dma_start3A_258 = tpu.memref_slice %arg7[%add3A_206, %add3A_244, %dma_start3A_257] : memref<8x10112x128xf32, #tpu.memory_space<hbm>> -> memref<1x64x128xf32, #tpu.memory_space<hbm>>
        %dma_start3A_259 = tpu.memref_squeeze %dma_start3A_258 : memref<1x64x128xf32, #tpu.memory_space<hbm>> -> memref<64x128xf32, #tpu.memory_space<hbm>>
        %dma_start3A_260 = arith.constant 0 : i32
        %dma_start3A_261 = arith.constant 0 : i32
        %dma_start3A_262 = tpu.memref_slice %arg10[%dma_start3A_260, %dma_start3A_261] : memref<64x128xf32, #tpu.memory_space<vmem>> -> memref<64x128xf32, #tpu.memory_space<vmem>>
        tpu.enqueue_dma source(%dma_start3A_262 : memref<64x128xf32, #tpu.memory_space<vmem>>) target(%dma_start3A_259 : memref<64x128xf32, #tpu.memory_space<hbm>>) target_semaphore(%run_scoped3A : memref<!tpu.dma_semaphore, #tpu.memory_space<semaphore_mem>>)
        %dma_wait3A_263 = arith.constant 0 : i32
        %dma_wait3A_264 = arith.constant 0 : i32
        %dma_wait3A_265 = tpu.memref_slice %arg10[%dma_wait3A_263, %dma_wait3A_264] : memref<64x128xf32, #tpu.memory_space<vmem>> -> memref<64x128xf32, #tpu.memory_space<vmem>>
        %dma_wait3A_266 = arith.constant 0 : i32
        %dma_wait3A_267 = tpu.memref_slice %arg7[%add3A_206, %add3A_244, %dma_wait3A_266] : memref<8x10112x128xf32, #tpu.memory_space<hbm>> -> memref<1x64x128xf32, #tpu.memory_space<hbm>>
        %dma_wait3A_268 = tpu.memref_squeeze %dma_wait3A_267 : memref<1x64x128xf32, #tpu.memory_space<hbm>> -> memref<64x128xf32, #tpu.memory_space<hbm>>
        %dma_wait3A_269 = arith.constant 0 : i32
        %dma_wait3A_270 = tpu.memref_slice %arg7[%add3A_206, %add3A_244, %dma_wait3A_269] : memref<8x10112x128xf32, #tpu.memory_space<hbm>> -> memref<1x64x128xf32, #tpu.memory_space<hbm>>
        %dma_wait3A_271 = tpu.memref_squeeze %dma_wait3A_270 : memref<1x64x128xf32, #tpu.memory_space<hbm>> -> memref<64x128xf32, #tpu.memory_space<hbm>>
        %dma_wait3A_272 = arith.constant 0 : i32
        %dma_wait3A_273 = arith.constant 0 : i32
        %dma_wait3A_274 = tpu.memref_slice %arg10[%dma_wait3A_272, %dma_wait3A_273] : memref<64x128xf32, #tpu.memory_space<vmem>> -> memref<64x128xf32, #tpu.memory_space<vmem>>
        tpu.wait_dma2 semaphore(%run_scoped3A : memref<!tpu.dma_semaphore, #tpu.memory_space<semaphore_mem>>) src(%dma_wait3A_274 : memref<64x128xf32, #tpu.memory_space<vmem>>) dst(%dma_wait3A_271 : memref<64x128xf32, #tpu.memory_space<hbm>>)
        tpu.yield
      }) : () -> ()
      %add3A_245 = arith.constant 576 : i32
      %add3A_246 = arith.addi %mul3A_208, %add3A_245 : i32
      "tpu.region"() ({
        %run_scoped3A = tpu.sem_alloc : memref<!tpu.dma_semaphore, #tpu.memory_space<semaphore_mem>>
        %dma_start3A_251 = arith.constant 0 : i32
        %dma_start3A_252 = arith.constant 0 : i32
        %dma_start3A_253 = tpu.memref_slice %arg10[%dma_start3A_251, %dma_start3A_252] : memref<64x128xf32, #tpu.memory_space<vmem>> -> memref<56x128xf32, #tpu.memory_space<vmem>>
        %dma_start3A_254 = arith.constant 0 : i32
        %dma_start3A_255 = tpu.memref_slice %arg20[%add3A_246, %dma_start3A_254] : memref<10112x128xf32, #tpu.memory_space<vmem_shared>> -> memref<56x128xf32, #tpu.memory_space<vmem_shared>>
        %dma_start3A_256 = arith.constant 0 : i32
        %dma_start3A_257 = arith.constant 0 : i32
        %dma_start3A_258 = tpu.memref_slice %arg10[%dma_start3A_256, %dma_start3A_257] : memref<64x128xf32, #tpu.memory_space<vmem>> -> memref<56x128xf32, #tpu.memory_space<vmem>>
        %dma_start3A_259 = arith.constant 0 : i32
        %dma_start3A_260 = tpu.memref_slice %arg20[%add3A_246, %dma_start3A_259] : memref<10112x128xf32, #tpu.memory_space<vmem_shared>> -> memref<56x128xf32, #tpu.memory_space<vmem_shared>>
        tpu.enqueue_dma source(%dma_start3A_260 : memref<56x128xf32, #tpu.memory_space<vmem_shared>>) target(%dma_start3A_258 : memref<56x128xf32, #tpu.memory_space<vmem>>) target_semaphore(%run_scoped3A : memref<!tpu.dma_semaphore, #tpu.memory_space<semaphore_mem>>)
        %dma_wait3A_261 = arith.constant 0 : i32
        %dma_wait3A_262 = arith.constant 0 : i32
        %dma_wait3A_263 = tpu.memref_slice %arg10[%dma_wait3A_261, %dma_wait3A_262] : memref<64x128xf32, #tpu.memory_space<vmem>> -> memref<56x128xf32, #tpu.memory_space<vmem>>
        %dma_wait3A_264 = arith.constant 0 : i32
        %dma_wait3A_265 = tpu.memref_slice %arg20[%add3A_246, %dma_wait3A_264] : memref<10112x128xf32, #tpu.memory_space<vmem_shared>> -> memref<56x128xf32, #tpu.memory_space<vmem_shared>>
        %dma_wait3A_266 = arith.constant 0 : i32
        %dma_wait3A_267 = arith.constant 0 : i32
        %dma_wait3A_268 = tpu.memref_slice %arg10[%dma_wait3A_266, %dma_wait3A_267] : memref<64x128xf32, #tpu.memory_space<vmem>> -> memref<56x128xf32, #tpu.memory_space<vmem>>
        %dma_wait3A_269 = arith.constant 0 : i32
        %dma_wait3A_270 = tpu.memref_slice %arg20[%add3A_246, %dma_wait3A_269] : memref<10112x128xf32, #tpu.memory_space<vmem_shared>> -> memref<56x128xf32, #tpu.memory_space<vmem_shared>>
        tpu.wait_dma2 semaphore(%run_scoped3A : memref<!tpu.dma_semaphore, #tpu.memory_space<semaphore_mem>>) src(%dma_wait3A_270 : memref<56x128xf32, #tpu.memory_space<vmem_shared>>) dst(%dma_wait3A_268 : memref<56x128xf32, #tpu.memory_space<vmem>>)
        tpu.yield
      }) : () -> ()
      %add3A_247 = arith.constant 576 : i32
      %add3A_248 = arith.addi %mul3A_208, %add3A_247 : i32
      "tpu.region"() ({
        %run_scoped3A = tpu.sem_alloc : memref<!tpu.dma_semaphore, #tpu.memory_space<semaphore_mem>>
        %dma_start3A_251 = arith.constant 0 : i32
        %dma_start3A_252 = arith.constant 0 : i32
        %dma_start3A_253 = tpu.memref_slice %arg10[%dma_start3A_251, %dma_start3A_252] : memref<64x128xf32, #tpu.memory_space<vmem>> -> memref<56x128xf32, #tpu.memory_space<vmem>>
        %dma_start3A_254 = arith.constant 0 : i32
        %dma_start3A_255 = tpu.memref_slice %arg7[%add3A_206, %add3A_248, %dma_start3A_254] : memref<8x10112x128xf32, #tpu.memory_space<hbm>> -> memref<1x56x128xf32, #tpu.memory_space<hbm>>
        %dma_start3A_256 = tpu.memref_squeeze %dma_start3A_255 : memref<1x56x128xf32, #tpu.memory_space<hbm>> -> memref<56x128xf32, #tpu.memory_space<hbm>>
        %dma_start3A_257 = arith.constant 0 : i32
        %dma_start3A_258 = tpu.memref_slice %arg7[%add3A_206, %add3A_248, %dma_start3A_257] : memref<8x10112x128xf32, #tpu.memory_space<hbm>> -> memref<1x56x128xf32, #tpu.memory_space<hbm>>
        %dma_start3A_259 = tpu.memref_squeeze %dma_start3A_258 : memref<1x56x128xf32, #tpu.memory_space<hbm>> -> memref<56x128xf32, #tpu.memory_space<hbm>>
        %dma_start3A_260 = arith.constant 0 : i32
        %dma_start3A_261 = arith.constant 0 : i32
        %dma_start3A_262 = tpu.memref_slice %arg10[%dma_start3A_260, %dma_start3A_261] : memref<64x128xf32, #tpu.memory_space<vmem>> -> memref<56x128xf32, #tpu.memory_space<vmem>>
        tpu.enqueue_dma source(%dma_start3A_262 : memref<56x128xf32, #tpu.memory_space<vmem>>) target(%dma_start3A_259 : memref<56x128xf32, #tpu.memory_space<hbm>>) target_semaphore(%run_scoped3A : memref<!tpu.dma_semaphore, #tpu.memory_space<semaphore_mem>>)
        %dma_wait3A_263 = arith.constant 0 : i32
        %dma_wait3A_264 = arith.constant 0 : i32
        %dma_wait3A_265 = tpu.memref_slice %arg10[%dma_wait3A_263, %dma_wait3A_264] : memref<64x128xf32, #tpu.memory_space<vmem>> -> memref<56x128xf32, #tpu.memory_space<vmem>>
        %dma_wait3A_266 = arith.constant 0 : i32
        %dma_wait3A_267 = tpu.memref_slice %arg7[%add3A_206, %add3A_248, %dma_wait3A_266] : memref<8x10112x128xf32, #tpu.memory_space<hbm>> -> memref<1x56x128xf32, #tpu.memory_space<hbm>>
        %dma_wait3A_268 = tpu.memref_squeeze %dma_wait3A_267 : memref<1x56x128xf32, #tpu.memory_space<hbm>> -> memref<56x128xf32, #tpu.memory_space<hbm>>
        %dma_wait3A_269 = arith.constant 0 : i32
        %dma_wait3A_270 = tpu.memref_slice %arg7[%add3A_206, %add3A_248, %dma_wait3A_269] : memref<8x10112x128xf32, #tpu.memory_space<hbm>> -> memref<1x56x128xf32, #tpu.memory_space<hbm>>
        %dma_wait3A_271 = tpu.memref_squeeze %dma_wait3A_270 : memref<1x56x128xf32, #tpu.memory_space<hbm>> -> memref<56x128xf32, #tpu.memory_space<hbm>>
        %dma_wait3A_272 = arith.constant 0 : i32
        %dma_wait3A_273 = arith.constant 0 : i32
        %dma_wait3A_274 = tpu.memref_slice %arg10[%dma_wait3A_272, %dma_wait3A_273] : memref<64x128xf32, #tpu.memory_space<vmem>> -> memref<56x128xf32, #tpu.memory_space<vmem>>
        tpu.wait_dma2 semaphore(%run_scoped3A : memref<!tpu.dma_semaphore, #tpu.memory_space<semaphore_mem>>) src(%dma_wait3A_274 : memref<56x128xf32, #tpu.memory_space<vmem>>) dst(%dma_wait3A_271 : memref<56x128xf32, #tpu.memory_space<hbm>>)
        tpu.yield
      }) : () -> ()
      %barrier3A_249 = arith.constant 0 : index
      tpu.barrier barrier_id(%barrier3A_249)
      %scan3A_250 = arith.constant 0 : i32
      scf.yield %scan3A_250 : i32
    }
    %scan3A_12 = arith.constant 4 : i32
    return
  }
}

module attributes {stable_mosaic.version = 14 : i64} {
  func.func @_stage0_body(%arg0: i32, %arg1: memref<1000x256xf32, #tpu.memory_space<vmem>>, %arg2: memref<256x512xf32, #tpu.memory_space<vmem>>, %arg3: memref<1x512xf32, #tpu.memory_space<vmem>>, %arg4: memref<4x1000x128xf32, #tpu.memory_space<vmem>>) attributes {dimension_semantics = [#tpu.dimension_semantics<arbitrary>], iteration_bounds = array<i64: 10>, scalar_prefetch = 0 : i64, scratch_operands = 0 : i64, tpu.core_type = #tpu.core_type<tc>, window_params = [{transform_indices = @transform_0, window_bounds = array<i64: 1000, 256>}, {pipeline_mode = #tpu.pipeline_mode<synchronous>, transform_indices = @transform_1, window_bounds = array<i64: 256, 512>}, {pipeline_mode = #tpu.pipeline_mode<synchronous>, transform_indices = @transform_2, window_bounds = array<i64: 1, 512>}, {transform_indices = @transform_3, window_bounds = array<i64: 4, 1000, 128>}]} {
    %get3A = arith.constant 0 : index
    %get3A_0 = arith.constant 0 : index
    %get3A_1 = vector.load %arg1[%get3A, %get3A_0] : memref<1000x256xf32, #tpu.memory_space<vmem>>, vector<1000x256xf32>
    %get3A_2 = arith.constant 0 : index
    %get3A_3 = arith.constant 0 : index
    %get3A_4 = vector.load %arg2[%get3A_2, %get3A_3] : memref<256x512xf32, #tpu.memory_space<vmem>>, vector<256x512xf32>
    %dot_general3A = arith.constant dense<0.000000e+00> : vector<1000x512xf32>
    %dot_general3A_5 = tpu.matmul %get3A_1, %get3A_4, %dot_general3A {dimension_numbers = #tpu.dot_dimension_numbers<[1], [0], [0], [1], [0, 0, 1, 1], [], []>, transpose_lhs_hint = false} : vector<1000x256xf32>, vector<256x512xf32>, vector<1000x512xf32> -> vector<1000x512xf32>
    %get3A_6 = arith.constant 0 : index
    %get3A_7 = arith.constant 0 : index
    %get3A_8 = vector.load %arg3[%get3A_6, %get3A_7] : memref<1x512xf32, #tpu.memory_space<vmem>>, vector<1x512xf32>
    %add3A = vector.broadcast %get3A_8 : vector<1x512xf32> to vector<1000x512xf32>
    %add3A_9 = arith.addf %dot_general3A_5, %add3A : vector<1000x512xf32>
    %slice3A = vector.extract_strided_slice %add3A_9 {offsets = [0, 0], sizes = [1000, 128], strides = [1, 1]} : vector<1000x512xf32> to vector<1000x128xf32>
    %swap3A = arith.constant 0 : index
    %swap3A_10 = arith.constant 0 : index
    %swap3A_11 = arith.constant 0 : index
    %swap3A_12 = vector.load %arg4[%swap3A, %swap3A_10, %swap3A_11] : memref<4x1000x128xf32, #tpu.memory_space<vmem>>, vector<1x1000x128xf32>
    %swap3A_13 = vector.shape_cast %swap3A_12 : vector<1x1000x128xf32> to vector<1000x128xf32>
    %swap3A_14 = vector.shape_cast %slice3A : vector<1000x128xf32> to vector<1x1000x128xf32>
    tpu.vector_store %arg4[%swap3A, %swap3A_10, %swap3A_11], %swap3A_14 {strides = array<i32>} : memref<4x1000x128xf32, #tpu.memory_space<vmem>>, vector<1x1000x128xf32>,
    %slice3A_15 = vector.extract_strided_slice %add3A_9 {offsets = [0, 128], sizes = [1000, 128], strides = [1, 1]} : vector<1000x512xf32> to vector<1000x128xf32>
    %swap3A_16 = arith.constant 1 : index
    %swap3A_17 = arith.constant 0 : index
    %swap3A_18 = arith.constant 0 : index
    %swap3A_19 = vector.load %arg4[%swap3A_16, %swap3A_17, %swap3A_18] : memref<4x1000x128xf32, #tpu.memory_space<vmem>>, vector<1x1000x128xf32>
    %swap3A_20 = vector.shape_cast %swap3A_19 : vector<1x1000x128xf32> to vector<1000x128xf32>
    %swap3A_21 = vector.shape_cast %slice3A_15 : vector<1000x128xf32> to vector<1x1000x128xf32>
    tpu.vector_store %arg4[%swap3A_16, %swap3A_17, %swap3A_18], %swap3A_21 {strides = array<i32>} : memref<4x1000x128xf32, #tpu.memory_space<vmem>>, vector<1x1000x128xf32>,
    %slice3A_22 = vector.extract_strided_slice %add3A_9 {offsets = [0, 256], sizes = [1000, 128], strides = [1, 1]} : vector<1000x512xf32> to vector<1000x128xf32>
    %swap3A_23 = arith.constant 2 : index
    %swap3A_24 = arith.constant 0 : index
    %swap3A_25 = arith.constant 0 : index
    %swap3A_26 = vector.load %arg4[%swap3A_23, %swap3A_24, %swap3A_25] : memref<4x1000x128xf32, #tpu.memory_space<vmem>>, vector<1x1000x128xf32>
    %swap3A_27 = vector.shape_cast %swap3A_26 : vector<1x1000x128xf32> to vector<1000x128xf32>
    %swap3A_28 = vector.shape_cast %slice3A_22 : vector<1000x128xf32> to vector<1x1000x128xf32>
    tpu.vector_store %arg4[%swap3A_23, %swap3A_24, %swap3A_25], %swap3A_28 {strides = array<i32>} : memref<4x1000x128xf32, #tpu.memory_space<vmem>>, vector<1x1000x128xf32>,
    %slice3A_29 = vector.extract_strided_slice %add3A_9 {offsets = [0, 384], sizes = [1000, 128], strides = [1, 1]} : vector<1000x512xf32> to vector<1000x128xf32>
    %swap3A_30 = arith.constant 3 : index
    %swap3A_31 = arith.constant 0 : index
    %swap3A_32 = arith.constant 0 : index
    %swap3A_33 = vector.load %arg4[%swap3A_30, %swap3A_31, %swap3A_32] : memref<4x1000x128xf32, #tpu.memory_space<vmem>>, vector<1x1000x128xf32>
    %swap3A_34 = vector.shape_cast %swap3A_33 : vector<1x1000x128xf32> to vector<1000x128xf32>
    %swap3A_35 = vector.shape_cast %slice3A_29 : vector<1000x128xf32> to vector<1x1000x128xf32>
    tpu.vector_store %arg4[%swap3A_30, %swap3A_31, %swap3A_32], %swap3A_35 {strides = array<i32>} : memref<4x1000x128xf32, #tpu.memory_space<vmem>>, vector<1x1000x128xf32>,
    return
  }
  func.func @transform_0(%arg0: i32) -> (i32, i32) {
    %c0_i32 = arith.constant 0 : i32
    %c0_i32_0 = arith.constant 0 : i32
    return %arg0, %c0_i32 : i32, i32
  }
  func.func @transform_1(%arg0: i32) -> (i32, i32) {
    %c0_i32 = arith.constant 0 : i32
    %c0_i32_0 = arith.constant 0 : i32
    %c0_i32_1 = arith.constant 0 : i32
    return %c0_i32, %c0_i32_0 : i32, i32
  }
  func.func @transform_2(%arg0: i32) -> (i32, i32) {
    %c0_i32 = arith.constant 0 : i32
    %c0_i32_0 = arith.constant 0 : i32
    %c0_i32_1 = arith.constant 0 : i32
    return %c0_i32, %c0_i32_0 : i32, i32
  }
  func.func @transform_3(%arg0: i32) -> (i32, i32, i32) {
    %c0_i32 = arith.constant 0 : i32
    %c0_i32_0 = arith.constant 0 : i32
    %c0_i32_1 = arith.constant 0 : i32
    return %c0_i32, %arg0, %c0_i32_0 : i32, i32, i32
  }
}

module attributes {stable_mosaic.version = 14 : i64} {
  func.func @_stage2_body(%arg0: i32, %arg1: memref<1000x256xf32, #tpu.memory_space<vmem>>, %arg2: memref<8x1000x128xf32, #tpu.memory_space<vmem>>, %arg3: memref<256x256xf32, #tpu.memory_space<vmem>>, %arg4: memref<8x128x256xf32, #tpu.memory_space<vmem>>, %arg5: memref<1000x256xf32, #tpu.memory_space<vmem>>) attributes {dimension_semantics = [#tpu.dimension_semantics<arbitrary>], iteration_bounds = array<i64: 10>, scalar_prefetch = 0 : i64, scratch_operands = 0 : i64, tpu.core_type = #tpu.core_type<tc>, window_params = [{transform_indices = @transform_0, window_bounds = array<i64: 1000, 256>}, {transform_indices = @transform_1, window_bounds = array<i64: 8, 1000, 128>}, {pipeline_mode = #tpu.pipeline_mode<synchronous>, transform_indices = @transform_2, window_bounds = array<i64: 256, 256>}, {pipeline_mode = #tpu.pipeline_mode<synchronous>, transform_indices = @transform_3, window_bounds = array<i64: 8, 128, 256>}, {transform_indices = @transform_4, window_bounds = array<i64: 1000, 256>}]} {
    %get3A = arith.constant 0 : index
    %get3A_0 = arith.constant 0 : index
    %get3A_1 = vector.load %arg1[%get3A, %get3A_0] : memref<1000x256xf32, #tpu.memory_space<vmem>>, vector<1000x256xf32>
    %get3A_2 = arith.constant 0 : index
    %get3A_3 = arith.constant 0 : index
    %get3A_4 = vector.load %arg3[%get3A_2, %get3A_3] : memref<256x256xf32, #tpu.memory_space<vmem>>, vector<256x256xf32>
    %dot_general3A = arith.constant dense<0.000000e+00> : vector<1000x256xf32>
    %dot_general3A_5 = tpu.matmul %get3A_1, %get3A_4, %dot_general3A {dimension_numbers = #tpu.dot_dimension_numbers<[1], [0], [0], [1], [0, 0, 1, 1], [], []>, transpose_lhs_hint = false} : vector<1000x256xf32>, vector<256x256xf32>, vector<1000x256xf32> -> vector<1000x256xf32>
    %get3A_6 = arith.constant 0 : index
    %get3A_7 = arith.constant 0 : index
    %get3A_8 = arith.constant 0 : index
    %get3A_9 = vector.load %arg2[%get3A_6, %get3A_7, %get3A_8] : memref<8x1000x128xf32, #tpu.memory_space<vmem>>, vector<1x1000x128xf32>
    %get3A_10 = vector.shape_cast %get3A_9 : vector<1x1000x128xf32> to vector<1000x128xf32>
    %get3A_11 = arith.constant 0 : index
    %get3A_12 = arith.constant 0 : index
    %get3A_13 = arith.constant 0 : index
    %get3A_14 = vector.load %arg4[%get3A_11, %get3A_12, %get3A_13] : memref<8x128x256xf32, #tpu.memory_space<vmem>>, vector<1x128x256xf32>
    %get3A_15 = vector.shape_cast %get3A_14 : vector<1x128x256xf32> to vector<128x256xf32>
    %dot_general3A_16 = arith.constant dense<0.000000e+00> : vector<1000x256xf32>
    %dot_general3A_17 = tpu.matmul %get3A_10, %get3A_15, %dot_general3A_16 {dimension_numbers = #tpu.dot_dimension_numbers<[1], [0], [0], [1], [0, 0, 1, 1], [], []>, transpose_lhs_hint = false} : vector<1000x128xf32>, vector<128x256xf32>, vector<1000x256xf32> -> vector<1000x256xf32>
    %add3A = arith.addf %dot_general3A_5, %dot_general3A_17 : vector<1000x256xf32>
    %get3A_18 = arith.constant 1 : index
    %get3A_19 = arith.constant 0 : index
    %get3A_20 = arith.constant 0 : index
    %get3A_21 = vector.load %arg2[%get3A_18, %get3A_19, %get3A_20] : memref<8x1000x128xf32, #tpu.memory_space<vmem>>, vector<1x1000x128xf32>
    %get3A_22 = vector.shape_cast %get3A_21 : vector<1x1000x128xf32> to vector<1000x128xf32>
    %get3A_23 = arith.constant 1 : index
    %get3A_24 = arith.constant 0 : index
    %get3A_25 = arith.constant 0 : index
    %get3A_26 = vector.load %arg4[%get3A_23, %get3A_24, %get3A_25] : memref<8x128x256xf32, #tpu.memory_space<vmem>>, vector<1x128x256xf32>
    %get3A_27 = vector.shape_cast %get3A_26 : vector<1x128x256xf32> to vector<128x256xf32>
    %dot_general3A_28 = arith.constant dense<0.000000e+00> : vector<1000x256xf32>
    %dot_general3A_29 = tpu.matmul %get3A_22, %get3A_27, %dot_general3A_28 {dimension_numbers = #tpu.dot_dimension_numbers<[1], [0], [0], [1], [0, 0, 1, 1], [], []>, transpose_lhs_hint = false} : vector<1000x128xf32>, vector<128x256xf32>, vector<1000x256xf32> -> vector<1000x256xf32>
    %add3A_30 = arith.addf %add3A, %dot_general3A_29 : vector<1000x256xf32>
    %get3A_31 = arith.constant 2 : index
    %get3A_32 = arith.constant 0 : index
    %get3A_33 = arith.constant 0 : index
    %get3A_34 = vector.load %arg2[%get3A_31, %get3A_32, %get3A_33] : memref<8x1000x128xf32, #tpu.memory_space<vmem>>, vector<1x1000x128xf32>
    %get3A_35 = vector.shape_cast %get3A_34 : vector<1x1000x128xf32> to vector<1000x128xf32>
    %get3A_36 = arith.constant 2 : index
    %get3A_37 = arith.constant 0 : index
    %get3A_38 = arith.constant 0 : index
    %get3A_39 = vector.load %arg4[%get3A_36, %get3A_37, %get3A_38] : memref<8x128x256xf32, #tpu.memory_space<vmem>>, vector<1x128x256xf32>
    %get3A_40 = vector.shape_cast %get3A_39 : vector<1x128x256xf32> to vector<128x256xf32>
    %dot_general3A_41 = arith.constant dense<0.000000e+00> : vector<1000x256xf32>
    %dot_general3A_42 = tpu.matmul %get3A_35, %get3A_40, %dot_general3A_41 {dimension_numbers = #tpu.dot_dimension_numbers<[1], [0], [0], [1], [0, 0, 1, 1], [], []>, transpose_lhs_hint = false} : vector<1000x128xf32>, vector<128x256xf32>, vector<1000x256xf32> -> vector<1000x256xf32>
    %add3A_43 = arith.addf %add3A_30, %dot_general3A_42 : vector<1000x256xf32>
    %get3A_44 = arith.constant 3 : index
    %get3A_45 = arith.constant 0 : index
    %get3A_46 = arith.constant 0 : index
    %get3A_47 = vector.load %arg2[%get3A_44, %get3A_45, %get3A_46] : memref<8x1000x128xf32, #tpu.memory_space<vmem>>, vector<1x1000x128xf32>
    %get3A_48 = vector.shape_cast %get3A_47 : vector<1x1000x128xf32> to vector<1000x128xf32>
    %get3A_49 = arith.constant 3 : index
    %get3A_50 = arith.constant 0 : index
    %get3A_51 = arith.constant 0 : index
    %get3A_52 = vector.load %arg4[%get3A_49, %get3A_50, %get3A_51] : memref<8x128x256xf32, #tpu.memory_space<vmem>>, vector<1x128x256xf32>
    %get3A_53 = vector.shape_cast %get3A_52 : vector<1x128x256xf32> to vector<128x256xf32>
    %dot_general3A_54 = arith.constant dense<0.000000e+00> : vector<1000x256xf32>
    %dot_general3A_55 = tpu.matmul %get3A_48, %get3A_53, %dot_general3A_54 {dimension_numbers = #tpu.dot_dimension_numbers<[1], [0], [0], [1], [0, 0, 1, 1], [], []>, transpose_lhs_hint = false} : vector<1000x128xf32>, vector<128x256xf32>, vector<1000x256xf32> -> vector<1000x256xf32>
    %add3A_56 = arith.addf %add3A_43, %dot_general3A_55 : vector<1000x256xf32>
    %get3A_57 = arith.constant 4 : index
    %get3A_58 = arith.constant 0 : index
    %get3A_59 = arith.constant 0 : index
    %get3A_60 = vector.load %arg2[%get3A_57, %get3A_58, %get3A_59] : memref<8x1000x128xf32, #tpu.memory_space<vmem>>, vector<1x1000x128xf32>
    %get3A_61 = vector.shape_cast %get3A_60 : vector<1x1000x128xf32> to vector<1000x128xf32>
    %get3A_62 = arith.constant 4 : index
    %get3A_63 = arith.constant 0 : index
    %get3A_64 = arith.constant 0 : index
    %get3A_65 = vector.load %arg4[%get3A_62, %get3A_63, %get3A_64] : memref<8x128x256xf32, #tpu.memory_space<vmem>>, vector<1x128x256xf32>
    %get3A_66 = vector.shape_cast %get3A_65 : vector<1x128x256xf32> to vector<128x256xf32>
    %dot_general3A_67 = arith.constant dense<0.000000e+00> : vector<1000x256xf32>
    %dot_general3A_68 = tpu.matmul %get3A_61, %get3A_66, %dot_general3A_67 {dimension_numbers = #tpu.dot_dimension_numbers<[1], [0], [0], [1], [0, 0, 1, 1], [], []>, transpose_lhs_hint = false} : vector<1000x128xf32>, vector<128x256xf32>, vector<1000x256xf32> -> vector<1000x256xf32>
    %add3A_69 = arith.addf %add3A_56, %dot_general3A_68 : vector<1000x256xf32>
    %get3A_70 = arith.constant 5 : index
    %get3A_71 = arith.constant 0 : index
    %get3A_72 = arith.constant 0 : index
    %get3A_73 = vector.load %arg2[%get3A_70, %get3A_71, %get3A_72] : memref<8x1000x128xf32, #tpu.memory_space<vmem>>, vector<1x1000x128xf32>
    %get3A_74 = vector.shape_cast %get3A_73 : vector<1x1000x128xf32> to vector<1000x128xf32>
    %get3A_75 = arith.constant 5 : index
    %get3A_76 = arith.constant 0 : index
    %get3A_77 = arith.constant 0 : index
    %get3A_78 = vector.load %arg4[%get3A_75, %get3A_76, %get3A_77] : memref<8x128x256xf32, #tpu.memory_space<vmem>>, vector<1x128x256xf32>
    %get3A_79 = vector.shape_cast %get3A_78 : vector<1x128x256xf32> to vector<128x256xf32>
    %dot_general3A_80 = arith.constant dense<0.000000e+00> : vector<1000x256xf32>
    %dot_general3A_81 = tpu.matmul %get3A_74, %get3A_79, %dot_general3A_80 {dimension_numbers = #tpu.dot_dimension_numbers<[1], [0], [0], [1], [0, 0, 1, 1], [], []>, transpose_lhs_hint = false} : vector<1000x128xf32>, vector<128x256xf32>, vector<1000x256xf32> -> vector<1000x256xf32>
    %add3A_82 = arith.addf %add3A_69, %dot_general3A_81 : vector<1000x256xf32>
    %get3A_83 = arith.constant 6 : index
    %get3A_84 = arith.constant 0 : index
    %get3A_85 = arith.constant 0 : index
    %get3A_86 = vector.load %arg2[%get3A_83, %get3A_84, %get3A_85] : memref<8x1000x128xf32, #tpu.memory_space<vmem>>, vector<1x1000x128xf32>
    %get3A_87 = vector.shape_cast %get3A_86 : vector<1x1000x128xf32> to vector<1000x128xf32>
    %get3A_88 = arith.constant 6 : index
    %get3A_89 = arith.constant 0 : index
    %get3A_90 = arith.constant 0 : index
    %get3A_91 = vector.load %arg4[%get3A_88, %get3A_89, %get3A_90] : memref<8x128x256xf32, #tpu.memory_space<vmem>>, vector<1x128x256xf32>
    %get3A_92 = vector.shape_cast %get3A_91 : vector<1x128x256xf32> to vector<128x256xf32>
    %dot_general3A_93 = arith.constant dense<0.000000e+00> : vector<1000x256xf32>
    %dot_general3A_94 = tpu.matmul %get3A_87, %get3A_92, %dot_general3A_93 {dimension_numbers = #tpu.dot_dimension_numbers<[1], [0], [0], [1], [0, 0, 1, 1], [], []>, transpose_lhs_hint = false} : vector<1000x128xf32>, vector<128x256xf32>, vector<1000x256xf32> -> vector<1000x256xf32>
    %add3A_95 = arith.addf %add3A_82, %dot_general3A_94 : vector<1000x256xf32>
    %get3A_96 = arith.constant 7 : index
    %get3A_97 = arith.constant 0 : index
    %get3A_98 = arith.constant 0 : index
    %get3A_99 = vector.load %arg2[%get3A_96, %get3A_97, %get3A_98] : memref<8x1000x128xf32, #tpu.memory_space<vmem>>, vector<1x1000x128xf32>
    %get3A_100 = vector.shape_cast %get3A_99 : vector<1x1000x128xf32> to vector<1000x128xf32>
    %get3A_101 = arith.constant 7 : index
    %get3A_102 = arith.constant 0 : index
    %get3A_103 = arith.constant 0 : index
    %get3A_104 = vector.load %arg4[%get3A_101, %get3A_102, %get3A_103] : memref<8x128x256xf32, #tpu.memory_space<vmem>>, vector<1x128x256xf32>
    %get3A_105 = vector.shape_cast %get3A_104 : vector<1x128x256xf32> to vector<128x256xf32>
    %dot_general3A_106 = arith.constant dense<0.000000e+00> : vector<1000x256xf32>
    %dot_general3A_107 = tpu.matmul %get3A_100, %get3A_105, %dot_general3A_106 {dimension_numbers = #tpu.dot_dimension_numbers<[1], [0], [0], [1], [0, 0, 1, 1], [], []>, transpose_lhs_hint = false} : vector<1000x128xf32>, vector<128x256xf32>, vector<1000x256xf32> -> vector<1000x256xf32>
    %add3A_108 = arith.addf %add3A_95, %dot_general3A_107 : vector<1000x256xf32>
    %max3A = arith.constant 0.000000e+00 : f32
    %max3A_109 = vector.broadcast %max3A : f32 to vector<1000x256xf32>
    %max3A_110 = arith.maximumf %add3A_108, %max3A_109 : vector<1000x256xf32>
    %mul3A = arith.mulf %max3A_110, %max3A_110 : vector<1000x256xf32>
    %reduce_sum3A = arith.constant dense<0.000000e+00> : vector<1000xf32>
    %reduce_sum3A_111 = vector.multi_reduction <add>, %mul3A, %reduce_sum3A [1] : vector<1000x256xf32> to vector<1000xf32>
    %broadcast_in_dim3A = vector.shape_cast %reduce_sum3A_111 : vector<1000xf32> to vector<1000x1xf32>
    %sqrt3A = math.sqrt %broadcast_in_dim3A : vector<1000x1xf32>
    %max3A_112 = arith.constant 9.99999996E-13 : f32
    %max3A_113 = vector.broadcast %max3A_112 : f32 to vector<1000x1xf32>
    %max3A_114 = arith.maximumf %sqrt3A, %max3A_113 : vector<1000x1xf32>
    %div3A = vector.broadcast %max3A_114 : vector<1000x1xf32> to vector<1000x256xf32>
    %div3A_115 = arith.divf %max3A_110, %div3A : vector<1000x256xf32>
    %swap3A = arith.constant 0 : index
    %swap3A_116 = arith.constant 0 : index
    %swap3A_117 = vector.load %arg5[%swap3A, %swap3A_116] : memref<1000x256xf32, #tpu.memory_space<vmem>>, vector<1000x256xf32>
    tpu.vector_store %arg5[%swap3A, %swap3A_116], %div3A_115 {strides = array<i32>} : memref<1000x256xf32, #tpu.memory_space<vmem>>, vector<1000x256xf32>,
    return
  }
  func.func @transform_0(%arg0: i32) -> (i32, i32) {
    %c0_i32 = arith.constant 0 : i32
    %c0_i32_0 = arith.constant 0 : i32
    return %arg0, %c0_i32 : i32, i32
  }
  func.func @transform_1(%arg0: i32) -> (i32, i32, i32) {
    %c0_i32 = arith.constant 0 : i32
    %c0_i32_0 = arith.constant 0 : i32
    %c0_i32_1 = arith.constant 0 : i32
    return %c0_i32, %arg0, %c0_i32_0 : i32, i32, i32
  }
  func.func @transform_2(%arg0: i32) -> (i32, i32) {
    %c0_i32 = arith.constant 0 : i32
    %c0_i32_0 = arith.constant 0 : i32
    %c0_i32_1 = arith.constant 0 : i32
    return %c0_i32, %c0_i32_0 : i32, i32
  }
  func.func @transform_3(%arg0: i32) -> (i32, i32, i32) {
    %c0_i32 = arith.constant 0 : i32
    %c0_i32_0 = arith.constant 0 : i32
    %c0_i32_1 = arith.constant 0 : i32
    %c0_i32_2 = arith.constant 0 : i32
    return %c0_i32, %c0_i32_0, %c0_i32_1 : i32, i32, i32
  }
  func.func @transform_4(%arg0: i32) -> (i32, i32) {
    %c0_i32 = arith.constant 0 : i32
    %c0_i32_0 = arith.constant 0 : i32
    return %arg0, %c0_i32 : i32, i32
  }
}

</mosaic_0001>

<sc_bundles>
// kernel: kernel.5.cloned.1.call-start
scs
__scs_entry_jumppad:
0x0: {  	(pc) =	sbr.rel $0x88, $3  }
0x1: {  	(tag) =	ssettag $0x0;
	lr =	simm.s32 $0x1  }
0x2: {  	[smem:$0x3F9B] =	sst lr;
	_ =	strace $0xD0000000  }
0x3: {  	_ = 	snop  }
0x4: {  	_ = 	snop  }
0x5: {  	_ = 	snop  }
0x6: {  	_ = 	snop  }
0x7: {  	_ = 	snop  }
__scs_overlays_trampoline_lowered:
0x8: {  	[smem:$0x3FAA] =	sst s0  }
0x9: {  	[smem:$0x3FAB] =	sst s1  }
0xa: {  	[smem:$0x3FAC] =	sst s2  }
0xb: {  	[smem:$0x3FAD] =	sst s3  }
0xc: {  	[smem:$0x3FAE] =	sst s4  }
0xd: {  	[smem:$0x3FAF] =	sst s5  }
0xe: {  	[smem:$0x3FB0] =	sst s6  }
0xf: {  	[smem:$0x3FB1] =	sst s7  }
0x10: {  	[smem:$0x3FB2] =	sst s8  }
0x11: {  	[smem:$0x3FB3] =	sst s9;
	s0 =	simm.s32 @!p0 $0x0  }
0x12: {  	s1 =	sld [smem:$0x3F99];
	s0 =	simm.s32 @p0 $0x1  }
0x13: {  	[smem:$0x3FB4] =	sst s0;
	s0 =	simm.s32 @!p1 $0x0  }
0x14: {  	s2 =	sld [smem:$0x3F98];
	s0 =	simm.s32 @p1 $0x1  }
0x15: {  	[smem:$0x3FB5] =	sst s0;
	s0 =	simm.s32 @!p2 $0x0  }
0x16: {  	s3 =	sld [smem:$0x3FDB];
	s0 =	simm.s32 @p2 $0x1  }
0x17: {  	s4 =	simm.s32 $0x1BF5;
	[smem:$0x3FB7] =	sst s0  }
0x18: {  	s0 =	sld [smem:$0x3F9A];
	_ =	swait.ge [sflag:s4], $0x0  }
0x19: {  	s7 =	sld [smem:$0x3F9B]  }
0x1a: {  	s8 =	sadd.s32 $0xFFFFE003, lr  }
0x1b: {  	s9 =	sadd.s32 $0xFFFFFEF7, lr;
	s5 =	simm.s32 $0xFFFFFFFF;
	p2 =	slt.u32 s8, $0xFFFFF086  }
0x1c: {  	p1 =	slt.u32 s9, $0xF7A;
	s5 =	simm.s32 @!p2 $0x0  }
0x1d: {  	s5 =	simm.s32 @p1 $0x1;
	p0 =	seq.s32 s7, s2  }
0x1e: {  	s7 =	smul.u32 @!p0 $0xF7A, s2;
	p2 =	seq.s32 @!p0 s5, $0x0  }
0x1f: {  	s9 =	smul.u32 $0xF7A, s1;
	s8 =	simm.s32 @!p0 $0x1BF5;
	p2 =	por !p2, p0  }
0x20: {  	[sflag:s8] =	ssyncset.s32 @!p0 $0xFFFFF086;
	s6 =	sadd.s32 @!p0 s3, s7;
	s7 =	simm.s32 @!p0 $0x108  }
0x21: {  	s3 =	sadd.s32 s3, s9;
	s6 =	sadd.s32 @!p0 $0x88, s6;
	s7 =	simm.s32 @p2 $0x1082  }
0x22: {  	[simem:s7], [sflag:s8] =	dma.local @!p0 [hbm:s6], $0xF7A  }
0x23: {  	s9 =	sor.u32 $0xD0000000, s2;
	s6 =	simm.s32 $0x108;
	_ =	swait.ge @!p0 [sflag:s8], $0x0  }
0x24: {  	s3 =	sadd.s32 $0x88, s3;
	s6 =	simm.s32 @!p1 $0x1082;
	[sflag:s4] =	ssyncset.s32 $0xFFFFF086  }
0x25: {  	[simem:s6], [sflag:s4] =	dma.local [hbm:s3], $0xF7A  }
0x26: {  	[smem:$0x3F9B] =	sst s1;
	(tag) =	ssettag s2;
	_ =	strace s9  }
0x27: {  	s1 =	sld [smem:$0x3FAB]  }
0x28: {  	s2 =	sld [smem:$0x3FAC]  }
0x29: {  	s4 =	sld [smem:$0x3FAE]  }
0x2a: {  	p0 =	seq.s32 s5, $0x0;
	s5 =	sld [smem:$0x3FAF]  }
0x2b: {  	s6 =	sld [smem:$0x3FB0]  }
0x2c: {  	s7 =	sld [smem:$0x3FB1]  }
0x2d: {  	s3 =	simm.s32 $0x108;
	s8 =	sld [smem:$0x3FB2]  }
0x2e: {  	s3 =	simm.s32 @!p0 $0x1082;
	s9 =	sld [smem:$0x3FB3]  }
0x2f: {  	lr =	sadd.s32 s0, s3;
	s0 =	sld [smem:$0x3FAA]  }
0x30: {  	s3 =	sld [smem:$0x3FAD]  }
0x31: {  	[smem:$0x3FB6] =	sst s10  }
0x32: {  	s10 =	sld [smem:$0x3FB4];
	_ =	sdelay $0x3  }
0x33: {  	p0 =	seq.s32 s10, $0x1;
	s10 =	sld [smem:$0x3FB6];
	_ =	sdelay $0x3  }
0x34: {  	[smem:$0x3FB6] =	sst s10  }
0x35: {  	s10 =	sld [smem:$0x3FB5];
	_ =	sdelay $0x3  }
0x36: {  	p1 =	seq.s32 s10, $0x1;
	s10 =	sld [smem:$0x3FB6];
	_ =	sdelay $0x3  }
0x37: {  	[smem:$0x3FB6] =	sst s10  }
0x38: {  	s10 =	sld [smem:$0x3FB7]  }
0x39: {  	_ = 	snop;
	(pc) =	sbr.ind lr, $3  }
0x3a: {  	_ = 	snop  }
0x3b: {  	_ = 	snop  }
0x3c: {  	p2 =	seq.s32 s10, $0x1;
	s10 =	sld [smem:$0x3FB6]  }
0x3d: {  	_ =	shalt  }
0x3e: {  	_ =	shalt  }
0x3f: {  	_ =	shalt  }
0x40: {  	_ =	shalt  }
0x41: {  	_ =	shalt  }
0x42: {  	_ =	shalt  }
0x43: {  	_ =	shalt  }
0x44: {  	_ =	shalt  }
0x45: {  	_ =	shalt  }
0x46: {  	_ =	shalt  }
0x47: {  	_ =	shalt  }
0x48: {  	_ =	shalt  }
0x49: {  	_ =	shalt  }
0x4a: {  	_ =	shalt  }
0x4b: {  	_ =	shalt  }
0x4c: {  	_ =	shalt  }
0x4d: {  	_ =	shalt  }
0x4e: {  	_ =	shalt  }
0x4f: {  	_ =	shalt  }
0x50: {  	_ =	shalt  }
0x51: {  	_ =	shalt  }
0x52: {  	_ =	shalt  }
0x53: {  	_ =	shalt  }
0x54: {  	_ =	shalt  }
0x55: {  	_ =	shalt  }
0x56: {  	_ =	shalt  }
0x57: {  	_ =	shalt  }
0x58: {  	_ =	shalt  }
0x59: {  	_ =	shalt  }
0x5a: {  	_ =	shalt  }
0x5b: {  	_ =	shalt  }
0x5c: {  	_ =	shalt  }
0x5d: {  	_ =	shalt  }
0x5e: {  	_ =	shalt  }
0x5f: {  	_ =	shalt  }
0x60: {  	_ =	shalt  }
0x61: {  	_ =	shalt  }
0x62: {  	_ =	shalt  }
0x63: {  	_ =	shalt  }
0x64: {  	_ =	shalt  }
0x65: {  	_ =	shalt  }
0x66: {  	_ =	shalt  }
0x67: {  	_ =	shalt  }
0x68: {  	_ =	shalt  }
0x69: {  	_ =	shalt  }
0x6a: {  	_ =	shalt  }
0x6b: {  	_ =	shalt  }
0x6c: {  	_ =	shalt  }
0x6d: {  	_ =	shalt  }
0x6e: {  	_ =	shalt  }
0x6f: {  	_ =	shalt  }
0x70: {  	_ =	shalt  }
0x71: {  	_ =	shalt  }
0x72: {  	_ =	shalt  }
0x73: {  	_ =	shalt  }
0x74: {  	_ =	shalt  }
0x75: {  	_ =	shalt  }
0x76: {  	_ =	shalt  }
0x77: {  	_ =	shalt  }
0x78: {  	_ =	shalt  }
0x79: {  	_ =	shalt  }
0x7a: {  	_ =	shalt  }
0x7b: {  	_ =	shalt  }
0x7c: {  	_ =	shalt  }
0x7d: {  	_ =	shalt  }
0x7e: {  	_ =	shalt  }
0x7f: {  	_ =	shalt  }
0x80: {  	_ =	shalt  }
0x81: {  	_ =	shalt  }
0x82: {  	_ =	shalt  }
0x83: {  	_ =	shalt  }
0x84: {  	_ =	shalt  }
0x85: {  	_ =	shalt  }
0x86: {  	_ =	shalt  }
0x87: {  	_ =	shalt  }
.Lfunc_end0:
.L_simem_size_0:
called_computation_lowered:
.L_overlay_start_0:
0x88: {  	s2 =	sld [smem:$0x3FD9]  }
0x89: {  	s3 =	sld [smem:$0x3FFE];
	_ =	sdelay $0x1  }
0x8a: {  	s1 =	srdreg.scid  }
0x8b: {  	s0 =	sand.u32 $0x1, s1  }
0x8c: {  	s17 =	sshll.u32 s0, $0xA;
	s2 =	sadd.s32 s3, s2  }
0x8d: {  	s2 =	sadd.s32 s2, s17  }
0x8e: {  	[smem:$0x3FC2] =	sst s2  }
0x8f: {  	_ = 	snop  }
0x90: {  	s2 =	sld [smem:$0x3FD0];
	(tm) =	ssettm $0x1  }
0x91: {  	s18 =	sld [smem:$0x3FFB];
	_ =	sdelay $0x3  }
0x92: {  	_ =	strace s18  }
0x93: {  	s3 =	sld [smem:$0x3FFC];
	_ =	sdelay $0x3  }
0x94: {  	_ =	strace s3  }
0x95: {  	s3 =	sld [smem:$0x3FFD];
	_ =	sdelay $0x3  }
0x96: {  	_ =	strace s3  }
0x97: {  	_ =	strace $0x8FFFFFFF  }
0x98: {  	s19 =	sld [smem:$0x3FDB];
	_ =	sdelay $0x1  }
0x99: {  	s4 =	simm.s32 $_scs_section_size  }
0x9a: {  	s5 =	simm.s32 $_size__tile_overlayer_lowered;
	s6 =	simm.s32 $_tile_overlayer_lowered  }
0x9b: {  	s22 =	simm.s32 $0x1BFF;
	s21 =	sshll.u32 s6, $0x1;
	s3 =	sadd.s32 s4, s19  }
0x9c: {  	s7 =	simm.s32 $0x0;
	s20 =	sshll.u32 s5, $0x1;
	s5 =	sadd.s32 s21, s3  }
0x9d: {  	[timem:s7], [sflag:s22] =	dma.local [hbm:s5], s20  }
0x9e: {  	_ =	swait.ge [sflag:s22], s20  }
0x9f: {  	s4 =	ssub.s32 $0x0, s20;
	[sflag:s22] =	ssyncset.done $0x0  }
0xa0: {  	[sflag:s22] =	ssyncadd.s32 s4;
	_ =	sdelay $0x1  }
0xa1: {  	s23 =	simm.s32 $0x1B8B  }
0xa2: {  	_ =	swait.ge [sflag:s23], $0x1  }
0xa3: {  	[sflag:s23] =	ssyncset.done $0x0  }
0xa4: {  	s25 =	simm.s32 $0x1B8E;
	s24 =	sld [smem:$0x3FFE];
	[sflag:s23] =	ssyncadd.s32 $0xFFFFFFFF  }
0xa5: {  	s26 =	simm.s32 $execute0_lowered;
	[smem:$0x3FD2] =	sst s25  }
0xa6: {  	s5 =	sshll.u32 s26, $0x1;
	_ =	strace $0x80000046;
	[dreg:$0x1] =	wrdreg $0xFFFFFFFF  }
0xa7: {  	s28 =	simm.s32 $_size_execute0_lowered;
	s3 =	sadd.s32 s3, s5;
	[dreg:$0x0] =	wrdreg $0x0  }
0xa8: {  	s5 =	sshll.u32 s28, $0x1;
	[dreg:$0x2] =	wrdreg s3  }
0xa9: {  	[dreg:$0x3] =	wrdreg s5  }
0xaa: {  	[dreg:$0x4] =	wrdreg $0xC0  }
0xab: {  	_ =	task [dreg:s7], $0x5FFFF  }
0xac: {  	[dreg:$0x1] =	wrdreg $0xFFFFFFFF  }
0xad: {  	[dreg:$0x0] =	wrdreg $0x60  }
0xae: {  	[dreg:$0x2] =	wrdreg s24  }
0xaf: {  	[dreg:$0x3] =	wrdreg s2  }
0xb0: {  	[dreg:$0x4] =	wrdreg $0xAC000  }
0xb1: {  	[dreg:$0x5] =	wrdreg $0x9  }
0xb2: {  	_ =	task.clear_ibuf [dreg:s7], $0x6FFFF;
	_ =	strace $0x90000046  }
0xb3: {  	s29 =	simm.s32 $0x9;
	_ =	strace $0x80000048  }
0xb4: {  	_ =	swait.ge [sflag:s29], $0x1  }
0xb5: {  	[sflag:s29] =	ssyncadd.s32 $0xFFFFFFFF  }
0xb6: {  	_ =	strace $0x90000048  }
0xb7: {  	_ =	sfence  }
0xb8: {  	s30 =	sld [smem:$0x0];
	_ =	sdelay $0x2  }
0xb9: {  	s31 =	sshll.u32 s1, $0xD;
	s1 =	sshrl.u32 s1, $0x2  }
0xba: {  	s3 =	sand.u32 $0x4000, s31;
	s1 =	sadd.s32 s1, s30  }
0xbb: {  	s0 =	sor.u32 s3, s0;
	s1 =	sshll.u32 s1, $0x11  }
0xbc: {  	s0 =	sor.u32 s1, s0  }
0xbd: {  	s0 =	sadd.s32 $0x8F2B, s0  }
0xbe: {  	[sflag:s0] =	ssyncadd.remote.s32 $0x1  }
0xbf: {  	_ =	sfence.sel $0xFFFF  }
0xc0: {  	[dreg:$0x0] =	wrdreg $0xFFFFFFFF;
	(pc) =	sbr.abs _section_cstart, $3  }
0xc1: {  	[dreg:$0x1] =	wrdreg $0xFFFFFFFF  }
0xc2: {  	_ =	task.clear_ibuf [dreg:s7], $0x2FFFF;
	_ =	strace $0x9FFFFFFF  }
0xc3: {  	(tm) =	ssettm $0x7FFFFFFF  }
tec
execute0_lowered:
.L_overlay_start_1:
0x0: {  	(tag) =	ssettag $0x1  }
0x1: {  	s0 =	rddreg [dreg:$0x0];
	s1 =	srdreg.scid  }
0x2: {  	s2 =	rddreg [dreg:$0x1];
	s9 =	stileid.u32  }
0x3: {  	s3 =	rddreg [dreg:$0x2];
	s4 =	simm.s32 $0x0;
	s6 =	sand.u32 $0x1, s1  }
0x4: {  	[smem:$0x7FF] =	sst s4;
	s23 =	sadd.s32 $0xBE00, s0;
	s7 =	smul.u32 $0x4F000, s9  }
0x5: {  	s8 =	sadd.s32 $0x1400, s0;
	_ =	strace $0x80000047;
	[dreg:$0x5] =	wrdreg s23  }
0x6: {  	[dreg:$0x4] =	wrdreg s6;
	s26 =	sshrl.u32 s7, $0x2;
	s7 =	smul.u32 $0x13C00, s9  }
0x7: {  	s5 =	smul.u32 $0x50, s9;
	[dreg:$0x6] =	wrdreg s8  }
0x8: {  	s1 =	smul.u32 $0x500, s6;
	s10 =	sadd.s32 $0x2000, s7;
	[dreg:$0x7] =	wrdreg s7  }
0x9: {  	s6 =	ssub.s32 $0x2, s6;
	s11 =	sadd.s32 $0x4000, s7;
	[dreg:$0xa] =	wrdreg s10  }
0xa: {  	s8 =	sadd.s32 $0xA8200, s0;
	s13 =	sadd.s32 $0x6000, s7;
	[dreg:$0xb] =	wrdreg s11  }
0xb: {  	s25 =	sshrl.u32 s6, $0x1;
	s14 =	sadd.s32 $0x8000, s7;
	[dreg:$0xc] =	wrdreg s13  }
0xc: {  	s5 =	sadd.s32 s5, s1;
	s15 =	sadd.s32 $0xA000, s7;
	[dreg:$0x10] =	wrdreg s14  }
0xd: {  	s24 =	sshll.u32 s5, $0x3;
	s20 =	sadd.s32 $0xC000, s7;
	[dreg:$0x11] =	wrdreg s15  }
0xe: {  	s23 =	sadd.s32 $0xE000, s7;
	s1 =	sadd.s32 s24, s0;
	[dreg:$0x16] =	wrdreg s20  }
0xf: {  	s0 =	ssub.s32 s6, s25;
	s25 =	sadd.s32 $0x10000, s7;
	[dreg:$0x18] =	wrdreg s23  }
0x10: {  	s16 =	sadd.s32 s10, s3;
	[dreg:$0x19] =	wrdreg s25  }
0x11: {  	s17 =	sadd.s32 s11, s3;
	[dreg:$0xd] =	wrdreg s16  }
0x12: {  	s12 =	sadd.s32 s26, s3;
	s18 =	sadd.s32 s13, s3;
	[dreg:$0xe] =	wrdreg s17  }
0x13: {  	s19 =	sshll.u32 s5, $0x5;
	s21 =	sadd.s32 s14, s3;
	[dreg:$0xf] =	wrdreg s18  }
0x14: {  	s22 =	sadd.s32 s15, s3;
	s24 =	sadd.s32 $0x20, s2;
	[dreg:$0x12] =	wrdreg s21  }
0x15: {  	s26 =	sadd.s32 s20, s3;
	s28 =	sadd.s32 s23, s3;
	[dreg:$0x13] =	wrdreg s22  }
0x16: {  	s11 =	simm.s32 $0x4;
	s6 =	simm.s32 $0x2800;
	[dreg:$0x17] =	wrdreg s26  }
0x17: {  	s13 =	simm.s32 $0x3;
	s31 =	sadd.s32 $0x1600, s1;
	[dreg:$0x1a] =	wrdreg s28  }
0x18: {  	s14 =	simm.s32 $0x4800;
	s1 =	sadd.s32 $0x6A00, s1;
	[dreg:$0x8] =	wrdreg s31  }
0x19: {  	s15 =	simm.s32 $0xA900;
	s0 =	smax.u32 s0, $0x1;
	[dreg:$0x9] =	wrdreg s1  }
0x1a: {  	s20 =	simm.s32 $0x2;
	s29 =	sadd.s32 s25, s3;
	[dreg:$0x15] =	wrdreg s0  }
0x1b: {  	s25 =	simm.s32 $0x6800;
	s1 =	sadd.s32 s2, s19;
	[dreg:$0x1b] =	wrdreg s29  }
0x1c: {  	s31 =	sadd.s32 $0x12000, s7;
	s2 =	simm.s32 $0x40;
	[dreg:$0x14] =	wrdreg s1  }
0x1d: {  	s7 =	simm.s32 $0x1;
	[dreg:$0x1c] =	wrdreg s31;
	s30 =	sadd.s32 s31, s3  }
0x1e: {  	v0 =	vimm.f32 $0.0e+00;
	s19 =	simm.s32 $0x8800;
	s1 =	simm.s32 $0x0;
	[dreg:$0x1d] =	wrdreg s30  }
.LBB2_1:
0x1f: {  	[dreg:$0x1e] =	wrdreg s1  }
0x20: {  	s0 =	rddreg [dreg:$0x8]  }
0x21: {  	[tilespmem:s4], [sflag:$0x4] =	stream.linear.gather [hbm4b:s0+s4], $0x1400, $0x38;
	[tilespmem:$0x1E800] =	vst v63  }
0x22: {  	_ =	swait.ge [sflag:s11], $0x1400  }
0x23: {  	[sflag:s11] =	ssyncset.done $0x0  }
0x24: {  	s31 =	simm.s32 $0x1400;
	s23 =	rddreg [dreg:$0x9];
	[sflag:s11] =	ssyncadd.s32 $0xFFFFEC00  }
0x25: {  	[tilespmem:s31], [sflag:$0x4] =	stream.linear.gather [hbm4b:s23+s4], $0x1400, $0x38;
	[tilespmem:$0x1E800] =	vst v63  }
0x26: {  	_ =	swait.ge [sflag:s11], $0x1400  }
0x27: {  	[sflag:s11] =	ssyncset.done $0x0  }
0x28: {  	s23 =	simm.s32 $0x0;
	[sflag:s11] =	ssyncadd.s32 $0xFFFFEC00  }
.LBB2_2:
0x29: {  	s0 =	sshll.u32 s23, $0x6;
	s1 =	rddreg [dreg:$0x6]  }
0x2a: {  	s9 =	simm.s32 $0x0;
	s31 =	simm.s32 $0xAA00;
	s0 =	sadd.s32 s1, s0  }
0x2b: {  	[tilespmem:s31], [sflag:$0x4] =	stream.linear.gather [hbm4b:s0+s9], $0x200, $0x38;
	[tilespmem:$0x1E800] =	vst v63  }
0x2c: {  	_ =	swait.ge [sflag:s11], $0x200  }
0x2d: {  	[sflag:s11] =	ssyncset.done $0x0  }
0x2e: {  	[sflag:s11] =	ssyncadd.s32 $0xFFFFFE00  }
0x2f: {  	v24 =	vld [tilespmem:$0xAA00]  }
0x30: {  	v10 =	vld [tilespmem:$0xAA10]  }
0x31: {  	v23 =	vld [tilespmem:$0xAA20]  }
0x32: {  	v22 =	vld [tilespmem:$0xAA30]  }
0x33: {  	v18 =	vld [tilespmem:$0xAA40]  }
0x34: {  	v1 =	vld [tilespmem:$0xAA50]  }
0x35: {  	v13 =	vld [tilespmem:$0xAA70]  }
0x36: {  	v36 =	vld [tilespmem:$0xAA80]  }
0x37: {  	v11 =	vld [tilespmem:$0xAA90]  }
0x38: {  	v12 =	vld [tilespmem:$0xAAA0]  }
0x39: {  	v19 =	vld [tilespmem:$0xAAB0]  }
0x3a: {  	v21 =	vld [tilespmem:$0xAAC0]  }
0x3b: {  	v20 =	vld [tilespmem:$0xAAD0]  }
0x3c: {  	v14 =	vld [tilespmem:$0xAAE0]  }
0x3d: {  	v52 =	vld [tilespmem:$0xAAF0]  }
0x3e: {  	v45 =	vld [tilespmem:$0xAB00]  }
0x3f: {  	v16 =	vld [tilespmem:$0xAB10]  }
0x40: {  	v33 =	vld [tilespmem:$0xAB20]  }
0x41: {  	[tilespmem:$0x1FFE0] =	vst v1;
	v1 =	vld [tilespmem:$0xAA60]  }
0x42: {  	v35 =	vld [tilespmem:$0xAB30]  }
0x43: {  	v57 =	vld [tilespmem:$0xAB40]  }
0x44: {  	v61 =	vld [tilespmem:$0xAB50]  }
0x45: {  	v34 =	vld [tilespmem:$0xAB60]  }
0x46: {  	s0 =	simm.s32 $0x0;
	s9 =	simm.s32 $0x200;
	v58 =	vld [tilespmem:$0xAB70];
	[tilespmem:$0x1FFF0] =	vst v1  }
.LBB2_3:
0x47: {  	p0 =	sne.s32 s9, $0x7E00;
	[tilespmem:s0+$0x6870] =	vst v0  }
0x48: {  	[tilespmem:s0+$0x6800] =	vst v0  }
0x49: {  	[tilespmem:s0+$0x6810] =	vst v0  }
.Ltmp0:
0x4a: {  	[tilespmem:s0+$0x6820] =	vst v0;
	(pc) =	sbr.rel @p0 .LBB2_3-.Ltmp0, $4  }
0x4b: {  	[tilespmem:s0+$0x6830] =	vst v0  }
0x4c: {  	[tilespmem:s0+$0x6840] =	vst v0  }
0x4d: {  	[tilespmem:s0+$0x6850] =	vst v0  }
0x4e: {  	[tilespmem:s0+$0x6860] =	vst v0;
	s0 =	sshra.s32 s9, $0x2;
	s9 =	sadd.s32 $0x200, s9  }
0x4f: {  	[tilespmem:s0+$0x6870] =	vst v0  }
0x50: {  	[tilespmem:s0+$0x6800] =	vst v0  }
0x51: {  	[tilespmem:s0+$0x6810] =	vst v0  }
0x52: {  	[tilespmem:s0+$0x6820] =	vst v0  }
0x53: {  	[tilespmem:s0+$0x6830] =	vst v0  }
0x54: {  	[tilespmem:s0+$0x6840] =	vst v0  }
0x55: {  	[tilespmem:s0+$0x6850] =	vst v0  }
0x56: {  	[tilespmem:s0+$0x6860] =	vst v0  }
0x57: {  	[spmem:s12] =	stream.linear.scatter [tilespmem:s25], [sflag:$0x4], $0x2000, $0x38;
	[tilespmem:$0x1E800] =	vst v63  }
0x58: {  	_ =	swait.ge [sflag:s11], $0x2000  }
0x59: {  	[sflag:s11] =	ssyncset.done $0x0  }
0x5a: {  	[sflag:s11] =	ssyncadd.s32 $0xFFFFE000  }
0x5b: {  	[spmem:s16] =	stream.linear.scatter [tilespmem:s25], [sflag:$0x4], $0x2000, $0x38;
	[tilespmem:$0x1E800] =	vst v63  }
0x5c: {  	_ =	swait.ge [sflag:s11], $0x2000  }
0x5d: {  	[sflag:s11] =	ssyncset.done $0x0  }
0x5e: {  	[sflag:s11] =	ssyncadd.s32 $0xFFFFE000  }
0x5f: {  	[spmem:s17] =	stream.linear.scatter [tilespmem:s25], [sflag:$0x4], $0x2000, $0x38;
	[tilespmem:$0x1E800] =	vst v63  }
0x60: {  	_ =	swait.ge [sflag:s11], $0x2000  }
0x61: {  	[sflag:s11] =	ssyncset.done $0x0  }
0x62: {  	[sflag:s11] =	ssyncadd.s32 $0xFFFFE000  }
0x63: {  	[spmem:s18] =	stream.linear.scatter [tilespmem:s25], [sflag:$0x4], $0x2000, $0x38;
	[tilespmem:$0x1E800] =	vst v63  }
0x64: {  	_ =	swait.ge [sflag:s11], $0x2000  }
0x65: {  	[sflag:s11] =	ssyncset.done $0x0  }
0x66: {  	[sflag:s11] =	ssyncadd.s32 $0xFFFFE000  }
0x67: {  	[spmem:s21] =	stream.linear.scatter [tilespmem:s25], [sflag:$0x4], $0x2000, $0x38;
	[tilespmem:$0x1E800] =	vst v63  }
0x68: {  	_ =	swait.ge [sflag:s11], $0x2000  }
0x69: {  	[sflag:s11] =	ssyncset.done $0x0  }
0x6a: {  	[sflag:s11] =	ssyncadd.s32 $0xFFFFE000  }
0x6b: {  	[spmem:s22] =	stream.linear.scatter [tilespmem:s25], [sflag:$0x4], $0x2000, $0x38;
	[tilespmem:$0x1E800] =	vst v63  }
0x6c: {  	_ =	swait.ge [sflag:s11], $0x2000  }
0x6d: {  	[sflag:s11] =	ssyncset.done $0x0  }
0x6e: {  	[sflag:s11] =	ssyncadd.s32 $0xFFFFE000  }
0x6f: {  	[spmem:s26] =	stream.linear.scatter [tilespmem:s25], [sflag:$0x4], $0x2000, $0x38;
	[tilespmem:$0x1E800] =	vst v63  }
0x70: {  	_ =	swait.ge [sflag:s11], $0x2000  }
0x71: {  	[sflag:s11] =	ssyncset.done $0x0  }
0x72: {  	[sflag:s11] =	ssyncadd.s32 $0xFFFFE000  }
0x73: {  	[spmem:s28] =	stream.linear.scatter [tilespmem:s25], [sflag:$0x4], $0x2000, $0x38;
	[tilespmem:$0x1E800] =	vst v63  }
0x74: {  	_ =	swait.ge [sflag:s11], $0x2000  }
0x75: {  	[sflag:s11] =	ssyncset.done $0x0  }
0x76: {  	[sflag:s11] =	ssyncadd.s32 $0xFFFFE000  }
0x77: {  	[spmem:s29] =	stream.linear.scatter [tilespmem:s25], [sflag:$0x4], $0x2000, $0x38;
	[tilespmem:$0x1E800] =	vst v63  }
0x78: {  	_ =	swait.ge [sflag:s11], $0x2000  }
0x79: {  	[sflag:s11] =	ssyncset.done $0x0  }
0x7a: {  	[sflag:s11] =	ssyncadd.s32 $0xFFFFE000  }
0x7b: {  	[spmem:s30] =	stream.linear.scatter [tilespmem:s25], [sflag:$0x4], $0x1C00, $0x38;
	[tilespmem:$0x1E800] =	vst v63  }
0x7c: {  	_ =	swait.ge [sflag:s11], $0x1C00  }
0x7d: {  	[sflag:s11] =	ssyncset.done $0x0  }
0x7e: {  	[sflag:s11] =	ssyncadd.s32 $0xFFFFE400  }
0x7f: {  	[bflag:$0x0] =	sbarrier.arrive $0xFFFF  }
0x80: {  	[tilespmem:$0x1FE80] =	vst v23  }
0x81: {  	[tilespmem:$0x1FE90] =	vst v22  }
0x82: {  	[tilespmem:$0x1FEA0] =	vst v18  }
0x83: {  	[tilespmem:$0x1FEB0] =	vst v21  }
0x84: {  	[tilespmem:$0x1FEC0] =	vst v20  }
0x85: {  	[tilespmem:$0x1FED0] =	vst v45  }
0x86: {  	[tilespmem:$0x1FEE0] =	vst v19  }
0x87: {  	[tilespmem:$0x1FEF0] =	vst v57  }
0x88: {  	[tilespmem:$0x1FF00] =	vst v36  }
0x89: {  	[tilespmem:$0x1FF10] =	vst v10  }
0x8a: {  	[tilespmem:$0x1FF20] =	vst v11  }
0x8b: {  	[tilespmem:$0x1FF30] =	vst v13  }
0x8c: {  	[tilespmem:$0x1FF40] =	vst v16  }
0x8d: {  	[tilespmem:$0x1FF50] =	vst v12  }
0x8e: {  	[tilespmem:$0x1FF60] =	vst v33  }
0x8f: {  	[tilespmem:$0x1FF70] =	vst v35  }
0x90: {  	[tilespmem:$0x1FF80] =	vst v34  }
0x91: {  	[tilespmem:$0x1FF90] =	vst v14  }
0x92: {  	s29 =	smul.u32 $0x27100, s23;
	[tilespmem:$0x1FFA0] =	vst v52  }
0x93: {  	s1 =	rddreg [dreg:$0x5];
	[tilespmem:$0x1FFB0] =	vst v58  }
0x94: {  	s9 =	simm.s32 $0x0;
	[tilespmem:$0x1FFC0] =	vst v61;
	s26 =	sadd.s32 s1, s29  }
0x95: {  	[tilespmem:s6], [sflag:$0x1] =	stream.indirect.gather [hbm4b:s26+s2], $0x80, s9, s2, $0xb8;
	[tilespmem:$0x1E800] =	vst v63  }
0x96: {  	s10 =	smov.u32 s12;
	s31 =	simm.s32 $0xA800;
	s30 =	rddreg [dreg:$0x14];
	[tilespmem:$0x1FFD0] =	vst v24  }
0x97: {  	[tilespmem:s31], [sflag:$0x3] =	stream.linear.gather [hbm4b:s30+s9], $0x100, $0x38;
	[tilespmem:$0x1E800] =	vst v63  }
.LBB2_5:
0x98: {  	_ =	swait.ge [sflag:s7], $0x2000  }
0x99: {  	[sflag:s7] =	ssyncset.done $0x0  }
0x9a: {  	[sflag:s7] =	ssyncadd.s32 $0xFFFFE000  }
0x9b: {  	s30 =	sshllo.u32 s9, $0x1;
	s12 =	sshll.u32 s9, $0x1;
	_ =	swait.ge [sflag:s13], $0x100  }
0x9c: {  	s0 =	sshll.u32 s30, $0x8;
	s17 =	sadd.s32 s5, s12;
	[sflag:s13] =	ssyncset.done $0x0  }
0x9d: {  	s29 =	sshrl.u32 s0, $0x2;
	s0 =	sshll.u32 s17, $0x5;
	[sflag:s13] =	ssyncadd.s32 $0xFFFFFF00  }
0x9e: {  	[tilespmem:s14], [sflag:$0x1] =	stream.indirect.gather [hbm4b:s26+s2], $0x80, s29, s2, $0xb8;
	[tilespmem:$0x1E800] =	vst v63  }
0x9f: {  	p0 =	seq.s32 s9, $0x0;
	s0 =	sadd.s32 s0, s24  }
0xa0: {  	[tilespmem:s15], [sflag:$0x3] =	stream.linear.gather [hbm4b:s0+s4], $0x100, $0x38;
	[tilespmem:$0x1E800] =	vst v63  }
0xa1: {  	s0 =	simm.s32 @!p0 $0x2  }
0xa2: {  	_ =	swait.ge @!p0 [sflag:s0], $0x2000  }
0xa3: {  	s16 =	simm.s32 $0x0;
	[sflag:s0] =	ssyncset.done @!p0 $0x0  }
0xa4: {  	s18 =	sand.u32 $0x30, s16;
	[sflag:s0] =	ssyncadd.s32 @!p0 $0xFFFFE000  }
0xa5: {  	v0 =	vld [tilespmem:s18+$0xA800];
	_ =	sdelay $0x1  }
0xa6: {  	s17 =	simm.s32 $0x2;
	v3 =	vld [tilespmem:s18+$0xA840]  }
0xa7: {  	s12 =	simm.s32 $0x2900;
	s21 =	sand.u32 $0xE, s17;
	v4 =	vld [tilespmem:s18+$0xA880]  }
0xa8: {  	v1 =	vmov s21;
	v2 =	vld [tilespmem:s12+$0x0]  }
0xa9: {  	v44 =	vperm.xlane v0, v1;
	_ =	sdelay $0x1  }
0xaa: {  	v40 =	vperm.xlane v3, v1;
	v5 =	vmul.f32 v44, v24;
	_ =	sdelay $0x1  }
0xab: {  	s22 =	simm.s32 $0x3;
	v1 =	vperm.xlane v4, v1;
	v2 =	vadd.f32 v2, v5;
	v5 =	vmul.f32 v40, v36  }
0xac: {  	s28 =	simm.s32 $0x1;
	s0 =	sand.u32 $0xF, s22  }
0xad: {  	s17 =	sand.u32 $0xD, s28;
	v7 =	vld [tilespmem:s12+$0x80];
	v6 =	vmul.f32 v1, v45;
	v2 =	vadd.f32 v2, v5;
	v5 =	vmov s0  }
0xae: {  	v8 =	vmov s17;
	v9 =	vld [tilespmem:s12+$0xFFFFFF80];
	v46 =	vperm.xlane v0, v5  }
0xaf: {  	v15 =	vperm.xlane v0, v8;
	v6 =	vadd.f32 v2, v6  }
0xb0: {  	v2 =	vperm.xlane v3, v5;
	v25 =	vmul.f32 v46, v24  }
0xb1: {  	v43 =	vperm.xlane v3, v8;
	v26 =	vmul.f32 v15, v24;
	s0 =	simm.s32 $0x6900;
	v6 =	vmax.f32 v6, $0.0e+00  }
0xb2: {  	v50 =	vperm.xlane v4, v5;
	[tilespmem:s0+$0x0] =	vst v6;
	v6 =	vmul.f32 v2, v36;
	v5 =	vadd.f32 v7, v25  }
0xb3: {  	v47 =	vperm.xlane v4, v8;
	v8 =	vmul.f32 v43, v36;
	v9 =	vadd.f32 v9, v26;
	v7 =	vld [tilespmem:s12+$0x10]  }
0xb4: {  	s16 =	sand.u32 $0xC, s16;
	v26 =	vmul.f32 v50, v45;
	v5 =	vadd.f32 v5, v6  }
0xb5: {  	v27 =	vmul.f32 v47, v45;
	v8 =	vadd.f32 v9, v8;
	v25 =	vmov s16  }
0xb6: {  	v9 =	vmul.f32 v44, v10;
	v41 =	vperm.xlane v0, v25;
	v6 =	vld [tilespmem:s12+$0xFFFFFF00];
	v0 =	vadd.f32 v5, v26  }
0xb7: {  	v5 =	vadd.f32 v8, v27  }
0xb8: {  	v8 =	vmul.f32 v40, v11;
	v7 =	vadd.f32 v7, v9;
	v0 =	vmax.f32 v0, $0.0e+00  }
0xb9: {  	v51 =	vperm.xlane v3, v25;
	v9 =	vmul.f32 v41, v24;
	[tilespmem:s0+$0x80] =	vst v0  }
0xba: {  	v0 =	vmax.f32 v5, $0.0e+00;
	v5 =	vmul.f32 v1, v16;
	v3 =	vadd.f32 v7, v8;
	v59 =	vld [tilespmem:$0x1FFE0]  }
0xbb: {  	v49 =	vperm.xlane v4, v25;
	v4 =	vadd.f32 v6, v9;
	v6 =	vmul.f32 v51, v36;
	v7 =	vld [tilespmem:s12+$0x90];
	[tilespmem:s0+$0xFFFFFF80] =	vst v0  }
0xbc: {  	v0 =	vld [tilespmem:s12+$0xFFFFFF90];
	v3 =	vadd.f32 v3, v5  }
0xbd: {  	v5 =	vmul.f32 v49, v45;
	v4 =	vadd.f32 v4, v6  }
0xbe: {  	v6 =	vmul.f32 v46, v10;
	v3 =	vmax.f32 v3, $0.0e+00  }
0xbf: {  	v4 =	vadd.f32 v4, v5;
	v5 =	vmul.f32 v15, v10;
	[tilespmem:s0+$0x10] =	vst v3  }
0xc0: {  	v3 =	vmul.f32 v2, v11;
	v6 =	vadd.f32 v7, v6;
	v7 =	vld [tilespmem:s12+$0x20]  }
0xc1: {  	v8 =	vmul.f32 v43, v11;
	v4 =	vmax.f32 v4, $0.0e+00;
	v0 =	vadd.f32 v0, v5  }
0xc2: {  	[tilespmem:s0+$0xFFFFFF00] =	vst v4;
	v4 =	vmul.f32 v50, v16;
	v3 =	vadd.f32 v6, v3  }
0xc3: {  	v6 =	vmul.f32 v44, v23;
	v0 =	vadd.f32 v0, v8;
	v8 =	vmul.f32 v47, v16  }
0xc4: {  	v5 =	vld [tilespmem:s12+$0xFFFFFF10];
	v3 =	vadd.f32 v3, v4  }
0xc5: {  	v0 =	vadd.f32 v0, v8;
	v4 =	vadd.f32 v7, v6;
	v6 =	vmul.f32 v40, v12  }
0xc6: {  	v7 =	vmul.f32 v41, v10;
	v3 =	vmax.f32 v3, $0.0e+00  }
0xc7: {  	[tilespmem:s0+$0x90] =	vst v3;
	v0 =	vmax.f32 v0, $0.0e+00;
	v3 =	vadd.f32 v4, v6;
	v4 =	vmul.f32 v1, v33  }
0xc8: {  	[tilespmem:s0+$0xFFFFFF90] =	vst v0  }
0xc9: {  	v5 =	vadd.f32 v5, v7;
	v6 =	vmul.f32 v51, v11;
	v0 =	vadd.f32 v3, v4;
	v3 =	vld [tilespmem:s12+$0xFFFFFFA0]  }
0xca: {  	v7 =	vld [tilespmem:s12+$0xA0]  }
0xcb: {  	v4 =	vmul.f32 v49, v16;
	v5 =	vadd.f32 v5, v6;
	v0 =	vmax.f32 v0, $0.0e+00  }
0xcc: {  	[tilespmem:s0+$0x20] =	vst v0;
	v0 =	vmul.f32 v15, v23  }
0xcd: {  	v6 =	vmul.f32 v46, v23;
	v4 =	vadd.f32 v5, v4;
	v5 =	vmul.f32 v2, v52  }
0xce: {  	v0 =	vadd.f32 v3, v0;
	v3 =	vmul.f32 v43, v12  }
0xcf: {  	v8 =	vmul.f32 v47, v33;
	v6 =	vadd.f32 v7, v6;
	[tilespmem:$0x1FD80] =	vst v5  }
0xd0: {  	v5 =	vmul.f32 v2, v12;
	v4 =	vmax.f32 v4, $0.0e+00;
	v7 =	vld [tilespmem:s12+$0x30];
	v0 =	vadd.f32 v0, v3  }
0xd1: {  	[tilespmem:s0+$0xFFFFFF10] =	vst v4;
	v4 =	vmul.f32 v50, v33  }
0xd2: {  	v5 =	vadd.f32 v6, v5;
	v8 =	vadd.f32 v0, v8;
	v0 =	vmul.f32 v15, v59  }
0xd3: {  	v26 =	vmul.f32 v44, v22;
	v6 =	vld [tilespmem:s12+$0xFFFFFF20]  }
0xd4: {  	v4 =	vadd.f32 v5, v4;
	[tilespmem:$0x1FDB0] =	vst v0;
	v0 =	vmul.f32 v47, v61  }
0xd5: {  	v7 =	vadd.f32 v7, v26;
	v26 =	vmul.f32 v40, v19  }
0xd6: {  	v3 =	vmul.f32 v41, v23;
	v4 =	vmax.f32 v4, $0.0e+00;
	[tilespmem:$0x1FDD0] =	vst v0;
	v0 =	vmul.f32 v1, v58  }
0xd7: {  	[tilespmem:s0+$0xA0] =	vst v4;
	v4 =	vadd.f32 v7, v26;
	v7 =	vmul.f32 v1, v35  }
0xd8: {  	v8 =	vmax.f32 v8, $0.0e+00;
	v3 =	vadd.f32 v6, v3;
	[tilespmem:$0x1FD90] =	vst v0  }
0xd9: {  	v6 =	vmul.f32 v51, v12;
	v0 =	vmul.f32 v43, v14;
	v28 =	vld [tilespmem:s12+$0xB0];
	[tilespmem:s0+$0xFFFFFFA0] =	vst v8;
	v4 =	vadd.f32 v4, v7  }
0xda: {  	v27 =	vmul.f32 v49, v33;
	v7 =	vld [tilespmem:s12+$0xFFFFFFB0]  }
0xdb: {  	v3 =	vadd.f32 v3, v6;
	[tilespmem:$0x1FE20] =	vst v0;
	v0 =	vmul.f32 v1, v34;
	v4 =	vmax.f32 v4, $0.0e+00  }
0xdc: {  	v8 =	vmul.f32 v46, v22;
	[tilespmem:s0+$0x30] =	vst v4  }
0xdd: {  	v4 =	vadd.f32 v3, v27;
	v27 =	vmul.f32 v15, v22;
	[tilespmem:$0x1FDC0] =	vst v0;
	v0 =	vmul.f32 v2, v14  }
0xde: {  	v30 =	vmul.f32 v2, v19;
	v8 =	vadd.f32 v28, v8;
	v28 =	vld [tilespmem:s12+$0x40]  }
0xdf: {  	v4 =	vmax.f32 v4, $0.0e+00;
	v7 =	vadd.f32 v7, v27;
	v27 =	vmul.f32 v43, v19;
	[tilespmem:$0x1FE50] =	vst v0  }
0xe0: {  	v31 =	vmul.f32 v50, v35;
	v0 =	vmul.f32 v2, v21;
	v8 =	vadd.f32 v8, v30;
	[tilespmem:s0+$0xFFFFFF20] =	vst v4  }
0xe1: {  	v9 =	vmul.f32 v47, v35;
	v4 =	vmul.f32 v44, v18;
	v30 =	vld [tilespmem:s12+$0xFFFFFF30];
	v7 =	vadd.f32 v7, v27  }
0xe2: {  	[tilespmem:$0x1FDE0] =	vst v0;
	v0 =	vmul.f32 v50, v57;
	v8 =	vadd.f32 v8, v31  }
0xe3: {  	v27 =	vadd.f32 v28, v4;
	v28 =	vmul.f32 v40, v21;
	v9 =	vadd.f32 v7, v9  }
0xe4: {  	v29 =	vmul.f32 v41, v22;
	[tilespmem:$0x1FDF0] =	vst v0;
	v0 =	vmul.f32 v50, v34;
	v8 =	vmax.f32 v8, $0.0e+00  }
0xe5: {  	v27 =	vadd.f32 v27, v28;
	v28 =	vmul.f32 v1, v57;
	[tilespmem:s0+$0xB0] =	vst v8;
	v9 =	vmax.f32 v9, $0.0e+00  }
0xe6: {  	v26 =	vld [tilespmem:$0x1FFF0];
	v29 =	vadd.f32 v30, v29;
	v30 =	vmul.f32 v51, v19;
	[tilespmem:s0+$0xFFFFFFB0] =	vst v9  }
0xe7: {  	s17 =	simm.s32 $0x4;
	v53 =	vmul.f32 v47, v57;
	v31 =	vld [tilespmem:s12+$0xC0];
	v9 =	vadd.f32 v27, v28;
	[tilespmem:$0x1FE60] =	vst v0;
	v0 =	vmul.f32 v2, v20  }
0xe8: {  	s31 =	sand.u32 $0x30, s17;
	v42 =	vmul.f32 v1, v61;
	v32 =	vmul.f32 v49, v35;
	v34 =	vld [tilespmem:s12+$0xFFFFFFC0];
	v27 =	vadd.f32 v29, v30  }
0xe9: {  	v63 =	vmul.f32 v43, v21;
	v37 =	vmul.f32 v49, v57;
	v48 =	vld [tilespmem:s31+$0xA800];
	v1 =	vmax.f32 v9, $0.0e+00  }
0xea: {  	s21 =	sand.u32 $0xC, s17;
	v38 =	vmul.f32 v41, v18;
	v6 =	vmov v58;
	v58 =	vld [tilespmem:s31+$0xA880];
	[tilespmem:s0+$0x40] =	vst v1;
	v27 =	vadd.f32 v27, v32  }
0xeb: {  	v17 =	vmovc v14;
	s1 =	simm.s32 $0x6;
	v39 =	vmov s21;
	v56 =	vmul.f32 v49, v61;
	v7 =	vmul.f32 v40, v14;
	v60 =	vld [tilespmem:s31+$0xA840];
	[tilespmem:$0x1FE30] =	vst v0;
	v0 =	vmovc v61  }
0xec: {  	v13 =	vmovc v45;
	s18 =	simm.s32 $0x2B00;
	s16 =	sand.u32 $0xE, s1;
	v14 =	vmovc v35;
	v9 =	vmul.f32 v46, v18;
	v35 =	vld [tilespmem:s12+$0x50];
	v2 =	vmax.f32 v27, $0.0e+00;
	v0 =	vmul.f32 v50, v0  }
0xed: {  	v25 =	vmovc v16;
	v45 =	vmul.f32 v15, v18;
	v16 =	vmovc v33;
	v33 =	vmul.f32 v51, v21;
	v61 =	vmov s16;
	v62 =	vld [tilespmem:s18+$0x0];
	[tilespmem:s0+$0xFFFFFF30] =	vst v2  }
0xee: {  	s22 =	simm.s32 $0x5;
	v29 =	vmul.f32 v40, v20;
	v9 =	vadd.f32 v31, v9;
	v31 =	vld [tilespmem:s18+$0xFFFFFF00];
	v27 =	vperm.xlane v48, v61;
	[tilespmem:$0x1FE40] =	vst v0  }
0xef: {  	v30 =	vmul.f32 v44, v59;
	s16 =	sand.u32 $0xD, s22;
	v28 =	vperm.xlane v48, v39;
	v32 =	vadd.f32 v34, v45;
	v3 =	vld [tilespmem:s12+$0xFFFFFF40]  }
0xf0: {  	s28 =	simm.s32 $0x7;
	v34 =	vperm.xlane v60, v61;
	v0 =	vmov s16;
	v45 =	vmul.f32 v27, v24  }
0xf1: {  	s31 =	sand.u32 $0xF, s28;
	v1 =	vmul.f32 v28, v24;
	v2 =	vadd.f32 v35, v30;
	v30 =	vperm.xlane v60, v39  }
0xf2: {  	v32 =	vadd.f32 v32, v63;
	v63 =	vmov s31;
	v62 =	vadd.f32 v62, v45  }
0xf3: {  	v35 =	vperm.xlane v58, v39;
	v1 =	vadd.f32 v31, v1;
	v31 =	vmul.f32 v30, v36  }
0xf4: {  	v39 =	vperm.xlane v58, v61;
	v3 =	vadd.f32 v3, v38;
	v38 =	vmul.f32 v34, v36  }
0xf5: {  	v4 =	vadd.f32 v2, v29;
	v29 =	vmul.f32 v35, v13;
	v1 =	vadd.f32 v1, v31  }
0xf6: {  	v61 =	vmul.f32 v39, v13;
	v2 =	vld [tilespmem:s18+$0x80];
	v62 =	vadd.f32 v62, v38;
	v38 =	vperm.xlane v60, v63  }
0xf7: {  	v3 =	vadd.f32 v3, v33;
	v33 =	vperm.xlane v48, v63;
	v1 =	vadd.f32 v1, v29  }
0xf8: {  	v29 =	vperm.xlane v58, v63;
	v63 =	vadd.f32 v32, v53;
	v53 =	vmul.f32 v38, v52  }
0xf9: {  	v31 =	vperm.xlane v58, v0;
	v58 =	vadd.f32 v62, v61;
	v61 =	vmul.f32 v33, v24  }
0xfa: {  	s16 =	simm.s32 $0x6B00;
	v3 =	vadd.f32 v3, v37;
	v62 =	vld [tilespmem:s18+$0xFFFFFF80];
	v1 =	vmax.f32 v1, $0.0e+00;
	[tilespmem:$0x1FDA0] =	vst v53  }
0xfb: {  	v2 =	vadd.f32 v2, v61;
	[tilespmem:s16+$0xFFFFFF00] =	vst v1;
	v1 =	vmul.f32 v38, v36  }
0xfc: {  	v37 =	vperm.xlane v48, v0;
	v3 =	vmax.f32 v3, $0.0e+00  }
0xfd: {  	v45 =	vmovc v36;
	v58 =	vmax.f32 v58, $0.0e+00;
	[tilespmem:s0+$0xFFFFFF40] =	vst v3;
	v1 =	vadd.f32 v2, v1;
	v2 =	vmul.f32 v29, v13  }
0xfe: {  	v4 =	vadd.f32 v4, v42;
	v36 =	vperm.xlane v60, v0;
	v0 =	vmul.f32 v37, v24;
	[tilespmem:s16+$0x0] =	vst v58;
	v58 =	vld [tilespmem:s12+$0xFFFFFF50]  }
0xff: {  	v53 =	vmax.f32 v63, $0.0e+00;
	v1 =	vadd.f32 v1, v2  }
0x100: {  	v4 =	vmax.f32 v4, $0.0e+00;
	[tilespmem:s0+$0xFFFFFFC0] =	vst v53;
	v0 =	vadd.f32 v62, v0;
	v2 =	vmul.f32 v36, v45  }
0x101: {  	v5 =	vmul.f32 v41, v59;
	[tilespmem:s0+$0x50] =	vst v4;
	v42 =	vld [tilespmem:s18+$0x10];
	v1 =	vmax.f32 v1, $0.0e+00  }
0x102: {  	v0 =	vadd.f32 v0, v2;
	v2 =	vld [tilespmem:s12+$0xFFFFFFD0];
	[tilespmem:s16+$0x80] =	vst v1  }
0x103: {  	v3 =	vmul.f32 v31, v13;
	v58 =	vadd.f32 v58, v5;
	v5 =	vld [tilespmem:$0x1FDB0];
	_ =	sdelay $0x1  }
0x104: {  	v54 =	vmul.f32 v51, v20;
	v4 =	vmul.f32 v27, v10;
	v0 =	vadd.f32 v0, v3;
	v3 =	vld [tilespmem:s18+$0x90]  }
0x105: {  	v45 =	vld [tilespmem:s12+$0x60]  }
0x106: {  	v4 =	vadd.f32 v42, v4;
	v58 =	vadd.f32 v58, v54  }
0x107: {  	v54 =	vmul.f32 v34, v11;
	v2 =	vadd.f32 v2, v5;
	v5 =	vmul.f32 v33, v10  }
0x108: {  	v8 =	vmul.f32 v44, v26  }
0x109: {  	v4 =	vadd.f32 v4, v54;
	v3 =	vadd.f32 v3, v5;
	v5 =	vmul.f32 v39, v25  }
0x10a: {  	v1 =	vmul.f32 v31, v14;
	v8 =	vadd.f32 v45, v8  }
0x10b: {  	v61 =	vmul.f32 v38, v11;
	v4 =	vadd.f32 v4, v5  }
0x10c: {  	v48 =	vld [tilespmem:s18+$0xFFFFFF10];
	[tilespmem:$0x1FE70] =	vst v1;
	v0 =	vmax.f32 v0, $0.0e+00;
	v7 =	vadd.f32 v8, v7  }
0x10d: {  	v1 =	vld [tilespmem:$0x1FF30];
	[tilespmem:s16+$0xFFFFFF80] =	vst v0;
	v8 =	vmul.f32 v29, v25;
	v3 =	vadd.f32 v3, v61;
	v4 =	vmax.f32 v4, $0.0e+00  }
0x10e: {  	[tilespmem:s16+$0x10] =	vst v4  }
0x10f: {  	v32 =	vmul.f32 v28, v10;
	v3 =	vadd.f32 v3, v8;
	v8 =	vmul.f32 v37, v10;
	v10 =	vld [tilespmem:$0x1FDC0]  }
0x110: {  	v56 =	vadd.f32 v58, v56;
	_ =	sdelay $0x1  }
0x111: {  	v61 =	vmax.f32 v56, $0.0e+00  }
0x112: {  	v13 =	vmul.f32 v30, v11;
	v48 =	vadd.f32 v48, v32;
	[tilespmem:s0+$0xFFFFFF50] =	vst v61  }
0x113: {  	v7 =	vadd.f32 v7, v10;
	v10 =	vld [tilespmem:$0x1FDD0]  }
0x114: {  	v53 =	vmul.f32 v35, v25;
	v48 =	vadd.f32 v48, v13;
	v5 =	vmul.f32 v43, v20;
	_ =	sdelay $0x1  }
0x115: {  	v60 =	vadd.f32 v48, v53;
	v2 =	vadd.f32 v2, v5;
	v3 =	vmax.f32 v3, $0.0e+00  }
0x116: {  	v63 =	vld [tilespmem:s18+$0xFFFFFF90];
	[tilespmem:s16+$0x90] =	vst v3  }
0x117: {  	v4 =	vmax.f32 v60, $0.0e+00;
	v2 =	vadd.f32 v2, v10;
	v10 =	vld [tilespmem:$0x1FDE0]  }
0x118: {  	v53 =	vld [tilespmem:s18+$0x20];
	[tilespmem:s16+$0xFFFFFF10] =	vst v4  }
0x119: {  	v4 =	vld [tilespmem:$0x1FDF0]  }
0x11a: {  	v55 =	vmul.f32 v41, v26;
	v42 =	vmul.f32 v40, v52  }
0x11b: {  	v0 =	vmul.f32 v51, v52;
	v8 =	vadd.f32 v63, v8;
	v63 =	vmul.f32 v36, v11  }
0x11c: {  	v62 =	vmul.f32 v41, v1;
	v60 =	vmul.f32 v27, v23;
	v58 =	vld [tilespmem:s12+$0xFFFFFF60];
	v9 =	vadd.f32 v9, v10  }
0x11d: {  	v45 =	vmul.f32 v46, v1;
	v61 =	vmul.f32 v31, v25;
	v8 =	vadd.f32 v8, v63  }
0x11e: {  	v63 =	vmul.f32 v34, v12;
	v4 =	vadd.f32 v9, v4;
	v9 =	vadd.f32 v53, v60  }
0x11f: {  	v48 =	vmul.f32 v44, v1;
	v8 =	vadd.f32 v8, v61;
	v54 =	vld [tilespmem:s18+$0xA0];
	v2 =	vmax.f32 v2, $0.0e+00  }
0x120: {  	v40 =	vmovc v52;
	v52 =	vld [tilespmem:s18+$0xFFFFFF20];
	[tilespmem:s0+$0xFFFFFFD0] =	vst v2;
	v9 =	vadd.f32 v9, v63;
	v63 =	vmul.f32 v39, v16;
	v4 =	vmax.f32 v4, $0.0e+00  }
0x121: {  	v3 =	vmul.f32 v51, v17;
	v61 =	vadd.f32 v58, v55;
	v10 =	vld [tilespmem:$0x1FF80];
	[tilespmem:s0+$0xC0] =	vst v4;
	v4 =	vmax.f32 v8, $0.0e+00  }
0x122: {  	v51 =	vld [tilespmem:s12+$0xFFFFFFE0];
	v9 =	vadd.f32 v9, v63;
	v63 =	vmul.f32 v15, v1;
	v1 =	vmul.f32 v37, v59  }
0x123: {  	v58 =	vld [tilespmem:s12+$0xD0];
	[tilespmem:s16+$0xFFFFFF90] =	vst v4  }
0x124: {  	v3 =	vadd.f32 v61, v3;
	v61 =	vld [tilespmem:s18+$0xFFFFFFA0];
	v9 =	vmax.f32 v9, $0.0e+00;
	[tilespmem:$0x1FE00] =	vst v1  }
0x125: {  	[tilespmem:s16+$0x20] =	vst v9  }
0x126: {  	v1 =	vld [tilespmem:$0x1FFC0]  }
0x127: {  	v32 =	vmul.f32 v31, v16  }
0x128: {  	v13 =	vmul.f32 v49, v6;
	v41 =	vmul.f32 v47, v6  }
0x129: {  	v44 =	vmul.f32 v50, v6;
	v56 =	vmul.f32 v15, v26  }
0x12a: {  	v5 =	vmul.f32 v46, v59;
	v60 =	vmul.f32 v33, v23  }
0x12b: {  	v25 =	vmul.f32 v28, v26;
	v1 =	vmul.f32 v31, v1  }
0x12c: {  	v50 =	vadd.f32 v54, v60;
	v54 =	vmul.f32 v38, v12;
	v8 =	vmul.f32 v49, v10  }
0x12d: {  	v55 =	vmul.f32 v29, v16;
	v2 =	vmul.f32 v28, v23;
	[tilespmem:$0x1FE10] =	vst v1;
	v1 =	vld [tilespmem:$0x1FE20]  }
0x12e: {  	v53 =	vmul.f32 v35, v16;
	v3 =	vadd.f32 v3, v8;
	v9 =	vadd.f32 v50, v54  }
0x12f: {  	v60 =	vmul.f32 v46, v26;
	v47 =	vmul.f32 v47, v10;
	v4 =	vadd.f32 v51, v56  }
0x130: {  	v56 =	vmul.f32 v37, v23;
	v3 =	vmax.f32 v3, $0.0e+00;
	v9 =	vadd.f32 v9, v55;
	v8 =	vld [tilespmem:s18+$0x30]  }
0x131: {  	v51 =	vmul.f32 v39, v6;
	v59 =	vmul.f32 v36, v12;
	[tilespmem:s0+$0xFFFFFF60] =	vst v3  }
0x132: {  	v9 =	vmax.f32 v9, $0.0e+00;
	v3 =	vadd.f32 v61, v56;
	v6 =	vld [tilespmem:$0x1FE30];
	v4 =	vadd.f32 v4, v1  }
0x133: {  	v46 =	vmul.f32 v36, v17;
	v5 =	vadd.f32 v58, v5;
	v58 =	vmul.f32 v27, v22;
	[tilespmem:s16+$0xA0] =	vst v9  }
0x134: {  	v50 =	vmul.f32 v33, v22;
	v4 =	vadd.f32 v4, v47;
	v47 =	vadd.f32 v3, v59;
	v3 =	vld [tilespmem:$0x1FE40]  }
0x135: {  	v54 =	vmul.f32 v38, v19;
	v61 =	vmul.f32 v34, v19;
	v8 =	vadd.f32 v8, v58  }
0x136: {  	v2 =	vadd.f32 v52, v2;
	v55 =	vmul.f32 v29, v14;
	v56 =	vmul.f32 v38, v21  }
0x137: {  	v52 =	vld [tilespmem:s12+$0xFFFFFF70];
	v5 =	vadd.f32 v5, v6;
	v8 =	vadd.f32 v8, v61;
	v61 =	vmul.f32 v30, v12  }
0x138: {  	v9 =	vmul.f32 v39, v14;
	v1 =	vmul.f32 v28, v22;
	v6 =	vadd.f32 v47, v32  }
0x139: {  	v4 =	vmax.f32 v4, $0.0e+00;
	v2 =	vadd.f32 v2, v61;
	v5 =	vadd.f32 v5, v3  }
0x13a: {  	v58 =	vmul.f32 v43, v40;
	v8 =	vadd.f32 v8, v9;
	[tilespmem:s0+$0xFFFFFFE0] =	vst v4;
	v6 =	vmax.f32 v6, $0.0e+00  }
0x13b: {  	v49 =	vld [tilespmem:s18+$0xB0];
	v43 =	vmul.f32 v34, v21;
	[tilespmem:s16+$0xFFFFFFA0] =	vst v6;
	v2 =	vadd.f32 v2, v53;
	v5 =	vmax.f32 v5, $0.0e+00  }
0x13c: {  	v32 =	vmul.f32 v36, v19;
	v9 =	vadd.f32 v52, v62;
	[tilespmem:s0+$0xD0] =	vst v5;
	v5 =	vmax.f32 v8, $0.0e+00;
	v8 =	vld [tilespmem:s18+$0xFFFFFFB0]  }
0x13d: {  	v52 =	vmul.f32 v30, v20;
	v62 =	vmul.f32 v30, v21;
	v2 =	vmax.f32 v2, $0.0e+00;
	v6 =	vld [tilespmem:s12+$0xE0];
	[tilespmem:s16+$0x30] =	vst v5  }
0x13e: {  	v61 =	vmul.f32 v31, v57;
	v3 =	vmul.f32 v35, v14;
	v9 =	vadd.f32 v9, v0;
	[tilespmem:s16+$0xFFFFFF20] =	vst v2;
	v12 =	vld [tilespmem:s18+$0x40]  }
0x13f: {  	v7 =	vmax.f32 v7, $0.0e+00;
	v0 =	vmul.f32 v35, v57;
	v14 =	vmul.f32 v27, v18;
	v4 =	vld [tilespmem:$0x1FE50]  }
0x140: {  	v9 =	vadd.f32 v9, v13;
	v13 =	vmul.f32 v37, v22;
	v2 =	vmul.f32 v28, v18  }
0x141: {  	v5 =	vadd.f32 v49, v50;
	v50 =	vmul.f32 v39, v10;
	v49 =	vmul.f32 v38, v17;
	v11 =	vld [tilespmem:$0x1FE60];
	[tilespmem:s0+$0x60] =	vst v7  }
0x142: {  	v9 =	vmax.f32 v9, $0.0e+00;
	v7 =	vld [tilespmem:$0x1FE70];
	v8 =	vadd.f32 v8, v13;
	v6 =	vadd.f32 v6, v60  }
0x143: {  	v40 =	vld [tilespmem:s18+$0xFFFFFF30];
	v5 =	vadd.f32 v5, v54;
	v54 =	vmul.f32 v29, v57;
	v47 =	vadd.f32 v12, v14  }
0x144: {  	[tilespmem:s0+$0xFFFFFF70] =	vst v9;
	v9 =	vmul.f32 v30, v19;
	v4 =	vadd.f32 v6, v4;
	v6 =	vadd.f32 v8, v32;
	v8 =	vld [tilespmem:s12+$0xFFFFFFF0]  }
0x145: {  	v5 =	vadd.f32 v5, v55;
	v60 =	vmul.f32 v39, v57;
	v47 =	vadd.f32 v47, v43  }
0x146: {  	v55 =	vmul.f32 v34, v17;
	v17 =	vmul.f32 v29, v10;
	v4 =	vadd.f32 v4, v11  }
0x147: {  	v5 =	vmax.f32 v5, $0.0e+00;
	v6 =	vadd.f32 v6, v7;
	v47 =	vadd.f32 v47, v60  }
0x148: {  	v57 =	vmul.f32 v27, v26;
	[tilespmem:s16+$0xB0] =	vst v5;
	v7 =	vadd.f32 v40, v1;
	v1 =	vld [tilespmem:s12+$0x70];
	v5 =	vmax.f32 v4, $0.0e+00  }
0x149: {  	s21 =	simm.s32 $0x2B00;
	v59 =	vmax.f32 v6, $0.0e+00;
	v4 =	vadd.f32 v8, v63;
	v8 =	vld [tilespmem:s18+$0xC0];
	v6 =	vmax.f32 v47, $0.0e+00;
	[tilespmem:s0+$0xE0] =	vst v5  }
.LBB2_6:
0x14a: {  	v53 =	vld [tilespmem:s12+$0xF0]  }
0x14b: {  	v16 =	vld [tilespmem:$0x1FD90]  }
0x14c: {  	[tilespmem:s16+$0xFFFFFFB0] =	vst v59;
	v59 =	vmov v50;
	v50 =	vld [tilespmem:$0x1FFC0]  }
0x14d: {  	s22 =	smov.u32 s17;
	s17 =	sadd.s32 $0x4, s17;
	v63 =	vld [tilespmem:s21+$0xFFFFFFC0]  }
0x14e: {  	v60 =	vmul.f32 v34, v20;
	[tilespmem:$0x1FD10] =	vst v25;
	s28 =	sand.u32 $0x30, s17;
	v25 =	vld [tilespmem:$0x1FFE0]  }
0x14f: {  	v11 =	vmul.f32 v33, v18;
	v9 =	vadd.f32 v7, v9;
	v4 =	vadd.f32 v4, v58;
	v12 =	vld [tilespmem:s28+$0xA880]  }
0x150: {  	v48 =	vadd.f32 v1, v48;
	v15 =	vmul.f32 v37, v18;
	v1 =	vmul.f32 v38, v20;
	s31 =	sadd.s32 $0x6, s22;
	s1 =	sand.u32 $0xC, s17;
	v14 =	vld [tilespmem:s28+$0xA800]  }
0x151: {  	[tilespmem:s16+$0x40] =	vst v6;
	v40 =	vmov s1;
	s31 =	sand.u32 $0xE, s31;
	v4 =	vadd.f32 v4, v41;
	v41 =	vld [tilespmem:s28+$0xA840];
	s28 =	sadd.s32 $0x5, s22;
	s22 =	sadd.s32 $0x7, s22;
	v3 =	vadd.f32 v9, v3  }
0x152: {  	s12 =	smov.u32 s21;
	v43 =	vld [tilespmem:$0x1FFA0];
	[tilespmem:$0x1FD20] =	vst v1;
	v58 =	vmov s31;
	v1 =	vadd.f32 v8, v11;
	s22 =	sand.u32 $0xF, s22;
	v8 =	vmul.f32 v36, v21  }
0x153: {  	[tilespmem:$0x1FD60] =	vst v17;
	v9 =	vld [tilespmem:s12+$0x50];
	v11 =	vadd.f32 v53, v45;
	v17 =	vmov s22;
	v3 =	vmax.f32 v3, $0.0e+00  }
0x154: {  	v22 =	vld [tilespmem:$0x1FDA0];
	v10 =	vmul.f32 v39, v50;
	v6 =	vmul.f32 v29, v50;
	[tilespmem:s16+$0xFFFFFF30] =	vst v3;
	v3 =	vmax.f32 v4, $0.0e+00  }
0x155: {  	v5 =	vmul.f32 v35, v50;
	v13 =	vmul.f32 v27, v25;
	v15 =	vadd.f32 v63, v15;
	[tilespmem:s0+$0xFFFFFFF0] =	vst v3;
	v3 =	vld [tilespmem:$0x1FD80]  }
0x156: {  	v47 =	vld [tilespmem:$0x1FF00];
	s28 =	sand.u32 $0xD, s28;
	v63 =	vperm.xlane v14, v40;
	v18 =	vperm.xlane v14, v58;
	[tilespmem:$0x1FD30] =	vst v6;
	v6 =	vadd.f32 v48, v42  }
0x157: {  	v39 =	vperm.xlane v12, v58;
	v42 =	vmov s28;
	v38 =	vperm.xlane v41, v17  }
0x158: {  	s18 =	sadd.s32 $0x200, s18;
	v26 =	vld [tilespmem:$0x1FED0];
	v48 =	vperm.xlane v41, v58;
	v13 =	vadd.f32 v9, v13;
	v6 =	vadd.f32 v6, v16;
	v16 =	vmovc v51  }
0x159: {  	v8 =	vadd.f32 v15, v8;
	v19 =	vmul.f32 v63, v24;
	v21 =	vmul.f32 v18, v24;
	[tilespmem:$0x1FD90] =	vst v16;
	v16 =	vld [tilespmem:s18+$0x0]  }
0x15a: {  	[tilespmem:$0x1FD50] =	vst v49;
	v51 =	vperm.xlane v12, v40;
	v4 =	vmul.f32 v38, v43;
	v32 =	vadd.f32 v11, v3  }
0x15b: {  	v20 =	vld [tilespmem:s12+$0xFFFFFF40];
	v9 =	vmovc v22;
	v23 =	vmul.f32 v38, v47;
	v13 =	vadd.f32 v13, v60;
	v8 =	vadd.f32 v8, v61  }
0x15c: {  	[tilespmem:$0x1FD80] =	vst v9;
	v61 =	vperm.xlane v41, v42;
	v6 =	vmax.f32 v6, $0.0e+00;
	v11 =	vld [tilespmem:s18+$0xFFFFFF00];
	v3 =	vmovc v4;
	v9 =	vadd.f32 v32, v44  }
0x15d: {  	v4 =	vmul.f32 v39, v26;
	v10 =	vadd.f32 v13, v10;
	[tilespmem:s0+$0x70] =	vst v6;
	v6 =	vperm.xlane v12, v42  }
0x15e: {  	[tilespmem:$0x1FDA0] =	vst v3;
	v15 =	vadd.f32 v16, v21;
	v16 =	vmul.f32 v48, v47;
	v21 =	vmax.f32 v9, $0.0e+00  }
0x15f: {  	v49 =	vld [tilespmem:$0x1FFB0];
	v8 =	vmax.f32 v8, $0.0e+00;
	v3 =	vperm.xlane v14, v17;
	v9 =	vperm.xlane v41, v40;
	[tilespmem:s0+$0xF0] =	vst v21  }
0x160: {  	v12 =	vperm.xlane v12, v17;
	v15 =	vadd.f32 v15, v16;
	v16 =	vadd.f32 v20, v2;
	v20 =	vld [tilespmem:s18+$0x80]  }
0x161: {  	v17 =	vmul.f32 v51, v26;
	v11 =	vadd.f32 v11, v19;
	v19 =	vmul.f32 v9, v47;
	v2 =	vmovc v46;
	v46 =	vld [tilespmem:$0x1FF30]  }
0x162: {  	s0 =	smov.u32 s16;
	v21 =	vmul.f32 v12, v26;
	v4 =	vadd.f32 v15, v4;
	v15 =	vadd.f32 v16, v62  }
0x163: {  	v40 =	vld [tilespmem:s18+$0xFFFFFF80];
	[tilespmem:s0+$0xFFFFFFC0] =	vst v8;
	v8 =	vmul.f32 v33, v25;
	v11 =	vadd.f32 v11, v19;
	v16 =	vmul.f32 v3, v24  }
0x164: {  	v53 =	vmovc v35;
	v32 =	vld [tilespmem:$0x1FF70];
	s16 =	sadd.s32 $0x200, s16;
	v4 =	vmax.f32 v4, $0.0e+00;
	v15 =	vadd.f32 v15, v0;
	v0 =	vmul.f32 v35, v49  }
0x165: {  	v11 =	vadd.f32 v11, v17;
	v17 =	vmul.f32 v61, v47;
	v47 =	vld [tilespmem:$0x1FF10];
	v16 =	vadd.f32 v20, v16;
	[tilespmem:s16+$0x0] =	vst v4  }
0x166: {  	v10 =	vmax.f32 v10, $0.0e+00;
	v62 =	vperm.xlane v14, v42;
	v35 =	vmovc v33;
	v41 =	vmul.f32 v33, v46;
	[tilespmem:$0x1FD40] =	vst v0;
	v14 =	vld [tilespmem:s18+$0x10]  }
0x167: {  	v33 =	vmovc v31;
	v44 =	vmax.f32 v15, $0.0e+00;
	v0 =	vmul.f32 v31, v49;
	[tilespmem:s0+$0x50] =	vst v10;
	v31 =	vld [tilespmem:$0x1FF20];
	v15 =	vadd.f32 v16, v23  }
0x168: {  	v11 =	vmax.f32 v11, $0.0e+00;
	v23 =	vld [tilespmem:s12+$0x60]  }
0x169: {  	[tilespmem:s16+$0xFFFFFF00] =	vst v11;
	v11 =	vmul.f32 v62, v24;
	v15 =	vadd.f32 v15, v21;
	v21 =	vld [tilespmem:$0x1FEC0]  }
0x16a: {  	v7 =	vmul.f32 v28, v25;
	v1 =	vadd.f32 v1, v56;
	v16 =	vld [tilespmem:s18+$0xFFFFFF10];
	[tilespmem:s0+$0xFFFFFF40] =	vst v44  }
0x16b: {  	v42 =	vmul.f32 v34, v43;
	v34 =	vmovc v48;
	v58 =	vmul.f32 v28, v46;
	v11 =	vadd.f32 v40, v11;
	v13 =	vld [tilespmem:s12+$0xFFFFFF50]  }
0x16c: {  	v48 =	vmovc v24;
	v28 =	vmovc v63;
	v63 =	vmul.f32 v27, v46;
	v27 =	vmov v18;
	v24 =	vmul.f32 v18, v47;
	v18 =	vld [tilespmem:$0x1FE00]  }
0x16d: {  	v20 =	vmul.f32 v28, v47;
	v11 =	vadd.f32 v11, v17;
	v17 =	vld [tilespmem:s12+$0xFFFFFFD0];
	v10 =	vmax.f32 v15, $0.0e+00  }
0x16e: {  	v22 =	vmul.f32 v6, v26;
	v4 =	vmov v36;
	[tilespmem:s16+$0x80] =	vst v10;
	v21 =	vmul.f32 v36, v21;
	v36 =	vld [tilespmem:$0x1FF40]  }
0x16f: {  	v1 =	vadd.f32 v1, v54;
	v16 =	vadd.f32 v16, v20;
	v20 =	vmul.f32 v9, v31;
	v25 =	vld [tilespmem:s18+$0x90]  }
0x170: {  	v19 =	vmul.f32 v6, v32;
	v11 =	vadd.f32 v11, v22;
	v7 =	vadd.f32 v13, v7  }
0x171: {  	v14 =	vadd.f32 v14, v24;
	v13 =	vadd.f32 v16, v20;
	v16 =	vmul.f32 v34, v31  }
0x172: {  	[tilespmem:$0x1FD70] =	vst v19;
	v19 =	vmul.f32 v3, v47;
	v11 =	vmax.f32 v11, $0.0e+00;
	v7 =	vadd.f32 v7, v52  }
0x173: {  	v45 =	vld [tilespmem:$0x1FF60];
	v17 =	vadd.f32 v17, v18;
	[tilespmem:s16+$0xFFFFFF80] =	vst v11;
	v11 =	vadd.f32 v14, v16;
	v52 =	vmul.f32 v39, v36  }
0x174: {  	v15 =	vmul.f32 v38, v31;
	v24 =	vld [tilespmem:$0x1FF80];
	v16 =	vadd.f32 v23, v57;
	v19 =	vadd.f32 v25, v19  }
0x175: {  	v18 =	vld [tilespmem:s18+$0xFFFFFF90];
	v5 =	vadd.f32 v7, v5;
	v44 =	vmul.f32 v51, v36;
	v7 =	vadd.f32 v11, v52  }
0x176: {  	v23 =	vld [tilespmem:$0x1FE80];
	v57 =	vmul.f32 v62, v47;
	v10 =	vmul.f32 v12, v36;
	v15 =	vadd.f32 v19, v15  }
0x177: {  	v47 =	vld [tilespmem:$0x1FF50];
	v55 =	vadd.f32 v16, v55;
	v13 =	vadd.f32 v13, v44;
	v7 =	vmax.f32 v7, $0.0e+00  }
0x178: {  	v16 =	vadd.f32 v17, v21;
	[tilespmem:s16+$0x10] =	vst v7;
	v7 =	vadd.f32 v15, v10;
	v15 =	vld [tilespmem:$0x1FE10]  }
0x179: {  	v17 =	vmul.f32 v61, v31;
	v13 =	vmax.f32 v13, $0.0e+00;
	v10 =	vadd.f32 v55, v59;
	v55 =	vld [tilespmem:$0x1FF90]  }
0x17a: {  	v25 =	vld [tilespmem:$0x1FFE0];
	v44 =	vmul.f32 v29, v49;
	v29 =	vmov v12;
	v12 =	vadd.f32 v18, v57;
	[tilespmem:s16+$0xFFFFFF10] =	vst v13  }
0x17b: {  	v56 =	vmul.f32 v39, v45;
	v60 =	vmul.f32 v6, v45;
	v5 =	vmax.f32 v5, $0.0e+00;
	v14 =	vld [tilespmem:s18+$0xFFFFFF20]  }
0x17c: {  	v40 =	vmul.f32 v30, v43;
	v31 =	vmovc v6;
	v12 =	vadd.f32 v12, v17;
	v59 =	vld [tilespmem:s18+$0x20];
	[tilespmem:s0+$0xFFFFFF50] =	vst v5;
	v7 =	vmax.f32 v7, $0.0e+00  }
0x17d: {  	v17 =	vmul.f32 v31, v36;
	v18 =	vld [tilespmem:s12+$0xFFFFFF60];
	[tilespmem:s16+$0x90] =	vst v7;
	v7 =	vmul.f32 v29, v45;
	v15 =	vadd.f32 v16, v15  }
0x17e: {  	v5 =	vmul.f32 v30, v55;
	v30 =	vmovc v9;
	v9 =	vmul.f32 v51, v45;
	v45 =	vmovc v41;
	v41 =	vmov v0;
	v0 =	vld [tilespmem:$0x1FD10]  }
0x17f: {  	v26 =	vld [tilespmem:$0x1FFF0];
	v20 =	vmul.f32 v27, v23;
	v15 =	vmax.f32 v15, $0.0e+00  }
0x180: {  	v1 =	vmax.f32 v1, $0.0e+00;
	v12 =	vadd.f32 v12, v17;
	[tilespmem:s0+$0xFFFFFFD0] =	vst v15  }
0x181: {  	v10 =	vmax.f32 v10, $0.0e+00;
	v13 =	vadd.f32 v59, v20;
	v15 =	vmul.f32 v34, v47;
	v22 =	vld [tilespmem:s12+$0xFFFFFFE0]  }
0x182: {  	v19 =	vmul.f32 v33, v24;
	v33 =	vmovc v3;
	[tilespmem:s0+$0x60] =	vst v10;
	v21 =	vld [tilespmem:s18+$0xA0];
	v12 =	vmax.f32 v12, $0.0e+00;
	v20 =	vmul.f32 v3, v23  }
0x183: {  	[tilespmem:s0+$0xC0] =	vst v1;
	v1 =	vld [tilespmem:s12+$0x70];
	v3 =	vadd.f32 v13, v15;
	v15 =	vadd.f32 v18, v0;
	v0 =	vmul.f32 v62, v25  }
0x184: {  	v11 =	vmul.f32 v37, v26;
	v10 =	vld [tilespmem:s12+$0xD0];
	[tilespmem:s16+$0xFFFFFF90] =	vst v12  }
0x185: {  	v12 =	vld [tilespmem:s18+$0xFFFFFFA0];
	v3 =	vadd.f32 v3, v56;
	[tilespmem:$0x1FE00] =	vst v0;
	v0 =	vmul.f32 v31, v50  }
0x186: {  	v16 =	vmul.f32 v28, v23;
	v11 =	vadd.f32 v22, v11;
	v22 =	vld [tilespmem:$0x1FE90]  }
0x187: {  	v3 =	vmax.f32 v3, $0.0e+00;
	[tilespmem:$0x1FE10] =	vst v0;
	v0 =	vld [tilespmem:$0x1FD20]  }
0x188: {  	v6 =	vmul.f32 v38, v47;
	v14 =	vadd.f32 v14, v16;
	v18 =	vadd.f32 v21, v20;
	v25 =	vld [tilespmem:$0x1FEE0];
	[tilespmem:s16+$0x20] =	vst v3  }
0x189: {  	v17 =	vmul.f32 v35, v26;
	v8 =	vadd.f32 v10, v8;
	v3 =	vadd.f32 v11, v2;
	v11 =	vld [tilespmem:s18+$0x30]  }
0x18a: {  	v57 =	vadd.f32 v15, v5;
	v15 =	vmul.f32 v53, v24;
	v5 =	vmul.f32 v37, v46;
	v37 =	vmovc v62  }
0x18b: {  	v6 =	vadd.f32 v18, v6;
	v62 =	vmul.f32 v61, v47;
	v18 =	vmul.f32 v37, v23  }
0x18c: {  	v13 =	vadd.f32 v57, v15;
	v21 =	vmul.f32 v27, v22;
	v8 =	vadd.f32 v8, v0;
	v0 =	vld [tilespmem:$0x1FD30]  }
0x18d: {  	v6 =	vadd.f32 v6, v7;
	v10 =	vadd.f32 v12, v18;
	v18 =	vmul.f32 v34, v25  }
0x18e: {  	v35 =	vmovc v51;
	v59 =	vadd.f32 v3, v19;
	v19 =	vmul.f32 v29, v32;
	v11 =	vadd.f32 v11, v21  }
0x18f: {  	v6 =	vmax.f32 v6, $0.0e+00;
	v3 =	vmul.f32 v35, v32;
	v32 =	vmul.f32 v39, v32  }
0x190: {  	[tilespmem:s16+$0xA0] =	vst v6;
	v6 =	vmax.f32 v59, $0.0e+00;
	v21 =	vmul.f32 v30, v47;
	v11 =	vadd.f32 v11, v18  }
0x191: {  	v13 =	vmax.f32 v13, $0.0e+00;
	v10 =	vadd.f32 v10, v62;
	[tilespmem:s0+$0xFFFFFFE0] =	vst v6;
	v6 =	vadd.f32 v8, v0  }
0x192: {  	[tilespmem:s0+$0xFFFFFF60] =	vst v13;
	v0 =	vadd.f32 v11, v32;
	v11 =	vadd.f32 v14, v21  }
0x193: {  	v20 =	vld [tilespmem:s12+$0xFFFFFF70];
	v2 =	vadd.f32 v10, v60  }
0x194: {  	v13 =	vld [tilespmem:s18+$0xB0];
	v9 =	vadd.f32 v11, v9  }
0x195: {  	v2 =	vmax.f32 v2, $0.0e+00;
	v10 =	vld [tilespmem:s12+$0xFFFFFFF0]  }
0x196: {  	[tilespmem:s16+$0xFFFFFFA0] =	vst v2;
	v18 =	vld [tilespmem:$0x1FEA0];
	v9 =	vmax.f32 v9, $0.0e+00  }
0x197: {  	v15 =	vmul.f32 v33, v22;
	[tilespmem:s16+$0xFFFFFF20] =	vst v9;
	v9 =	vld [tilespmem:$0x1FD40]  }
0x198: {  	v12 =	vld [tilespmem:s18+$0xFFFFFFB0];
	v8 =	vadd.f32 v20, v58  }
0x199: {  	v13 =	vadd.f32 v13, v15;
	v15 =	vld [tilespmem:$0x1FD50];
	v6 =	vmax.f32 v6, $0.0e+00  }
0x19a: {  	v20 =	vld [tilespmem:$0x1FEC0];
	v58 =	vmul.f32 v4, v43;
	v4 =	vadd.f32 v8, v40;
	[tilespmem:s0+$0xD0] =	vst v6  }
0x19b: {  	v0 =	vmax.f32 v0, $0.0e+00;
	v6 =	vld [tilespmem:s12+$0xE0]  }
0x19c: {  	v21 =	vld [tilespmem:$0x1FEB0];
	[tilespmem:s16+$0x30] =	vst v0;
	v4 =	vadd.f32 v4, v9  }
0x19d: {  	v36 =	vmov v61;
	v11 =	vld [tilespmem:s18+$0x40]  }
0x19e: {  	v51 =	vmul.f32 v39, v49;
	v46 =	vmul.f32 v36, v55;
	v9 =	vld [tilespmem:s18+$0xFFFFFF30];
	v4 =	vmax.f32 v4, $0.0e+00  }
0x19f: {  	v50 =	vmul.f32 v39, v24;
	v7 =	vmul.f32 v38, v25;
	[tilespmem:s0+$0xFFFFFF70] =	vst v4;
	v4 =	vld [tilespmem:$0x1FD60]  }
0x1a0: {  	v57 =	vmul.f32 v36, v25;
	v16 =	vmul.f32 v28, v22;
	v43 =	vld [tilespmem:$0x1FEF0];
	v6 =	vadd.f32 v6, v17  }
0x1a1: {  	v49 =	vmul.f32 v37, v22;
	v47 =	vmul.f32 v38, v55;
	v7 =	vadd.f32 v13, v7  }
0x1a2: {  	v55 =	vmul.f32 v34, v55;
	v8 =	vmul.f32 v27, v18;
	v6 =	vadd.f32 v6, v15  }
0x1a3: {  	v7 =	vadd.f32 v7, v19;
	v2 =	vmul.f32 v28, v18;
	v52 =	vmul.f32 v30, v20  }
0x1a4: {  	v8 =	vadd.f32 v11, v8;
	v11 =	vmul.f32 v34, v21;
	v4 =	vadd.f32 v6, v4;
	v6 =	vld [tilespmem:$0x1FD70]  }
0x1a5: {  	v12 =	vadd.f32 v12, v49;
	v61 =	vmul.f32 v31, v43;
	v0 =	vmul.f32 v35, v43  }
0x1a6: {  	p0 =	slt.u32 s17, $0x3C;
	v54 =	vmul.f32 v29, v43;
	v8 =	vadd.f32 v8, v11;
	v11 =	vmul.f32 v39, v43  }
.Ltmp1:
0x1a7: {  	v59 =	vmax.f32 v7, $0.0e+00;
	v62 =	vmul.f32 v30, v21;
	v12 =	vadd.f32 v12, v57;
	(pc) =	sbr.rel @p0 .LBB2_6-.Ltmp1, $4  }
0x1a8: {  	v56 =	vmul.f32 v38, v21;
	v57 =	vmul.f32 v27, v26;
	v11 =	vadd.f32 v8, v11  }
0x1a9: {  	v17 =	vmul.f32 v29, v24;
	v7 =	vadd.f32 v9, v16;
	v6 =	vadd.f32 v12, v6  }
0x1aa: {  	v49 =	vmovc v47;
	[tilespmem:s16+$0xB0] =	vst v59;
	v9 =	vmul.f32 v30, v25;
	v25 =	vmul.f32 v28, v26;
	v60 =	vmax.f32 v4, $0.0e+00  }
0x1ab: {  	s21 =	smov.u32 s18;
	v24 =	vmovc v48;
	v48 =	vmovc v63;
	v8 =	vld [tilespmem:s18+$0xC0];
	v4 =	vadd.f32 v10, v5;
	[tilespmem:s0+$0xE0] =	vst v60;
	v59 =	vmax.f32 v6, $0.0e+00;
	v6 =	vmax.f32 v11, $0.0e+00  }
0x1ac: {  	v15 =	vld [tilespmem:$0x1FF70]  }
0x1ad: {  	v60 =	vld [tilespmem:$0x1FF60];
	v5 =	vadd.f32 v7, v9  }
0x1ae: {  	v19 =	vld [tilespmem:$0x1FF40]  }
0x1af: {  	v53 =	vld [tilespmem:$0x1FF50];
	v3 =	vadd.f32 v5, v3  }
0x1b0: {  	v13 =	vld [tilespmem:$0x1FF20]  }
0x1b1: {  	v43 =	vld [tilespmem:$0x1FF00];
	v3 =	vmax.f32 v3, $0.0e+00  }
0x1b2: {  	v32 =	vld [tilespmem:$0x1FF10];
	[tilespmem:s16+$0xFFFFFF30] =	vst v3  }
0x1b3: {  	v3 =	vld [tilespmem:s21+$0xFFFFFF40]  }
0x1b4: {  	[tilespmem:s16+$0xFFFFFFB0] =	vst v59  }
0x1b5: {  	v5 =	vld [tilespmem:s21+$0xFFFFFFC0];
	_ =	sdelay $0x2  }
0x1b6: {  	v7 =	vmul.f32 v37, v18;
	v2 =	vadd.f32 v3, v2  }
0x1b7: {  	v3 =	vmul.f32 v33, v18  }
0x1b8: {  	v9 =	vmul.f32 v36, v21;
	v5 =	vadd.f32 v5, v7;
	v2 =	vadd.f32 v2, v62  }
0x1b9: {  	v3 =	vadd.f32 v8, v3  }
0x1ba: {  	v5 =	vadd.f32 v5, v9;
	v0 =	vadd.f32 v2, v0  }
0x1bb: {  	v2 =	vadd.f32 v3, v56  }
0x1bc: {  	v3 =	vadd.f32 v5, v61;
	v0 =	vmax.f32 v0, $0.0e+00  }
0x1bd: {  	[tilespmem:s16+$0xFFFFFF40] =	vst v0;
	v0 =	vadd.f32 v2, v54  }
0x1be: {  	[tilespmem:s16+$0x40] =	vst v6;
	v2 =	vmax.f32 v3, $0.0e+00  }
0x1bf: {  	[tilespmem:s16+$0xFFFFFFC0] =	vst v2;
	v0 =	vmax.f32 v0, $0.0e+00  }
0x1c0: {  	v5 =	vld [tilespmem:s21+$0x50];
	[tilespmem:s16+$0xC0] =	vst v0  }
0x1c1: {  	v10 =	vld [tilespmem:$0x1FFE0]  }
0x1c2: {  	v3 =	vld [tilespmem:s21+$0xFFFFFF50]  }
0x1c3: {  	v2 =	vld [tilespmem:s21+$0xFFFFFFD0]  }
0x1c4: {  	v6 =	vld [tilespmem:s21+$0xD0]  }
0x1c5: {  	v11 =	vld [tilespmem:$0x1FE00]  }
0x1c6: {  	v40 =	vld [tilespmem:$0x1FFC0];
	v7 =	vmul.f32 v27, v10  }
0x1c7: {  	v0 =	vmul.f32 v28, v10  }
0x1c8: {  	v5 =	vadd.f32 v5, v7;
	v7 =	vmul.f32 v33, v10  }
0x1c9: {  	v0 =	vadd.f32 v3, v0  }
0x1ca: {  	v8 =	vmul.f32 v34, v20;
	v2 =	vadd.f32 v2, v11;
	v6 =	vadd.f32 v6, v7;
	v7 =	vld [tilespmem:$0x1FE10]  }
0x1cb: {  	v3 =	vmul.f32 v35, v40;
	v10 =	vmul.f32 v36, v20;
	v0 =	vadd.f32 v0, v52  }
0x1cc: {  	v9 =	vmul.f32 v39, v40;
	v11 =	vmul.f32 v38, v20;
	v5 =	vadd.f32 v5, v8  }
0x1cd: {  	v2 =	vadd.f32 v2, v10;
	v0 =	vadd.f32 v0, v3  }
0x1ce: {  	v3 =	vmul.f32 v29, v40;
	v5 =	vadd.f32 v5, v9;
	v6 =	vadd.f32 v6, v11  }
0x1cf: {  	v0 =	vmax.f32 v0, $0.0e+00;
	v2 =	vadd.f32 v2, v7  }
0x1d0: {  	v5 =	vmax.f32 v5, $0.0e+00;
	[tilespmem:s16+$0xFFFFFF50] =	vst v0;
	v0 =	vadd.f32 v6, v3  }
0x1d1: {  	[tilespmem:s16+$0x50] =	vst v5;
	v2 =	vmax.f32 v2, $0.0e+00  }
0x1d2: {  	v3 =	vld [tilespmem:s21+$0xFFFFFF60];
	v0 =	vmax.f32 v0, $0.0e+00;
	[tilespmem:s16+$0xFFFFFFD0] =	vst v2  }
0x1d3: {  	v5 =	vld [tilespmem:s21+$0x60];
	[tilespmem:s16+$0xD0] =	vst v0  }
0x1d4: {  	v16 =	vld [tilespmem:$0x1FF90]  }
0x1d5: {  	v2 =	vld [tilespmem:s21+$0xFFFFFFE0]  }
0x1d6: {  	v38 =	vld [tilespmem:$0x1FF80]  }
0x1d7: {  	v0 =	vld [tilespmem:s21+$0xE0]  }
0x1d8: {  	v5 =	vadd.f32 v5, v57  }
0x1d9: {  	v6 =	vmul.f32 v37, v26;
	v3 =	vadd.f32 v3, v25;
	v7 =	vmul.f32 v30, v16  }
0x1da: {  	v8 =	vmul.f32 v33, v26;
	v5 =	vadd.f32 v5, v55  }
0x1db: {  	v2 =	vadd.f32 v2, v6;
	v3 =	vadd.f32 v3, v7;
	v7 =	vmul.f32 v35, v38  }
0x1dc: {  	v6 =	vld [tilespmem:s12+$0xF0];
	v0 =	vadd.f32 v0, v8;
	v5 =	vadd.f32 v5, v50  }
0x1dd: {  	v8 =	vmul.f32 v31, v38;
	v2 =	vadd.f32 v2, v46;
	v3 =	vadd.f32 v3, v7  }
0x1de: {  	v0 =	vadd.f32 v0, v49;
	v5 =	vmax.f32 v5, $0.0e+00  }
0x1df: {  	v2 =	vadd.f32 v2, v8;
	[tilespmem:s16+$0x60] =	vst v5;
	v3 =	vmax.f32 v3, $0.0e+00  }
0x1e0: {  	v0 =	vadd.f32 v0, v17;
	[tilespmem:s16+$0xFFFFFF60] =	vst v3  }
0x1e1: {  	v2 =	vmax.f32 v2, $0.0e+00;
	v3 =	vadd.f32 v6, v45;
	v6 =	vld [tilespmem:$0x1FD90]  }
0x1e2: {  	v1 =	vadd.f32 v1, v48;
	v0 =	vmax.f32 v0, $0.0e+00;
	v5 =	vld [tilespmem:s21+$0xFFFFFF70];
	[tilespmem:s16+$0xFFFFFFE0] =	vst v2  }
0x1e3: {  	v2 =	vld [tilespmem:$0x1FD80];
	[tilespmem:s16+$0xE0] =	vst v0  }
0x1e4: {  	v1 =	vadd.f32 v1, v42;
	v12 =	vld [tilespmem:$0x1FF30]  }
0x1e5: {  	v4 =	vadd.f32 v4, v58;
	v17 =	vld [tilespmem:$0x1FFA0]  }
0x1e6: {  	v1 =	vadd.f32 v1, v6;
	v6 =	vld [tilespmem:s21+$0x70]  }
0x1e7: {  	v4 =	vadd.f32 v4, v41  }
0x1e8: {  	v7 =	vld [tilespmem:s21+$0xF0];
	v0 =	vmax.f32 v1, $0.0e+00  }
0x1e9: {  	v58 =	vld [tilespmem:$0x1FFB0];
	v1 =	vmax.f32 v4, $0.0e+00;
	v4 =	vmul.f32 v28, v12;
	v9 =	vmul.f32 v27, v12  }
0x1ea: {  	v2 =	vadd.f32 v3, v2;
	v3 =	vld [tilespmem:s21+$0xFFFFFFF0];
	v11 =	vmul.f32 v37, v12;
	v12 =	vmul.f32 v33, v12  }
0x1eb: {  	[tilespmem:s0+$0x70] =	vst v0;
	v4 =	vadd.f32 v5, v4;
	v5 =	vmul.f32 v34, v17;
	v6 =	vadd.f32 v6, v9  }
0x1ec: {  	[tilespmem:s0+$0xFFFFFFF0] =	vst v1  }
0x1ed: {  	v10 =	vmul.f32 v30, v17;
	v5 =	vadd.f32 v6, v5;
	v6 =	vadd.f32 v7, v12;
	v7 =	vld [tilespmem:$0x1FDA0]  }
0x1ee: {  	v8 =	vmul.f32 v35, v58  }
0x1ef: {  	v9 =	vmul.f32 v36, v17;
	v4 =	vadd.f32 v4, v10;
	v3 =	vadd.f32 v3, v11  }
0x1f0: {  	v2 =	vadd.f32 v2, v44;
	v0 =	vmul.f32 v31, v58  }
0x1f1: {  	v1 =	vmul.f32 v29, v58;
	v4 =	vadd.f32 v4, v8;
	v3 =	vadd.f32 v3, v9  }
0x1f2: {  	v2 =	vmax.f32 v2, $0.0e+00;
	v5 =	vadd.f32 v5, v51;
	v6 =	vadd.f32 v6, v7  }
0x1f3: {  	[tilespmem:s0+$0xF0] =	vst v2;
	v2 =	vmax.f32 v4, $0.0e+00;
	v0 =	vadd.f32 v3, v0  }
0x1f4: {  	[tilespmem:s16+$0xFFFFFF70] =	vst v2;
	v2 =	vmax.f32 v5, $0.0e+00;
	v1 =	vadd.f32 v6, v1  }
0x1f5: {  	s0 =	sshll.u32 s9, $0x9;
	[tilespmem:s16+$0x70] =	vst v2;
	v0 =	vmax.f32 v0, $0.0e+00  }
0x1f6: {  	s1 =	sshrl.u32 s0, $0x2;
	[tilespmem:s16+$0xFFFFFFF0] =	vst v0;
	v0 =	vmax.f32 v1, $0.0e+00  }
0x1f7: {  	s1 =	sadd.s32 $0x1400, s1;
	[tilespmem:s16+$0xF0] =	vst v0  }
0x1f8: {  	[spmem:s3] =	stream.indirect.scatter.add.f32 [tilespmem:s25], [sflag:$0x2], $0x80, s1, s2, $0xb8;
	[tilespmem:$0x1E800] =	vst v63  }
0x1f9: {  	_ =	swait.ge [sflag:s7], $0x2000  }
0x1fa: {  	[sflag:s7] =	ssyncset.done $0x0  }
0x1fb: {  	[sflag:s7] =	ssyncadd.s32 $0xFFFFE000  }
0x1fc: {  	p0 =	seq.s32 s9, $0x27;
	_ =	swait.ge [sflag:s13], $0x100  }
0x1fd: {  	s12 =	simm.s32 @!p0 $0x2800;
	s0 =	sshrl.u32 @!p0 s0, $0x2;
	[sflag:s13] =	ssyncset.done $0x0  }
0x1fe: {  	s0 =	sadd.s32 @!p0 $0x80, s0;
	s1 =	simm.s32 @!p0 $0x40;
	[sflag:s13] =	ssyncadd.s32 $0xFFFFFF00  }
0x1ff: {  	[tilespmem:s12], [sflag:$0x1] =	stream.indirect.gather @!p0 [hbm4b:s26+s1], $0x80, s0, s1, $0xb8;
	[tilespmem:$0x1E800] =	vst v63  }
0x200: {  	s0 =	sadd.s32 @!p0 s5, s30  }
0x201: {  	p1 =	seq.s32 @!p0 s9, $0x0;
	s0 =	sshll.u32 @!p0 s0, $0x5  }
0x202: {  	s1 =	simm.s32 @!p0 $0x0;
	s12 =	simm.s32 @!p0 $0xA800;
	s0 =	sadd.s32 @!p0 s0, s24  }
0x203: {  	[tilespmem:s12], [sflag:$0x3] =	stream.linear.gather @!p0 [hbm4b:s0+s1], $0x100, $0x38;
	[tilespmem:$0x1E800] =	vst v63  }
0x204: {  	p0 =	por p0, !p1  }
0x205: {  	_ =	swait.ge @p0 [sflag:s20], $0x2000  }
0x206: {  	s22 =	simm.s32 $0x0;
	[sflag:s20] =	ssyncset.done @p0 $0x0  }
0x207: {  	s28 =	sand.u32 $0x30, s22;
	[sflag:s20] =	ssyncadd.s32 @p0 $0xFFFFE000  }
0x208: {  	v0 =	vld [tilespmem:s28+$0xA900];
	_ =	sdelay $0x1  }
0x209: {  	s30 =	simm.s32 $0x2;
	v3 =	vld [tilespmem:s28+$0xA940]  }
0x20a: {  	s31 =	sand.u32 $0xE, s30;
	s12 =	simm.s32 $0x4900;
	v4 =	vld [tilespmem:s28+$0xA980]  }
0x20b: {  	v1 =	vmov s31;
	v2 =	vld [tilespmem:s12+$0x0]  }
0x20c: {  	v44 =	vperm.xlane v0, v1  }
0x20d: {  	v45 =	vld [tilespmem:$0x1FED0]  }
0x20e: {  	v27 =	vmov v40;
	v40 =	vperm.xlane v3, v1;
	v5 =	vmul.f32 v44, v24;
	_ =	sdelay $0x1  }
0x20f: {  	v1 =	vperm.xlane v4, v1;
	v2 =	vadd.f32 v2, v5;
	v5 =	vmul.f32 v40, v43  }
0x210: {  	s16 =	simm.s32 $0x3  }
0x211: {  	s17 =	simm.s32 $0x1;
	s0 =	sand.u32 $0xF, s16;
	v6 =	vmul.f32 v1, v45;
	v2 =	vadd.f32 v2, v5  }
0x212: {  	s16 =	sand.u32 $0xD, s17;
	v7 =	vld [tilespmem:s12+$0x80];
	v5 =	vmov s0  }
0x213: {  	v8 =	vmov s16;
	v9 =	vld [tilespmem:s12+$0xFFFFFF80];
	v46 =	vperm.xlane v0, v5;
	v6 =	vadd.f32 v2, v6  }
0x214: {  	v63 =	vperm.xlane v0, v8;
	v54 =	vperm.xlane v4, v8  }
0x215: {  	s0 =	simm.s32 $0x8900;
	v2 =	vperm.xlane v3, v5;
	v10 =	vmul.f32 v46, v24;
	v6 =	vmax.f32 v6, $0.0e+00  }
0x216: {  	v59 =	vmov v43;
	v11 =	vmul.f32 v63, v24;
	v43 =	vperm.xlane v3, v8;
	[tilespmem:s0+$0x0] =	vst v6  }
0x217: {  	v50 =	vperm.xlane v4, v5;
	v6 =	vmul.f32 v2, v59;
	v5 =	vadd.f32 v7, v10;
	v7 =	vld [tilespmem:s12+$0x10]  }
0x218: {  	v9 =	vadd.f32 v9, v11;
	v8 =	vmul.f32 v43, v59  }
0x219: {  	s1 =	sand.u32 $0xC, s22;
	v12 =	vmul.f32 v54, v45;
	v11 =	vmul.f32 v50, v45;
	v5 =	vadd.f32 v5, v6  }
0x21a: {  	v8 =	vadd.f32 v9, v8;
	v9 =	vmul.f32 v44, v32;
	v10 =	vmov s1;
	v6 =	vld [tilespmem:s12+$0xFFFFFF00]  }
0x21b: {  	v41 =	vperm.xlane v0, v10;
	v0 =	vadd.f32 v5, v11  }
0x21c: {  	v5 =	vadd.f32 v8, v12;
	v8 =	vmul.f32 v40, v13;
	v7 =	vadd.f32 v7, v9  }
0x21d: {  	v51 =	vperm.xlane v3, v10;
	v9 =	vmul.f32 v41, v24;
	v0 =	vmax.f32 v0, $0.0e+00  }
0x21e: {  	[tilespmem:s0+$0x80] =	vst v0;
	v0 =	vmax.f32 v5, $0.0e+00;
	v5 =	vmul.f32 v1, v19;
	v3 =	vadd.f32 v7, v8  }
0x21f: {  	v49 =	vperm.xlane v4, v10;
	v4 =	vadd.f32 v6, v9;
	v6 =	vmul.f32 v51, v59;
	v7 =	vld [tilespmem:s12+$0x90]  }
0x220: {  	[tilespmem:s0+$0xFFFFFF80] =	vst v0;
	v3 =	vadd.f32 v3, v5  }
0x221: {  	v0 =	vld [tilespmem:s12+$0xFFFFFF90];
	v5 =	vmul.f32 v49, v45;
	v4 =	vadd.f32 v4, v6  }
0x222: {  	v6 =	vmul.f32 v46, v32;
	v3 =	vmax.f32 v3, $0.0e+00  }
0x223: {  	v4 =	vadd.f32 v4, v5;
	[tilespmem:s0+$0x10] =	vst v3  }
0x224: {  	v5 =	vmul.f32 v63, v32;
	v3 =	vmul.f32 v2, v13;
	v6 =	vadd.f32 v7, v6;
	v7 =	vld [tilespmem:s12+$0x20]  }
0x225: {  	v8 =	vmul.f32 v43, v13;
	v4 =	vmax.f32 v4, $0.0e+00  }
0x226: {  	v0 =	vadd.f32 v0, v5;
	[tilespmem:s0+$0xFFFFFF00] =	vst v4;
	v4 =	vmul.f32 v50, v19;
	v3 =	vadd.f32 v6, v3  }
0x227: {  	v6 =	vmul.f32 v44, v23;
	v5 =	vld [tilespmem:s12+$0xFFFFFF10]  }
0x228: {  	v0 =	vadd.f32 v0, v8;
	v3 =	vadd.f32 v3, v4  }
0x229: {  	v8 =	vmul.f32 v54, v19;
	v4 =	vadd.f32 v7, v6;
	v6 =	vmul.f32 v40, v53  }
0x22a: {  	v7 =	vmul.f32 v41, v32;
	v3 =	vmax.f32 v3, $0.0e+00  }
0x22b: {  	v0 =	vadd.f32 v0, v8;
	[tilespmem:s0+$0x90] =	vst v3;
	v3 =	vadd.f32 v4, v6  }
0x22c: {  	v4 =	vmul.f32 v1, v60;
	v5 =	vadd.f32 v5, v7;
	v6 =	vmul.f32 v51, v13  }
0x22d: {  	v0 =	vmax.f32 v0, $0.0e+00  }
0x22e: {  	[tilespmem:s0+$0xFFFFFF90] =	vst v0;
	v0 =	vadd.f32 v3, v4;
	v4 =	vmul.f32 v49, v19;
	v5 =	vadd.f32 v5, v6;
	_ =	sdelay $0x1  }
0x22f: {  	v3 =	vld [tilespmem:s12+$0xFFFFFFA0];
	v0 =	vmax.f32 v0, $0.0e+00;
	v4 =	vadd.f32 v5, v4;
	v5 =	vmul.f32 v2, v17  }
0x230: {  	[tilespmem:s0+$0x20] =	vst v0  }
0x231: {  	v7 =	vld [tilespmem:s12+$0xA0];
	[tilespmem:$0x1FC60] =	vst v5;
	v4 =	vmax.f32 v4, $0.0e+00  }
0x232: {  	v0 =	vmul.f32 v63, v23;
	[tilespmem:s0+$0xFFFFFF10] =	vst v4  }
0x233: {  	v25 =	vld [tilespmem:$0x1FFE0]  }
0x234: {  	v6 =	vmul.f32 v46, v23;
	v0 =	vadd.f32 v3, v0;
	v3 =	vmul.f32 v43, v53  }
0x235: {  	v8 =	vmul.f32 v54, v60  }
0x236: {  	v6 =	vadd.f32 v7, v6;
	v5 =	vmul.f32 v2, v53;
	v7 =	vld [tilespmem:s12+$0x30];
	v0 =	vadd.f32 v0, v3  }
0x237: {  	v4 =	vmul.f32 v50, v60;
	v47 =	vld [tilespmem:$0x1FEE0]  }
0x238: {  	v5 =	vadd.f32 v6, v5;
	v8 =	vadd.f32 v0, v8;
	v0 =	vmul.f32 v63, v25  }
0x239: {  	v10 =	vmul.f32 v44, v22  }
0x23a: {  	v6 =	vld [tilespmem:s12+$0xFFFFFF20];
	v4 =	vadd.f32 v5, v4;
	[tilespmem:$0x1FC90] =	vst v0;
	v0 =	vmul.f32 v54, v27  }
0x23b: {  	v7 =	vadd.f32 v7, v10  }
0x23c: {  	v4 =	vmax.f32 v4, $0.0e+00;
	v10 =	vmul.f32 v40, v47;
	[tilespmem:$0x1FCA0] =	vst v0;
	v0 =	vmul.f32 v1, v58  }
0x23d: {  	v3 =	vmul.f32 v41, v23;
	[tilespmem:s0+$0xA0] =	vst v4  }
0x23e: {  	v4 =	vadd.f32 v7, v10;
	v7 =	vmul.f32 v1, v15;
	[tilespmem:$0x1FC70] =	vst v0  }
0x23f: {  	v57 =	vmovc v60;
	v55 =	vmov v16;
	v8 =	vmax.f32 v8, $0.0e+00;
	v3 =	vadd.f32 v6, v3;
	v10 =	vld [tilespmem:s12+$0xB0]  }
0x240: {  	v6 =	vmul.f32 v51, v53;
	v0 =	vmul.f32 v43, v55;
	[tilespmem:s0+$0xFFFFFFA0] =	vst v8;
	v4 =	vadd.f32 v4, v7  }
0x241: {  	v11 =	vmul.f32 v49, v57;
	v7 =	vld [tilespmem:s12+$0xFFFFFFB0]  }
0x242: {  	v3 =	vadd.f32 v3, v6;
	v8 =	vmul.f32 v46, v22;
	[tilespmem:$0x1FCD0] =	vst v0;
	v4 =	vmax.f32 v4, $0.0e+00  }
0x243: {  	v0 =	vmul.f32 v2, v55;
	[tilespmem:s0+$0x30] =	vst v4  }
0x244: {  	v4 =	vadd.f32 v3, v11;
	v11 =	vmul.f32 v63, v22;
	v8 =	vadd.f32 v10, v8;
	v10 =	vld [tilespmem:s12+$0x40]  }
0x245: {  	v56 =	vmov v13;
	v13 =	vmul.f32 v2, v47;
	v23 =	vld [tilespmem:$0x1FEF0]  }
0x246: {  	v4 =	vmax.f32 v4, $0.0e+00;
	[tilespmem:$0x1FCF0] =	vst v0;
	v7 =	vadd.f32 v7, v11;
	v11 =	vmul.f32 v43, v47  }
0x247: {  	v14 =	vmul.f32 v50, v15;
	[tilespmem:s0+$0xFFFFFF20] =	vst v4;
	v4 =	vmul.f32 v44, v18;
	v8 =	vadd.f32 v8, v13  }
0x248: {  	v9 =	vmul.f32 v54, v15;
	v0 =	vmul.f32 v2, v21;
	v18 =	vld [tilespmem:s12+$0xFFFFFF30];
	v7 =	vadd.f32 v7, v11  }
0x249: {  	v8 =	vadd.f32 v8, v14;
	v14 =	vmul.f32 v40, v21;
	v10 =	vadd.f32 v10, v4  }
0x24a: {  	[tilespmem:$0x1FCB0] =	vst v0;
	v0 =	vmul.f32 v50, v23;
	v9 =	vadd.f32 v7, v9  }
0x24b: {  	v12 =	vmul.f32 v41, v22;
	v10 =	vadd.f32 v10, v14;
	v14 =	vmul.f32 v1, v23  }
0x24c: {  	[tilespmem:$0x1FCC0] =	vst v0;
	v8 =	vmax.f32 v8, $0.0e+00;
	v0 =	vmul.f32 v50, v38;
	v9 =	vmax.f32 v9, $0.0e+00  }
0x24d: {  	v11 =	vld [tilespmem:$0x1FEA0];
	v12 =	vadd.f32 v18, v12;
	v18 =	vmul.f32 v51, v47;
	[tilespmem:s0+$0xFFFFFFB0] =	vst v9;
	v9 =	vadd.f32 v10, v14  }
0x24e: {  	v3 =	vmul.f32 v1, v38;
	[tilespmem:s0+$0xB0] =	vst v8  }
0x24f: {  	v61 =	vmovc v19;
	v19 =	vld [tilespmem:s12+$0xC0];
	[tilespmem:$0x1FD00] =	vst v0;
	v12 =	vadd.f32 v12, v18;
	v18 =	vmul.f32 v1, v27;
	v1 =	vmax.f32 v9, $0.0e+00  }
0x250: {  	v9 =	vld [tilespmem:$0x1FEA0];
	[tilespmem:s0+$0x40] =	vst v1  }
0x251: {  	v1 =	vld [tilespmem:$0x1FEA0];
	_ =	sdelay $0x2  }
0x252: {  	v60 =	vmov v15;
	v15 =	vmul.f32 v49, v15;
	_ =	sdelay $0x1  }
0x253: {  	v12 =	vadd.f32 v12, v15;
	v15 =	vmul.f32 v63, v1;
	v1 =	vld [tilespmem:$0x1FEC0];
	_ =	sdelay $0x2  }
0x254: {  	s17 =	simm.s32 $0x4  }
0x255: {  	s18 =	sand.u32 $0x30, s17;
	v5 =	vmul.f32 v51, v20;
	v10 =	vld [tilespmem:s12+$0xFFFFFFC0]  }
0x256: {  	v14 =	vmul.f32 v40, v20;
	v20 =	vld [tilespmem:s18+$0xA900];
	v1 =	vmul.f32 v2, v1  }
0x257: {  	s22 =	sand.u32 $0xC, s17;
	v16 =	vmul.f32 v51, v21;
	v36 =	vld [tilespmem:s18+$0xA940]  }
0x258: {  	s21 =	simm.s32 $0x6;
	v31 =	vmov s22;
	v52 =	vmul.f32 v41, v26;
	v30 =	vmul.f32 v44, v25;
	v22 =	vld [tilespmem:s18+$0xA980];
	[tilespmem:$0x1FCE0] =	vst v1  }
0x259: {  	s1 =	sand.u32 $0xE, s21;
	v6 =	vmovc v17;
	v17 =	vmul.f32 v54, v23;
	s18 =	simm.s32 $0x4B00;
	v9 =	vmul.f32 v46, v9;
	v2 =	vmax.f32 v12, $0.0e+00;
	v29 =	vld [tilespmem:s12+$0x50]  }
0x25a: {  	v62 =	vmovc v32;
	v32 =	vmov s1;
	v13 =	vmul.f32 v49, v23;
	v21 =	vmul.f32 v49, v27;
	[tilespmem:s0+$0xFFFFFF30] =	vst v2;
	v12 =	vld [tilespmem:s18+$0xFFFFFF00]  }
0x25b: {  	v8 =	vmul.f32 v44, v26;
	v28 =	vperm.xlane v20, v31;
	v9 =	vadd.f32 v19, v9;
	v19 =	vld [tilespmem:$0x1FEB0]  }
0x25c: {  	v11 =	vmul.f32 v41, v11;
	v34 =	vperm.xlane v36, v32;
	v33 =	vld [tilespmem:s18+$0x0]  }
0x25d: {  	s28 =	simm.s32 $0x5;
	v37 =	vmul.f32 v28, v24;
	v1 =	vmov v27;
	v27 =	vperm.xlane v20, v32  }
0x25e: {  	s1 =	sand.u32 $0xD, s28;
	v10 =	vadd.f32 v10, v15;
	v15 =	vld [tilespmem:s12+$0xFFFFFF40];
	v48 =	vadd.f32 v29, v30;
	v30 =	vperm.xlane v36, v31  }
0x25f: {  	v42 =	vmov s1;
	v35 =	vperm.xlane v22, v31;
	v39 =	vmul.f32 v27, v24  }
0x260: {  	s30 =	simm.s32 $0x7;
	v12 =	vadd.f32 v12, v37;
	v19 =	vmul.f32 v43, v19;
	v31 =	vmul.f32 v30, v59  }
0x261: {  	s31 =	sand.u32 $0xF, s30;
	v29 =	vadd.f32 v33, v39;
	v39 =	vperm.xlane v22, v32;
	v33 =	vmul.f32 v35, v45  }
0x262: {  	v4 =	vmovc v26;
	v10 =	vadd.f32 v10, v19;
	v19 =	vmov s31;
	v12 =	vadd.f32 v12, v31  }
0x263: {  	v26 =	vmovc v38;
	v11 =	vadd.f32 v15, v11;
	v14 =	vadd.f32 v48, v14;
	v48 =	vld [tilespmem:s18+$0x80];
	v38 =	vperm.xlane v36, v19  }
0x264: {  	v15 =	vmul.f32 v34, v59;
	v12 =	vadd.f32 v12, v33;
	v33 =	vperm.xlane v20, v19  }
0x265: {  	v11 =	vadd.f32 v11, v16;
	v10 =	vadd.f32 v10, v17;
	v17 =	vmul.f32 v38, v6  }
0x266: {  	v32 =	vmul.f32 v39, v45;
	v15 =	vadd.f32 v29, v15;
	v16 =	vmul.f32 v33, v24  }
0x267: {  	s16 =	simm.s32 $0x8B00;
	v29 =	vperm.xlane v22, v19;
	v11 =	vadd.f32 v11, v13;
	v13 =	vld [tilespmem:s18+$0xFFFFFF80];
	v12 =	vmax.f32 v12, $0.0e+00;
	[tilespmem:$0x1FC80] =	vst v17  }
0x268: {  	v15 =	vadd.f32 v15, v32;
	[tilespmem:s16+$0xFFFFFF00] =	vst v12;
	v12 =	vmul.f32 v38, v59;
	v16 =	vadd.f32 v48, v16  }
0x269: {  	v37 =	vperm.xlane v20, v42;
	v11 =	vmax.f32 v11, $0.0e+00  }
0x26a: {  	v15 =	vmax.f32 v15, $0.0e+00;
	[tilespmem:s0+$0xFFFFFF40] =	vst v11;
	v12 =	vadd.f32 v16, v12;
	v16 =	vmul.f32 v29, v45  }
0x26b: {  	v36 =	vperm.xlane v36, v42;
	v14 =	vadd.f32 v14, v18;
	v19 =	vmul.f32 v37, v24;
	[tilespmem:s16+$0x0] =	vst v15;
	v15 =	vld [tilespmem:s12+$0xFFFFFF50]  }
0x26c: {  	v10 =	vmax.f32 v10, $0.0e+00;
	v17 =	vld [tilespmem:s18+$0xFFFFFF10];
	v12 =	vadd.f32 v12, v16  }
0x26d: {  	[tilespmem:s0+$0xFFFFFFC0] =	vst v10;
	v10 =	vmax.f32 v14, $0.0e+00;
	v13 =	vadd.f32 v13, v19;
	v16 =	vmul.f32 v36, v59  }
0x26e: {  	v0 =	vmul.f32 v41, v25;
	v31 =	vperm.xlane v22, v42;
	v18 =	vld [tilespmem:s18+$0x10];
	[tilespmem:s0+$0x50] =	vst v10;
	v10 =	vmax.f32 v12, $0.0e+00  }
0x26f: {  	v19 =	vmul.f32 v28, v62;
	v13 =	vadd.f32 v13, v16;
	v16 =	vld [tilespmem:s12+$0xFFFFFFD0];
	[tilespmem:s16+$0x80] =	vst v10  }
0x270: {  	v11 =	vmul.f32 v31, v45;
	v15 =	vadd.f32 v15, v0;
	v0 =	vld [tilespmem:$0x1FC90]  }
0x271: {  	v14 =	vadd.f32 v17, v19;
	v17 =	vmul.f32 v30, v56;
	v19 =	vld [tilespmem:s12+$0x60]  }
0x272: {  	v12 =	vmul.f32 v27, v62;
	v11 =	vadd.f32 v13, v11;
	v13 =	vld [tilespmem:s18+$0x90]  }
0x273: {  	v7 =	vmul.f32 v40, v55;
	v14 =	vadd.f32 v14, v17  }
0x274: {  	v17 =	vmul.f32 v35, v61;
	v15 =	vadd.f32 v15, v5;
	v12 =	vadd.f32 v18, v12  }
0x275: {  	v18 =	vmul.f32 v34, v56;
	v5 =	vadd.f32 v16, v0;
	v16 =	vmul.f32 v33, v62  }
0x276: {  	v14 =	vadd.f32 v14, v17;
	v17 =	vmul.f32 v38, v56;
	v8 =	vadd.f32 v19, v8  }
0x277: {  	v12 =	vadd.f32 v12, v18;
	v13 =	vadd.f32 v13, v16;
	v16 =	vmul.f32 v39, v61  }
0x278: {  	v7 =	vadd.f32 v8, v7  }
0x279: {  	v8 =	vmul.f32 v29, v61;
	v12 =	vadd.f32 v12, v16;
	v13 =	vadd.f32 v13, v17  }
0x27a: {  	v22 =	vld [tilespmem:$0x1FE80];
	v15 =	vadd.f32 v15, v21;
	v11 =	vmax.f32 v11, $0.0e+00  }
0x27b: {  	v32 =	vld [tilespmem:$0x1FF30];
	[tilespmem:s16+$0xFFFFFF80] =	vst v11;
	v12 =	vmax.f32 v12, $0.0e+00;
	v8 =	vadd.f32 v13, v8  }
0x27c: {  	v16 =	vld [tilespmem:$0x1FEC0];
	[tilespmem:s16+$0x10] =	vst v12;
	v12 =	vmax.f32 v14, $0.0e+00;
	v14 =	vmax.f32 v15, $0.0e+00  }
0x27d: {  	[tilespmem:s0+$0xFFFFFF50] =	vst v14;
	v8 =	vmax.f32 v8, $0.0e+00  }
0x27e: {  	v0 =	vld [tilespmem:$0x1FCA0];
	[tilespmem:s16+$0x90] =	vst v8  }
0x27f: {  	v13 =	vmul.f32 v37, v62;
	v62 =	vmov v4;
	v14 =	vmul.f32 v63, v4;
	v4 =	vld [tilespmem:$0x1FCB0];
	_ =	sdelay $0x2  }
0x280: {  	v17 =	vld [tilespmem:s18+$0xFFFFFF90]  }
0x281: {  	v3 =	vadd.f32 v7, v3;
	v7 =	vld [tilespmem:s18+$0x20];
	v16 =	vmul.f32 v43, v16;
	[tilespmem:s16+$0xFFFFFF10] =	vst v12  }
0x282: {  	v9 =	vadd.f32 v9, v4;
	v4 =	vld [tilespmem:$0x1FCC0]  }
0x283: {  	v5 =	vadd.f32 v5, v16;
	_ =	sdelay $0x1  }
0x284: {  	v13 =	vadd.f32 v17, v13;
	v17 =	vmul.f32 v27, v22;
	v0 =	vadd.f32 v5, v0;
	v5 =	vld [tilespmem:s12+$0xFFFFFF60]  }
0x285: {  	v15 =	vmul.f32 v36, v56  }
0x286: {  	v7 =	vadd.f32 v7, v17;
	v4 =	vadd.f32 v9, v4;
	v9 =	vmul.f32 v34, v53  }
0x287: {  	v13 =	vadd.f32 v13, v15;
	v15 =	vmul.f32 v31, v61  }
0x288: {  	v12 =	vld [tilespmem:s18+$0xFFFFFF20];
	v17 =	vmul.f32 v39, v57;
	v0 =	vmax.f32 v0, $0.0e+00;
	v7 =	vadd.f32 v7, v9  }
0x289: {  	v8 =	vmul.f32 v51, v55;
	v18 =	vld [tilespmem:s18+$0xA0];
	v13 =	vadd.f32 v13, v15;
	[tilespmem:s0+$0xFFFFFFD0] =	vst v0;
	v5 =	vadd.f32 v5, v52  }
0x28a: {  	v15 =	vmul.f32 v33, v22;
	v9 =	vld [tilespmem:s12+$0xFFFFFFE0];
	v4 =	vmax.f32 v4, $0.0e+00;
	v7 =	vadd.f32 v7, v17  }
0x28b: {  	v0 =	vmul.f32 v28, v22;
	v5 =	vadd.f32 v5, v8;
	[tilespmem:s0+$0xC0] =	vst v4;
	v4 =	vmax.f32 v13, $0.0e+00  }
0x28c: {  	v13 =	vmax.f32 v3, $0.0e+00;
	v3 =	vmul.f32 v49, v26;
	[tilespmem:s16+$0xFFFFFF90] =	vst v4;
	v7 =	vmax.f32 v7, $0.0e+00  }
0x28d: {  	v0 =	vadd.f32 v12, v0;
	v12 =	vld [tilespmem:s12+$0xD0];
	[tilespmem:s16+$0x20] =	vst v7  }
0x28e: {  	v15 =	vadd.f32 v18, v15;
	v18 =	vmul.f32 v38, v53;
	v3 =	vadd.f32 v5, v3;
	v5 =	vld [tilespmem:$0x1FCD0]  }
0x28f: {  	v2 =	vmul.f32 v50, v1;
	v42 =	vmul.f32 v40, v6;
	v4 =	vadd.f32 v9, v14;
	v9 =	vld [tilespmem:s18+$0xFFFFFFA0]  }
0x290: {  	v40 =	vmul.f32 v46, v32;
	v7 =	vadd.f32 v15, v18;
	v3 =	vmax.f32 v3, $0.0e+00;
	v15 =	vld [tilespmem:$0x1FE90]  }
0x291: {  	v21 =	vmul.f32 v46, v62;
	v18 =	vmul.f32 v37, v22;
	v22 =	vld [tilespmem:$0x1FE90];
	[tilespmem:s0+$0xFFFFFF60] =	vst v3  }
0x292: {  	v16 =	vmul.f32 v46, v25;
	v46 =	vmul.f32 v31, v1;
	v1 =	vld [tilespmem:$0x1FCE0]  }
0x293: {  	v4 =	vadd.f32 v4, v5;
	v5 =	vld [tilespmem:s18+$0x30];
	_ =	sdelay $0x1  }
0x294: {  	v24 =	vmul.f32 v49, v58;
	v17 =	vmul.f32 v29, v57  }
0x295: {  	v10 =	vmul.f32 v31, v57;
	v12 =	vadd.f32 v12, v16;
	v16 =	vmul.f32 v27, v22  }
0x296: {  	v7 =	vadd.f32 v7, v17;
	v3 =	vadd.f32 v9, v18;
	v9 =	vmul.f32 v36, v53;
	v18 =	vld [tilespmem:s12+$0xFFFFFF70]  }
0x297: {  	v1 =	vadd.f32 v12, v1;
	v5 =	vadd.f32 v5, v16;
	v16 =	vmul.f32 v34, v47  }
0x298: {  	v20 =	vmul.f32 v41, v32;
	v7 =	vmax.f32 v7, $0.0e+00;
	v9 =	vadd.f32 v3, v9  }
0x299: {  	[tilespmem:s16+$0xA0] =	vst v7;
	v7 =	vmul.f32 v39, v60;
	v1 =	vadd.f32 v1, v2;
	v5 =	vadd.f32 v5, v16  }
0x29a: {  	v59 =	vmul.f32 v31, v60;
	v19 =	vmul.f32 v54, v26;
	v2 =	vadd.f32 v9, v10  }
0x29b: {  	v1 =	vmax.f32 v1, $0.0e+00;
	v5 =	vadd.f32 v5, v7;
	v7 =	vadd.f32 v18, v20;
	v20 =	vld [tilespmem:$0x1FEC0]  }
0x29c: {  	v11 =	vmul.f32 v51, v6;
	v41 =	vmul.f32 v54, v58;
	v2 =	vmax.f32 v2, $0.0e+00;
	v18 =	vld [tilespmem:$0x1FEA0];
	[tilespmem:s0+$0xD0] =	vst v1  }
0x29d: {  	v48 =	vmul.f32 v44, v32;
	v44 =	vmul.f32 v50, v58;
	[tilespmem:s16+$0xFFFFFFA0] =	vst v2  }
0x29e: {  	v50 =	vmul.f32 v36, v55;
	v54 =	vmul.f32 v29, v23;
	v1 =	vmax.f32 v5, $0.0e+00;
	v5 =	vld [tilespmem:$0x1FEB0]  }
0x29f: {  	v51 =	vmul.f32 v39, v58;
	v58 =	vmul.f32 v43, v6  }
0x2a0: {  	v43 =	vmul.f32 v38, v55;
	v9 =	vmul.f32 v30, v53  }
0x2a1: {  	v55 =	vmul.f32 v34, v55;
	v61 =	vmul.f32 v31, v23;
	v2 =	vld [tilespmem:s12+$0xE0]  }
0x2a2: {  	v8 =	vmul.f32 v35, v57;
	v49 =	vmul.f32 v37, v25;
	v0 =	vadd.f32 v0, v9  }
0x2a3: {  	v57 =	vmovc v62;
	v4 =	vadd.f32 v4, v19;
	v7 =	vadd.f32 v7, v11;
	v62 =	vmul.f32 v30, v5;
	v5 =	vld [tilespmem:s18+$0xFFFFFFB0]  }
0x2a4: {  	v14 =	vmul.f32 v63, v32;
	v15 =	vmul.f32 v33, v15;
	v16 =	vld [tilespmem:s18+$0xB0];
	v8 =	vadd.f32 v0, v8  }
0x2a5: {  	v17 =	vmul.f32 v28, v22;
	v4 =	vmax.f32 v4, $0.0e+00;
	[tilespmem:s16+$0x30] =	vst v1;
	v6 =	vadd.f32 v7, v24  }
0x2a6: {  	v7 =	vmul.f32 v37, v22;
	v10 =	vadd.f32 v2, v21;
	v21 =	vld [tilespmem:$0x1FEB0];
	v2 =	vmax.f32 v8, $0.0e+00;
	[tilespmem:s0+$0xFFFFFFE0] =	vst v4  }
0x2a7: {  	v12 =	vmul.f32 v38, v47;
	v3 =	vmul.f32 v35, v60;
	v9 =	vld [tilespmem:s18+$0x40];
	[tilespmem:s16+$0xFFFFFF20] =	vst v2  }
0x2a8: {  	v19 =	vmul.f32 v29, v60;
	v4 =	vld [tilespmem:$0x1FCF0];
	v5 =	vadd.f32 v5, v7;
	v7 =	vmul.f32 v36, v47  }
0x2a9: {  	v60 =	vmul.f32 v39, v26;
	v0 =	vmul.f32 v35, v23;
	v1 =	vadd.f32 v16, v15  }
0x2aa: {  	v15 =	vmovc v57;
	v57 =	vmul.f32 v27, v57;
	v11 =	vmul.f32 v27, v18;
	v5 =	vadd.f32 v5, v7;
	v7 =	vld [tilespmem:$0x1FD00]  }
0x2ab: {  	v53 =	vmul.f32 v28, v15;
	v52 =	vmul.f32 v30, v20  }
0x2ac: {  	v1 =	vadd.f32 v1, v12;
	v8 =	vld [tilespmem:s18+$0xFFFFFF30];
	v9 =	vadd.f32 v9, v11;
	v11 =	vmul.f32 v34, v21  }
0x2ad: {  	v12 =	vmul.f32 v39, v23;
	v6 =	vmax.f32 v6, $0.0e+00;
	v4 =	vadd.f32 v10, v4;
	v10 =	vld [tilespmem:s12+$0xFFFFFFF0]  }
0x2ae: {  	v2 =	vmul.f32 v28, v18;
	v1 =	vadd.f32 v1, v19;
	v11 =	vadd.f32 v9, v11  }
0x2af: {  	v56 =	vmul.f32 v38, v21;
	[tilespmem:s0+$0x60] =	vst v13;
	v5 =	vadd.f32 v5, v59;
	v4 =	vadd.f32 v4, v7  }
0x2b0: {  	v9 =	vmul.f32 v30, v47;
	v13 =	vmax.f32 v1, $0.0e+00;
	[tilespmem:s0+$0xFFFFFF70] =	vst v6;
	v6 =	vadd.f32 v11, v12  }
0x2b1: {  	v1 =	vld [tilespmem:s12+$0x70];
	[tilespmem:s16+$0xB0] =	vst v13;
	v13 =	vmul.f32 v29, v26;
	v59 =	vmax.f32 v5, $0.0e+00;
	v5 =	vmax.f32 v4, $0.0e+00  }
0x2b2: {  	s21 =	simm.s32 $0x4B00;
	v6 =	vmax.f32 v6, $0.0e+00;
	v7 =	vadd.f32 v8, v17;
	v8 =	vld [tilespmem:s18+$0xC0];
	v4 =	vadd.f32 v10, v14;
	[tilespmem:s0+$0xE0] =	vst v5  }
.LBB2_8:
0x2b3: {  	v63 =	vld [tilespmem:$0x1FFC0]  }
0x2b4: {  	v12 =	vld [tilespmem:s12+$0xF0]  }
0x2b5: {  	v16 =	vld [tilespmem:$0x1FFE0]  }
0x2b6: {  	v17 =	vadd.f32 v1, v48;
	v1 =	vld [tilespmem:$0x1FEA0]  }
0x2b7: {  	[tilespmem:s16+$0xFFFFFFB0] =	vst v59;
	s1 =	smov.u32 s17;
	s17 =	sadd.s32 $0x4, s17;
	v32 =	vld [tilespmem:$0x1FFD0]  }
0x2b8: {  	[tilespmem:$0x1FC40] =	vst v13;
	s22 =	sand.u32 $0x30, s17;
	v13 =	vld [tilespmem:s21+$0xFFFFFFC0];
	v4 =	vadd.f32 v4, v58  }
0x2b9: {  	v14 =	vmul.f32 v33, v18;
	v9 =	vadd.f32 v7, v9;
	s31 =	sadd.s32 $0x5, s1;
	s28 =	sadd.s32 $0x6, s1;
	s1 =	sadd.s32 $0x7, s1;
	v15 =	vld [tilespmem:s22+$0xA980]  }
0x2ba: {  	v10 =	vmul.f32 v34, v20;
	s12 =	smov.u32 s21;
	[tilespmem:s16+$0x40] =	vst v6;
	v18 =	vld [tilespmem:s22+$0xA900];
	v6 =	vadd.f32 v17, v42;
	s1 =	sand.u32 $0xF, s1;
	v4 =	vadd.f32 v4, v41  }
0x2bb: {  	s30 =	sand.u32 $0xC, s17;
	v3 =	vadd.f32 v9, v3;
	v9 =	vld [tilespmem:s12+$0x50];
	v23 =	vmov s1;
	v58 =	vadd.f32 v8, v14  }
0x2bc: {  	v8 =	vmul.f32 v36, v21;
	v14 =	vmov s30;
	v21 =	vld [tilespmem:$0x1FC70];
	v11 =	vmul.f32 v39, v63  }
0x2bd: {  	[tilespmem:$0x1FC30] =	vst v43;
	v25 =	vld [tilespmem:$0x1FC80];
	v5 =	vmul.f32 v35, v63;
	v7 =	vmul.f32 v28, v16;
	v3 =	vmax.f32 v3, $0.0e+00  }
0x2be: {  	v19 =	vmul.f32 v37, v1;
	v1 =	vmul.f32 v38, v20;
	v20 =	vld [tilespmem:s22+$0xA940];
	s22 =	sand.u32 $0xD, s31;
	[tilespmem:s16+$0xFFFFFF30] =	vst v3;
	v3 =	vmax.f32 v4, $0.0e+00  }
0x2bf: {  	v16 =	vmul.f32 v27, v16;
	v12 =	vadd.f32 v12, v40;
	v17 =	vmov s22;
	[tilespmem:s0+$0xFFFFFFF0] =	vst v3;
	v3 =	vld [tilespmem:$0x1FC60]  }
0x2c0: {  	v43 =	vld [tilespmem:$0x1FFA0];
	[tilespmem:$0x1FBF0] =	vst v1;
	v1 =	vmul.f32 v29, v63;
	v13 =	vadd.f32 v13, v19;
	v19 =	vperm.xlane v18, v14  }
0x2c1: {  	s18 =	sadd.s32 $0x200, s18;
	v26 =	vld [tilespmem:$0x1FF00];
	s31 =	sand.u32 $0xE, s28;
	v16 =	vadd.f32 v9, v16;
	v6 =	vadd.f32 v6, v21;
	v21 =	vmovc v51;
	v51 =	vperm.xlane v15, v14  }
0x2c2: {  	v22 =	vld [tilespmem:s18+$0x0];
	v40 =	vmul.f32 v19, v32;
	v8 =	vadd.f32 v13, v8;
	[tilespmem:$0x1FC70] =	vst v21;
	v21 =	vmov s31  }
0x2c3: {  	v9 =	vmovc v25;
	v38 =	vperm.xlane v20, v23;
	v10 =	vadd.f32 v16, v10;
	v24 =	vperm.xlane v18, v21  }
0x2c4: {  	v41 =	vld [tilespmem:s12+$0xFFFFFF40];
	[tilespmem:$0x1FC00] =	vst v1;
	v39 =	vperm.xlane v15, v21;
	v21 =	vperm.xlane v20, v21;
	v1 =	vadd.f32 v12, v3  }
0x2c5: {  	[tilespmem:$0x1FC60] =	vst v9;
	v6 =	vmax.f32 v6, $0.0e+00;
	v4 =	vmul.f32 v38, v43;
	v12 =	vld [tilespmem:s18+$0xFFFFFF00];
	v59 =	vmul.f32 v24, v32  }
0x2c6: {  	v8 =	vadd.f32 v8, v61;
	v61 =	vperm.xlane v20, v17;
	[tilespmem:s0+$0x70] =	vst v6;
	v9 =	vadd.f32 v1, v44  }
0x2c7: {  	v6 =	vperm.xlane v15, v17;
	v25 =	vmul.f32 v38, v26;
	v3 =	vmovc v4;
	v13 =	vadd.f32 v22, v59  }
0x2c8: {  	v42 =	vld [tilespmem:$0x1FF30];
	[tilespmem:$0x1FC80] =	vst v3;
	v22 =	vmul.f32 v21, v26;
	v47 =	vmax.f32 v9, $0.0e+00;
	v9 =	vperm.xlane v20, v14  }
0x2c9: {  	v16 =	vadd.f32 v41, v2;
	v41 =	vld [tilespmem:$0x1FF70];
	v3 =	vperm.xlane v18, v23;
	v14 =	vperm.xlane v15, v23;
	[tilespmem:s0+$0xF0] =	vst v47  }
0x2ca: {  	v13 =	vadd.f32 v13, v22;
	v12 =	vadd.f32 v12, v40;
	v22 =	vmul.f32 v9, v26;
	v23 =	vld [tilespmem:s18+$0x80]  }
0x2cb: {  	v10 =	vadd.f32 v10, v11;
	v48 =	vmul.f32 v6, v45;
	v4 =	vmul.f32 v39, v45;
	v1 =	vmovc v60;
	v60 =	vld [tilespmem:$0x1FF60]  }
0x2cc: {  	v15 =	vmul.f32 v51, v45;
	v20 =	vld [tilespmem:$0x1FEC0];
	v44 =	vmul.f32 v14, v45;
	v12 =	vadd.f32 v12, v22  }
0x2cd: {  	v45 =	vld [tilespmem:$0x1FFB0];
	v4 =	vadd.f32 v13, v4;
	v13 =	vadd.f32 v16, v62;
	v16 =	vmul.f32 v3, v32  }
0x2ce: {  	v62 =	vperm.xlane v18, v17;
	v17 =	vmul.f32 v61, v26;
	v26 =	vld [tilespmem:$0x1FF10];
	v12 =	vadd.f32 v12, v15  }
0x2cf: {  	s0 =	smov.u32 s16;
	s16 =	sadd.s32 $0x200, s16;
	v4 =	vmax.f32 v4, $0.0e+00;
	v13 =	vadd.f32 v13, v0;
	v15 =	vld [tilespmem:s18+$0xFFFFFF80];
	v16 =	vadd.f32 v23, v16  }
0x2d0: {  	v59 =	vmul.f32 v28, v42;
	v40 =	vld [tilespmem:$0x1FF40];
	v2 =	vmul.f32 v6, v60;
	[tilespmem:s16+$0x0] =	vst v4;
	v11 =	vmax.f32 v12, $0.0e+00  }
0x2d1: {  	v12 =	vmax.f32 v13, $0.0e+00;
	[tilespmem:s16+$0xFFFFFF00] =	vst v11;
	v11 =	vmul.f32 v62, v32;
	v13 =	vadd.f32 v16, v25;
	v32 =	vld [tilespmem:$0x1FF20]  }
0x2d2: {  	v10 =	vmax.f32 v10, $0.0e+00;
	v28 =	vmovc v19;
	v20 =	vmul.f32 v36, v20;
	v0 =	vmul.f32 v35, v45;
	v16 =	vld [tilespmem:s18+$0xFFFFFF10];
	[tilespmem:s0+$0xFFFFFF40] =	vst v12  }
0x2d3: {  	[tilespmem:$0x1FC10] =	vst v2;
	v2 =	vmul.f32 v6, v41;
	v47 =	vmul.f32 v31, v45;
	v12 =	vld [tilespmem:s12+$0xFFFFFF50];
	v13 =	vadd.f32 v13, v44  }
0x2d4: {  	v18 =	vmul.f32 v3, v26;
	v19 =	vmul.f32 v28, v26;
	[tilespmem:$0x1FC20] =	vst v0;
	v11 =	vadd.f32 v15, v11;
	v15 =	vld [tilespmem:s18+$0x10]  }
0x2d5: {  	v23 =	vmul.f32 v24, v26;
	v0 =	vmul.f32 v34, v43;
	[tilespmem:s0+$0x50] =	vst v10;
	v10 =	vmax.f32 v13, $0.0e+00  }
0x2d6: {  	v8 =	vmax.f32 v8, $0.0e+00;
	v34 =	vmovc v21;
	v21 =	vmul.f32 v51, v40;
	v22 =	vld [tilespmem:s12+$0x60];
	v11 =	vadd.f32 v11, v17;
	[tilespmem:s16+$0x80] =	vst v10  }
0x2d7: {  	v44 =	vmul.f32 v29, v45;
	v16 =	vadd.f32 v16, v19;
	v19 =	vmul.f32 v9, v32;
	v25 =	vld [tilespmem:s18+$0x90]  }
0x2d8: {  	[tilespmem:s0+$0xFFFFFFC0] =	vst v8;
	v10 =	vmul.f32 v14, v40;
	v11 =	vadd.f32 v11, v48;
	v7 =	vadd.f32 v12, v7  }
0x2d9: {  	v17 =	vld [tilespmem:s12+$0xFFFFFFD0];
	v15 =	vadd.f32 v15, v23;
	v12 =	vadd.f32 v16, v19;
	v16 =	vmul.f32 v34, v32  }
0x2da: {  	v8 =	vld [tilespmem:$0x1FFE0];
	v29 =	vmovc v14;
	v14 =	vmul.f32 v62, v26;
	v11 =	vmax.f32 v11, $0.0e+00;
	v7 =	vadd.f32 v7, v52  }
0x2db: {  	v26 =	vld [tilespmem:$0x1FF50];
	[tilespmem:s16+$0xFFFFFF80] =	vst v11;
	v12 =	vadd.f32 v12, v21;
	v11 =	vadd.f32 v15, v16;
	v15 =	vmul.f32 v39, v40  }
0x2dc: {  	[tilespmem:$0x1FC50] =	vst v2;
	v13 =	vmul.f32 v38, v32;
	v16 =	vadd.f32 v22, v57;
	v19 =	vld [tilespmem:s18+$0xFFFFFF90];
	v18 =	vadd.f32 v25, v18  }
0x2dd: {  	v2 =	vmovc v50;
	v50 =	vmul.f32 v33, v42;
	v23 =	vld [tilespmem:$0x1FE80];
	v5 =	vadd.f32 v7, v5;
	v7 =	vadd.f32 v11, v15  }
0x2de: {  	v17 =	vadd.f32 v17, v49;
	v25 =	vld [tilespmem:$0x1FF80];
	v12 =	vmax.f32 v12, $0.0e+00;
	v13 =	vadd.f32 v18, v13  }
0x2df: {  	v48 =	vmul.f32 v27, v42;
	v27 =	vmovc v24;
	v24 =	vld [tilespmem:$0x1FFF0];
	[tilespmem:s16+$0xFFFFFF10] =	vst v12;
	v12 =	vadd.f32 v16, v55;
	v7 =	vmax.f32 v7, $0.0e+00  }
0x2e0: {  	v8 =	vmul.f32 v33, v8;
	v16 =	vadd.f32 v17, v20;
	v55 =	vld [tilespmem:$0x1FF90];
	[tilespmem:s16+$0x10] =	vst v7;
	v7 =	vadd.f32 v13, v10  }
0x2e1: {  	v5 =	vmax.f32 v5, $0.0e+00;
	v10 =	vadd.f32 v12, v1;
	v12 =	vadd.f32 v19, v14;
	v13 =	vld [tilespmem:s18+$0x20]  }
0x2e2: {  	v17 =	vmul.f32 v61, v32;
	v15 =	vld [tilespmem:s18+$0xFFFFFF20];
	[tilespmem:s0+$0xFFFFFF50] =	vst v5;
	v14 =	vadd.f32 v16, v46;
	v1 =	vadd.f32 v58, v56  }
0x2e3: {  	v20 =	vmul.f32 v27, v23;
	v18 =	vld [tilespmem:s12+$0xFFFFFF60];
	v19 =	vmul.f32 v31, v25;
	v7 =	vmax.f32 v7, $0.0e+00  }
0x2e4: {  	v31 =	vmovc v6;
	v14 =	vmax.f32 v14, $0.0e+00;
	v12 =	vadd.f32 v12, v17;
	v1 =	vadd.f32 v1, v54;
	[tilespmem:s16+$0x90] =	vst v7  }
0x2e5: {  	v17 =	vmul.f32 v31, v40;
	v10 =	vmax.f32 v10, $0.0e+00;
	v5 =	vmul.f32 v30, v55;
	[tilespmem:s0+$0xFFFFFFD0] =	vst v14  }
0x2e6: {  	v14 =	vmul.f32 v34, v26;
	[tilespmem:s0+$0x60] =	vst v10;
	v21 =	vld [tilespmem:s18+$0xA0];
	v1 =	vmax.f32 v1, $0.0e+00;
	v13 =	vadd.f32 v13, v20  }
0x2e7: {  	v22 =	vld [tilespmem:s12+$0xFFFFFFE0];
	v12 =	vadd.f32 v12, v17;
	v17 =	vmul.f32 v33, v24;
	[tilespmem:s0+$0xC0] =	vst v1;
	v20 =	vmul.f32 v3, v23  }
0x2e8: {  	v33 =	vmovc v3;
	v10 =	vld [tilespmem:s12+$0xD0];
	v3 =	vadd.f32 v13, v14;
	v13 =	vmul.f32 v39, v60;
	v14 =	vadd.f32 v18, v53;
	_ =	sdelay $0x1  }
0x2e9: {  	v3 =	vadd.f32 v3, v13;
	v13 =	vadd.f32 v14, v5;
	v5 =	vmul.f32 v37, v42;
	v42 =	vmovc v0;
	v0 =	vld [tilespmem:$0x1FBF0]  }
0x2ea: {  	v11 =	vmul.f32 v37, v24;
	v6 =	vmul.f32 v38, v26  }
0x2eb: {  	v32 =	vld [tilespmem:$0x1FEE0];
	v7 =	vmul.f32 v29, v60;
	v18 =	vadd.f32 v21, v20;
	v14 =	vmul.f32 v35, v25  }
0x2ec: {  	v1 =	vld [tilespmem:s12+$0x70];
	v12 =	vmax.f32 v12, $0.0e+00;
	v11 =	vadd.f32 v22, v11;
	v8 =	vadd.f32 v10, v8  }
0x2ed: {  	[tilespmem:s16+$0xFFFFFF90] =	vst v12;
	v22 =	vld [tilespmem:$0x1FE90];
	v6 =	vadd.f32 v18, v6;
	v3 =	vmax.f32 v3, $0.0e+00;
	v13 =	vadd.f32 v13, v14  }
0x2ee: {  	[tilespmem:s16+$0x20] =	vst v3;
	v3 =	vadd.f32 v11, v2;
	v8 =	vadd.f32 v8, v0;
	v0 =	vld [tilespmem:$0x1FC00]  }
0x2ef: {  	v12 =	vld [tilespmem:s18+$0xFFFFFFA0];
	v6 =	vadd.f32 v6, v7;
	v13 =	vmax.f32 v13, $0.0e+00  }
0x2f0: {  	v11 =	vld [tilespmem:s18+$0x30];
	[tilespmem:s0+$0xFFFFFF60] =	vst v13;
	v13 =	vadd.f32 v3, v19  }
0x2f1: {  	v37 =	vmov v62;
	v6 =	vmax.f32 v6, $0.0e+00  }
0x2f2: {  	v18 =	vmul.f32 v37, v23;
	[tilespmem:s16+$0xA0] =	vst v6;
	v6 =	vmax.f32 v13, $0.0e+00  }
0x2f3: {  	v21 =	vmul.f32 v27, v22;
	[tilespmem:s0+$0xFFFFFFE0] =	vst v6;
	v6 =	vadd.f32 v8, v0;
	v0 =	vld [tilespmem:$0x1FC10]  }
0x2f4: {  	v16 =	vmul.f32 v28, v23;
	v10 =	vadd.f32 v12, v18;
	v12 =	vmul.f32 v61, v26  }
0x2f5: {  	v18 =	vmul.f32 v34, v32;
	v11 =	vadd.f32 v11, v21  }
0x2f6: {  	v4 =	vmul.f32 v30, v43;
	v30 =	vmovc v9;
	v15 =	vadd.f32 v15, v16;
	v10 =	vadd.f32 v10, v12  }
0x2f7: {  	v12 =	vmul.f32 v39, v41;
	v21 =	vmul.f32 v30, v26;
	v11 =	vadd.f32 v11, v18  }
0x2f8: {  	v20 =	vld [tilespmem:s12+$0xFFFFFF70];
	v2 =	vadd.f32 v10, v0  }
0x2f9: {  	v9 =	vmul.f32 v51, v60;
	v0 =	vadd.f32 v11, v12;
	v11 =	vadd.f32 v15, v21  }
0x2fa: {  	v57 =	vld [tilespmem:$0x1FFE0]  }
0x2fb: {  	v13 =	vld [tilespmem:s18+$0xB0];
	v9 =	vadd.f32 v11, v9  }
0x2fc: {  	v18 =	vld [tilespmem:$0x1FEA0];
	v6 =	vmax.f32 v6, $0.0e+00  }
0x2fd: {  	v8 =	vadd.f32 v20, v59;
	v20 =	vld [tilespmem:$0x1FEC0];
	[tilespmem:s0+$0xD0] =	vst v6;
	v9 =	vmax.f32 v9, $0.0e+00  }
0x2fe: {  	[tilespmem:s16+$0xFFFFFF20] =	vst v9;
	v9 =	vld [tilespmem:$0x1FC20]  }
0x2ff: {  	v6 =	vld [tilespmem:s12+$0xE0]  }
0x300: {  	v49 =	vmul.f32 v62, v57;
	v58 =	vmul.f32 v36, v43;
	v10 =	vld [tilespmem:s12+$0xFFFFFFF0]  }
0x301: {  	v36 =	vmovc v61;
	v57 =	vmul.f32 v27, v24;
	v4 =	vadd.f32 v8, v4;
	v21 =	vld [tilespmem:$0x1FEB0];
	v2 =	vmax.f32 v2, $0.0e+00  }
0x302: {  	v40 =	vmov v50;
	v46 =	vmul.f32 v31, v63;
	v50 =	vmul.f32 v36, v55;
	v15 =	vld [tilespmem:$0x1FEF0];
	[tilespmem:s16+$0xFFFFFFA0] =	vst v2  }
0x303: {  	v60 =	vmul.f32 v39, v25;
	v53 =	vmul.f32 v28, v24;
	v12 =	vld [tilespmem:s18+$0xFFFFFFB0];
	v4 =	vadd.f32 v4, v9  }
0x304: {  	v14 =	vmul.f32 v33, v22;
	v0 =	vmax.f32 v0, $0.0e+00;
	v6 =	vadd.f32 v6, v17;
	v17 =	vld [tilespmem:$0x1FC30]  }
0x305: {  	v35 =	vmovc v51;
	v51 =	vmul.f32 v39, v45;
	v7 =	vmul.f32 v38, v32;
	[tilespmem:s16+$0x30] =	vst v0;
	v9 =	vld [tilespmem:s18+$0xFFFFFF30];
	v4 =	vmax.f32 v4, $0.0e+00  }
0x306: {  	v16 =	vmul.f32 v28, v22;
	v19 =	vmul.f32 v29, v41;
	v13 =	vadd.f32 v13, v14;
	[tilespmem:s0+$0xFFFFFF70] =	vst v4;
	v4 =	vld [tilespmem:$0x1FC40]  }
0x307: {  	v3 =	vmul.f32 v35, v41;
	v14 =	vmul.f32 v38, v55;
	v11 =	vld [tilespmem:s18+$0x40]  }
0x308: {  	v55 =	vmul.f32 v34, v55;
	v7 =	vadd.f32 v13, v7;
	v13 =	vmul.f32 v37, v22  }
0x309: {  	v52 =	vmul.f32 v30, v20;
	v8 =	vmul.f32 v27, v18;
	v6 =	vadd.f32 v6, v17  }
0x30a: {  	v2 =	vmul.f32 v28, v18;
	v62 =	vmul.f32 v30, v21  }
0x30b: {  	v61 =	vmul.f32 v31, v15;
	v12 =	vadd.f32 v12, v13;
	v4 =	vadd.f32 v6, v4;
	v6 =	vld [tilespmem:$0x1FC50]  }
0x30c: {  	v13 =	vmul.f32 v36, v32;
	v8 =	vadd.f32 v11, v8;
	v11 =	vmul.f32 v34, v21  }
0x30d: {  	p0 =	slt.u32 s17, $0x3C;
	v7 =	vadd.f32 v7, v19;
	v0 =	vmul.f32 v35, v15;
	v56 =	vmul.f32 v38, v21  }
.Ltmp2:
0x30e: {  	v12 =	vadd.f32 v12, v13;
	v8 =	vadd.f32 v8, v11;
	v11 =	vmul.f32 v39, v15;
	(pc) =	sbr.rel @p0 .LBB2_8-.Ltmp2, $4  }
0x30f: {  	v54 =	vmul.f32 v29, v15;
	v13 =	vmul.f32 v29, v25  }
0x310: {  	v11 =	vadd.f32 v8, v11;
	v6 =	vadd.f32 v12, v6;
	v12 =	vmax.f32 v7, $0.0e+00  }
0x311: {  	v45 =	vld [tilespmem:$0x1FED0];
	v7 =	vadd.f32 v9, v16;
	v9 =	vmul.f32 v30, v32;
	[tilespmem:s16+$0xB0] =	vst v12;
	v12 =	vmax.f32 v4, $0.0e+00  }
0x312: {  	s21 =	smov.u32 s18;
	v41 =	vmovc v47;
	v43 =	vmovc v14;
	v4 =	vadd.f32 v10, v5;
	v59 =	vmax.f32 v6, $0.0e+00;
	v8 =	vld [tilespmem:s18+$0xC0];
	v6 =	vmax.f32 v11, $0.0e+00;
	[tilespmem:s0+$0xE0] =	vst v12  }
0x313: {  	v5 =	vadd.f32 v7, v9;
	_ =	sdelay $0x1  }
0x314: {  	v3 =	vadd.f32 v5, v3;
	_ =	sdelay $0x1  }
0x315: {  	[tilespmem:s16+$0xFFFFFFB0] =	vst v59;
	v3 =	vmax.f32 v3, $0.0e+00  }
0x316: {  	v63 =	vld [tilespmem:s21+$0xFFFFFFC0];
	[tilespmem:s16+$0xFFFFFF30] =	vst v3  }
0x317: {  	v3 =	vld [tilespmem:s21+$0xFFFFFF40];
	_ =	sdelay $0x1  }
0x318: {  	v32 =	vmul.f32 v37, v18;
	_ =	sdelay $0x1  }
0x319: {  	v47 =	vmul.f32 v33, v18;
	v9 =	vmul.f32 v36, v21;
	v5 =	vadd.f32 v63, v32  }
0x31a: {  	v2 =	vadd.f32 v3, v2  }
0x31b: {  	v5 =	vadd.f32 v5, v9;
	v3 =	vadd.f32 v8, v47  }
0x31c: {  	v2 =	vadd.f32 v2, v62  }
0x31d: {  	v59 =	vadd.f32 v3, v56;
	v62 =	vadd.f32 v5, v61  }
0x31e: {  	v0 =	vadd.f32 v2, v0  }
0x31f: {  	[tilespmem:s16+$0x40] =	vst v6;
	v63 =	vadd.f32 v59, v54;
	v32 =	vmax.f32 v62, $0.0e+00  }
0x320: {  	[tilespmem:s16+$0xFFFFFFC0] =	vst v32;
	v0 =	vmax.f32 v0, $0.0e+00  }
0x321: {  	[tilespmem:s16+$0xFFFFFF40] =	vst v0;
	v0 =	vmax.f32 v63, $0.0e+00  }
0x322: {  	v54 =	vld [tilespmem:s21+$0x50];
	[tilespmem:s16+$0xC0] =	vst v0  }
0x323: {  	v10 =	vld [tilespmem:$0x1FFE0]  }
0x324: {  	v2 =	vld [tilespmem:s21+$0xFFFFFFD0]  }
0x325: {  	v47 =	vld [tilespmem:s21+$0xFFFFFF50]  }
0x326: {  	v61 =	vld [tilespmem:$0x1FFC0];
	_ =	sdelay $0x1  }
0x327: {  	v59 =	vld [tilespmem:s21+$0xD0];
	v56 =	vmul.f32 v28, v10  }
0x328: {  	v32 =	vmul.f32 v27, v10  }
0x329: {  	v8 =	vmul.f32 v34, v20;
	v2 =	vadd.f32 v2, v49;
	v0 =	vadd.f32 v47, v56  }
0x32a: {  	v9 =	vmul.f32 v39, v61;
	v5 =	vadd.f32 v54, v32;
	v47 =	vmul.f32 v33, v10  }
0x32b: {  	v39 =	vmul.f32 v35, v61;
	v10 =	vmul.f32 v36, v20;
	v0 =	vadd.f32 v0, v52  }
0x32c: {  	v11 =	vmul.f32 v38, v20;
	v5 =	vadd.f32 v5, v8;
	v6 =	vadd.f32 v59, v47  }
0x32d: {  	v2 =	vadd.f32 v2, v10;
	v0 =	vadd.f32 v0, v39  }
0x32e: {  	v54 =	vmul.f32 v29, v61;
	v5 =	vadd.f32 v5, v9;
	v6 =	vadd.f32 v6, v11  }
0x32f: {  	v2 =	vadd.f32 v2, v46;
	v0 =	vmax.f32 v0, $0.0e+00  }
0x330: {  	v5 =	vmax.f32 v5, $0.0e+00;
	v56 =	vadd.f32 v6, v54;
	[tilespmem:s16+$0xFFFFFF50] =	vst v0  }
0x331: {  	v2 =	vmax.f32 v2, $0.0e+00;
	[tilespmem:s16+$0x50] =	vst v5;
	v59 =	vld [tilespmem:s21+$0xFFFFFF60]  }
0x332: {  	[tilespmem:s16+$0xFFFFFFD0] =	vst v2;
	v5 =	vld [tilespmem:s21+$0x60];
	v0 =	vmax.f32 v56, $0.0e+00  }
0x333: {  	v2 =	vld [tilespmem:s21+$0xFFFFFFE0];
	[tilespmem:s16+$0xD0] =	vst v0  }
0x334: {  	v8 =	vld [tilespmem:$0x1FFF0]  }
0x335: {  	v14 =	vld [tilespmem:$0x1FF90]  }
0x336: {  	v0 =	vld [tilespmem:s21+$0xE0]  }
0x337: {  	v26 =	vld [tilespmem:$0x1FF80];
	_ =	sdelay $0x1  }
0x338: {  	v5 =	vadd.f32 v5, v57;
	v62 =	vmul.f32 v37, v8  }
0x339: {  	v3 =	vadd.f32 v59, v53;
	v63 =	vmul.f32 v30, v14;
	v8 =	vmul.f32 v33, v8  }
0x33a: {  	v5 =	vadd.f32 v5, v55;
	v2 =	vadd.f32 v2, v62  }
0x33b: {  	v32 =	vmul.f32 v35, v26;
	v3 =	vadd.f32 v3, v63;
	v0 =	vadd.f32 v0, v8  }
0x33c: {  	v8 =	vmul.f32 v31, v26;
	v5 =	vadd.f32 v5, v60;
	v2 =	vadd.f32 v2, v50  }
0x33d: {  	v3 =	vadd.f32 v3, v32;
	v0 =	vadd.f32 v0, v43  }
0x33e: {  	v5 =	vmax.f32 v5, $0.0e+00;
	v2 =	vadd.f32 v2, v8  }
0x33f: {  	v1 =	vadd.f32 v1, v48;
	[tilespmem:s16+$0x60] =	vst v5;
	v3 =	vmax.f32 v3, $0.0e+00;
	v0 =	vadd.f32 v0, v13  }
0x340: {  	v38 =	vld [tilespmem:s12+$0xF0];
	[tilespmem:s16+$0xFFFFFF60] =	vst v3;
	v2 =	vmax.f32 v2, $0.0e+00  }
0x341: {  	v1 =	vadd.f32 v1, v42;
	v42 =	vld [tilespmem:$0x1FC70];
	v0 =	vmax.f32 v0, $0.0e+00;
	[tilespmem:s16+$0xFFFFFFE0] =	vst v2  }
0x342: {  	v2 =	vld [tilespmem:$0x1FC60];
	[tilespmem:s16+$0xE0] =	vst v0  }
0x343: {  	v13 =	vld [tilespmem:$0x1FF30]  }
0x344: {  	v4 =	vadd.f32 v4, v58;
	v58 =	vld [tilespmem:$0x1FFB0]  }
0x345: {  	v52 =	vld [tilespmem:$0x1FFA0]  }
0x346: {  	v4 =	vadd.f32 v4, v41;
	v39 =	vadd.f32 v38, v40;
	v40 =	vld [tilespmem:s21+$0xFFFFFF70]  }
0x347: {  	v43 =	vld [tilespmem:s21+$0x70];
	v1 =	vadd.f32 v1, v42  }
0x348: {  	v48 =	vmax.f32 v4, $0.0e+00;
	v46 =	vld [tilespmem:s21+$0xFFFFFFF0]  }
0x349: {  	v50 =	vld [tilespmem:s21+$0xF0];
	[tilespmem:s0+$0xFFFFFFF0] =	vst v48;
	v47 =	vmax.f32 v1, $0.0e+00;
	v49 =	vmul.f32 v28, v13;
	v8 =	vmul.f32 v35, v58  }
0x34a: {  	v2 =	vadd.f32 v39, v2;
	v9 =	vmul.f32 v27, v13;
	v10 =	vmul.f32 v30, v52;
	[tilespmem:s0+$0x70] =	vst v47  }
0x34b: {  	v11 =	vmul.f32 v37, v13;
	v54 =	vmul.f32 v34, v52;
	v59 =	vld [tilespmem:$0x1FC80];
	v4 =	vadd.f32 v40, v49  }
0x34c: {  	v12 =	vmul.f32 v33, v13;
	v2 =	vadd.f32 v2, v44;
	v6 =	vadd.f32 v43, v9  }
0x34d: {  	v9 =	vmul.f32 v36, v52;
	v3 =	vadd.f32 v46, v11;
	v4 =	vadd.f32 v4, v10  }
0x34e: {  	v56 =	vmul.f32 v31, v58;
	v55 =	vadd.f32 v50, v12;
	v5 =	vadd.f32 v6, v54  }
0x34f: {  	v57 =	vmul.f32 v29, v58;
	v3 =	vadd.f32 v3, v9;
	v4 =	vadd.f32 v4, v8  }
0x350: {  	v2 =	vmax.f32 v2, $0.0e+00;
	v5 =	vadd.f32 v5, v51;
	v6 =	vadd.f32 v55, v59  }
0x351: {  	[tilespmem:s0+$0xF0] =	vst v2;
	v0 =	vadd.f32 v3, v56;
	v60 =	vmax.f32 v4, $0.0e+00  }
0x352: {  	v62 =	vmax.f32 v5, $0.0e+00;
	v1 =	vadd.f32 v6, v57;
	[tilespmem:s16+$0xFFFFFF70] =	vst v60  }
0x353: {  	v0 =	vmax.f32 v0, $0.0e+00;
	[tilespmem:s16+$0x70] =	vst v62  }
0x354: {  	[tilespmem:s16+$0xFFFFFFF0] =	vst v0;
	v63 =	vmax.f32 v1, $0.0e+00  }
0x355: {  	[tilespmem:s16+$0xF0] =	vst v63  }
0x356: {  	v24 =	vld [tilespmem:$0x1FFD0]  }
0x357: {  	v10 =	vld [tilespmem:$0x1FF10]  }
0x358: {  	v36 =	vld [tilespmem:$0x1FF00]  }
0x359: {  	s9 =	sadd.s32 $0x1, s9;
	v11 =	vld [tilespmem:$0x1FF20]  }
0x35a: {  	p0 =	sne.s32 s9, $0x28;
	v12 =	vld [tilespmem:$0x1FF50]  }
.Ltmp3:
0x35b: {  	v19 =	vld [tilespmem:$0x1FEE0];
	(pc) =	sbr.rel @p0 .LBB2_5-.Ltmp3, $4  }
0x35c: {  	v16 =	vld [tilespmem:$0x1FF40]  }
0x35d: {  	v33 =	vld [tilespmem:$0x1FF60]  }
0x35e: {  	s31 =	sadd.s32 $0x1400, s29;
	v35 =	vld [tilespmem:$0x1FF70]  }
0x35f: {  	v34 =	vmov v26;
	[spmem:s3] =	stream.indirect.scatter.add.f32 [tilespmem:s19], [sflag:$0x2], $0x80, s31, s2, $0xb8;
	v57 =	vld [tilespmem:$0x1FEF0]  }
0x360: {  	_ =	swait.ge [sflag:s20], $0x2000  }
0x361: {  	[sflag:s20] =	ssyncset.done $0x0  }
0x362: {  	[sflag:s20] =	ssyncadd.s32 $0xFFFFE000  }
0x363: {  	_ =	swait.ge [sflag:s20], $0x2000  }
0x364: {  	[sflag:s20] =	ssyncset.done $0x0  }
0x365: {  	s0 =	sshll.u32 s23, $0x1;
	s1 =	rddreg [dreg:$0x4];
	[sflag:s20] =	ssyncadd.s32 $0xFFFFE000  }
0x366: {  	s0 =	sor.u32 s1, s0;
	[bflag:$0x0] =	sbarrier.arrive $0xFFFF  }
0x367: {  	[tilespmem:s6], [sflag:$0x4] =	stream.linear.gather [spmem:s10], $0x2000, $0x38;
	[tilespmem:$0x1E800] =	vst v63  }
0x368: {  	s0 =	smul.u32 $0x13C000, s0;
	_ =	swait.ge [sflag:s11], $0x2000  }
0x369: {  	s16 =	rddreg [dreg:$0x7]  }
0x36a: {  	s1 =	sadd.s32 s16, s0  }
0x36b: {  	[sflag:s11] =	ssyncset.done $0x0;
	s1 =	sshrl.u32 s1, $0x3  }
0x36c: {  	[sflag:s11] =	ssyncadd.s32 $0xFFFFE000;
	s1 =	sadd.s32 s8, s1  }
0x36d: {  	[hbm4b:s1+s4] =	stream.linear.scatter [tilespmem:s6], [sflag:$0x4], $0x2000, $0x38;
	[tilespmem:$0x1E800] =	vst v63  }
0x36e: {  	_ =	swait.ge [sflag:s11], $0x2000  }
0x36f: {  	[sflag:s11] =	ssyncset.done $0x0  }
0x370: {  	s16 =	rddreg [dreg:$0xd];
	[sflag:s11] =	ssyncadd.s32 $0xFFFFE000  }
0x371: {  	[tilespmem:s6], [sflag:$0x4] =	stream.linear.gather [spmem:s16], $0x2000, $0x38;
	[tilespmem:$0x1E800] =	vst v63  }
0x372: {  	_ =	swait.ge [sflag:s11], $0x2000  }
0x373: {  	s17 =	rddreg [dreg:$0xa]  }
0x374: {  	s1 =	sadd.s32 s17, s0  }
0x375: {  	[sflag:s11] =	ssyncset.done $0x0;
	s1 =	sshrl.u32 s1, $0x3  }
0x376: {  	[sflag:s11] =	ssyncadd.s32 $0xFFFFE000;
	s1 =	sadd.s32 s8, s1  }
0x377: {  	[hbm4b:s1+s4] =	stream.linear.scatter [tilespmem:s6], [sflag:$0x4], $0x2000, $0x38;
	[tilespmem:$0x1E800] =	vst v63  }
0x378: {  	_ =	swait.ge [sflag:s11], $0x2000  }
0x379: {  	[sflag:s11] =	ssyncset.done $0x0  }
0x37a: {  	s17 =	rddreg [dreg:$0xe];
	[sflag:s11] =	ssyncadd.s32 $0xFFFFE000  }
0x37b: {  	[tilespmem:s6], [sflag:$0x4] =	stream.linear.gather [spmem:s17], $0x2000, $0x38;
	[tilespmem:$0x1E800] =	vst v63  }
0x37c: {  	_ =	swait.ge [sflag:s11], $0x2000  }
0x37d: {  	s18 =	rddreg [dreg:$0xb]  }
0x37e: {  	s1 =	sadd.s32 s18, s0  }
0x37f: {  	[sflag:s11] =	ssyncset.done $0x0;
	s1 =	sshrl.u32 s1, $0x3  }
0x380: {  	[sflag:s11] =	ssyncadd.s32 $0xFFFFE000;
	s1 =	sadd.s32 s8, s1  }
0x381: {  	[hbm4b:s1+s4] =	stream.linear.scatter [tilespmem:s6], [sflag:$0x4], $0x2000, $0x38;
	[tilespmem:$0x1E800] =	vst v63  }
0x382: {  	_ =	swait.ge [sflag:s11], $0x2000  }
0x383: {  	[sflag:s11] =	ssyncset.done $0x0  }
0x384: {  	s18 =	rddreg [dreg:$0xf];
	[sflag:s11] =	ssyncadd.s32 $0xFFFFE000  }
0x385: {  	[tilespmem:s6], [sflag:$0x4] =	stream.linear.gather [spmem:s18], $0x2000, $0x38;
	[tilespmem:$0x1E800] =	vst v63  }
0x386: {  	_ =	swait.ge [sflag:s11], $0x2000  }
0x387: {  	s21 =	rddreg [dreg:$0xc]  }
0x388: {  	s1 =	sadd.s32 s21, s0  }
0x389: {  	[sflag:s11] =	ssyncset.done $0x0;
	s1 =	sshrl.u32 s1, $0x3  }
0x38a: {  	[sflag:s11] =	ssyncadd.s32 $0xFFFFE000;
	s1 =	sadd.s32 s8, s1  }
0x38b: {  	[hbm4b:s1+s4] =	stream.linear.scatter [tilespmem:s6], [sflag:$0x4], $0x2000, $0x38;
	[tilespmem:$0x1E800] =	vst v63  }
0x38c: {  	_ =	swait.ge [sflag:s11], $0x2000  }
0x38d: {  	[sflag:s11] =	ssyncset.done $0x0  }
0x38e: {  	s21 =	rddreg [dreg:$0x12];
	[sflag:s11] =	ssyncadd.s32 $0xFFFFE000  }
0x38f: {  	[tilespmem:s6], [sflag:$0x4] =	stream.linear.gather [spmem:s21], $0x2000, $0x38;
	[tilespmem:$0x1E800] =	vst v63  }
0x390: {  	_ =	swait.ge [sflag:s11], $0x2000  }
0x391: {  	s22 =	rddreg [dreg:$0x10]  }
0x392: {  	s1 =	sadd.s32 s22, s0  }
0x393: {  	[sflag:s11] =	ssyncset.done $0x0;
	s1 =	sshrl.u32 s1, $0x3  }
0x394: {  	[sflag:s11] =	ssyncadd.s32 $0xFFFFE000;
	s1 =	sadd.s32 s8, s1  }
0x395: {  	[hbm4b:s1+s4] =	stream.linear.scatter [tilespmem:s6], [sflag:$0x4], $0x2000, $0x38;
	[tilespmem:$0x1E800] =	vst v63  }
0x396: {  	_ =	swait.ge [sflag:s11], $0x2000  }
0x397: {  	[sflag:s11] =	ssyncset.done $0x0  }
0x398: {  	s22 =	rddreg [dreg:$0x13];
	[sflag:s11] =	ssyncadd.s32 $0xFFFFE000  }
0x399: {  	[tilespmem:s6], [sflag:$0x4] =	stream.linear.gather [spmem:s22], $0x2000, $0x38;
	[tilespmem:$0x1E800] =	vst v63  }
0x39a: {  	_ =	swait.ge [sflag:s11], $0x2000  }
0x39b: {  	s26 =	rddreg [dreg:$0x11]  }
0x39c: {  	s1 =	sadd.s32 s26, s0  }
0x39d: {  	[sflag:s11] =	ssyncset.done $0x0;
	s1 =	sshrl.u32 s1, $0x3  }
0x39e: {  	[sflag:s11] =	ssyncadd.s32 $0xFFFFE000;
	s1 =	sadd.s32 s8, s1  }
0x39f: {  	[hbm4b:s1+s4] =	stream.linear.scatter [tilespmem:s6], [sflag:$0x4], $0x2000, $0x38;
	[tilespmem:$0x1E800] =	vst v63  }
0x3a0: {  	_ =	swait.ge [sflag:s11], $0x2000  }
0x3a1: {  	[sflag:s11] =	ssyncset.done $0x0  }
0x3a2: {  	s26 =	rddreg [dreg:$0x17];
	[sflag:s11] =	ssyncadd.s32 $0xFFFFE000  }
0x3a3: {  	[tilespmem:s6], [sflag:$0x4] =	stream.linear.gather [spmem:s26], $0x2000, $0x38;
	[tilespmem:$0x1E800] =	vst v63  }
0x3a4: {  	_ =	swait.ge [sflag:s11], $0x2000  }
0x3a5: {  	s31 =	rddreg [dreg:$0x16]  }
0x3a6: {  	s1 =	sadd.s32 s31, s0  }
0x3a7: {  	[sflag:s11] =	ssyncset.done $0x0;
	s1 =	sshrl.u32 s1, $0x3  }
0x3a8: {  	[sflag:s11] =	ssyncadd.s32 $0xFFFFE000;
	s1 =	sadd.s32 s8, s1  }
0x3a9: {  	[hbm4b:s1+s4] =	stream.linear.scatter [tilespmem:s6], [sflag:$0x4], $0x2000, $0x38;
	[tilespmem:$0x1E800] =	vst v63  }
0x3aa: {  	_ =	swait.ge [sflag:s11], $0x2000  }
0x3ab: {  	[sflag:s11] =	ssyncset.done $0x0  }
0x3ac: {  	s28 =	rddreg [dreg:$0x1a];
	[sflag:s11] =	ssyncadd.s32 $0xFFFFE000  }
0x3ad: {  	[tilespmem:s6], [sflag:$0x4] =	stream.linear.gather [spmem:s28], $0x2000, $0x38;
	[tilespmem:$0x1E800] =	vst v63  }
0x3ae: {  	_ =	swait.ge [sflag:s11], $0x2000  }
0x3af: {  	s9 =	rddreg [dreg:$0x18]  }
0x3b0: {  	s1 =	sadd.s32 s9, s0  }
0x3b1: {  	[sflag:s11] =	ssyncset.done $0x0;
	s1 =	sshrl.u32 s1, $0x3  }
0x3b2: {  	[sflag:s11] =	ssyncadd.s32 $0xFFFFE000;
	s1 =	sadd.s32 s8, s1  }
0x3b3: {  	[hbm4b:s1+s4] =	stream.linear.scatter [tilespmem:s6], [sflag:$0x4], $0x2000, $0x38;
	[tilespmem:$0x1E800] =	vst v63  }
0x3b4: {  	_ =	swait.ge [sflag:s11], $0x2000  }
0x3b5: {  	[sflag:s11] =	ssyncset.done $0x0  }
0x3b6: {  	s29 =	rddreg [dreg:$0x1b];
	[sflag:s11] =	ssyncadd.s32 $0xFFFFE000  }
0x3b7: {  	[tilespmem:s6], [sflag:$0x4] =	stream.linear.gather [spmem:s29], $0x2000, $0x38;
	[tilespmem:$0x1E800] =	vst v63  }
0x3b8: {  	_ =	swait.ge [sflag:s11], $0x2000  }
0x3b9: {  	s12 =	smov.u32 s10;
	s10 =	rddreg [dreg:$0x19]  }
0x3ba: {  	s1 =	sadd.s32 s10, s0  }
0x3bb: {  	[sflag:s11] =	ssyncset.done $0x0;
	s1 =	sshrl.u32 s1, $0x3  }
0x3bc: {  	[sflag:s11] =	ssyncadd.s32 $0xFFFFE000;
	s1 =	sadd.s32 s8, s1  }
0x3bd: {  	[hbm4b:s1+s4] =	stream.linear.scatter [tilespmem:s6], [sflag:$0x4], $0x2000, $0x38;
	[tilespmem:$0x1E800] =	vst v63  }
0x3be: {  	_ =	swait.ge [sflag:s11], $0x2000  }
0x3bf: {  	[sflag:s11] =	ssyncset.done $0x0  }
0x3c0: {  	s30 =	rddreg [dreg:$0x1d];
	[sflag:s11] =	ssyncadd.s32 $0xFFFFE000  }
0x3c1: {  	[tilespmem:s6], [sflag:$0x4] =	stream.linear.gather [spmem:s30], $0x1C00, $0x38;
	[tilespmem:$0x1E800] =	vst v63  }
0x3c2: {  	_ =	swait.ge [sflag:s11], $0x1C00  }
0x3c3: {  	s31 =	rddreg [dreg:$0x1c]  }
0x3c4: {  	s0 =	sadd.s32 s31, s0  }
0x3c5: {  	s23 =	sadd.s32 $0x1, s23;
	[sflag:s11] =	ssyncset.done $0x0;
	s0 =	sshrl.u32 s0, $0x3  }
0x3c6: {  	p0 =	sne.s32 s23, $0x4;
	[sflag:s11] =	ssyncadd.s32 $0xFFFFE400;
	s0 =	sadd.s32 s8, s0  }
0x3c7: {  	[hbm4b:s0+s4] =	stream.linear.scatter [tilespmem:s6], [sflag:$0x4], $0x1C00, $0x38;
	[tilespmem:$0x1E800] =	vst v63  }
.Ltmp4:
0x3c8: {  	_ =	swait.ge [sflag:s11], $0x1C00;
	(pc) =	sbr.rel @p0 .LBB2_2-.Ltmp4, $4  }
0x3c9: {  	[sflag:s11] =	ssyncset.done $0x0  }
0x3ca: {  	[sflag:s11] =	ssyncadd.s32 $0xFFFFE400  }
0x3cb: {  	[bflag:$0x0] =	sbarrier.arrive $0xFFFF  }
0x3cc: {  	v0 =	vimm.f32 $0.0e+00  }
0x3cd: {  	s1 =	rddreg [dreg:$0x1e]  }
0x3ce: {  	s0 =	rddreg [dreg:$0x15];
	s1 =	sadd.s32 $0x1, s1  }
0x3cf: {  	p0 =	sne.s32 s1, s0  }
.Ltmp5:
0x3d0: {  	_ = 	snop;
	(pc) =	sbr.rel @p0 .LBB2_1-.Ltmp5, $1  }
0x3d1: {  	_ =	sdelay $0x3  }
0x3d2: {  	_ =	sfence.sel $0x180000  }
0x3d3: {  	[bflag:$0x0] =	sbarrier.arrive $0xFFFF  }
0x3d4: {  	_ =	strace $0x90000047  }
0x3d5: {  	s0 =	stileid.u32;
	[bflag:$0x2] =	sbarrier.arrive $0xFFFF  }
0x3d6: {  	p0 =	sne.s32 s0, $0x0;
	s0 =	rddreg [dreg:$0x3]  }
0x3d7: {  	s0 =	sadd.s32 @!p0 $0x100000, s0  }
0x3d8: {  	[sflag:s0] =	ssyncadd.tile.s32 @!p0 $0x1;
	_ =	shalt  }
.Lfunc_end2:
_tile_overlayer_lowered:
.L_overlay_start_2:
0x3d9: {  	(tag) =	ssettag $0x2  }
0x3da: {  	s0 =	rddreg [dreg:$0x0];
	s2 =	stileid.u32  }
0x3db: {  	s1 =	rddreg [dreg:$0x1];
	p0 =	sne.s32 s2, $0x0  }
0x3dc: {  	s3 =	rddreg [dreg:$0x2];
	[bflag:$0x3] =	sbarrier.arrive $0xFFFF;
	s2 =	simm.s32 @!p0 $0x1C04  }
0x3dd: {  	[timem:s3], [sflag:s2] =	dma.local @!p0 [hbm:s0], s1  }
0x3de: {  	s0 =	simm.s32 @!p0 $0x4  }
0x3df: {  	_ =	swait.ge @!p0 [sflag:s0], s1  }
0x3e0: {  	s1 =	ssub.s32 @!p0 $0x0, s1;
	[sflag:s0] =	ssyncset.done @!p0 $0x0  }
0x3e1: {  	[sflag:s0] =	ssyncadd.s32 @!p0 s1  }
0x3e2: {  	[bflag:$0x3] =	sbarrier.arrive $0xFFFF  }
0x3e3: {  	_ =	shalt  }

</sc_bundles>
